<compile_context>
chip_gen: v7x
topology: tpu7x:2x2x1
jax: 0.10.2.dev20260603
libtpu: 0.0.44.dev20260713+nightly
codegen_flags: <defaults>
</compile_context>

<pallas_src>
import jax
import jax.numpy as jnp
from jax import lax
from jax.experimental import pallas as pl
from jax.experimental.pallas import tpu as pltpu
from jax.experimental.pallas import tpu_sc as plsc

_BIG = 100000.0
_T = 100
_DIM = 32
_ROWS = 10000
_BC = 2048
_TAIL = _ROWS - (_ROWS // _BC) * _BC
_NW = 7
_BPW = 16
_COLS = 100000
_INV_SQRT2 = 0.7071067811865476


def _sc_gather_body(gtab_hbm, idx_hbm, gc_out, idxv, igv, gcol_v, sem):
    wid = lax.axis_index("s") * 2 + lax.axis_index("c")

    @pl.when(wid < _NW)
    def _():
        base = wid * _BPW
        pltpu.sync_copy(idx_hbm.at[pl.ds(base, _BPW)], idxv)
        iv = jnp.clip(idxv[...], 0, _COLS - 1)
        igv[...] = iv
        pltpu.async_copy(gtab_hbm.at[igv], gcol_v, sem).wait()
        pltpu.sync_copy(gcol_v, gc_out.at[pl.ds(base, _BPW)])


def _sc_gather(gtab, idx):
    return pl.kernel(
        _sc_gather_body,
        out_type=jax.ShapeDtypeStruct((_NW * _BPW,), jnp.float32),
        mesh=plsc.VectorSubcoreMesh(core_axis_name="c", subcore_axis_name="s"),
        compiler_params=pltpu.CompilerParams(needs_layout_passes=False),
        scratch_types=[
            pltpu.VMEM((_BPW,), jnp.int32),
            pltpu.VMEM((_BPW,), jnp.int32),
            pltpu.VMEM((_BPW,), jnp.float32),
            pltpu.SemaphoreType.DMA,
        ],
    )(gtab, idx)


def _tc_body(matT_ref, times_hbm, gc_ref, zrT_ref, gr_hbm, zcolsT_hbm,
             idx_ref, b_ref, sigma_ref, out_ref, zcT_vmem, gcoarse_vmem,
             gr_vmem, times_vmem, zsem, gsem):
    grdma = pltpu.make_async_copy(gr_hbm, gr_vmem, gsem)
    grdma.start()
    tdma = pltpu.make_async_copy(times_hbm, times_vmem, gsem)
    tdma.start()
    nlast = _COLS - 128
    zcT_vmem[...] = jnp.zeros((_DIM, _T), jnp.float32)
    copies = []
    for j in range(_T):
        cb = jnp.minimum((idx_ref[j] >> 7) * 128, nlast)
        copies.append(pltpu.make_async_copy(
            zcolsT_hbm.at[:, pl.ds(pl.multiple_of(cb, 128), 128)],
            gcoarse_vmem.at[j], zsem))
    for c in copies:
        c.start()
    for c in copies:
        c.wait()
    lane = lax.broadcasted_iota(jnp.int32, (_DIM, 128), 1)
    for j in range(_T):
        cb = jnp.minimum((idx_ref[j] >> 7) * 128, nlast)
        m = idx_ref[j] - cb
        col = jnp.sum(jnp.where(lane == m, gcoarse_vmem[j], 0.0),
                      axis=1, keepdims=True)
        zcT_vmem[:, pl.ds(j, 1)] = col

    tdma.wait()
    tr1 = times_vmem[...].reshape(1, _T)
    tr2 = 0.5 * tr1 * tr1
    wvT = zcT_vmem[...] - 1e-6
    ww = jnp.sum(wvT * wvT, axis=0, keepdims=True)
    ones_blk = jnp.ones((_DIM, _T), jnp.float32)
    W = jnp.concatenate([
        -2.0 * wvT, (-2.0 * tr1) * wvT, (-2.0 * tr2) * wvT,
        ones_blk, (2.0 * tr1) * ones_blk, (2.0 * tr2) * ones_blk,
        (tr1 * tr1) * ones_blk, (2.0 * tr1 * tr2) * ones_blk,
        (tr2 * tr2) * ones_blk,
        ww,
    ], axis=0)

    grdma.wait()
    gc_col = gc_ref[...][:_T]
    cs = _INV_SQRT2 / sigma_ref[0]
    th = [-_BIG * cs, b_ref[0] * cs, b_ref[1] * cs, b_ref[2] * cs,
          b_ref[3] * cs, _BIG * cs]

    def chunk_ll(off, w):
        z0 = zrT_ref[0, :, pl.ds(off, w)]
        z1 = zrT_ref[1, :, pl.ds(off, w)]
        z2 = zrT_ref[2, :, pl.ds(off, w)]
        FT = jnp.concatenate([
            z0, z1, z2, z0 * z0, z0 * z1, z0 * z2, z1 * z1, z1 * z2,
            z2 * z2, jnp.ones((1, w), jnp.float32),
        ], axis=0)
        dist2 = lax.dot_general(W, FT, (((0,), (0,)), ((), ())),
                                preferred_element_type=jnp.float32,
                                precision=None)
        dist = jnp.sqrt(jnp.maximum(dist2, 0.0))
        grw = gr_vmem[pl.ds(off, w)].reshape(1, w)
        fs = (-dist + gc_col + grw) * cs
        mat = matT_ref[:, pl.ds(off, w)]
        active = mat != 0
        y1 = jnp.where(active, mat, 1)
        thi = jnp.where(y1 == 1, th[1],
              jnp.where(y1 == 2, th[2],
              jnp.where(y1 == 3, th[3], th[4])))
        tlo = jnp.where(y1 == 1, th[0],
              jnp.where(y1 == 2, th[1],
              jnp.where(y1 == 3, th[2], th[3])))
        d_cdf = jnp.maximum(lax.erf(thi - fs) - lax.erf(tlo - fs), 0.0)
        ll = jnp.log(0.5 * d_cdf)
        return jnp.sum(jnp.where(active, ll, 0.0))

    def body(k, acc):
        off = pl.multiple_of(k * _BC, 128)
        return acc + chunk_ll(off, _BC)

    acc = lax.fori_loop(0, _ROWS // _BC, body, jnp.float32(0.0))
    acc = acc + chunk_ll(pl.multiple_of((_ROWS // _BC) * _BC, 128), _TAIL)
    out_ref[0, 0] = acc


def _tc_call(matT, times, gc_col, z_rowsT, gr_row, z_colsT, idx, b, sigma):
    return pl.pallas_call(
        _tc_body,
        grid=(1,),
        in_specs=[
            pl.BlockSpec((_T, _ROWS), lambda i: (0, 0)),
            pl.BlockSpec(memory_space=pltpu.MemorySpace.HBM),
            pl.BlockSpec((_NW * _BPW, 1), lambda i: (0, 0)),
            pl.BlockSpec((3, _DIM, _ROWS), lambda i: (0, 0, 0)),
            pl.BlockSpec(memory_space=pltpu.MemorySpace.HBM),
            pl.BlockSpec(memory_space=pltpu.MemorySpace.HBM),
            pl.BlockSpec(memory_space=pltpu.SMEM),
            pl.BlockSpec(memory_space=pltpu.SMEM),
            pl.BlockSpec(memory_space=pltpu.SMEM),
        ],
        out_specs=pl.BlockSpec((1, 1), lambda i: (0, 0),
                               memory_space=pltpu.SMEM),
        out_shape=jax.ShapeDtypeStruct((1, 1), jnp.float32),
        scratch_shapes=[
            pltpu.VMEM((_DIM, _T), jnp.float32),
            pltpu.VMEM((_T, _DIM, 128), jnp.float32),
            pltpu.VMEM((_ROWS,), jnp.float32),
            pltpu.VMEM((_T,), jnp.float32),
            pltpu.SemaphoreType.DMA,
            pltpu.SemaphoreType.DMA,
        ],
    )(matT, times, gc_col, z_rowsT, gr_row, z_colsT, idx, b, sigma)


def kernel(batch_events_mat, col_idx_list, batch_events_time,
           gamma_rows, gamma_cols, z_rows, z_cols, b, sigma):
    idx = col_idx_list.astype(jnp.int32)
    gc = _sc_gather(gamma_cols, idx)
    total = _tc_call(batch_events_mat.T.astype(jnp.int32), batch_events_time,
                     gc.reshape(-1, 1), z_rows.transpose(0, 2, 1),
                     gamma_rows, z_cols.T, idx,
                     b.astype(jnp.float32), sigma)
    return -total[0, 0]

# --- scband reference (transcript-rebuilt; emitter-appended) ---
"""Pipeline reference for scband-pol2-vec-multi-23398981828847 (READ-ONLY COPY).

The authoritative reference and input builder live on the scoring server;
editing this copy changes nothing except your own understanding.
"""

import math
import jax, jax.numpy as jnp
import numpy as np
from jax.scipy.stats import norm

ROW_SIZE = 10000
COL_SIZE = 100000
DIM = 32
VAR_SIZE = 3  # order + 1
CLASS_NUM = 5
T = 100
BIG = 100000.0


def setup_inputs(seed: int = 0) -> dict:
    key = jax.random.key(seed)
    ks = jax.random.split(key, 9)
    # forward args
    batch_events_mat = jax.random.randint(ks[0], (ROW_SIZE, T), 0, CLASS_NUM)
    col_idx_list = jax.random.randint(ks[1], (T,), 0, COL_SIZE)
    batch_events_time = jax.random.uniform(ks[2], (T,), dtype=jnp.float32)
    # learned parameters (mirroring torch __init__: 2*rand - 1)
    gamma_rows = 2.0 * jax.random.uniform(ks[3], (ROW_SIZE,), dtype=jnp.float32) - 1.0
    gamma_cols = 2.0 * jax.random.uniform(ks[4], (COL_SIZE,), dtype=jnp.float32) - 1.0
    z_rows = 2.0 * jax.random.uniform(ks[5], (VAR_SIZE, ROW_SIZE, DIM), dtype=jnp.float32) - 1.0
    z_cols = 2.0 * jax.random.uniform(ks[6], (COL_SIZE, DIM), dtype=jnp.float32) - 1.0
    b = jnp.asarray(np.linspace(-1.0, 1.0, CLASS_NUM - 1), dtype=jnp.float32)
    b = b.at[(CLASS_NUM - 1) // 2].set(0.0)
    sigma = jnp.array([1.0], dtype=jnp.float32)
    return {
        "batch_events_mat": batch_events_mat,
        "col_idx_list": col_idx_list,
        "batch_events_time": batch_events_time,
        "gamma_rows": gamma_rows,
        "gamma_cols": gamma_cols,
        "z_rows": z_rows,
        "z_cols": z_cols,
        "b": b,
        "sigma": sigma,
    }


def reference(batch_events_mat, col_idx_list, batch_events_time,
              gamma_rows, gamma_cols, z_rows, z_cols, b, sigma):
    facts = jnp.asarray([float(math.factorial(o)) for o in range(VAR_SIZE)], dtype=jnp.float32)
    # col_times_mat[o, t] = time_t^o / o!
    col_times_mat = jnp.stack([batch_events_time ** o / facts[o] for o in range(VAR_SIZE)], axis=0)
    # torch: matmul(z_rows.transpose(0,2), col_times_mat).permute(1,2,0) -> [ROW, T, DIM]
    z_all = jnp.einsum('vrd,vt->rtd', z_rows, col_times_mat)
    mask = batch_events_mat != 0
    zc = z_cols[col_idx_list, :]
    # torch PairwiseDistance(p=2) with default eps=1e-6: ||x1 - x2 + eps||_2
    dist = jnp.linalg.norm(z_all - zc[None, :, :] + 1e-6, axis=2)
    f = -dist + gamma_rows[:, None] + gamma_cols[col_idx_list][None, :]
    theta = jnp.concatenate([jnp.array([-BIG], dtype=jnp.float32), b, jnp.array([BIG], dtype=jnp.float32)])
    y1 = jnp.where(mask, batch_events_mat, 1)
    y0 = y1 - 1
    ll = jnp.log(norm.cdf((theta[y1] - f) / sigma) - norm.cdf((theta[y0] - f) / sigma))
    ll = jnp.where(mask, ll, 0.0)
    return -ll.sum()

if __name__ == "__main__":
    import jax
    _d = setup_inputs()
    print(jax.jit(kernel)(*tuple(_d.values())))

</pallas_src>

<mosaic_0001>
#map = affine_map<(d0, d1) -> (0)>
module attributes {stable_mosaic.version = 14 : i64} {
  func.func @_sc_gather_body(%arg0: i32, %arg1: i32, %arg2: memref<100000xf32, #tpu.memory_space<hbm>>, %arg3: memref<100xi32, #tpu.memory_space<hbm>>, %arg4: memref<112xf32, #tpu.memory_space<hbm>>, %arg5: memref<16xi32, #tpu.memory_space<vmem>>, %arg6: memref<16xi32, #tpu.memory_space<vmem>>, %arg7: memref<16xf32, #tpu.memory_space<vmem>>, %arg8: memref<!tpu.dma_semaphore, #tpu.memory_space<semaphore_mem>>) attributes {dimension_semantics = [#tpu.dimension_semantics<core_parallel>, #tpu.dimension_semantics<subcore_parallel>], iteration_bounds = array<i64: 2, 16>, scalar_prefetch = 0 : i64, scratch_operands = 4 : i64, tpu.core_type = #tpu.core_type<sc_vector_subcore>, window_params = [{transform_indices = #map}, {transform_indices = #map}, {transform_indices = #map}]} {
    %mul3A = arith.constant 2 : i32
    %mul3A_0 = arith.muli %arg1, %mul3A : i32
    %add3A = arith.addi %mul3A_0, %arg0 : i32
    %lt3A = arith.constant 7 : i32
    %lt3A_1 = arith.cmpi slt, %add3A, %lt3A : i32
    %convert_element_type3A = arith.extui %lt3A_1 : i1 to i32
    %cond3A = arith.constant 0 : i32
    %cond3A_2 = arith.cmpi ne, %convert_element_type3A, %cond3A : i32
    scf.if %cond3A_2 {
      %mul3A_3 = arith.constant 16 : i32
      %mul3A_4 = arith.muli %add3A, %mul3A_3 : i32
      "tpu.region"() ({
        %run_scoped3A = tpu.sem_alloc : memref<!tpu.dma_semaphore, #tpu.memory_space<semaphore_mem>>
        %dma_start3A_12 = tpu.memref_slice %arg3[%mul3A_4] : memref<100xi32, #tpu.memory_space<hbm>> -> memref<16xi32, #tpu.memory_space<hbm>>
        %dma_start3A_13 = tpu.memref_slice %arg3[%mul3A_4] : memref<100xi32, #tpu.memory_space<hbm>> -> memref<16xi32, #tpu.memory_space<hbm>>
        tpu.enqueue_dma source(%dma_start3A_13 : memref<16xi32, #tpu.memory_space<hbm>>) target(%arg5 : memref<16xi32, #tpu.memory_space<vmem>>) target_semaphore(%run_scoped3A : memref<!tpu.dma_semaphore, #tpu.memory_space<semaphore_mem>>)
        %dma_wait3A_14 = tpu.memref_slice %arg3[%mul3A_4] : memref<100xi32, #tpu.memory_space<hbm>> -> memref<16xi32, #tpu.memory_space<hbm>>
        %dma_wait3A_15 = tpu.memref_slice %arg3[%mul3A_4] : memref<100xi32, #tpu.memory_space<hbm>> -> memref<16xi32, #tpu.memory_space<hbm>>
        tpu.wait_dma2 semaphore(%run_scoped3A : memref<!tpu.dma_semaphore, #tpu.memory_space<semaphore_mem>>) src(%dma_wait3A_15 : memref<16xi32, #tpu.memory_space<hbm>>) dst(%arg5 : memref<16xi32, #tpu.memory_space<vmem>>)
        tpu.yield
      }) : () -> ()
      %get3A = arith.constant 0 : index
      %get3A_5 = tpu.vector_load %arg5[%get3A] {strides = array<i32>} : memref<16xi32, #tpu.memory_space<vmem>>, vector<16xi32>,
      %jit3A = arith.constant 0 : i32
      %jit3A_6 = arith.constant 99999 : i32
      %max3A = vector.broadcast %jit3A : i32 to vector<16xi32>
      %max3A_7 = arith.maxsi %max3A, %get3A_5 : vector<16xi32>
      %min3A = vector.broadcast %jit3A_6 : i32 to vector<16xi32>
      %min3A_8 = arith.minsi %min3A, %max3A_7 : vector<16xi32>
      %swap3A = arith.constant 0 : index
      %swap3A_9 = tpu.vector_load %arg6[%swap3A] {strides = array<i32>} : memref<16xi32, #tpu.memory_space<vmem>>, vector<16xi32>,
      tpu.vector_store %arg6[%swap3A], %min3A_8 {strides = array<i32>} : memref<16xi32, #tpu.memory_space<vmem>>, vector<16xi32>,
      %dma_start3A = arith.constant 0 : i32
      %dma_start3A_10 = tpu.memref_slice %arg2[%dma_start3A] : memref<100000xf32, #tpu.memory_space<hbm>> -> memref<100000xf32, #tpu.memory_space<hbm>>
      tpu.enqueue_indirect_dma source(%dma_start3A_10 : memref<100000xf32, #tpu.memory_space<hbm>>) target(%arg7 : memref<16xf32, #tpu.memory_space<vmem>>) offsets(%arg6 : memref<16xi32, #tpu.memory_space<vmem>>) semaphore(%arg8 : memref<!tpu.dma_semaphore, #tpu.memory_space<semaphore_mem>>)
      %dma_wait3A = arith.constant 0 : i32
      %dma_wait3A_11 = tpu.memref_slice %arg2[%dma_wait3A] : memref<100000xf32, #tpu.memory_space<hbm>> -> memref<100000xf32, #tpu.memory_space<hbm>>
      tpu.wait_indirect_dma semaphore(%arg8 : memref<!tpu.dma_semaphore, #tpu.memory_space<semaphore_mem>>) src(%dma_wait3A_11 : memref<100000xf32, #tpu.memory_space<hbm>>) dst(%arg7 : memref<16xf32, #tpu.memory_space<vmem>>)
      "tpu.region"() ({
        %run_scoped3A = tpu.sem_alloc : memref<!tpu.dma_semaphore, #tpu.memory_space<semaphore_mem>>
        %dma_start3A_12 = tpu.memref_slice %arg4[%mul3A_4] : memref<112xf32, #tpu.memory_space<hbm>> -> memref<16xf32, #tpu.memory_space<hbm>>
        %dma_start3A_13 = tpu.memref_slice %arg4[%mul3A_4] : memref<112xf32, #tpu.memory_space<hbm>> -> memref<16xf32, #tpu.memory_space<hbm>>
        tpu.enqueue_dma source(%arg7 : memref<16xf32, #tpu.memory_space<vmem>>) target(%dma_start3A_13 : memref<16xf32, #tpu.memory_space<hbm>>) target_semaphore(%run_scoped3A : memref<!tpu.dma_semaphore, #tpu.memory_space<semaphore_mem>>)
        %dma_wait3A_14 = tpu.memref_slice %arg4[%mul3A_4] : memref<112xf32, #tpu.memory_space<hbm>> -> memref<16xf32, #tpu.memory_space<hbm>>
        %dma_wait3A_15 = tpu.memref_slice %arg4[%mul3A_4] : memref<112xf32, #tpu.memory_space<hbm>> -> memref<16xf32, #tpu.memory_space<hbm>>
        tpu.wait_dma2 semaphore(%run_scoped3A : memref<!tpu.dma_semaphore, #tpu.memory_space<semaphore_mem>>) src(%arg7 : memref<16xf32, #tpu.memory_space<vmem>>) dst(%dma_wait3A_15 : memref<16xf32, #tpu.memory_space<hbm>>)
        tpu.yield
      }) : () -> ()
    } else {
    }
    return
  }
}

module attributes {stable_mosaic.version = 14 : i64} {
  func.func @_tc_body(%arg0: i32, %arg1: memref<100x10000xi32, #tpu.memory_space<vmem>>, %arg2: memref<100xf32, #tpu.memory_space<hbm>>, %arg3: memref<112x1xf32, #tpu.memory_space<vmem>>, %arg4: memref<3x32x10000xf32, #tpu.memory_space<vmem>>, %arg5: memref<10000xf32, #tpu.memory_space<hbm>>, %arg6: memref<32x100000xf32, #tpu.memory_space<hbm>>, %arg7: memref<100xi32, #tpu.memory_space<smem>>, %arg8: memref<4xf32, #tpu.memory_space<smem>>, %arg9: memref<1xf32, #tpu.memory_space<smem>>, %arg10: memref<1x1xf32, #tpu.memory_space<smem>>, %arg11: memref<32x100xf32, #tpu.memory_space<vmem>>, %arg12: memref<100x32x128xf32, #tpu.memory_space<vmem>>, %arg13: memref<10000xf32, #tpu.memory_space<vmem>>, %arg14: memref<100xf32, #tpu.memory_space<vmem>>, %arg15: memref<!tpu.dma_semaphore, #tpu.memory_space<semaphore_mem>>, %arg16: memref<!tpu.dma_semaphore, #tpu.memory_space<semaphore_mem>>) attributes {dimension_semantics = [#tpu.dimension_semantics<arbitrary>], iteration_bounds = array<i64: 1>, scalar_prefetch = 0 : i64, scratch_operands = 6 : i64, tpu.core_type = #tpu.core_type<tc>, window_params = [{pipeline_mode = #tpu.pipeline_mode<synchronous>, transform_indices = @transform_0, window_bounds = array<i64: 100, 10000>}, {}, {pipeline_mode = #tpu.pipeline_mode<synchronous>, transform_indices = @transform_2, window_bounds = array<i64: 112, 1>}, {pipeline_mode = #tpu.pipeline_mode<synchronous>, transform_indices = @transform_3, window_bounds = array<i64: 3, 32, 10000>}, {}, {}, {transform_indices = @transform_6, window_bounds = array<i64: 100>}, {transform_indices = @transform_7, window_bounds = array<i64: 4>}, {transform_indices = @transform_8, window_bounds = array<i64: 1>}, {transform_indices = @transform_9, window_bounds = array<i64: 1, 1>}]} {
    tpu.enqueue_dma source(%arg5 : memref<10000xf32, #tpu.memory_space<hbm>>) target(%arg13 : memref<10000xf32, #tpu.memory_space<vmem>>) target_semaphore(%arg16 : memref<!tpu.dma_semaphore, #tpu.memory_space<semaphore_mem>>)
    tpu.enqueue_dma source(%arg2 : memref<100xf32, #tpu.memory_space<hbm>>) target(%arg14 : memref<100xf32, #tpu.memory_space<vmem>>) target_semaphore(%arg16 : memref<!tpu.dma_semaphore, #tpu.memory_space<semaphore_mem>>)
    %broadcast_in_dim3A = arith.constant 0.000000e+00 : f32
    %broadcast_in_dim3A_0 = vector.broadcast %broadcast_in_dim3A : f32 to vector<32x100xf32>
    %swap3A = arith.constant 0 : index
    %swap3A_1 = arith.constant 0 : index
    %swap3A_2 = vector.load %arg11[%swap3A, %swap3A_1] : memref<32x100xf32, #tpu.memory_space<vmem>>, vector<32x100xf32>
    tpu.vector_store %arg11[%swap3A, %swap3A_1], %broadcast_in_dim3A_0 {strides = array<i32>} : memref<32x100xf32, #tpu.memory_space<vmem>>, vector<32x100xf32>,
    %get3A = arith.constant 0 : index
    %get3A_3 = memref.load %arg7[%get3A] : memref<100xi32, #tpu.memory_space<smem>>
    %shift_right_arithmetic3A = arith.constant 7 : i32
    %shift_right_arithmetic3A_4 = arith.shrsi %get3A_3, %shift_right_arithmetic3A : i32
    %mul3A = arith.constant 128 : i32
    %mul3A_5 = arith.muli %shift_right_arithmetic3A_4, %mul3A : i32
    %min3A = arith.constant 99872 : i32
    %min3A_6 = arith.minsi %mul3A_5, %min3A : i32
    %multiple_of3A = tpu.assume_multiple %min3A_6, 128 : i32
    %get3A_7 = arith.constant 1 : index
    %get3A_8 = memref.load %arg7[%get3A_7] : memref<100xi32, #tpu.memory_space<smem>>
    %shift_right_arithmetic3A_9 = arith.constant 7 : i32
    %shift_right_arithmetic3A_10 = arith.shrsi %get3A_8, %shift_right_arithmetic3A_9 : i32
    %mul3A_11 = arith.constant 128 : i32
    %mul3A_12 = arith.muli %shift_right_arithmetic3A_10, %mul3A_11 : i32
    %min3A_13 = arith.constant 99872 : i32
    %min3A_14 = arith.minsi %mul3A_12, %min3A_13 : i32
    %multiple_of3A_15 = tpu.assume_multiple %min3A_14, 128 : i32
    %get3A_16 = arith.constant 2 : index
    %get3A_17 = memref.load %arg7[%get3A_16] : memref<100xi32, #tpu.memory_space<smem>>
    %shift_right_arithmetic3A_18 = arith.constant 7 : i32
    %shift_right_arithmetic3A_19 = arith.shrsi %get3A_17, %shift_right_arithmetic3A_18 : i32
    %mul3A_20 = arith.constant 128 : i32
    %mul3A_21 = arith.muli %shift_right_arithmetic3A_19, %mul3A_20 : i32
    %min3A_22 = arith.constant 99872 : i32
    %min3A_23 = arith.minsi %mul3A_21, %min3A_22 : i32
    %multiple_of3A_24 = tpu.assume_multiple %min3A_23, 128 : i32
    %get3A_25 = arith.constant 3 : index
    %get3A_26 = memref.load %arg7[%get3A_25] : memref<100xi32, #tpu.memory_space<smem>>
    %shift_right_arithmetic3A_27 = arith.constant 7 : i32
    %shift_right_arithmetic3A_28 = arith.shrsi %get3A_26, %shift_right_arithmetic3A_27 : i32
    %mul3A_29 = arith.constant 128 : i32
    %mul3A_30 = arith.muli %shift_right_arithmetic3A_28, %mul3A_29 : i32
    %min3A_31 = arith.constant 99872 : i32
    %min3A_32 = arith.minsi %mul3A_30, %min3A_31 : i32
    %multiple_of3A_33 = tpu.assume_multiple %min3A_32, 128 : i32
    %get3A_34 = arith.constant 4 : index
    %get3A_35 = memref.load %arg7[%get3A_34] : memref<100xi32, #tpu.memory_space<smem>>
    %shift_right_arithmetic3A_36 = arith.constant 7 : i32
    %shift_right_arithmetic3A_37 = arith.shrsi %get3A_35, %shift_right_arithmetic3A_36 : i32
    %mul3A_38 = arith.constant 128 : i32
    %mul3A_39 = arith.muli %shift_right_arithmetic3A_37, %mul3A_38 : i32
    %min3A_40 = arith.constant 99872 : i32
    %min3A_41 = arith.minsi %mul3A_39, %min3A_40 : i32
    %multiple_of3A_42 = tpu.assume_multiple %min3A_41, 128 : i32
    %get3A_43 = arith.constant 5 : index
    %get3A_44 = memref.load %arg7[%get3A_43] : memref<100xi32, #tpu.memory_space<smem>>
    %shift_right_arithmetic3A_45 = arith.constant 7 : i32
    %shift_right_arithmetic3A_46 = arith.shrsi %get3A_44, %shift_right_arithmetic3A_45 : i32
    %mul3A_47 = arith.constant 128 : i32
    %mul3A_48 = arith.muli %shift_right_arithmetic3A_46, %mul3A_47 : i32
    %min3A_49 = arith.constant 99872 : i32
    %min3A_50 = arith.minsi %mul3A_48, %min3A_49 : i32
    %multiple_of3A_51 = tpu.assume_multiple %min3A_50, 128 : i32
    %get3A_52 = arith.constant 6 : index
    %get3A_53 = memref.load %arg7[%get3A_52] : memref<100xi32, #tpu.memory_space<smem>>
    %shift_right_arithmetic3A_54 = arith.constant 7 : i32
    %shift_right_arithmetic3A_55 = arith.shrsi %get3A_53, %shift_right_arithmetic3A_54 : i32
    %mul3A_56 = arith.constant 128 : i32
    %mul3A_57 = arith.muli %shift_right_arithmetic3A_55, %mul3A_56 : i32
    %min3A_58 = arith.constant 99872 : i32
    %min3A_59 = arith.minsi %mul3A_57, %min3A_58 : i32
    %multiple_of3A_60 = tpu.assume_multiple %min3A_59, 128 : i32
    %get3A_61 = arith.constant 7 : index
    %get3A_62 = memref.load %arg7[%get3A_61] : memref<100xi32, #tpu.memory_space<smem>>
    %shift_right_arithmetic3A_63 = arith.constant 7 : i32
    %shift_right_arithmetic3A_64 = arith.shrsi %get3A_62, %shift_right_arithmetic3A_63 : i32
    %mul3A_65 = arith.constant 128 : i32
    %mul3A_66 = arith.muli %shift_right_arithmetic3A_64, %mul3A_65 : i32
    %min3A_67 = arith.constant 99872 : i32
    %min3A_68 = arith.minsi %mul3A_66, %min3A_67 : i32
    %multiple_of3A_69 = tpu.assume_multiple %min3A_68, 128 : i32
    %get3A_70 = arith.constant 8 : index
    %get3A_71 = memref.load %arg7[%get3A_70] : memref<100xi32, #tpu.memory_space<smem>>
    %shift_right_arithmetic3A_72 = arith.constant 7 : i32
    %shift_right_arithmetic3A_73 = arith.shrsi %get3A_71, %shift_right_arithmetic3A_72 : i32
    %mul3A_74 = arith.constant 128 : i32
    %mul3A_75 = arith.muli %shift_right_arithmetic3A_73, %mul3A_74 : i32
    %min3A_76 = arith.constant 99872 : i32
    %min3A_77 = arith.minsi %mul3A_75, %min3A_76 : i32
    %multiple_of3A_78 = tpu.assume_multiple %min3A_77, 128 : i32
    %get3A_79 = arith.constant 9 : index
    %get3A_80 = memref.load %arg7[%get3A_79] : memref<100xi32, #tpu.memory_space<smem>>
    %shift_right_arithmetic3A_81 = arith.constant 7 : i32
    %shift_right_arithmetic3A_82 = arith.shrsi %get3A_80, %shift_right_arithmetic3A_81 : i32
    %mul3A_83 = arith.constant 128 : i32
    %mul3A_84 = arith.muli %shift_right_arithmetic3A_82, %mul3A_83 : i32
    %min3A_85 = arith.constant 99872 : i32
    %min3A_86 = arith.minsi %mul3A_84, %min3A_85 : i32
    %multiple_of3A_87 = tpu.assume_multiple %min3A_86, 128 : i32
    %get3A_88 = arith.constant 10 : index
    %get3A_89 = memref.load %arg7[%get3A_88] : memref<100xi32, #tpu.memory_space<smem>>
    %shift_right_arithmetic3A_90 = arith.constant 7 : i32
    %shift_right_arithmetic3A_91 = arith.shrsi %get3A_89, %shift_right_arithmetic3A_90 : i32
    %mul3A_92 = arith.constant 128 : i32
    %mul3A_93 = arith.muli %shift_right_arithmetic3A_91, %mul3A_92 : i32
    %min3A_94 = arith.constant 99872 : i32
    %min3A_95 = arith.minsi %mul3A_93, %min3A_94 : i32
    %multiple_of3A_96 = tpu.assume_multiple %min3A_95, 128 : i32
    %get3A_97 = arith.constant 11 : index
    %get3A_98 = memref.load %arg7[%get3A_97] : memref<100xi32, #tpu.memory_space<smem>>
    %shift_right_arithmetic3A_99 = arith.constant 7 : i32
    %shift_right_arithmetic3A_100 = arith.shrsi %get3A_98, %shift_right_arithmetic3A_99 : i32
    %mul3A_101 = arith.constant 128 : i32
    %mul3A_102 = arith.muli %shift_right_arithmetic3A_100, %mul3A_101 : i32
    %min3A_103 = arith.constant 99872 : i32
    %min3A_104 = arith.minsi %mul3A_102, %min3A_103 : i32
    %multiple_of3A_105 = tpu.assume_multiple %min3A_104, 128 : i32
    %get3A_106 = arith.constant 12 : index
    %get3A_107 = memref.load %arg7[%get3A_106] : memref<100xi32, #tpu.memory_space<smem>>
    %shift_right_arithmetic3A_108 = arith.constant 7 : i32
    %shift_right_arithmetic3A_109 = arith.shrsi %get3A_107, %shift_right_arithmetic3A_108 : i32
    %mul3A_110 = arith.constant 128 : i32
    %mul3A_111 = arith.muli %shift_right_arithmetic3A_109, %mul3A_110 : i32
    %min3A_112 = arith.constant 99872 : i32
    %min3A_113 = arith.minsi %mul3A_111, %min3A_112 : i32
    %multiple_of3A_114 = tpu.assume_multiple %min3A_113, 128 : i32
    %get3A_115 = arith.constant 13 : index
    %get3A_116 = memref.load %arg7[%get3A_115] : memref<100xi32, #tpu.memory_space<smem>>
    %shift_right_arithmetic3A_117 = arith.constant 7 : i32
    %shift_right_arithmetic3A_118 = arith.shrsi %get3A_116, %shift_right_arithmetic3A_117 : i32
    %mul3A_119 = arith.constant 128 : i32
    %mul3A_120 = arith.muli %shift_right_arithmetic3A_118, %mul3A_119 : i32
    %min3A_121 = arith.constant 99872 : i32
    %min3A_122 = arith.minsi %mul3A_120, %min3A_121 : i32
    %multiple_of3A_123 = tpu.assume_multiple %min3A_122, 128 : i32
    %get3A_124 = arith.constant 14 : index
    %get3A_125 = memref.load %arg7[%get3A_124] : memref<100xi32, #tpu.memory_space<smem>>
    %shift_right_arithmetic3A_126 = arith.constant 7 : i32
    %shift_right_arithmetic3A_127 = arith.shrsi %get3A_125, %shift_right_arithmetic3A_126 : i32
    %mul3A_128 = arith.constant 128 : i32
    %mul3A_129 = arith.muli %shift_right_arithmetic3A_127, %mul3A_128 : i32
    %min3A_130 = arith.constant 99872 : i32
    %min3A_131 = arith.minsi %mul3A_129, %min3A_130 : i32
    %multiple_of3A_132 = tpu.assume_multiple %min3A_131, 128 : i32
    %get3A_133 = arith.constant 15 : index
    %get3A_134 = memref.load %arg7[%get3A_133] : memref<100xi32, #tpu.memory_space<smem>>
    %shift_right_arithmetic3A_135 = arith.constant 7 : i32
    %shift_right_arithmetic3A_136 = arith.shrsi %get3A_134, %shift_right_arithmetic3A_135 : i32
    %mul3A_137 = arith.constant 128 : i32
    %mul3A_138 = arith.muli %shift_right_arithmetic3A_136, %mul3A_137 : i32
    %min3A_139 = arith.constant 99872 : i32
    %min3A_140 = arith.minsi %mul3A_138, %min3A_139 : i32
    %multiple_of3A_141 = tpu.assume_multiple %min3A_140, 128 : i32
    %get3A_142 = arith.constant 16 : index
    %get3A_143 = memref.load %arg7[%get3A_142] : memref<100xi32, #tpu.memory_space<smem>>
    %shift_right_arithmetic3A_144 = arith.constant 7 : i32
    %shift_right_arithmetic3A_145 = arith.shrsi %get3A_143, %shift_right_arithmetic3A_144 : i32
    %mul3A_146 = arith.constant 128 : i32
    %mul3A_147 = arith.muli %shift_right_arithmetic3A_145, %mul3A_146 : i32
    %min3A_148 = arith.constant 99872 : i32
    %min3A_149 = arith.minsi %mul3A_147, %min3A_148 : i32
    %multiple_of3A_150 = tpu.assume_multiple %min3A_149, 128 : i32
    %get3A_151 = arith.constant 17 : index
    %get3A_152 = memref.load %arg7[%get3A_151] : memref<100xi32, #tpu.memory_space<smem>>
    %shift_right_arithmetic3A_153 = arith.constant 7 : i32
    %shift_right_arithmetic3A_154 = arith.shrsi %get3A_152, %shift_right_arithmetic3A_153 : i32
    %mul3A_155 = arith.constant 128 : i32
    %mul3A_156 = arith.muli %shift_right_arithmetic3A_154, %mul3A_155 : i32
    %min3A_157 = arith.constant 99872 : i32
    %min3A_158 = arith.minsi %mul3A_156, %min3A_157 : i32
    %multiple_of3A_159 = tpu.assume_multiple %min3A_158, 128 : i32
    %get3A_160 = arith.constant 18 : index
    %get3A_161 = memref.load %arg7[%get3A_160] : memref<100xi32, #tpu.memory_space<smem>>
    %shift_right_arithmetic3A_162 = arith.constant 7 : i32
    %shift_right_arithmetic3A_163 = arith.shrsi %get3A_161, %shift_right_arithmetic3A_162 : i32
    %mul3A_164 = arith.constant 128 : i32
    %mul3A_165 = arith.muli %shift_right_arithmetic3A_163, %mul3A_164 : i32
    %min3A_166 = arith.constant 99872 : i32
    %min3A_167 = arith.minsi %mul3A_165, %min3A_166 : i32
    %multiple_of3A_168 = tpu.assume_multiple %min3A_167, 128 : i32
    %get3A_169 = arith.constant 19 : index
    %get3A_170 = memref.load %arg7[%get3A_169] : memref<100xi32, #tpu.memory_space<smem>>
    %shift_right_arithmetic3A_171 = arith.constant 7 : i32
    %shift_right_arithmetic3A_172 = arith.shrsi %get3A_170, %shift_right_arithmetic3A_171 : i32
    %mul3A_173 = arith.constant 128 : i32
    %mul3A_174 = arith.muli %shift_right_arithmetic3A_172, %mul3A_173 : i32
    %min3A_175 = arith.constant 99872 : i32
    %min3A_176 = arith.minsi %mul3A_174, %min3A_175 : i32
    %multiple_of3A_177 = tpu.assume_multiple %min3A_176, 128 : i32
    %get3A_178 = arith.constant 20 : index
    %get3A_179 = memref.load %arg7[%get3A_178] : memref<100xi32, #tpu.memory_space<smem>>
    %shift_right_arithmetic3A_180 = arith.constant 7 : i32
    %shift_right_arithmetic3A_181 = arith.shrsi %get3A_179, %shift_right_arithmetic3A_180 : i32
    %mul3A_182 = arith.constant 128 : i32
    %mul3A_183 = arith.muli %shift_right_arithmetic3A_181, %mul3A_182 : i32
    %min3A_184 = arith.constant 99872 : i32
    %min3A_185 = arith.minsi %mul3A_183, %min3A_184 : i32
    %multiple_of3A_186 = tpu.assume_multiple %min3A_185, 128 : i32
    %get3A_187 = arith.constant 21 : index
    %get3A_188 = memref.load %arg7[%get3A_187] : memref<100xi32, #tpu.memory_space<smem>>
    %shift_right_arithmetic3A_189 = arith.constant 7 : i32
    %shift_right_arithmetic3A_190 = arith.shrsi %get3A_188, %shift_right_arithmetic3A_189 : i32
    %mul3A_191 = arith.constant 128 : i32
    %mul3A_192 = arith.muli %shift_right_arithmetic3A_190, %mul3A_191 : i32
    %min3A_193 = arith.constant 99872 : i32
    %min3A_194 = arith.minsi %mul3A_192, %min3A_193 : i32
    %multiple_of3A_195 = tpu.assume_multiple %min3A_194, 128 : i32
    %get3A_196 = arith.constant 22 : index
    %get3A_197 = memref.load %arg7[%get3A_196] : memref<100xi32, #tpu.memory_space<smem>>
    %shift_right_arithmetic3A_198 = arith.constant 7 : i32
    %shift_right_arithmetic3A_199 = arith.shrsi %get3A_197, %shift_right_arithmetic3A_198 : i32
    %mul3A_200 = arith.constant 128 : i32
    %mul3A_201 = arith.muli %shift_right_arithmetic3A_199, %mul3A_200 : i32
    %min3A_202 = arith.constant 99872 : i32
    %min3A_203 = arith.minsi %mul3A_201, %min3A_202 : i32
    %multiple_of3A_204 = tpu.assume_multiple %min3A_203, 128 : i32
    %get3A_205 = arith.constant 23 : index
    %get3A_206 = memref.load %arg7[%get3A_205] : memref<100xi32, #tpu.memory_space<smem>>
    %shift_right_arithmetic3A_207 = arith.constant 7 : i32
    %shift_right_arithmetic3A_208 = arith.shrsi %get3A_206, %shift_right_arithmetic3A_207 : i32
    %mul3A_209 = arith.constant 128 : i32
    %mul3A_210 = arith.muli %shift_right_arithmetic3A_208, %mul3A_209 : i32
    %min3A_211 = arith.constant 99872 : i32
    %min3A_212 = arith.minsi %mul3A_210, %min3A_211 : i32
    %multiple_of3A_213 = tpu.assume_multiple %min3A_212, 128 : i32
    %get3A_214 = arith.constant 24 : index
    %get3A_215 = memref.load %arg7[%get3A_214] : memref<100xi32, #tpu.memory_space<smem>>
    %shift_right_arithmetic3A_216 = arith.constant 7 : i32
    %shift_right_arithmetic3A_217 = arith.shrsi %get3A_215, %shift_right_arithmetic3A_216 : i32
    %mul3A_218 = arith.constant 128 : i32
    %mul3A_219 = arith.muli %shift_right_arithmetic3A_217, %mul3A_218 : i32
    %min3A_220 = arith.constant 99872 : i32
    %min3A_221 = arith.minsi %mul3A_219, %min3A_220 : i32
    %multiple_of3A_222 = tpu.assume_multiple %min3A_221, 128 : i32
    %get3A_223 = arith.constant 25 : index
    %get3A_224 = memref.load %arg7[%get3A_223] : memref<100xi32, #tpu.memory_space<smem>>
    %shift_right_arithmetic3A_225 = arith.constant 7 : i32
    %shift_right_arithmetic3A_226 = arith.shrsi %get3A_224, %shift_right_arithmetic3A_225 : i32
    %mul3A_227 = arith.constant 128 : i32
    %mul3A_228 = arith.muli %shift_right_arithmetic3A_226, %mul3A_227 : i32
    %min3A_229 = arith.constant 99872 : i32
    %min3A_230 = arith.minsi %mul3A_228, %min3A_229 : i32
    %multiple_of3A_231 = tpu.assume_multiple %min3A_230, 128 : i32
    %get3A_232 = arith.constant 26 : index
    %get3A_233 = memref.load %arg7[%get3A_232] : memref<100xi32, #tpu.memory_space<smem>>
    %shift_right_arithmetic3A_234 = arith.constant 7 : i32
    %shift_right_arithmetic3A_235 = arith.shrsi %get3A_233, %shift_right_arithmetic3A_234 : i32
    %mul3A_236 = arith.constant 128 : i32
    %mul3A_237 = arith.muli %shift_right_arithmetic3A_235, %mul3A_236 : i32
    %min3A_238 = arith.constant 99872 : i32
    %min3A_239 = arith.minsi %mul3A_237, %min3A_238 : i32
    %multiple_of3A_240 = tpu.assume_multiple %min3A_239, 128 : i32
    %get3A_241 = arith.constant 27 : index
    %get3A_242 = memref.load %arg7[%get3A_241] : memref<100xi32, #tpu.memory_space<smem>>
    %shift_right_arithmetic3A_243 = arith.constant 7 : i32
    %shift_right_arithmetic3A_244 = arith.shrsi %get3A_242, %shift_right_arithmetic3A_243 : i32
    %mul3A_245 = arith.constant 128 : i32
    %mul3A_246 = arith.muli %shift_right_arithmetic3A_244, %mul3A_245 : i32
    %min3A_247 = arith.constant 99872 : i32
    %min3A_248 = arith.minsi %mul3A_246, %min3A_247 : i32
    %multiple_of3A_249 = tpu.assume_multiple %min3A_248, 128 : i32
    %get3A_250 = arith.constant 28 : index
    %get3A_251 = memref.load %arg7[%get3A_250] : memref<100xi32, #tpu.memory_space<smem>>
    %shift_right_arithmetic3A_252 = arith.constant 7 : i32
    %shift_right_arithmetic3A_253 = arith.shrsi %get3A_251, %shift_right_arithmetic3A_252 : i32
    %mul3A_254 = arith.constant 128 : i32
    %mul3A_255 = arith.muli %shift_right_arithmetic3A_253, %mul3A_254 : i32
    %min3A_256 = arith.constant 99872 : i32
    %min3A_257 = arith.minsi %mul3A_255, %min3A_256 : i32
    %multiple_of3A_258 = tpu.assume_multiple %min3A_257, 128 : i32
    %get3A_259 = arith.constant 29 : index
    %get3A_260 = memref.load %arg7[%get3A_259] : memref<100xi32, #tpu.memory_space<smem>>
    %shift_right_arithmetic3A_261 = arith.constant 7 : i32
    %shift_right_arithmetic3A_262 = arith.shrsi %get3A_260, %shift_right_arithmetic3A_261 : i32
    %mul3A_263 = arith.constant 128 : i32
    %mul3A_264 = arith.muli %shift_right_arithmetic3A_262, %mul3A_263 : i32
    %min3A_265 = arith.constant 99872 : i32
    %min3A_266 = arith.minsi %mul3A_264, %min3A_265 : i32
    %multiple_of3A_267 = tpu.assume_multiple %min3A_266, 128 : i32
    %get3A_268 = arith.constant 30 : index
    %get3A_269 = memref.load %arg7[%get3A_268] : memref<100xi32, #tpu.memory_space<smem>>
    %shift_right_arithmetic3A_270 = arith.constant 7 : i32
    %shift_right_arithmetic3A_271 = arith.shrsi %get3A_269, %shift_right_arithmetic3A_270 : i32
    %mul3A_272 = arith.constant 128 : i32
    %mul3A_273 = arith.muli %shift_right_arithmetic3A_271, %mul3A_272 : i32
    %min3A_274 = arith.constant 99872 : i32
    %min3A_275 = arith.minsi %mul3A_273, %min3A_274 : i32
    %multiple_of3A_276 = tpu.assume_multiple %min3A_275, 128 : i32
    %get3A_277 = arith.constant 31 : index
    %get3A_278 = memref.load %arg7[%get3A_277] : memref<100xi32, #tpu.memory_space<smem>>
    %shift_right_arithmetic3A_279 = arith.constant 7 : i32
    %shift_right_arithmetic3A_280 = arith.shrsi %get3A_278, %shift_right_arithmetic3A_279 : i32
    %mul3A_281 = arith.constant 128 : i32
    %mul3A_282 = arith.muli %shift_right_arithmetic3A_280, %mul3A_281 : i32
    %min3A_283 = arith.constant 99872 : i32
    %min3A_284 = arith.minsi %mul3A_282, %min3A_283 : i32
    %multiple_of3A_285 = tpu.assume_multiple %min3A_284, 128 : i32
    %get3A_286 = arith.constant 32 : index
    %get3A_287 = memref.load %arg7[%get3A_286] : memref<100xi32, #tpu.memory_space<smem>>
    %shift_right_arithmetic3A_288 = arith.constant 7 : i32
    %shift_right_arithmetic3A_289 = arith.shrsi %get3A_287, %shift_right_arithmetic3A_288 : i32
    %mul3A_290 = arith.constant 128 : i32
    %mul3A_291 = arith.muli %shift_right_arithmetic3A_289, %mul3A_290 : i32
    %min3A_292 = arith.constant 99872 : i32
    %min3A_293 = arith.minsi %mul3A_291, %min3A_292 : i32
    %multiple_of3A_294 = tpu.assume_multiple %min3A_293, 128 : i32
    %get3A_295 = arith.constant 33 : index
    %get3A_296 = memref.load %arg7[%get3A_295] : memref<100xi32, #tpu.memory_space<smem>>
    %shift_right_arithmetic3A_297 = arith.constant 7 : i32
    %shift_right_arithmetic3A_298 = arith.shrsi %get3A_296, %shift_right_arithmetic3A_297 : i32
    %mul3A_299 = arith.constant 128 : i32
    %mul3A_300 = arith.muli %shift_right_arithmetic3A_298, %mul3A_299 : i32
    %min3A_301 = arith.constant 99872 : i32
    %min3A_302 = arith.minsi %mul3A_300, %min3A_301 : i32
    %multiple_of3A_303 = tpu.assume_multiple %min3A_302, 128 : i32
    %get3A_304 = arith.constant 34 : index
    %get3A_305 = memref.load %arg7[%get3A_304] : memref<100xi32, #tpu.memory_space<smem>>
    %shift_right_arithmetic3A_306 = arith.constant 7 : i32
    %shift_right_arithmetic3A_307 = arith.shrsi %get3A_305, %shift_right_arithmetic3A_306 : i32
    %mul3A_308 = arith.constant 128 : i32
    %mul3A_309 = arith.muli %shift_right_arithmetic3A_307, %mul3A_308 : i32
    %min3A_310 = arith.constant 99872 : i32
    %min3A_311 = arith.minsi %mul3A_309, %min3A_310 : i32
    %multiple_of3A_312 = tpu.assume_multiple %min3A_311, 128 : i32
    %get3A_313 = arith.constant 35 : index
    %get3A_314 = memref.load %arg7[%get3A_313] : memref<100xi32, #tpu.memory_space<smem>>
    %shift_right_arithmetic3A_315 = arith.constant 7 : i32
    %shift_right_arithmetic3A_316 = arith.shrsi %get3A_314, %shift_right_arithmetic3A_315 : i32
    %mul3A_317 = arith.constant 128 : i32
    %mul3A_318 = arith.muli %shift_right_arithmetic3A_316, %mul3A_317 : i32
    %min3A_319 = arith.constant 99872 : i32
    %min3A_320 = arith.minsi %mul3A_318, %min3A_319 : i32
    %multiple_of3A_321 = tpu.assume_multiple %min3A_320, 128 : i32
    %get3A_322 = arith.constant 36 : index
    %get3A_323 = memref.load %arg7[%get3A_322] : memref<100xi32, #tpu.memory_space<smem>>
    %shift_right_arithmetic3A_324 = arith.constant 7 : i32
    %shift_right_arithmetic3A_325 = arith.shrsi %get3A_323, %shift_right_arithmetic3A_324 : i32
    %mul3A_326 = arith.constant 128 : i32
    %mul3A_327 = arith.muli %shift_right_arithmetic3A_325, %mul3A_326 : i32
    %min3A_328 = arith.constant 99872 : i32
    %min3A_329 = arith.minsi %mul3A_327, %min3A_328 : i32
    %multiple_of3A_330 = tpu.assume_multiple %min3A_329, 128 : i32
    %get3A_331 = arith.constant 37 : index
    %get3A_332 = memref.load %arg7[%get3A_331] : memref<100xi32, #tpu.memory_space<smem>>
    %shift_right_arithmetic3A_333 = arith.constant 7 : i32
    %shift_right_arithmetic3A_334 = arith.shrsi %get3A_332, %shift_right_arithmetic3A_333 : i32
    %mul3A_335 = arith.constant 128 : i32
    %mul3A_336 = arith.muli %shift_right_arithmetic3A_334, %mul3A_335 : i32
    %min3A_337 = arith.constant 99872 : i32
    %min3A_338 = arith.minsi %mul3A_336, %min3A_337 : i32
    %multiple_of3A_339 = tpu.assume_multiple %min3A_338, 128 : i32
    %get3A_340 = arith.constant 38 : index
    %get3A_341 = memref.load %arg7[%get3A_340] : memref<100xi32, #tpu.memory_space<smem>>
    %shift_right_arithmetic3A_342 = arith.constant 7 : i32
    %shift_right_arithmetic3A_343 = arith.shrsi %get3A_341, %shift_right_arithmetic3A_342 : i32
    %mul3A_344 = arith.constant 128 : i32
    %mul3A_345 = arith.muli %shift_right_arithmetic3A_343, %mul3A_344 : i32
    %min3A_346 = arith.constant 99872 : i32
    %min3A_347 = arith.minsi %mul3A_345, %min3A_346 : i32
    %multiple_of3A_348 = tpu.assume_multiple %min3A_347, 128 : i32
    %get3A_349 = arith.constant 39 : index
    %get3A_350 = memref.load %arg7[%get3A_349] : memref<100xi32, #tpu.memory_space<smem>>
    %shift_right_arithmetic3A_351 = arith.constant 7 : i32
    %shift_right_arithmetic3A_352 = arith.shrsi %get3A_350, %shift_right_arithmetic3A_351 : i32
    %mul3A_353 = arith.constant 128 : i32
    %mul3A_354 = arith.muli %shift_right_arithmetic3A_352, %mul3A_353 : i32
    %min3A_355 = arith.constant 99872 : i32
    %min3A_356 = arith.minsi %mul3A_354, %min3A_355 : i32
    %multiple_of3A_357 = tpu.assume_multiple %min3A_356, 128 : i32
    %get3A_358 = arith.constant 40 : index
    %get3A_359 = memref.load %arg7[%get3A_358] : memref<100xi32, #tpu.memory_space<smem>>
    %shift_right_arithmetic3A_360 = arith.constant 7 : i32
    %shift_right_arithmetic3A_361 = arith.shrsi %get3A_359, %shift_right_arithmetic3A_360 : i32
    %mul3A_362 = arith.constant 128 : i32
    %mul3A_363 = arith.muli %shift_right_arithmetic3A_361, %mul3A_362 : i32
    %min3A_364 = arith.constant 99872 : i32
    %min3A_365 = arith.minsi %mul3A_363, %min3A_364 : i32
    %multiple_of3A_366 = tpu.assume_multiple %min3A_365, 128 : i32
    %get3A_367 = arith.constant 41 : index
    %get3A_368 = memref.load %arg7[%get3A_367] : memref<100xi32, #tpu.memory_space<smem>>
    %shift_right_arithmetic3A_369 = arith.constant 7 : i32
    %shift_right_arithmetic3A_370 = arith.shrsi %get3A_368, %shift_right_arithmetic3A_369 : i32
    %mul3A_371 = arith.constant 128 : i32
    %mul3A_372 = arith.muli %shift_right_arithmetic3A_370, %mul3A_371 : i32
    %min3A_373 = arith.constant 99872 : i32
    %min3A_374 = arith.minsi %mul3A_372, %min3A_373 : i32
    %multiple_of3A_375 = tpu.assume_multiple %min3A_374, 128 : i32
    %get3A_376 = arith.constant 42 : index
    %get3A_377 = memref.load %arg7[%get3A_376] : memref<100xi32, #tpu.memory_space<smem>>
    %shift_right_arithmetic3A_378 = arith.constant 7 : i32
    %shift_right_arithmetic3A_379 = arith.shrsi %get3A_377, %shift_right_arithmetic3A_378 : i32
    %mul3A_380 = arith.constant 128 : i32
    %mul3A_381 = arith.muli %shift_right_arithmetic3A_379, %mul3A_380 : i32
    %min3A_382 = arith.constant 99872 : i32
    %min3A_383 = arith.minsi %mul3A_381, %min3A_382 : i32
    %multiple_of3A_384 = tpu.assume_multiple %min3A_383, 128 : i32
    %get3A_385 = arith.constant 43 : index
    %get3A_386 = memref.load %arg7[%get3A_385] : memref<100xi32, #tpu.memory_space<smem>>
    %shift_right_arithmetic3A_387 = arith.constant 7 : i32
    %shift_right_arithmetic3A_388 = arith.shrsi %get3A_386, %shift_right_arithmetic3A_387 : i32
    %mul3A_389 = arith.constant 128 : i32
    %mul3A_390 = arith.muli %shift_right_arithmetic3A_388, %mul3A_389 : i32
    %min3A_391 = arith.constant 99872 : i32
    %min3A_392 = arith.minsi %mul3A_390, %min3A_391 : i32
    %multiple_of3A_393 = tpu.assume_multiple %min3A_392, 128 : i32
    %get3A_394 = arith.constant 44 : index
    %get3A_395 = memref.load %arg7[%get3A_394] : memref<100xi32, #tpu.memory_space<smem>>
    %shift_right_arithmetic3A_396 = arith.constant 7 : i32
    %shift_right_arithmetic3A_397 = arith.shrsi %get3A_395, %shift_right_arithmetic3A_396 : i32
    %mul3A_398 = arith.constant 128 : i32
    %mul3A_399 = arith.muli %shift_right_arithmetic3A_397, %mul3A_398 : i32
    %min3A_400 = arith.constant 99872 : i32
    %min3A_401 = arith.minsi %mul3A_399, %min3A_400 : i32
    %multiple_of3A_402 = tpu.assume_multiple %min3A_401, 128 : i32
    %get3A_403 = arith.constant 45 : index
    %get3A_404 = memref.load %arg7[%get3A_403] : memref<100xi32, #tpu.memory_space<smem>>
    %shift_right_arithmetic3A_405 = arith.constant 7 : i32
    %shift_right_arithmetic3A_406 = arith.shrsi %get3A_404, %shift_right_arithmetic3A_405 : i32
    %mul3A_407 = arith.constant 128 : i32
    %mul3A_408 = arith.muli %shift_right_arithmetic3A_406, %mul3A_407 : i32
    %min3A_409 = arith.constant 99872 : i32
    %min3A_410 = arith.minsi %mul3A_408, %min3A_409 : i32
    %multiple_of3A_411 = tpu.assume_multiple %min3A_410, 128 : i32
    %get3A_412 = arith.constant 46 : index
    %get3A_413 = memref.load %arg7[%get3A_412] : memref<100xi32, #tpu.memory_space<smem>>
    %shift_right_arithmetic3A_414 = arith.constant 7 : i32
    %shift_right_arithmetic3A_415 = arith.shrsi %get3A_413, %shift_right_arithmetic3A_414 : i32
    %mul3A_416 = arith.constant 128 : i32
    %mul3A_417 = arith.muli %shift_right_arithmetic3A_415, %mul3A_416 : i32
    %min3A_418 = arith.constant 99872 : i32
    %min3A_419 = arith.minsi %mul3A_417, %min3A_418 : i32
    %multiple_of3A_420 = tpu.assume_multiple %min3A_419, 128 : i32
    %get3A_421 = arith.constant 47 : index
    %get3A_422 = memref.load %arg7[%get3A_421] : memref<100xi32, #tpu.memory_space<smem>>
    %shift_right_arithmetic3A_423 = arith.constant 7 : i32
    %shift_right_arithmetic3A_424 = arith.shrsi %get3A_422, %shift_right_arithmetic3A_423 : i32
    %mul3A_425 = arith.constant 128 : i32
    %mul3A_426 = arith.muli %shift_right_arithmetic3A_424, %mul3A_425 : i32
    %min3A_427 = arith.constant 99872 : i32
    %min3A_428 = arith.minsi %mul3A_426, %min3A_427 : i32
    %multiple_of3A_429 = tpu.assume_multiple %min3A_428, 128 : i32
    %get3A_430 = arith.constant 48 : index
    %get3A_431 = memref.load %arg7[%get3A_430] : memref<100xi32, #tpu.memory_space<smem>>
    %shift_right_arithmetic3A_432 = arith.constant 7 : i32
    %shift_right_arithmetic3A_433 = arith.shrsi %get3A_431, %shift_right_arithmetic3A_432 : i32
    %mul3A_434 = arith.constant 128 : i32
    %mul3A_435 = arith.muli %shift_right_arithmetic3A_433, %mul3A_434 : i32
    %min3A_436 = arith.constant 99872 : i32
    %min3A_437 = arith.minsi %mul3A_435, %min3A_436 : i32
    %multiple_of3A_438 = tpu.assume_multiple %min3A_437, 128 : i32
    %get3A_439 = arith.constant 49 : index
    %get3A_440 = memref.load %arg7[%get3A_439] : memref<100xi32, #tpu.memory_space<smem>>
    %shift_right_arithmetic3A_441 = arith.constant 7 : i32
    %shift_right_arithmetic3A_442 = arith.shrsi %get3A_440, %shift_right_arithmetic3A_441 : i32
    %mul3A_443 = arith.constant 128 : i32
    %mul3A_444 = arith.muli %shift_right_arithmetic3A_442, %mul3A_443 : i32
    %min3A_445 = arith.constant 99872 : i32
    %min3A_446 = arith.minsi %mul3A_444, %min3A_445 : i32
    %multiple_of3A_447 = tpu.assume_multiple %min3A_446, 128 : i32
    %get3A_448 = arith.constant 50 : index
    %get3A_449 = memref.load %arg7[%get3A_448] : memref<100xi32, #tpu.memory_space<smem>>
    %shift_right_arithmetic3A_450 = arith.constant 7 : i32
    %shift_right_arithmetic3A_451 = arith.shrsi %get3A_449, %shift_right_arithmetic3A_450 : i32
    %mul3A_452 = arith.constant 128 : i32
    %mul3A_453 = arith.muli %shift_right_arithmetic3A_451, %mul3A_452 : i32
    %min3A_454 = arith.constant 99872 : i32
    %min3A_455 = arith.minsi %mul3A_453, %min3A_454 : i32
    %multiple_of3A_456 = tpu.assume_multiple %min3A_455, 128 : i32
    %get3A_457 = arith.constant 51 : index
    %get3A_458 = memref.load %arg7[%get3A_457] : memref<100xi32, #tpu.memory_space<smem>>
    %shift_right_arithmetic3A_459 = arith.constant 7 : i32
    %shift_right_arithmetic3A_460 = arith.shrsi %get3A_458, %shift_right_arithmetic3A_459 : i32
    %mul3A_461 = arith.constant 128 : i32
    %mul3A_462 = arith.muli %shift_right_arithmetic3A_460, %mul3A_461 : i32
    %min3A_463 = arith.constant 99872 : i32
    %min3A_464 = arith.minsi %mul3A_462, %min3A_463 : i32
    %multiple_of3A_465 = tpu.assume_multiple %min3A_464, 128 : i32
    %get3A_466 = arith.constant 52 : index
    %get3A_467 = memref.load %arg7[%get3A_466] : memref<100xi32, #tpu.memory_space<smem>>
    %shift_right_arithmetic3A_468 = arith.constant 7 : i32
    %shift_right_arithmetic3A_469 = arith.shrsi %get3A_467, %shift_right_arithmetic3A_468 : i32
    %mul3A_470 = arith.constant 128 : i32
    %mul3A_471 = arith.muli %shift_right_arithmetic3A_469, %mul3A_470 : i32
    %min3A_472 = arith.constant 99872 : i32
    %min3A_473 = arith.minsi %mul3A_471, %min3A_472 : i32
    %multiple_of3A_474 = tpu.assume_multiple %min3A_473, 128 : i32
    %get3A_475 = arith.constant 53 : index
    %get3A_476 = memref.load %arg7[%get3A_475] : memref<100xi32, #tpu.memory_space<smem>>
    %shift_right_arithmetic3A_477 = arith.constant 7 : i32
    %shift_right_arithmetic3A_478 = arith.shrsi %get3A_476, %shift_right_arithmetic3A_477 : i32
    %mul3A_479 = arith.constant 128 : i32
    %mul3A_480 = arith.muli %shift_right_arithmetic3A_478, %mul3A_479 : i32
    %min3A_481 = arith.constant 99872 : i32
    %min3A_482 = arith.minsi %mul3A_480, %min3A_481 : i32
    %multiple_of3A_483 = tpu.assume_multiple %min3A_482, 128 : i32
    %get3A_484 = arith.constant 54 : index
    %get3A_485 = memref.load %arg7[%get3A_484] : memref<100xi32, #tpu.memory_space<smem>>
    %shift_right_arithmetic3A_486 = arith.constant 7 : i32
    %shift_right_arithmetic3A_487 = arith.shrsi %get3A_485, %shift_right_arithmetic3A_486 : i32
    %mul3A_488 = arith.constant 128 : i32
    %mul3A_489 = arith.muli %shift_right_arithmetic3A_487, %mul3A_488 : i32
    %min3A_490 = arith.constant 99872 : i32
    %min3A_491 = arith.minsi %mul3A_489, %min3A_490 : i32
    %multiple_of3A_492 = tpu.assume_multiple %min3A_491, 128 : i32
    %get3A_493 = arith.constant 55 : index
    %get3A_494 = memref.load %arg7[%get3A_493] : memref<100xi32, #tpu.memory_space<smem>>
    %shift_right_arithmetic3A_495 = arith.constant 7 : i32
    %shift_right_arithmetic3A_496 = arith.shrsi %get3A_494, %shift_right_arithmetic3A_495 : i32
    %mul3A_497 = arith.constant 128 : i32
    %mul3A_498 = arith.muli %shift_right_arithmetic3A_496, %mul3A_497 : i32
    %min3A_499 = arith.constant 99872 : i32
    %min3A_500 = arith.minsi %mul3A_498, %min3A_499 : i32
    %multiple_of3A_501 = tpu.assume_multiple %min3A_500, 128 : i32
    %get3A_502 = arith.constant 56 : index
    %get3A_503 = memref.load %arg7[%get3A_502] : memref<100xi32, #tpu.memory_space<smem>>
    %shift_right_arithmetic3A_504 = arith.constant 7 : i32
    %shift_right_arithmetic3A_505 = arith.shrsi %get3A_503, %shift_right_arithmetic3A_504 : i32
    %mul3A_506 = arith.constant 128 : i32
    %mul3A_507 = arith.muli %shift_right_arithmetic3A_505, %mul3A_506 : i32
    %min3A_508 = arith.constant 99872 : i32
    %min3A_509 = arith.minsi %mul3A_507, %min3A_508 : i32
    %multiple_of3A_510 = tpu.assume_multiple %min3A_509, 128 : i32
    %get3A_511 = arith.constant 57 : index
    %get3A_512 = memref.load %arg7[%get3A_511] : memref<100xi32, #tpu.memory_space<smem>>
    %shift_right_arithmetic3A_513 = arith.constant 7 : i32
    %shift_right_arithmetic3A_514 = arith.shrsi %get3A_512, %shift_right_arithmetic3A_513 : i32
    %mul3A_515 = arith.constant 128 : i32
    %mul3A_516 = arith.muli %shift_right_arithmetic3A_514, %mul3A_515 : i32
    %min3A_517 = arith.constant 99872 : i32
    %min3A_518 = arith.minsi %mul3A_516, %min3A_517 : i32
    %multiple_of3A_519 = tpu.assume_multiple %min3A_518, 128 : i32
    %get3A_520 = arith.constant 58 : index
    %get3A_521 = memref.load %arg7[%get3A_520] : memref<100xi32, #tpu.memory_space<smem>>
    %shift_right_arithmetic3A_522 = arith.constant 7 : i32
    %shift_right_arithmetic3A_523 = arith.shrsi %get3A_521, %shift_right_arithmetic3A_522 : i32
    %mul3A_524 = arith.constant 128 : i32
    %mul3A_525 = arith.muli %shift_right_arithmetic3A_523, %mul3A_524 : i32
    %min3A_526 = arith.constant 99872 : i32
    %min3A_527 = arith.minsi %mul3A_525, %min3A_526 : i32
    %multiple_of3A_528 = tpu.assume_multiple %min3A_527, 128 : i32
    %get3A_529 = arith.constant 59 : index
    %get3A_530 = memref.load %arg7[%get3A_529] : memref<100xi32, #tpu.memory_space<smem>>
    %shift_right_arithmetic3A_531 = arith.constant 7 : i32
    %shift_right_arithmetic3A_532 = arith.shrsi %get3A_530, %shift_right_arithmetic3A_531 : i32
    %mul3A_533 = arith.constant 128 : i32
    %mul3A_534 = arith.muli %shift_right_arithmetic3A_532, %mul3A_533 : i32
    %min3A_535 = arith.constant 99872 : i32
    %min3A_536 = arith.minsi %mul3A_534, %min3A_535 : i32
    %multiple_of3A_537 = tpu.assume_multiple %min3A_536, 128 : i32
    %get3A_538 = arith.constant 60 : index
    %get3A_539 = memref.load %arg7[%get3A_538] : memref<100xi32, #tpu.memory_space<smem>>
    %shift_right_arithmetic3A_540 = arith.constant 7 : i32
    %shift_right_arithmetic3A_541 = arith.shrsi %get3A_539, %shift_right_arithmetic3A_540 : i32
    %mul3A_542 = arith.constant 128 : i32
    %mul3A_543 = arith.muli %shift_right_arithmetic3A_541, %mul3A_542 : i32
    %min3A_544 = arith.constant 99872 : i32
    %min3A_545 = arith.minsi %mul3A_543, %min3A_544 : i32
    %multiple_of3A_546 = tpu.assume_multiple %min3A_545, 128 : i32
    %get3A_547 = arith.constant 61 : index
    %get3A_548 = memref.load %arg7[%get3A_547] : memref<100xi32, #tpu.memory_space<smem>>
    %shift_right_arithmetic3A_549 = arith.constant 7 : i32
    %shift_right_arithmetic3A_550 = arith.shrsi %get3A_548, %shift_right_arithmetic3A_549 : i32
    %mul3A_551 = arith.constant 128 : i32
    %mul3A_552 = arith.muli %shift_right_arithmetic3A_550, %mul3A_551 : i32
    %min3A_553 = arith.constant 99872 : i32
    %min3A_554 = arith.minsi %mul3A_552, %min3A_553 : i32
    %multiple_of3A_555 = tpu.assume_multiple %min3A_554, 128 : i32
    %get3A_556 = arith.constant 62 : index
    %get3A_557 = memref.load %arg7[%get3A_556] : memref<100xi32, #tpu.memory_space<smem>>
    %shift_right_arithmetic3A_558 = arith.constant 7 : i32
    %shift_right_arithmetic3A_559 = arith.shrsi %get3A_557, %shift_right_arithmetic3A_558 : i32
    %mul3A_560 = arith.constant 128 : i32
    %mul3A_561 = arith.muli %shift_right_arithmetic3A_559, %mul3A_560 : i32
    %min3A_562 = arith.constant 99872 : i32
    %min3A_563 = arith.minsi %mul3A_561, %min3A_562 : i32
    %multiple_of3A_564 = tpu.assume_multiple %min3A_563, 128 : i32
    %get3A_565 = arith.constant 63 : index
    %get3A_566 = memref.load %arg7[%get3A_565] : memref<100xi32, #tpu.memory_space<smem>>
    %shift_right_arithmetic3A_567 = arith.constant 7 : i32
    %shift_right_arithmetic3A_568 = arith.shrsi %get3A_566, %shift_right_arithmetic3A_567 : i32
    %mul3A_569 = arith.constant 128 : i32
    %mul3A_570 = arith.muli %shift_right_arithmetic3A_568, %mul3A_569 : i32
    %min3A_571 = arith.constant 99872 : i32
    %min3A_572 = arith.minsi %mul3A_570, %min3A_571 : i32
    %multiple_of3A_573 = tpu.assume_multiple %min3A_572, 128 : i32
    %get3A_574 = arith.constant 64 : index
    %get3A_575 = memref.load %arg7[%get3A_574] : memref<100xi32, #tpu.memory_space<smem>>
    %shift_right_arithmetic3A_576 = arith.constant 7 : i32
    %shift_right_arithmetic3A_577 = arith.shrsi %get3A_575, %shift_right_arithmetic3A_576 : i32
    %mul3A_578 = arith.constant 128 : i32
    %mul3A_579 = arith.muli %shift_right_arithmetic3A_577, %mul3A_578 : i32
    %min3A_580 = arith.constant 99872 : i32
    %min3A_581 = arith.minsi %mul3A_579, %min3A_580 : i32
    %multiple_of3A_582 = tpu.assume_multiple %min3A_581, 128 : i32
    %get3A_583 = arith.constant 65 : index
    %get3A_584 = memref.load %arg7[%get3A_583] : memref<100xi32, #tpu.memory_space<smem>>
    %shift_right_arithmetic3A_585 = arith.constant 7 : i32
    %shift_right_arithmetic3A_586 = arith.shrsi %get3A_584, %shift_right_arithmetic3A_585 : i32
    %mul3A_587 = arith.constant 128 : i32
    %mul3A_588 = arith.muli %shift_right_arithmetic3A_586, %mul3A_587 : i32
    %min3A_589 = arith.constant 99872 : i32
    %min3A_590 = arith.minsi %mul3A_588, %min3A_589 : i32
    %multiple_of3A_591 = tpu.assume_multiple %min3A_590, 128 : i32
    %get3A_592 = arith.constant 66 : index
    %get3A_593 = memref.load %arg7[%get3A_592] : memref<100xi32, #tpu.memory_space<smem>>
    %shift_right_arithmetic3A_594 = arith.constant 7 : i32
    %shift_right_arithmetic3A_595 = arith.shrsi %get3A_593, %shift_right_arithmetic3A_594 : i32
    %mul3A_596 = arith.constant 128 : i32
    %mul3A_597 = arith.muli %shift_right_arithmetic3A_595, %mul3A_596 : i32
    %min3A_598 = arith.constant 99872 : i32
    %min3A_599 = arith.minsi %mul3A_597, %min3A_598 : i32
    %multiple_of3A_600 = tpu.assume_multiple %min3A_599, 128 : i32
    %get3A_601 = arith.constant 67 : index
    %get3A_602 = memref.load %arg7[%get3A_601] : memref<100xi32, #tpu.memory_space<smem>>
    %shift_right_arithmetic3A_603 = arith.constant 7 : i32
    %shift_right_arithmetic3A_604 = arith.shrsi %get3A_602, %shift_right_arithmetic3A_603 : i32
    %mul3A_605 = arith.constant 128 : i32
    %mul3A_606 = arith.muli %shift_right_arithmetic3A_604, %mul3A_605 : i32
    %min3A_607 = arith.constant 99872 : i32
    %min3A_608 = arith.minsi %mul3A_606, %min3A_607 : i32
    %multiple_of3A_609 = tpu.assume_multiple %min3A_608, 128 : i32
    %get3A_610 = arith.constant 68 : index
    %get3A_611 = memref.load %arg7[%get3A_610] : memref<100xi32, #tpu.memory_space<smem>>
    %shift_right_arithmetic3A_612 = arith.constant 7 : i32
    %shift_right_arithmetic3A_613 = arith.shrsi %get3A_611, %shift_right_arithmetic3A_612 : i32
    %mul3A_614 = arith.constant 128 : i32
    %mul3A_615 = arith.muli %shift_right_arithmetic3A_613, %mul3A_614 : i32
    %min3A_616 = arith.constant 99872 : i32
    %min3A_617 = arith.minsi %mul3A_615, %min3A_616 : i32
    %multiple_of3A_618 = tpu.assume_multiple %min3A_617, 128 : i32
    %get3A_619 = arith.constant 69 : index
    %get3A_620 = memref.load %arg7[%get3A_619] : memref<100xi32, #tpu.memory_space<smem>>
    %shift_right_arithmetic3A_621 = arith.constant 7 : i32
    %shift_right_arithmetic3A_622 = arith.shrsi %get3A_620, %shift_right_arithmetic3A_621 : i32
    %mul3A_623 = arith.constant 128 : i32
    %mul3A_624 = arith.muli %shift_right_arithmetic3A_622, %mul3A_623 : i32
    %min3A_625 = arith.constant 99872 : i32
    %min3A_626 = arith.minsi %mul3A_624, %min3A_625 : i32
    %multiple_of3A_627 = tpu.assume_multiple %min3A_626, 128 : i32
    %get3A_628 = arith.constant 70 : index
    %get3A_629 = memref.load %arg7[%get3A_628] : memref<100xi32, #tpu.memory_space<smem>>
    %shift_right_arithmetic3A_630 = arith.constant 7 : i32
    %shift_right_arithmetic3A_631 = arith.shrsi %get3A_629, %shift_right_arithmetic3A_630 : i32
    %mul3A_632 = arith.constant 128 : i32
    %mul3A_633 = arith.muli %shift_right_arithmetic3A_631, %mul3A_632 : i32
    %min3A_634 = arith.constant 99872 : i32
    %min3A_635 = arith.minsi %mul3A_633, %min3A_634 : i32
    %multiple_of3A_636 = tpu.assume_multiple %min3A_635, 128 : i32
    %get3A_637 = arith.constant 71 : index
    %get3A_638 = memref.load %arg7[%get3A_637] : memref<100xi32, #tpu.memory_space<smem>>
    %shift_right_arithmetic3A_639 = arith.constant 7 : i32
    %shift_right_arithmetic3A_640 = arith.shrsi %get3A_638, %shift_right_arithmetic3A_639 : i32
    %mul3A_641 = arith.constant 128 : i32
    %mul3A_642 = arith.muli %shift_right_arithmetic3A_640, %mul3A_641 : i32
    %min3A_643 = arith.constant 99872 : i32
    %min3A_644 = arith.minsi %mul3A_642, %min3A_643 : i32
    %multiple_of3A_645 = tpu.assume_multiple %min3A_644, 128 : i32
    %get3A_646 = arith.constant 72 : index
    %get3A_647 = memref.load %arg7[%get3A_646] : memref<100xi32, #tpu.memory_space<smem>>
    %shift_right_arithmetic3A_648 = arith.constant 7 : i32
    %shift_right_arithmetic3A_649 = arith.shrsi %get3A_647, %shift_right_arithmetic3A_648 : i32
    %mul3A_650 = arith.constant 128 : i32
    %mul3A_651 = arith.muli %shift_right_arithmetic3A_649, %mul3A_650 : i32
    %min3A_652 = arith.constant 99872 : i32
    %min3A_653 = arith.minsi %mul3A_651, %min3A_652 : i32
    %multiple_of3A_654 = tpu.assume_multiple %min3A_653, 128 : i32
    %get3A_655 = arith.constant 73 : index
    %get3A_656 = memref.load %arg7[%get3A_655] : memref<100xi32, #tpu.memory_space<smem>>
    %shift_right_arithmetic3A_657 = arith.constant 7 : i32
    %shift_right_arithmetic3A_658 = arith.shrsi %get3A_656, %shift_right_arithmetic3A_657 : i32
    %mul3A_659 = arith.constant 128 : i32
    %mul3A_660 = arith.muli %shift_right_arithmetic3A_658, %mul3A_659 : i32
    %min3A_661 = arith.constant 99872 : i32
    %min3A_662 = arith.minsi %mul3A_660, %min3A_661 : i32
    %multiple_of3A_663 = tpu.assume_multiple %min3A_662, 128 : i32
    %get3A_664 = arith.constant 74 : index
    %get3A_665 = memref.load %arg7[%get3A_664] : memref<100xi32, #tpu.memory_space<smem>>
    %shift_right_arithmetic3A_666 = arith.constant 7 : i32
    %shift_right_arithmetic3A_667 = arith.shrsi %get3A_665, %shift_right_arithmetic3A_666 : i32
    %mul3A_668 = arith.constant 128 : i32
    %mul3A_669 = arith.muli %shift_right_arithmetic3A_667, %mul3A_668 : i32
    %min3A_670 = arith.constant 99872 : i32
    %min3A_671 = arith.minsi %mul3A_669, %min3A_670 : i32
    %multiple_of3A_672 = tpu.assume_multiple %min3A_671, 128 : i32
    %get3A_673 = arith.constant 75 : index
    %get3A_674 = memref.load %arg7[%get3A_673] : memref<100xi32, #tpu.memory_space<smem>>
    %shift_right_arithmetic3A_675 = arith.constant 7 : i32
    %shift_right_arithmetic3A_676 = arith.shrsi %get3A_674, %shift_right_arithmetic3A_675 : i32
    %mul3A_677 = arith.constant 128 : i32
    %mul3A_678 = arith.muli %shift_right_arithmetic3A_676, %mul3A_677 : i32
    %min3A_679 = arith.constant 99872 : i32
    %min3A_680 = arith.minsi %mul3A_678, %min3A_679 : i32
    %multiple_of3A_681 = tpu.assume_multiple %min3A_680, 128 : i32
    %get3A_682 = arith.constant 76 : index
    %get3A_683 = memref.load %arg7[%get3A_682] : memref<100xi32, #tpu.memory_space<smem>>
    %shift_right_arithmetic3A_684 = arith.constant 7 : i32
    %shift_right_arithmetic3A_685 = arith.shrsi %get3A_683, %shift_right_arithmetic3A_684 : i32
    %mul3A_686 = arith.constant 128 : i32
    %mul3A_687 = arith.muli %shift_right_arithmetic3A_685, %mul3A_686 : i32
    %min3A_688 = arith.constant 99872 : i32
    %min3A_689 = arith.minsi %mul3A_687, %min3A_688 : i32
    %multiple_of3A_690 = tpu.assume_multiple %min3A_689, 128 : i32
    %get3A_691 = arith.constant 77 : index
    %get3A_692 = memref.load %arg7[%get3A_691] : memref<100xi32, #tpu.memory_space<smem>>
    %shift_right_arithmetic3A_693 = arith.constant 7 : i32
    %shift_right_arithmetic3A_694 = arith.shrsi %get3A_692, %shift_right_arithmetic3A_693 : i32
    %mul3A_695 = arith.constant 128 : i32
    %mul3A_696 = arith.muli %shift_right_arithmetic3A_694, %mul3A_695 : i32
    %min3A_697 = arith.constant 99872 : i32
    %min3A_698 = arith.minsi %mul3A_696, %min3A_697 : i32
    %multiple_of3A_699 = tpu.assume_multiple %min3A_698, 128 : i32
    %get3A_700 = arith.constant 78 : index
    %get3A_701 = memref.load %arg7[%get3A_700] : memref<100xi32, #tpu.memory_space<smem>>
    %shift_right_arithmetic3A_702 = arith.constant 7 : i32
    %shift_right_arithmetic3A_703 = arith.shrsi %get3A_701, %shift_right_arithmetic3A_702 : i32
    %mul3A_704 = arith.constant 128 : i32
    %mul3A_705 = arith.muli %shift_right_arithmetic3A_703, %mul3A_704 : i32
    %min3A_706 = arith.constant 99872 : i32
    %min3A_707 = arith.minsi %mul3A_705, %min3A_706 : i32
    %multiple_of3A_708 = tpu.assume_multiple %min3A_707, 128 : i32
    %get3A_709 = arith.constant 79 : index
    %get3A_710 = memref.load %arg7[%get3A_709] : memref<100xi32, #tpu.memory_space<smem>>
    %shift_right_arithmetic3A_711 = arith.constant 7 : i32
    %shift_right_arithmetic3A_712 = arith.shrsi %get3A_710, %shift_right_arithmetic3A_711 : i32
    %mul3A_713 = arith.constant 128 : i32
    %mul3A_714 = arith.muli %shift_right_arithmetic3A_712, %mul3A_713 : i32
    %min3A_715 = arith.constant 99872 : i32
    %min3A_716 = arith.minsi %mul3A_714, %min3A_715 : i32
    %multiple_of3A_717 = tpu.assume_multiple %min3A_716, 128 : i32
    %get3A_718 = arith.constant 80 : index
    %get3A_719 = memref.load %arg7[%get3A_718] : memref<100xi32, #tpu.memory_space<smem>>
    %shift_right_arithmetic3A_720 = arith.constant 7 : i32
    %shift_right_arithmetic3A_721 = arith.shrsi %get3A_719, %shift_right_arithmetic3A_720 : i32
    %mul3A_722 = arith.constant 128 : i32
    %mul3A_723 = arith.muli %shift_right_arithmetic3A_721, %mul3A_722 : i32
    %min3A_724 = arith.constant 99872 : i32
    %min3A_725 = arith.minsi %mul3A_723, %min3A_724 : i32
    %multiple_of3A_726 = tpu.assume_multiple %min3A_725, 128 : i32
    %get3A_727 = arith.constant 81 : index
    %get3A_728 = memref.load %arg7[%get3A_727] : memref<100xi32, #tpu.memory_space<smem>>
    %shift_right_arithmetic3A_729 = arith.constant 7 : i32
    %shift_right_arithmetic3A_730 = arith.shrsi %get3A_728, %shift_right_arithmetic3A_729 : i32
    %mul3A_731 = arith.constant 128 : i32
    %mul3A_732 = arith.muli %shift_right_arithmetic3A_730, %mul3A_731 : i32
    %min3A_733 = arith.constant 99872 : i32
    %min3A_734 = arith.minsi %mul3A_732, %min3A_733 : i32
    %multiple_of3A_735 = tpu.assume_multiple %min3A_734, 128 : i32
    %get3A_736 = arith.constant 82 : index
    %get3A_737 = memref.load %arg7[%get3A_736] : memref<100xi32, #tpu.memory_space<smem>>
    %shift_right_arithmetic3A_738 = arith.constant 7 : i32
    %shift_right_arithmetic3A_739 = arith.shrsi %get3A_737, %shift_right_arithmetic3A_738 : i32
    %mul3A_740 = arith.constant 128 : i32
    %mul3A_741 = arith.muli %shift_right_arithmetic3A_739, %mul3A_740 : i32
    %min3A_742 = arith.constant 99872 : i32
    %min3A_743 = arith.minsi %mul3A_741, %min3A_742 : i32
    %multiple_of3A_744 = tpu.assume_multiple %min3A_743, 128 : i32
    %get3A_745 = arith.constant 83 : index
    %get3A_746 = memref.load %arg7[%get3A_745] : memref<100xi32, #tpu.memory_space<smem>>
    %shift_right_arithmetic3A_747 = arith.constant 7 : i32
    %shift_right_arithmetic3A_748 = arith.shrsi %get3A_746, %shift_right_arithmetic3A_747 : i32
    %mul3A_749 = arith.constant 128 : i32
    %mul3A_750 = arith.muli %shift_right_arithmetic3A_748, %mul3A_749 : i32
    %min3A_751 = arith.constant 99872 : i32
    %min3A_752 = arith.minsi %mul3A_750, %min3A_751 : i32
    %multiple_of3A_753 = tpu.assume_multiple %min3A_752, 128 : i32
    %get3A_754 = arith.constant 84 : index
    %get3A_755 = memref.load %arg7[%get3A_754] : memref<100xi32, #tpu.memory_space<smem>>
    %shift_right_arithmetic3A_756 = arith.constant 7 : i32
    %shift_right_arithmetic3A_757 = arith.shrsi %get3A_755, %shift_right_arithmetic3A_756 : i32
    %mul3A_758 = arith.constant 128 : i32
    %mul3A_759 = arith.muli %shift_right_arithmetic3A_757, %mul3A_758 : i32
    %min3A_760 = arith.constant 99872 : i32
    %min3A_761 = arith.minsi %mul3A_759, %min3A_760 : i32
    %multiple_of3A_762 = tpu.assume_multiple %min3A_761, 128 : i32
    %get3A_763 = arith.constant 85 : index
    %get3A_764 = memref.load %arg7[%get3A_763] : memref<100xi32, #tpu.memory_space<smem>>
    %shift_right_arithmetic3A_765 = arith.constant 7 : i32
    %shift_right_arithmetic3A_766 = arith.shrsi %get3A_764, %shift_right_arithmetic3A_765 : i32
    %mul3A_767 = arith.constant 128 : i32
    %mul3A_768 = arith.muli %shift_right_arithmetic3A_766, %mul3A_767 : i32
    %min3A_769 = arith.constant 99872 : i32
    %min3A_770 = arith.minsi %mul3A_768, %min3A_769 : i32
    %multiple_of3A_771 = tpu.assume_multiple %min3A_770, 128 : i32
    %get3A_772 = arith.constant 86 : index
    %get3A_773 = memref.load %arg7[%get3A_772] : memref<100xi32, #tpu.memory_space<smem>>
    %shift_right_arithmetic3A_774 = arith.constant 7 : i32
    %shift_right_arithmetic3A_775 = arith.shrsi %get3A_773, %shift_right_arithmetic3A_774 : i32
    %mul3A_776 = arith.constant 128 : i32
    %mul3A_777 = arith.muli %shift_right_arithmetic3A_775, %mul3A_776 : i32
    %min3A_778 = arith.constant 99872 : i32
    %min3A_779 = arith.minsi %mul3A_777, %min3A_778 : i32
    %multiple_of3A_780 = tpu.assume_multiple %min3A_779, 128 : i32
    %get3A_781 = arith.constant 87 : index
    %get3A_782 = memref.load %arg7[%get3A_781] : memref<100xi32, #tpu.memory_space<smem>>
    %shift_right_arithmetic3A_783 = arith.constant 7 : i32
    %shift_right_arithmetic3A_784 = arith.shrsi %get3A_782, %shift_right_arithmetic3A_783 : i32
    %mul3A_785 = arith.constant 128 : i32
    %mul3A_786 = arith.muli %shift_right_arithmetic3A_784, %mul3A_785 : i32
    %min3A_787 = arith.constant 99872 : i32
    %min3A_788 = arith.minsi %mul3A_786, %min3A_787 : i32
    %multiple_of3A_789 = tpu.assume_multiple %min3A_788, 128 : i32
    %get3A_790 = arith.constant 88 : index
    %get3A_791 = memref.load %arg7[%get3A_790] : memref<100xi32, #tpu.memory_space<smem>>
    %shift_right_arithmetic3A_792 = arith.constant 7 : i32
    %shift_right_arithmetic3A_793 = arith.shrsi %get3A_791, %shift_right_arithmetic3A_792 : i32
    %mul3A_794 = arith.constant 128 : i32
    %mul3A_795 = arith.muli %shift_right_arithmetic3A_793, %mul3A_794 : i32
    %min3A_796 = arith.constant 99872 : i32
    %min3A_797 = arith.minsi %mul3A_795, %min3A_796 : i32
    %multiple_of3A_798 = tpu.assume_multiple %min3A_797, 128 : i32
    %get3A_799 = arith.constant 89 : index
    %get3A_800 = memref.load %arg7[%get3A_799] : memref<100xi32, #tpu.memory_space<smem>>
    %shift_right_arithmetic3A_801 = arith.constant 7 : i32
    %shift_right_arithmetic3A_802 = arith.shrsi %get3A_800, %shift_right_arithmetic3A_801 : i32
    %mul3A_803 = arith.constant 128 : i32
    %mul3A_804 = arith.muli %shift_right_arithmetic3A_802, %mul3A_803 : i32
    %min3A_805 = arith.constant 99872 : i32
    %min3A_806 = arith.minsi %mul3A_804, %min3A_805 : i32
    %multiple_of3A_807 = tpu.assume_multiple %min3A_806, 128 : i32
    %get3A_808 = arith.constant 90 : index
    %get3A_809 = memref.load %arg7[%get3A_808] : memref<100xi32, #tpu.memory_space<smem>>
    %shift_right_arithmetic3A_810 = arith.constant 7 : i32
    %shift_right_arithmetic3A_811 = arith.shrsi %get3A_809, %shift_right_arithmetic3A_810 : i32
    %mul3A_812 = arith.constant 128 : i32
    %mul3A_813 = arith.muli %shift_right_arithmetic3A_811, %mul3A_812 : i32
    %min3A_814 = arith.constant 99872 : i32
    %min3A_815 = arith.minsi %mul3A_813, %min3A_814 : i32
    %multiple_of3A_816 = tpu.assume_multiple %min3A_815, 128 : i32
    %get3A_817 = arith.constant 91 : index
    %get3A_818 = memref.load %arg7[%get3A_817] : memref<100xi32, #tpu.memory_space<smem>>
    %shift_right_arithmetic3A_819 = arith.constant 7 : i32
    %shift_right_arithmetic3A_820 = arith.shrsi %get3A_818, %shift_right_arithmetic3A_819 : i32
    %mul3A_821 = arith.constant 128 : i32
    %mul3A_822 = arith.muli %shift_right_arithmetic3A_820, %mul3A_821 : i32
    %min3A_823 = arith.constant 99872 : i32
    %min3A_824 = arith.minsi %mul3A_822, %min3A_823 : i32
    %multiple_of3A_825 = tpu.assume_multiple %min3A_824, 128 : i32
    %get3A_826 = arith.constant 92 : index
    %get3A_827 = memref.load %arg7[%get3A_826] : memref<100xi32, #tpu.memory_space<smem>>
    %shift_right_arithmetic3A_828 = arith.constant 7 : i32
    %shift_right_arithmetic3A_829 = arith.shrsi %get3A_827, %shift_right_arithmetic3A_828 : i32
    %mul3A_830 = arith.constant 128 : i32
    %mul3A_831 = arith.muli %shift_right_arithmetic3A_829, %mul3A_830 : i32
    %min3A_832 = arith.constant 99872 : i32
    %min3A_833 = arith.minsi %mul3A_831, %min3A_832 : i32
    %multiple_of3A_834 = tpu.assume_multiple %min3A_833, 128 : i32
    %get3A_835 = arith.constant 93 : index
    %get3A_836 = memref.load %arg7[%get3A_835] : memref<100xi32, #tpu.memory_space<smem>>
    %shift_right_arithmetic3A_837 = arith.constant 7 : i32
    %shift_right_arithmetic3A_838 = arith.shrsi %get3A_836, %shift_right_arithmetic3A_837 : i32
    %mul3A_839 = arith.constant 128 : i32
    %mul3A_840 = arith.muli %shift_right_arithmetic3A_838, %mul3A_839 : i32
    %min3A_841 = arith.constant 99872 : i32
    %min3A_842 = arith.minsi %mul3A_840, %min3A_841 : i32
    %multiple_of3A_843 = tpu.assume_multiple %min3A_842, 128 : i32
    %get3A_844 = arith.constant 94 : index
    %get3A_845 = memref.load %arg7[%get3A_844] : memref<100xi32, #tpu.memory_space<smem>>
    %shift_right_arithmetic3A_846 = arith.constant 7 : i32
    %shift_right_arithmetic3A_847 = arith.shrsi %get3A_845, %shift_right_arithmetic3A_846 : i32
    %mul3A_848 = arith.constant 128 : i32
    %mul3A_849 = arith.muli %shift_right_arithmetic3A_847, %mul3A_848 : i32
    %min3A_850 = arith.constant 99872 : i32
    %min3A_851 = arith.minsi %mul3A_849, %min3A_850 : i32
    %multiple_of3A_852 = tpu.assume_multiple %min3A_851, 128 : i32
    %get3A_853 = arith.constant 95 : index
    %get3A_854 = memref.load %arg7[%get3A_853] : memref<100xi32, #tpu.memory_space<smem>>
    %shift_right_arithmetic3A_855 = arith.constant 7 : i32
    %shift_right_arithmetic3A_856 = arith.shrsi %get3A_854, %shift_right_arithmetic3A_855 : i32
    %mul3A_857 = arith.constant 128 : i32
    %mul3A_858 = arith.muli %shift_right_arithmetic3A_856, %mul3A_857 : i32
    %min3A_859 = arith.constant 99872 : i32
    %min3A_860 = arith.minsi %mul3A_858, %min3A_859 : i32
    %multiple_of3A_861 = tpu.assume_multiple %min3A_860, 128 : i32
    %get3A_862 = arith.constant 96 : index
    %get3A_863 = memref.load %arg7[%get3A_862] : memref<100xi32, #tpu.memory_space<smem>>
    %shift_right_arithmetic3A_864 = arith.constant 7 : i32
    %shift_right_arithmetic3A_865 = arith.shrsi %get3A_863, %shift_right_arithmetic3A_864 : i32
    %mul3A_866 = arith.constant 128 : i32
    %mul3A_867 = arith.muli %shift_right_arithmetic3A_865, %mul3A_866 : i32
    %min3A_868 = arith.constant 99872 : i32
    %min3A_869 = arith.minsi %mul3A_867, %min3A_868 : i32
    %multiple_of3A_870 = tpu.assume_multiple %min3A_869, 128 : i32
    %get3A_871 = arith.constant 97 : index
    %get3A_872 = memref.load %arg7[%get3A_871] : memref<100xi32, #tpu.memory_space<smem>>
    %shift_right_arithmetic3A_873 = arith.constant 7 : i32
    %shift_right_arithmetic3A_874 = arith.shrsi %get3A_872, %shift_right_arithmetic3A_873 : i32
    %mul3A_875 = arith.constant 128 : i32
    %mul3A_876 = arith.muli %shift_right_arithmetic3A_874, %mul3A_875 : i32
    %min3A_877 = arith.constant 99872 : i32
    %min3A_878 = arith.minsi %mul3A_876, %min3A_877 : i32
    %multiple_of3A_879 = tpu.assume_multiple %min3A_878, 128 : i32
    %get3A_880 = arith.constant 98 : index
    %get3A_881 = memref.load %arg7[%get3A_880] : memref<100xi32, #tpu.memory_space<smem>>
    %shift_right_arithmetic3A_882 = arith.constant 7 : i32
    %shift_right_arithmetic3A_883 = arith.shrsi %get3A_881, %shift_right_arithmetic3A_882 : i32
    %mul3A_884 = arith.constant 128 : i32
    %mul3A_885 = arith.muli %shift_right_arithmetic3A_883, %mul3A_884 : i32
    %min3A_886 = arith.constant 99872 : i32
    %min3A_887 = arith.minsi %mul3A_885, %min3A_886 : i32
    %multiple_of3A_888 = tpu.assume_multiple %min3A_887, 128 : i32
    %get3A_889 = arith.constant 99 : index
    %get3A_890 = memref.load %arg7[%get3A_889] : memref<100xi32, #tpu.memory_space<smem>>
    %shift_right_arithmetic3A_891 = arith.constant 7 : i32
    %shift_right_arithmetic3A_892 = arith.shrsi %get3A_890, %shift_right_arithmetic3A_891 : i32
    %mul3A_893 = arith.constant 128 : i32
    %mul3A_894 = arith.muli %shift_right_arithmetic3A_892, %mul3A_893 : i32
    %min3A_895 = arith.constant 99872 : i32
    %min3A_896 = arith.minsi %mul3A_894, %min3A_895 : i32
    %multiple_of3A_897 = tpu.assume_multiple %min3A_896, 128 : i32
    %dma_start3A = arith.constant 0 : i32
    %dma_start3A_898 = arith.constant 0 : i32
    %dma_start3A_899 = arith.constant 0 : i32
    %dma_start3A_900 = tpu.memref_slice %arg12[%dma_start3A, %dma_start3A_898, %dma_start3A_899] : memref<100x32x128xf32, #tpu.memory_space<vmem>> -> memref<1x32x128xf32, #tpu.memory_space<vmem>>
    %dma_start3A_901 = tpu.memref_squeeze %dma_start3A_900 : memref<1x32x128xf32, #tpu.memory_space<vmem>> -> memref<32x128xf32, #tpu.memory_space<vmem>>
    %dma_start3A_902 = arith.constant 0 : i32
    %dma_start3A_903 = tpu.memref_slice %arg6[%dma_start3A_902, %multiple_of3A] : memref<32x100000xf32, #tpu.memory_space<hbm>> -> memref<32x128xf32, #tpu.memory_space<hbm>>
    tpu.enqueue_dma source(%dma_start3A_903 : memref<32x128xf32, #tpu.memory_space<hbm>>) target(%dma_start3A_901 : memref<32x128xf32, #tpu.memory_space<vmem>>) target_semaphore(%arg15 : memref<!tpu.dma_semaphore, #tpu.memory_space<semaphore_mem>>)
    %dma_start3A_904 = arith.constant 1 : i32
    %dma_start3A_905 = arith.constant 0 : i32
    %dma_start3A_906 = arith.constant 0 : i32
    %dma_start3A_907 = tpu.memref_slice %arg12[%dma_start3A_904, %dma_start3A_905, %dma_start3A_906] : memref<100x32x128xf32, #tpu.memory_space<vmem>> -> memref<1x32x128xf32, #tpu.memory_space<vmem>>
    %dma_start3A_908 = tpu.memref_squeeze %dma_start3A_907 : memref<1x32x128xf32, #tpu.memory_space<vmem>> -> memref<32x128xf32, #tpu.memory_space<vmem>>
    %dma_start3A_909 = arith.constant 0 : i32
    %dma_start3A_910 = tpu.memref_slice %arg6[%dma_start3A_909, %multiple_of3A_15] : memref<32x100000xf32, #tpu.memory_space<hbm>> -> memref<32x128xf32, #tpu.memory_space<hbm>>
    tpu.enqueue_dma source(%dma_start3A_910 : memref<32x128xf32, #tpu.memory_space<hbm>>) target(%dma_start3A_908 : memref<32x128xf32, #tpu.memory_space<vmem>>) target_semaphore(%arg15 : memref<!tpu.dma_semaphore, #tpu.memory_space<semaphore_mem>>)
    %dma_start3A_911 = arith.constant 2 : i32
    %dma_start3A_912 = arith.constant 0 : i32
    %dma_start3A_913 = arith.constant 0 : i32
    %dma_start3A_914 = tpu.memref_slice %arg12[%dma_start3A_911, %dma_start3A_912, %dma_start3A_913] : memref<100x32x128xf32, #tpu.memory_space<vmem>> -> memref<1x32x128xf32, #tpu.memory_space<vmem>>
    %dma_start3A_915 = tpu.memref_squeeze %dma_start3A_914 : memref<1x32x128xf32, #tpu.memory_space<vmem>> -> memref<32x128xf32, #tpu.memory_space<vmem>>
    %dma_start3A_916 = arith.constant 0 : i32
    %dma_start3A_917 = tpu.memref_slice %arg6[%dma_start3A_916, %multiple_of3A_24] : memref<32x100000xf32, #tpu.memory_space<hbm>> -> memref<32x128xf32, #tpu.memory_space<hbm>>
    tpu.enqueue_dma source(%dma_start3A_917 : memref<32x128xf32, #tpu.memory_space<hbm>>) target(%dma_start3A_915 : memref<32x128xf32, #tpu.memory_space<vmem>>) target_semaphore(%arg15 : memref<!tpu.dma_semaphore, #tpu.memory_space<semaphore_mem>>)
    %dma_start3A_918 = arith.constant 3 : i32
    %dma_start3A_919 = arith.constant 0 : i32
    %dma_start3A_920 = arith.constant 0 : i32
    %dma_start3A_921 = tpu.memref_slice %arg12[%dma_start3A_918, %dma_start3A_919, %dma_start3A_920] : memref<100x32x128xf32, #tpu.memory_space<vmem>> -> memref<1x32x128xf32, #tpu.memory_space<vmem>>
    %dma_start3A_922 = tpu.memref_squeeze %dma_start3A_921 : memref<1x32x128xf32, #tpu.memory_space<vmem>> -> memref<32x128xf32, #tpu.memory_space<vmem>>
    %dma_start3A_923 = arith.constant 0 : i32
    %dma_start3A_924 = tpu.memref_slice %arg6[%dma_start3A_923, %multiple_of3A_33] : memref<32x100000xf32, #tpu.memory_space<hbm>> -> memref<32x128xf32, #tpu.memory_space<hbm>>
    tpu.enqueue_dma source(%dma_start3A_924 : memref<32x128xf32, #tpu.memory_space<hbm>>) target(%dma_start3A_922 : memref<32x128xf32, #tpu.memory_space<vmem>>) target_semaphore(%arg15 : memref<!tpu.dma_semaphore, #tpu.memory_space<semaphore_mem>>)
    %dma_start3A_925 = arith.constant 4 : i32
    %dma_start3A_926 = arith.constant 0 : i32
    %dma_start3A_927 = arith.constant 0 : i32
    %dma_start3A_928 = tpu.memref_slice %arg12[%dma_start3A_925, %dma_start3A_926, %dma_start3A_927] : memref<100x32x128xf32, #tpu.memory_space<vmem>> -> memref<1x32x128xf32, #tpu.memory_space<vmem>>
    %dma_start3A_929 = tpu.memref_squeeze %dma_start3A_928 : memref<1x32x128xf32, #tpu.memory_space<vmem>> -> memref<32x128xf32, #tpu.memory_space<vmem>>
    %dma_start3A_930 = arith.constant 0 : i32
    %dma_start3A_931 = tpu.memref_slice %arg6[%dma_start3A_930, %multiple_of3A_42] : memref<32x100000xf32, #tpu.memory_space<hbm>> -> memref<32x128xf32, #tpu.memory_space<hbm>>
    tpu.enqueue_dma source(%dma_start3A_931 : memref<32x128xf32, #tpu.memory_space<hbm>>) target(%dma_start3A_929 : memref<32x128xf32, #tpu.memory_space<vmem>>) target_semaphore(%arg15 : memref<!tpu.dma_semaphore, #tpu.memory_space<semaphore_mem>>)
    %dma_start3A_932 = arith.constant 5 : i32
    %dma_start3A_933 = arith.constant 0 : i32
    %dma_start3A_934 = arith.constant 0 : i32
    %dma_start3A_935 = tpu.memref_slice %arg12[%dma_start3A_932, %dma_start3A_933, %dma_start3A_934] : memref<100x32x128xf32, #tpu.memory_space<vmem>> -> memref<1x32x128xf32, #tpu.memory_space<vmem>>
    %dma_start3A_936 = tpu.memref_squeeze %dma_start3A_935 : memref<1x32x128xf32, #tpu.memory_space<vmem>> -> memref<32x128xf32, #tpu.memory_space<vmem>>
    %dma_start3A_937 = arith.constant 0 : i32
    %dma_start3A_938 = tpu.memref_slice %arg6[%dma_start3A_937, %multiple_of3A_51] : memref<32x100000xf32, #tpu.memory_space<hbm>> -> memref<32x128xf32, #tpu.memory_space<hbm>>
    tpu.enqueue_dma source(%dma_start3A_938 : memref<32x128xf32, #tpu.memory_space<hbm>>) target(%dma_start3A_936 : memref<32x128xf32, #tpu.memory_space<vmem>>) target_semaphore(%arg15 : memref<!tpu.dma_semaphore, #tpu.memory_space<semaphore_mem>>)
    %dma_start3A_939 = arith.constant 6 : i32
    %dma_start3A_940 = arith.constant 0 : i32
    %dma_start3A_941 = arith.constant 0 : i32
    %dma_start3A_942 = tpu.memref_slice %arg12[%dma_start3A_939, %dma_start3A_940, %dma_start3A_941] : memref<100x32x128xf32, #tpu.memory_space<vmem>> -> memref<1x32x128xf32, #tpu.memory_space<vmem>>
    %dma_start3A_943 = tpu.memref_squeeze %dma_start3A_942 : memref<1x32x128xf32, #tpu.memory_space<vmem>> -> memref<32x128xf32, #tpu.memory_space<vmem>>
    %dma_start3A_944 = arith.constant 0 : i32
    %dma_start3A_945 = tpu.memref_slice %arg6[%dma_start3A_944, %multiple_of3A_60] : memref<32x100000xf32, #tpu.memory_space<hbm>> -> memref<32x128xf32, #tpu.memory_space<hbm>>
    tpu.enqueue_dma source(%dma_start3A_945 : memref<32x128xf32, #tpu.memory_space<hbm>>) target(%dma_start3A_943 : memref<32x128xf32, #tpu.memory_space<vmem>>) target_semaphore(%arg15 : memref<!tpu.dma_semaphore, #tpu.memory_space<semaphore_mem>>)
    %dma_start3A_946 = arith.constant 7 : i32
    %dma_start3A_947 = arith.constant 0 : i32
    %dma_start3A_948 = arith.constant 0 : i32
    %dma_start3A_949 = tpu.memref_slice %arg12[%dma_start3A_946, %dma_start3A_947, %dma_start3A_948] : memref<100x32x128xf32, #tpu.memory_space<vmem>> -> memref<1x32x128xf32, #tpu.memory_space<vmem>>
    %dma_start3A_950 = tpu.memref_squeeze %dma_start3A_949 : memref<1x32x128xf32, #tpu.memory_space<vmem>> -> memref<32x128xf32, #tpu.memory_space<vmem>>
    %dma_start3A_951 = arith.constant 0 : i32
    %dma_start3A_952 = tpu.memref_slice %arg6[%dma_start3A_951, %multiple_of3A_69] : memref<32x100000xf32, #tpu.memory_space<hbm>> -> memref<32x128xf32, #tpu.memory_space<hbm>>
    tpu.enqueue_dma source(%dma_start3A_952 : memref<32x128xf32, #tpu.memory_space<hbm>>) target(%dma_start3A_950 : memref<32x128xf32, #tpu.memory_space<vmem>>) target_semaphore(%arg15 : memref<!tpu.dma_semaphore, #tpu.memory_space<semaphore_mem>>)
    %dma_start3A_953 = arith.constant 8 : i32
    %dma_start3A_954 = arith.constant 0 : i32
    %dma_start3A_955 = arith.constant 0 : i32
    %dma_start3A_956 = tpu.memref_slice %arg12[%dma_start3A_953, %dma_start3A_954, %dma_start3A_955] : memref<100x32x128xf32, #tpu.memory_space<vmem>> -> memref<1x32x128xf32, #tpu.memory_space<vmem>>
    %dma_start3A_957 = tpu.memref_squeeze %dma_start3A_956 : memref<1x32x128xf32, #tpu.memory_space<vmem>> -> memref<32x128xf32, #tpu.memory_space<vmem>>
    %dma_start3A_958 = arith.constant 0 : i32
    %dma_start3A_959 = tpu.memref_slice %arg6[%dma_start3A_958, %multiple_of3A_78] : memref<32x100000xf32, #tpu.memory_space<hbm>> -> memref<32x128xf32, #tpu.memory_space<hbm>>
    tpu.enqueue_dma source(%dma_start3A_959 : memref<32x128xf32, #tpu.memory_space<hbm>>) target(%dma_start3A_957 : memref<32x128xf32, #tpu.memory_space<vmem>>) target_semaphore(%arg15 : memref<!tpu.dma_semaphore, #tpu.memory_space<semaphore_mem>>)
    %dma_start3A_960 = arith.constant 9 : i32
    %dma_start3A_961 = arith.constant 0 : i32
    %dma_start3A_962 = arith.constant 0 : i32
    %dma_start3A_963 = tpu.memref_slice %arg12[%dma_start3A_960, %dma_start3A_961, %dma_start3A_962] : memref<100x32x128xf32, #tpu.memory_space<vmem>> -> memref<1x32x128xf32, #tpu.memory_space<vmem>>
    %dma_start3A_964 = tpu.memref_squeeze %dma_start3A_963 : memref<1x32x128xf32, #tpu.memory_space<vmem>> -> memref<32x128xf32, #tpu.memory_space<vmem>>
    %dma_start3A_965 = arith.constant 0 : i32
    %dma_start3A_966 = tpu.memref_slice %arg6[%dma_start3A_965, %multiple_of3A_87] : memref<32x100000xf32, #tpu.memory_space<hbm>> -> memref<32x128xf32, #tpu.memory_space<hbm>>
    tpu.enqueue_dma source(%dma_start3A_966 : memref<32x128xf32, #tpu.memory_space<hbm>>) target(%dma_start3A_964 : memref<32x128xf32, #tpu.memory_space<vmem>>) target_semaphore(%arg15 : memref<!tpu.dma_semaphore, #tpu.memory_space<semaphore_mem>>)
    %dma_start3A_967 = arith.constant 10 : i32
    %dma_start3A_968 = arith.constant 0 : i32
    %dma_start3A_969 = arith.constant 0 : i32
    %dma_start3A_970 = tpu.memref_slice %arg12[%dma_start3A_967, %dma_start3A_968, %dma_start3A_969] : memref<100x32x128xf32, #tpu.memory_space<vmem>> -> memref<1x32x128xf32, #tpu.memory_space<vmem>>
    %dma_start3A_971 = tpu.memref_squeeze %dma_start3A_970 : memref<1x32x128xf32, #tpu.memory_space<vmem>> -> memref<32x128xf32, #tpu.memory_space<vmem>>
    %dma_start3A_972 = arith.constant 0 : i32
    %dma_start3A_973 = tpu.memref_slice %arg6[%dma_start3A_972, %multiple_of3A_96] : memref<32x100000xf32, #tpu.memory_space<hbm>> -> memref<32x128xf32, #tpu.memory_space<hbm>>
    tpu.enqueue_dma source(%dma_start3A_973 : memref<32x128xf32, #tpu.memory_space<hbm>>) target(%dma_start3A_971 : memref<32x128xf32, #tpu.memory_space<vmem>>) target_semaphore(%arg15 : memref<!tpu.dma_semaphore, #tpu.memory_space<semaphore_mem>>)
    %dma_start3A_974 = arith.constant 11 : i32
    %dma_start3A_975 = arith.constant 0 : i32
    %dma_start3A_976 = arith.constant 0 : i32
    %dma_start3A_977 = tpu.memref_slice %arg12[%dma_start3A_974, %dma_start3A_975, %dma_start3A_976] : memref<100x32x128xf32, #tpu.memory_space<vmem>> -> memref<1x32x128xf32, #tpu.memory_space<vmem>>
    %dma_start3A_978 = tpu.memref_squeeze %dma_start3A_977 : memref<1x32x128xf32, #tpu.memory_space<vmem>> -> memref<32x128xf32, #tpu.memory_space<vmem>>
    %dma_start3A_979 = arith.constant 0 : i32
    %dma_start3A_980 = tpu.memref_slice %arg6[%dma_start3A_979, %multiple_of3A_105] : memref<32x100000xf32, #tpu.memory_space<hbm>> -> memref<32x128xf32, #tpu.memory_space<hbm>>
    tpu.enqueue_dma source(%dma_start3A_980 : memref<32x128xf32, #tpu.memory_space<hbm>>) target(%dma_start3A_978 : memref<32x128xf32, #tpu.memory_space<vmem>>) target_semaphore(%arg15 : memref<!tpu.dma_semaphore, #tpu.memory_space<semaphore_mem>>)
    %dma_start3A_981 = arith.constant 12 : i32
    %dma_start3A_982 = arith.constant 0 : i32
    %dma_start3A_983 = arith.constant 0 : i32
    %dma_start3A_984 = tpu.memref_slice %arg12[%dma_start3A_981, %dma_start3A_982, %dma_start3A_983] : memref<100x32x128xf32, #tpu.memory_space<vmem>> -> memref<1x32x128xf32, #tpu.memory_space<vmem>>
    %dma_start3A_985 = tpu.memref_squeeze %dma_start3A_984 : memref<1x32x128xf32, #tpu.memory_space<vmem>> -> memref<32x128xf32, #tpu.memory_space<vmem>>
    %dma_start3A_986 = arith.constant 0 : i32
    %dma_start3A_987 = tpu.memref_slice %arg6[%dma_start3A_986, %multiple_of3A_114] : memref<32x100000xf32, #tpu.memory_space<hbm>> -> memref<32x128xf32, #tpu.memory_space<hbm>>
    tpu.enqueue_dma source(%dma_start3A_987 : memref<32x128xf32, #tpu.memory_space<hbm>>) target(%dma_start3A_985 : memref<32x128xf32, #tpu.memory_space<vmem>>) target_semaphore(%arg15 : memref<!tpu.dma_semaphore, #tpu.memory_space<semaphore_mem>>)
    %dma_start3A_988 = arith.constant 13 : i32
    %dma_start3A_989 = arith.constant 0 : i32
    %dma_start3A_990 = arith.constant 0 : i32
    %dma_start3A_991 = tpu.memref_slice %arg12[%dma_start3A_988, %dma_start3A_989, %dma_start3A_990] : memref<100x32x128xf32, #tpu.memory_space<vmem>> -> memref<1x32x128xf32, #tpu.memory_space<vmem>>
    %dma_start3A_992 = tpu.memref_squeeze %dma_start3A_991 : memref<1x32x128xf32, #tpu.memory_space<vmem>> -> memref<32x128xf32, #tpu.memory_space<vmem>>
    %dma_start3A_993 = arith.constant 0 : i32
    %dma_start3A_994 = tpu.memref_slice %arg6[%dma_start3A_993, %multiple_of3A_123] : memref<32x100000xf32, #tpu.memory_space<hbm>> -> memref<32x128xf32, #tpu.memory_space<hbm>>
    tpu.enqueue_dma source(%dma_start3A_994 : memref<32x128xf32, #tpu.memory_space<hbm>>) target(%dma_start3A_992 : memref<32x128xf32, #tpu.memory_space<vmem>>) target_semaphore(%arg15 : memref<!tpu.dma_semaphore, #tpu.memory_space<semaphore_mem>>)
    %dma_start3A_995 = arith.constant 14 : i32
    %dma_start3A_996 = arith.constant 0 : i32
    %dma_start3A_997 = arith.constant 0 : i32
    %dma_start3A_998 = tpu.memref_slice %arg12[%dma_start3A_995, %dma_start3A_996, %dma_start3A_997] : memref<100x32x128xf32, #tpu.memory_space<vmem>> -> memref<1x32x128xf32, #tpu.memory_space<vmem>>
    %dma_start3A_999 = tpu.memref_squeeze %dma_start3A_998 : memref<1x32x128xf32, #tpu.memory_space<vmem>> -> memref<32x128xf32, #tpu.memory_space<vmem>>
    %dma_start3A_1000 = arith.constant 0 : i32
    %dma_start3A_1001 = tpu.memref_slice %arg6[%dma_start3A_1000, %multiple_of3A_132] : memref<32x100000xf32, #tpu.memory_space<hbm>> -> memref<32x128xf32, #tpu.memory_space<hbm>>
    tpu.enqueue_dma source(%dma_start3A_1001 : memref<32x128xf32, #tpu.memory_space<hbm>>) target(%dma_start3A_999 : memref<32x128xf32, #tpu.memory_space<vmem>>) target_semaphore(%arg15 : memref<!tpu.dma_semaphore, #tpu.memory_space<semaphore_mem>>)
    %dma_start3A_1002 = arith.constant 15 : i32
    %dma_start3A_1003 = arith.constant 0 : i32
    %dma_start3A_1004 = arith.constant 0 : i32
    %dma_start3A_1005 = tpu.memref_slice %arg12[%dma_start3A_1002, %dma_start3A_1003, %dma_start3A_1004] : memref<100x32x128xf32, #tpu.memory_space<vmem>> -> memref<1x32x128xf32, #tpu.memory_space<vmem>>
    %dma_start3A_1006 = tpu.memref_squeeze %dma_start3A_1005 : memref<1x32x128xf32, #tpu.memory_space<vmem>> -> memref<32x128xf32, #tpu.memory_space<vmem>>
    %dma_start3A_1007 = arith.constant 0 : i32
    %dma_start3A_1008 = tpu.memref_slice %arg6[%dma_start3A_1007, %multiple_of3A_141] : memref<32x100000xf32, #tpu.memory_space<hbm>> -> memref<32x128xf32, #tpu.memory_space<hbm>>
    tpu.enqueue_dma source(%dma_start3A_1008 : memref<32x128xf32, #tpu.memory_space<hbm>>) target(%dma_start3A_1006 : memref<32x128xf32, #tpu.memory_space<vmem>>) target_semaphore(%arg15 : memref<!tpu.dma_semaphore, #tpu.memory_space<semaphore_mem>>)
    %dma_start3A_1009 = arith.constant 16 : i32
    %dma_start3A_1010 = arith.constant 0 : i32
    %dma_start3A_1011 = arith.constant 0 : i32
    %dma_start3A_1012 = tpu.memref_slice %arg12[%dma_start3A_1009, %dma_start3A_1010, %dma_start3A_1011] : memref<100x32x128xf32, #tpu.memory_space<vmem>> -> memref<1x32x128xf32, #tpu.memory_space<vmem>>
    %dma_start3A_1013 = tpu.memref_squeeze %dma_start3A_1012 : memref<1x32x128xf32, #tpu.memory_space<vmem>> -> memref<32x128xf32, #tpu.memory_space<vmem>>
    %dma_start3A_1014 = arith.constant 0 : i32
    %dma_start3A_1015 = tpu.memref_slice %arg6[%dma_start3A_1014, %multiple_of3A_150] : memref<32x100000xf32, #tpu.memory_space<hbm>> -> memref<32x128xf32, #tpu.memory_space<hbm>>
    tpu.enqueue_dma source(%dma_start3A_1015 : memref<32x128xf32, #tpu.memory_space<hbm>>) target(%dma_start3A_1013 : memref<32x128xf32, #tpu.memory_space<vmem>>) target_semaphore(%arg15 : memref<!tpu.dma_semaphore, #tpu.memory_space<semaphore_mem>>)
    %dma_start3A_1016 = arith.constant 17 : i32
    %dma_start3A_1017 = arith.constant 0 : i32
    %dma_start3A_1018 = arith.constant 0 : i32
    %dma_start3A_1019 = tpu.memref_slice %arg12[%dma_start3A_1016, %dma_start3A_1017, %dma_start3A_1018] : memref<100x32x128xf32, #tpu.memory_space<vmem>> -> memref<1x32x128xf32, #tpu.memory_space<vmem>>
    %dma_start3A_1020 = tpu.memref_squeeze %dma_start3A_1019 : memref<1x32x128xf32, #tpu.memory_space<vmem>> -> memref<32x128xf32, #tpu.memory_space<vmem>>
    %dma_start3A_1021 = arith.constant 0 : i32
    %dma_start3A_1022 = tpu.memref_slice %arg6[%dma_start3A_1021, %multiple_of3A_159] : memref<32x100000xf32, #tpu.memory_space<hbm>> -> memref<32x128xf32, #tpu.memory_space<hbm>>
    tpu.enqueue_dma source(%dma_start3A_1022 : memref<32x128xf32, #tpu.memory_space<hbm>>) target(%dma_start3A_1020 : memref<32x128xf32, #tpu.memory_space<vmem>>) target_semaphore(%arg15 : memref<!tpu.dma_semaphore, #tpu.memory_space<semaphore_mem>>)
    %dma_start3A_1023 = arith.constant 18 : i32
    %dma_start3A_1024 = arith.constant 0 : i32
    %dma_start3A_1025 = arith.constant 0 : i32
    %dma_start3A_1026 = tpu.memref_slice %arg12[%dma_start3A_1023, %dma_start3A_1024, %dma_start3A_1025] : memref<100x32x128xf32, #tpu.memory_space<vmem>> -> memref<1x32x128xf32, #tpu.memory_space<vmem>>
    %dma_start3A_1027 = tpu.memref_squeeze %dma_start3A_1026 : memref<1x32x128xf32, #tpu.memory_space<vmem>> -> memref<32x128xf32, #tpu.memory_space<vmem>>
    %dma_start3A_1028 = arith.constant 0 : i32
    %dma_start3A_1029 = tpu.memref_slice %arg6[%dma_start3A_1028, %multiple_of3A_168] : memref<32x100000xf32, #tpu.memory_space<hbm>> -> memref<32x128xf32, #tpu.memory_space<hbm>>
    tpu.enqueue_dma source(%dma_start3A_1029 : memref<32x128xf32, #tpu.memory_space<hbm>>) target(%dma_start3A_1027 : memref<32x128xf32, #tpu.memory_space<vmem>>) target_semaphore(%arg15 : memref<!tpu.dma_semaphore, #tpu.memory_space<semaphore_mem>>)
    %dma_start3A_1030 = arith.constant 19 : i32
    %dma_start3A_1031 = arith.constant 0 : i32
    %dma_start3A_1032 = arith.constant 0 : i32
    %dma_start3A_1033 = tpu.memref_slice %arg12[%dma_start3A_1030, %dma_start3A_1031, %dma_start3A_1032] : memref<100x32x128xf32, #tpu.memory_space<vmem>> -> memref<1x32x128xf32, #tpu.memory_space<vmem>>
    %dma_start3A_1034 = tpu.memref_squeeze %dma_start3A_1033 : memref<1x32x128xf32, #tpu.memory_space<vmem>> -> memref<32x128xf32, #tpu.memory_space<vmem>>
    %dma_start3A_1035 = arith.constant 0 : i32
    %dma_start3A_1036 = tpu.memref_slice %arg6[%dma_start3A_1035, %multiple_of3A_177] : memref<32x100000xf32, #tpu.memory_space<hbm>> -> memref<32x128xf32, #tpu.memory_space<hbm>>
    tpu.enqueue_dma source(%dma_start3A_1036 : memref<32x128xf32, #tpu.memory_space<hbm>>) target(%dma_start3A_1034 : memref<32x128xf32, #tpu.memory_space<vmem>>) target_semaphore(%arg15 : memref<!tpu.dma_semaphore, #tpu.memory_space<semaphore_mem>>)
    %dma_start3A_1037 = arith.constant 20 : i32
    %dma_start3A_1038 = arith.constant 0 : i32
    %dma_start3A_1039 = arith.constant 0 : i32
    %dma_start3A_1040 = tpu.memref_slice %arg12[%dma_start3A_1037, %dma_start3A_1038, %dma_start3A_1039] : memref<100x32x128xf32, #tpu.memory_space<vmem>> -> memref<1x32x128xf32, #tpu.memory_space<vmem>>
    %dma_start3A_1041 = tpu.memref_squeeze %dma_start3A_1040 : memref<1x32x128xf32, #tpu.memory_space<vmem>> -> memref<32x128xf32, #tpu.memory_space<vmem>>
    %dma_start3A_1042 = arith.constant 0 : i32
    %dma_start3A_1043 = tpu.memref_slice %arg6[%dma_start3A_1042, %multiple_of3A_186] : memref<32x100000xf32, #tpu.memory_space<hbm>> -> memref<32x128xf32, #tpu.memory_space<hbm>>
    tpu.enqueue_dma source(%dma_start3A_1043 : memref<32x128xf32, #tpu.memory_space<hbm>>) target(%dma_start3A_1041 : memref<32x128xf32, #tpu.memory_space<vmem>>) target_semaphore(%arg15 : memref<!tpu.dma_semaphore, #tpu.memory_space<semaphore_mem>>)
    %dma_start3A_1044 = arith.constant 21 : i32
    %dma_start3A_1045 = arith.constant 0 : i32
    %dma_start3A_1046 = arith.constant 0 : i32
    %dma_start3A_1047 = tpu.memref_slice %arg12[%dma_start3A_1044, %dma_start3A_1045, %dma_start3A_1046] : memref<100x32x128xf32, #tpu.memory_space<vmem>> -> memref<1x32x128xf32, #tpu.memory_space<vmem>>
    %dma_start3A_1048 = tpu.memref_squeeze %dma_start3A_1047 : memref<1x32x128xf32, #tpu.memory_space<vmem>> -> memref<32x128xf32, #tpu.memory_space<vmem>>
    %dma_start3A_1049 = arith.constant 0 : i32
    %dma_start3A_1050 = tpu.memref_slice %arg6[%dma_start3A_1049, %multiple_of3A_195] : memref<32x100000xf32, #tpu.memory_space<hbm>> -> memref<32x128xf32, #tpu.memory_space<hbm>>
    tpu.enqueue_dma source(%dma_start3A_1050 : memref<32x128xf32, #tpu.memory_space<hbm>>) target(%dma_start3A_1048 : memref<32x128xf32, #tpu.memory_space<vmem>>) target_semaphore(%arg15 : memref<!tpu.dma_semaphore, #tpu.memory_space<semaphore_mem>>)
    %dma_start3A_1051 = arith.constant 22 : i32
    %dma_start3A_1052 = arith.constant 0 : i32
    %dma_start3A_1053 = arith.constant 0 : i32
    %dma_start3A_1054 = tpu.memref_slice %arg12[%dma_start3A_1051, %dma_start3A_1052, %dma_start3A_1053] : memref<100x32x128xf32, #tpu.memory_space<vmem>> -> memref<1x32x128xf32, #tpu.memory_space<vmem>>
    %dma_start3A_1055 = tpu.memref_squeeze %dma_start3A_1054 : memref<1x32x128xf32, #tpu.memory_space<vmem>> -> memref<32x128xf32, #tpu.memory_space<vmem>>
    %dma_start3A_1056 = arith.constant 0 : i32
    %dma_start3A_1057 = tpu.memref_slice %arg6[%dma_start3A_1056, %multiple_of3A_204] : memref<32x100000xf32, #tpu.memory_space<hbm>> -> memref<32x128xf32, #tpu.memory_space<hbm>>
    tpu.enqueue_dma source(%dma_start3A_1057 : memref<32x128xf32, #tpu.memory_space<hbm>>) target(%dma_start3A_1055 : memref<32x128xf32, #tpu.memory_space<vmem>>) target_semaphore(%arg15 : memref<!tpu.dma_semaphore, #tpu.memory_space<semaphore_mem>>)
    %dma_start3A_1058 = arith.constant 23 : i32
    %dma_start3A_1059 = arith.constant 0 : i32
    %dma_start3A_1060 = arith.constant 0 : i32
    %dma_start3A_1061 = tpu.memref_slice %arg12[%dma_start3A_1058, %dma_start3A_1059, %dma_start3A_1060] : memref<100x32x128xf32, #tpu.memory_space<vmem>> -> memref<1x32x128xf32, #tpu.memory_space<vmem>>
    %dma_start3A_1062 = tpu.memref_squeeze %dma_start3A_1061 : memref<1x32x128xf32, #tpu.memory_space<vmem>> -> memref<32x128xf32, #tpu.memory_space<vmem>>
    %dma_start3A_1063 = arith.constant 0 : i32
    %dma_start3A_1064 = tpu.memref_slice %arg6[%dma_start3A_1063, %multiple_of3A_213] : memref<32x100000xf32, #tpu.memory_space<hbm>> -> memref<32x128xf32, #tpu.memory_space<hbm>>
    tpu.enqueue_dma source(%dma_start3A_1064 : memref<32x128xf32, #tpu.memory_space<hbm>>) target(%dma_start3A_1062 : memref<32x128xf32, #tpu.memory_space<vmem>>) target_semaphore(%arg15 : memref<!tpu.dma_semaphore, #tpu.memory_space<semaphore_mem>>)
    %dma_start3A_1065 = arith.constant 24 : i32
    %dma_start3A_1066 = arith.constant 0 : i32
    %dma_start3A_1067 = arith.constant 0 : i32
    %dma_start3A_1068 = tpu.memref_slice %arg12[%dma_start3A_1065, %dma_start3A_1066, %dma_start3A_1067] : memref<100x32x128xf32, #tpu.memory_space<vmem>> -> memref<1x32x128xf32, #tpu.memory_space<vmem>>
    %dma_start3A_1069 = tpu.memref_squeeze %dma_start3A_1068 : memref<1x32x128xf32, #tpu.memory_space<vmem>> -> memref<32x128xf32, #tpu.memory_space<vmem>>
    %dma_start3A_1070 = arith.constant 0 : i32
    %dma_start3A_1071 = tpu.memref_slice %arg6[%dma_start3A_1070, %multiple_of3A_222] : memref<32x100000xf32, #tpu.memory_space<hbm>> -> memref<32x128xf32, #tpu.memory_space<hbm>>
    tpu.enqueue_dma source(%dma_start3A_1071 : memref<32x128xf32, #tpu.memory_space<hbm>>) target(%dma_start3A_1069 : memref<32x128xf32, #tpu.memory_space<vmem>>) target_semaphore(%arg15 : memref<!tpu.dma_semaphore, #tpu.memory_space<semaphore_mem>>)
    %dma_start3A_1072 = arith.constant 25 : i32
    %dma_start3A_1073 = arith.constant 0 : i32
    %dma_start3A_1074 = arith.constant 0 : i32
    %dma_start3A_1075 = tpu.memref_slice %arg12[%dma_start3A_1072, %dma_start3A_1073, %dma_start3A_1074] : memref<100x32x128xf32, #tpu.memory_space<vmem>> -> memref<1x32x128xf32, #tpu.memory_space<vmem>>
    %dma_start3A_1076 = tpu.memref_squeeze %dma_start3A_1075 : memref<1x32x128xf32, #tpu.memory_space<vmem>> -> memref<32x128xf32, #tpu.memory_space<vmem>>
    %dma_start3A_1077 = arith.constant 0 : i32
    %dma_start3A_1078 = tpu.memref_slice %arg6[%dma_start3A_1077, %multiple_of3A_231] : memref<32x100000xf32, #tpu.memory_space<hbm>> -> memref<32x128xf32, #tpu.memory_space<hbm>>
    tpu.enqueue_dma source(%dma_start3A_1078 : memref<32x128xf32, #tpu.memory_space<hbm>>) target(%dma_start3A_1076 : memref<32x128xf32, #tpu.memory_space<vmem>>) target_semaphore(%arg15 : memref<!tpu.dma_semaphore, #tpu.memory_space<semaphore_mem>>)
    %dma_start3A_1079 = arith.constant 26 : i32
    %dma_start3A_1080 = arith.constant 0 : i32
    %dma_start3A_1081 = arith.constant 0 : i32
    %dma_start3A_1082 = tpu.memref_slice %arg12[%dma_start3A_1079, %dma_start3A_1080, %dma_start3A_1081] : memref<100x32x128xf32, #tpu.memory_space<vmem>> -> memref<1x32x128xf32, #tpu.memory_space<vmem>>
    %dma_start3A_1083 = tpu.memref_squeeze %dma_start3A_1082 : memref<1x32x128xf32, #tpu.memory_space<vmem>> -> memref<32x128xf32, #tpu.memory_space<vmem>>
    %dma_start3A_1084 = arith.constant 0 : i32
    %dma_start3A_1085 = tpu.memref_slice %arg6[%dma_start3A_1084, %multiple_of3A_240] : memref<32x100000xf32, #tpu.memory_space<hbm>> -> memref<32x128xf32, #tpu.memory_space<hbm>>
    tpu.enqueue_dma source(%dma_start3A_1085 : memref<32x128xf32, #tpu.memory_space<hbm>>) target(%dma_start3A_1083 : memref<32x128xf32, #tpu.memory_space<vmem>>) target_semaphore(%arg15 : memref<!tpu.dma_semaphore, #tpu.memory_space<semaphore_mem>>)
    %dma_start3A_1086 = arith.constant 27 : i32
    %dma_start3A_1087 = arith.constant 0 : i32
    %dma_start3A_1088 = arith.constant 0 : i32
    %dma_start3A_1089 = tpu.memref_slice %arg12[%dma_start3A_1086, %dma_start3A_1087, %dma_start3A_1088] : memref<100x32x128xf32, #tpu.memory_space<vmem>> -> memref<1x32x128xf32, #tpu.memory_space<vmem>>
    %dma_start3A_1090 = tpu.memref_squeeze %dma_start3A_1089 : memref<1x32x128xf32, #tpu.memory_space<vmem>> -> memref<32x128xf32, #tpu.memory_space<vmem>>
    %dma_start3A_1091 = arith.constant 0 : i32
    %dma_start3A_1092 = tpu.memref_slice %arg6[%dma_start3A_1091, %multiple_of3A_249] : memref<32x100000xf32, #tpu.memory_space<hbm>> -> memref<32x128xf32, #tpu.memory_space<hbm>>
    tpu.enqueue_dma source(%dma_start3A_1092 : memref<32x128xf32, #tpu.memory_space<hbm>>) target(%dma_start3A_1090 : memref<32x128xf32, #tpu.memory_space<vmem>>) target_semaphore(%arg15 : memref<!tpu.dma_semaphore, #tpu.memory_space<semaphore_mem>>)
    %dma_start3A_1093 = arith.constant 28 : i32
    %dma_start3A_1094 = arith.constant 0 : i32
    %dma_start3A_1095 = arith.constant 0 : i32
    %dma_start3A_1096 = tpu.memref_slice %arg12[%dma_start3A_1093, %dma_start3A_1094, %dma_start3A_1095] : memref<100x32x128xf32, #tpu.memory_space<vmem>> -> memref<1x32x128xf32, #tpu.memory_space<vmem>>
    %dma_start3A_1097 = tpu.memref_squeeze %dma_start3A_1096 : memref<1x32x128xf32, #tpu.memory_space<vmem>> -> memref<32x128xf32, #tpu.memory_space<vmem>>
    %dma_start3A_1098 = arith.constant 0 : i32
    %dma_start3A_1099 = tpu.memref_slice %arg6[%dma_start3A_1098, %multiple_of3A_258] : memref<32x100000xf32, #tpu.memory_space<hbm>> -> memref<32x128xf32, #tpu.memory_space<hbm>>
    tpu.enqueue_dma source(%dma_start3A_1099 : memref<32x128xf32, #tpu.memory_space<hbm>>) target(%dma_start3A_1097 : memref<32x128xf32, #tpu.memory_space<vmem>>) target_semaphore(%arg15 : memref<!tpu.dma_semaphore, #tpu.memory_space<semaphore_mem>>)
    %dma_start3A_1100 = arith.constant 29 : i32
    %dma_start3A_1101 = arith.constant 0 : i32
    %dma_start3A_1102 = arith.constant 0 : i32
    %dma_start3A_1103 = tpu.memref_slice %arg12[%dma_start3A_1100, %dma_start3A_1101, %dma_start3A_1102] : memref<100x32x128xf32, #tpu.memory_space<vmem>> -> memref<1x32x128xf32, #tpu.memory_space<vmem>>
    %dma_start3A_1104 = tpu.memref_squeeze %dma_start3A_1103 : memref<1x32x128xf32, #tpu.memory_space<vmem>> -> memref<32x128xf32, #tpu.memory_space<vmem>>
    %dma_start3A_1105 = arith.constant 0 : i32
    %dma_start3A_1106 = tpu.memref_slice %arg6[%dma_start3A_1105, %multiple_of3A_267] : memref<32x100000xf32, #tpu.memory_space<hbm>> -> memref<32x128xf32, #tpu.memory_space<hbm>>
    tpu.enqueue_dma source(%dma_start3A_1106 : memref<32x128xf32, #tpu.memory_space<hbm>>) target(%dma_start3A_1104 : memref<32x128xf32, #tpu.memory_space<vmem>>) target_semaphore(%arg15 : memref<!tpu.dma_semaphore, #tpu.memory_space<semaphore_mem>>)
    %dma_start3A_1107 = arith.constant 30 : i32
    %dma_start3A_1108 = arith.constant 0 : i32
    %dma_start3A_1109 = arith.constant 0 : i32
    %dma_start3A_1110 = tpu.memref_slice %arg12[%dma_start3A_1107, %dma_start3A_1108, %dma_start3A_1109] : memref<100x32x128xf32, #tpu.memory_space<vmem>> -> memref<1x32x128xf32, #tpu.memory_space<vmem>>
    %dma_start3A_1111 = tpu.memref_squeeze %dma_start3A_1110 : memref<1x32x128xf32, #tpu.memory_space<vmem>> -> memref<32x128xf32, #tpu.memory_space<vmem>>
    %dma_start3A_1112 = arith.constant 0 : i32
    %dma_start3A_1113 = tpu.memref_slice %arg6[%dma_start3A_1112, %multiple_of3A_276] : memref<32x100000xf32, #tpu.memory_space<hbm>> -> memref<32x128xf32, #tpu.memory_space<hbm>>
    tpu.enqueue_dma source(%dma_start3A_1113 : memref<32x128xf32, #tpu.memory_space<hbm>>) target(%dma_start3A_1111 : memref<32x128xf32, #tpu.memory_space<vmem>>) target_semaphore(%arg15 : memref<!tpu.dma_semaphore, #tpu.memory_space<semaphore_mem>>)
    %dma_start3A_1114 = arith.constant 31 : i32
    %dma_start3A_1115 = arith.constant 0 : i32
    %dma_start3A_1116 = arith.constant 0 : i32
    %dma_start3A_1117 = tpu.memref_slice %arg12[%dma_start3A_1114, %dma_start3A_1115, %dma_start3A_1116] : memref<100x32x128xf32, #tpu.memory_space<vmem>> -> memref<1x32x128xf32, #tpu.memory_space<vmem>>
    %dma_start3A_1118 = tpu.memref_squeeze %dma_start3A_1117 : memref<1x32x128xf32, #tpu.memory_space<vmem>> -> memref<32x128xf32, #tpu.memory_space<vmem>>
    %dma_start3A_1119 = arith.constant 0 : i32
    %dma_start3A_1120 = tpu.memref_slice %arg6[%dma_start3A_1119, %multiple_of3A_285] : memref<32x100000xf32, #tpu.memory_space<hbm>> -> memref<32x128xf32, #tpu.memory_space<hbm>>
    tpu.enqueue_dma source(%dma_start3A_1120 : memref<32x128xf32, #tpu.memory_space<hbm>>) target(%dma_start3A_1118 : memref<32x128xf32, #tpu.memory_space<vmem>>) target_semaphore(%arg15 : memref<!tpu.dma_semaphore, #tpu.memory_space<semaphore_mem>>)
    %dma_start3A_1121 = arith.constant 32 : i32
    %dma_start3A_1122 = arith.constant 0 : i32
    %dma_start3A_1123 = arith.constant 0 : i32
    %dma_start3A_1124 = tpu.memref_slice %arg12[%dma_start3A_1121, %dma_start3A_1122, %dma_start3A_1123] : memref<100x32x128xf32, #tpu.memory_space<vmem>> -> memref<1x32x128xf32, #tpu.memory_space<vmem>>
    %dma_start3A_1125 = tpu.memref_squeeze %dma_start3A_1124 : memref<1x32x128xf32, #tpu.memory_space<vmem>> -> memref<32x128xf32, #tpu.memory_space<vmem>>
    %dma_start3A_1126 = arith.constant 0 : i32
    %dma_start3A_1127 = tpu.memref_slice %arg6[%dma_start3A_1126, %multiple_of3A_294] : memref<32x100000xf32, #tpu.memory_space<hbm>> -> memref<32x128xf32, #tpu.memory_space<hbm>>
    tpu.enqueue_dma source(%dma_start3A_1127 : memref<32x128xf32, #tpu.memory_space<hbm>>) target(%dma_start3A_1125 : memref<32x128xf32, #tpu.memory_space<vmem>>) target_semaphore(%arg15 : memref<!tpu.dma_semaphore, #tpu.memory_space<semaphore_mem>>)
    %dma_start3A_1128 = arith.constant 33 : i32
    %dma_start3A_1129 = arith.constant 0 : i32
    %dma_start3A_1130 = arith.constant 0 : i32
    %dma_start3A_1131 = tpu.memref_slice %arg12[%dma_start3A_1128, %dma_start3A_1129, %dma_start3A_1130] : memref<100x32x128xf32, #tpu.memory_space<vmem>> -> memref<1x32x128xf32, #tpu.memory_space<vmem>>
    %dma_start3A_1132 = tpu.memref_squeeze %dma_start3A_1131 : memref<1x32x128xf32, #tpu.memory_space<vmem>> -> memref<32x128xf32, #tpu.memory_space<vmem>>
    %dma_start3A_1133 = arith.constant 0 : i32
    %dma_start3A_1134 = tpu.memref_slice %arg6[%dma_start3A_1133, %multiple_of3A_303] : memref<32x100000xf32, #tpu.memory_space<hbm>> -> memref<32x128xf32, #tpu.memory_space<hbm>>
    tpu.enqueue_dma source(%dma_start3A_1134 : memref<32x128xf32, #tpu.memory_space<hbm>>) target(%dma_start3A_1132 : memref<32x128xf32, #tpu.memory_space<vmem>>) target_semaphore(%arg15 : memref<!tpu.dma_semaphore, #tpu.memory_space<semaphore_mem>>)
    %dma_start3A_1135 = arith.constant 34 : i32
    %dma_start3A_1136 = arith.constant 0 : i32
    %dma_start3A_1137 = arith.constant 0 : i32
    %dma_start3A_1138 = tpu.memref_slice %arg12[%dma_start3A_1135, %dma_start3A_1136, %dma_start3A_1137] : memref<100x32x128xf32, #tpu.memory_space<vmem>> -> memref<1x32x128xf32, #tpu.memory_space<vmem>>
    %dma_start3A_1139 = tpu.memref_squeeze %dma_start3A_1138 : memref<1x32x128xf32, #tpu.memory_space<vmem>> -> memref<32x128xf32, #tpu.memory_space<vmem>>
    %dma_start3A_1140 = arith.constant 0 : i32
    %dma_start3A_1141 = tpu.memref_slice %arg6[%dma_start3A_1140, %multiple_of3A_312] : memref<32x100000xf32, #tpu.memory_space<hbm>> -> memref<32x128xf32, #tpu.memory_space<hbm>>
    tpu.enqueue_dma source(%dma_start3A_1141 : memref<32x128xf32, #tpu.memory_space<hbm>>) target(%dma_start3A_1139 : memref<32x128xf32, #tpu.memory_space<vmem>>) target_semaphore(%arg15 : memref<!tpu.dma_semaphore, #tpu.memory_space<semaphore_mem>>)
    %dma_start3A_1142 = arith.constant 35 : i32
    %dma_start3A_1143 = arith.constant 0 : i32
    %dma_start3A_1144 = arith.constant 0 : i32
    %dma_start3A_1145 = tpu.memref_slice %arg12[%dma_start3A_1142, %dma_start3A_1143, %dma_start3A_1144] : memref<100x32x128xf32, #tpu.memory_space<vmem>> -> memref<1x32x128xf32, #tpu.memory_space<vmem>>
    %dma_start3A_1146 = tpu.memref_squeeze %dma_start3A_1145 : memref<1x32x128xf32, #tpu.memory_space<vmem>> -> memref<32x128xf32, #tpu.memory_space<vmem>>
    %dma_start3A_1147 = arith.constant 0 : i32
    %dma_start3A_1148 = tpu.memref_slice %arg6[%dma_start3A_1147, %multiple_of3A_321] : memref<32x100000xf32, #tpu.memory_space<hbm>> -> memref<32x128xf32, #tpu.memory_space<hbm>>
    tpu.enqueue_dma source(%dma_start3A_1148 : memref<32x128xf32, #tpu.memory_space<hbm>>) target(%dma_start3A_1146 : memref<32x128xf32, #tpu.memory_space<vmem>>) target_semaphore(%arg15 : memref<!tpu.dma_semaphore, #tpu.memory_space<semaphore_mem>>)
    %dma_start3A_1149 = arith.constant 36 : i32
    %dma_start3A_1150 = arith.constant 0 : i32
    %dma_start3A_1151 = arith.constant 0 : i32
    %dma_start3A_1152 = tpu.memref_slice %arg12[%dma_start3A_1149, %dma_start3A_1150, %dma_start3A_1151] : memref<100x32x128xf32, #tpu.memory_space<vmem>> -> memref<1x32x128xf32, #tpu.memory_space<vmem>>
    %dma_start3A_1153 = tpu.memref_squeeze %dma_start3A_1152 : memref<1x32x128xf32, #tpu.memory_space<vmem>> -> memref<32x128xf32, #tpu.memory_space<vmem>>
    %dma_start3A_1154 = arith.constant 0 : i32
    %dma_start3A_1155 = tpu.memref_slice %arg6[%dma_start3A_1154, %multiple_of3A_330] : memref<32x100000xf32, #tpu.memory_space<hbm>> -> memref<32x128xf32, #tpu.memory_space<hbm>>
    tpu.enqueue_dma source(%dma_start3A_1155 : memref<32x128xf32, #tpu.memory_space<hbm>>) target(%dma_start3A_1153 : memref<32x128xf32, #tpu.memory_space<vmem>>) target_semaphore(%arg15 : memref<!tpu.dma_semaphore, #tpu.memory_space<semaphore_mem>>)
    %dma_start3A_1156 = arith.constant 37 : i32
    %dma_start3A_1157 = arith.constant 0 : i32
    %dma_start3A_1158 = arith.constant 0 : i32
    %dma_start3A_1159 = tpu.memref_slice %arg12[%dma_start3A_1156, %dma_start3A_1157, %dma_start3A_1158] : memref<100x32x128xf32, #tpu.memory_space<vmem>> -> memref<1x32x128xf32, #tpu.memory_space<vmem>>
    %dma_start3A_1160 = tpu.memref_squeeze %dma_start3A_1159 : memref<1x32x128xf32, #tpu.memory_space<vmem>> -> memref<32x128xf32, #tpu.memory_space<vmem>>
    %dma_start3A_1161 = arith.constant 0 : i32
    %dma_start3A_1162 = tpu.memref_slice %arg6[%dma_start3A_1161, %multiple_of3A_339] : memref<32x100000xf32, #tpu.memory_space<hbm>> -> memref<32x128xf32, #tpu.memory_space<hbm>>
    tpu.enqueue_dma source(%dma_start3A_1162 : memref<32x128xf32, #tpu.memory_space<hbm>>) target(%dma_start3A_1160 : memref<32x128xf32, #tpu.memory_space<vmem>>) target_semaphore(%arg15 : memref<!tpu.dma_semaphore, #tpu.memory_space<semaphore_mem>>)
    %dma_start3A_1163 = arith.constant 38 : i32
    %dma_start3A_1164 = arith.constant 0 : i32
    %dma_start3A_1165 = arith.constant 0 : i32
    %dma_start3A_1166 = tpu.memref_slice %arg12[%dma_start3A_1163, %dma_start3A_1164, %dma_start3A_1165] : memref<100x32x128xf32, #tpu.memory_space<vmem>> -> memref<1x32x128xf32, #tpu.memory_space<vmem>>
    %dma_start3A_1167 = tpu.memref_squeeze %dma_start3A_1166 : memref<1x32x128xf32, #tpu.memory_space<vmem>> -> memref<32x128xf32, #tpu.memory_space<vmem>>
    %dma_start3A_1168 = arith.constant 0 : i32
    %dma_start3A_1169 = tpu.memref_slice %arg6[%dma_start3A_1168, %multiple_of3A_348] : memref<32x100000xf32, #tpu.memory_space<hbm>> -> memref<32x128xf32, #tpu.memory_space<hbm>>
    tpu.enqueue_dma source(%dma_start3A_1169 : memref<32x128xf32, #tpu.memory_space<hbm>>) target(%dma_start3A_1167 : memref<32x128xf32, #tpu.memory_space<vmem>>) target_semaphore(%arg15 : memref<!tpu.dma_semaphore, #tpu.memory_space<semaphore_mem>>)
    %dma_start3A_1170 = arith.constant 39 : i32
    %dma_start3A_1171 = arith.constant 0 : i32
    %dma_start3A_1172 = arith.constant 0 : i32
    %dma_start3A_1173 = tpu.memref_slice %arg12[%dma_start3A_1170, %dma_start3A_1171, %dma_start3A_1172] : memref<100x32x128xf32, #tpu.memory_space<vmem>> -> memref<1x32x128xf32, #tpu.memory_space<vmem>>
    %dma_start3A_1174 = tpu.memref_squeeze %dma_start3A_1173 : memref<1x32x128xf32, #tpu.memory_space<vmem>> -> memref<32x128xf32, #tpu.memory_space<vmem>>
    %dma_start3A_1175 = arith.constant 0 : i32
    %dma_start3A_1176 = tpu.memref_slice %arg6[%dma_start3A_1175, %multiple_of3A_357] : memref<32x100000xf32, #tpu.memory_space<hbm>> -> memref<32x128xf32, #tpu.memory_space<hbm>>
    tpu.enqueue_dma source(%dma_start3A_1176 : memref<32x128xf32, #tpu.memory_space<hbm>>) target(%dma_start3A_1174 : memref<32x128xf32, #tpu.memory_space<vmem>>) target_semaphore(%arg15 : memref<!tpu.dma_semaphore, #tpu.memory_space<semaphore_mem>>)
    %dma_start3A_1177 = arith.constant 40 : i32
    %dma_start3A_1178 = arith.constant 0 : i32
    %dma_start3A_1179 = arith.constant 0 : i32
    %dma_start3A_1180 = tpu.memref_slice %arg12[%dma_start3A_1177, %dma_start3A_1178, %dma_start3A_1179] : memref<100x32x128xf32, #tpu.memory_space<vmem>> -> memref<1x32x128xf32, #tpu.memory_space<vmem>>
    %dma_start3A_1181 = tpu.memref_squeeze %dma_start3A_1180 : memref<1x32x128xf32, #tpu.memory_space<vmem>> -> memref<32x128xf32, #tpu.memory_space<vmem>>
    %dma_start3A_1182 = arith.constant 0 : i32
    %dma_start3A_1183 = tpu.memref_slice %arg6[%dma_start3A_1182, %multiple_of3A_366] : memref<32x100000xf32, #tpu.memory_space<hbm>> -> memref<32x128xf32, #tpu.memory_space<hbm>>
    tpu.enqueue_dma source(%dma_start3A_1183 : memref<32x128xf32, #tpu.memory_space<hbm>>) target(%dma_start3A_1181 : memref<32x128xf32, #tpu.memory_space<vmem>>) target_semaphore(%arg15 : memref<!tpu.dma_semaphore, #tpu.memory_space<semaphore_mem>>)
    %dma_start3A_1184 = arith.constant 41 : i32
    %dma_start3A_1185 = arith.constant 0 : i32
    %dma_start3A_1186 = arith.constant 0 : i32
    %dma_start3A_1187 = tpu.memref_slice %arg12[%dma_start3A_1184, %dma_start3A_1185, %dma_start3A_1186] : memref<100x32x128xf32, #tpu.memory_space<vmem>> -> memref<1x32x128xf32, #tpu.memory_space<vmem>>
    %dma_start3A_1188 = tpu.memref_squeeze %dma_start3A_1187 : memref<1x32x128xf32, #tpu.memory_space<vmem>> -> memref<32x128xf32, #tpu.memory_space<vmem>>
    %dma_start3A_1189 = arith.constant 0 : i32
    %dma_start3A_1190 = tpu.memref_slice %arg6[%dma_start3A_1189, %multiple_of3A_375] : memref<32x100000xf32, #tpu.memory_space<hbm>> -> memref<32x128xf32, #tpu.memory_space<hbm>>
    tpu.enqueue_dma source(%dma_start3A_1190 : memref<32x128xf32, #tpu.memory_space<hbm>>) target(%dma_start3A_1188 : memref<32x128xf32, #tpu.memory_space<vmem>>) target_semaphore(%arg15 : memref<!tpu.dma_semaphore, #tpu.memory_space<semaphore_mem>>)
    %dma_start3A_1191 = arith.constant 42 : i32
    %dma_start3A_1192 = arith.constant 0 : i32
    %dma_start3A_1193 = arith.constant 0 : i32
    %dma_start3A_1194 = tpu.memref_slice %arg12[%dma_start3A_1191, %dma_start3A_1192, %dma_start3A_1193] : memref<100x32x128xf32, #tpu.memory_space<vmem>> -> memref<1x32x128xf32, #tpu.memory_space<vmem>>
    %dma_start3A_1195 = tpu.memref_squeeze %dma_start3A_1194 : memref<1x32x128xf32, #tpu.memory_space<vmem>> -> memref<32x128xf32, #tpu.memory_space<vmem>>
    %dma_start3A_1196 = arith.constant 0 : i32
    %dma_start3A_1197 = tpu.memref_slice %arg6[%dma_start3A_1196, %multiple_of3A_384] : memref<32x100000xf32, #tpu.memory_space<hbm>> -> memref<32x128xf32, #tpu.memory_space<hbm>>
    tpu.enqueue_dma source(%dma_start3A_1197 : memref<32x128xf32, #tpu.memory_space<hbm>>) target(%dma_start3A_1195 : memref<32x128xf32, #tpu.memory_space<vmem>>) target_semaphore(%arg15 : memref<!tpu.dma_semaphore, #tpu.memory_space<semaphore_mem>>)
    %dma_start3A_1198 = arith.constant 43 : i32
    %dma_start3A_1199 = arith.constant 0 : i32
    %dma_start3A_1200 = arith.constant 0 : i32
    %dma_start3A_1201 = tpu.memref_slice %arg12[%dma_start3A_1198, %dma_start3A_1199, %dma_start3A_1200] : memref<100x32x128xf32, #tpu.memory_space<vmem>> -> memref<1x32x128xf32, #tpu.memory_space<vmem>>
    %dma_start3A_1202 = tpu.memref_squeeze %dma_start3A_1201 : memref<1x32x128xf32, #tpu.memory_space<vmem>> -> memref<32x128xf32, #tpu.memory_space<vmem>>
    %dma_start3A_1203 = arith.constant 0 : i32
    %dma_start3A_1204 = tpu.memref_slice %arg6[%dma_start3A_1203, %multiple_of3A_393] : memref<32x100000xf32, #tpu.memory_space<hbm>> -> memref<32x128xf32, #tpu.memory_space<hbm>>
    tpu.enqueue_dma source(%dma_start3A_1204 : memref<32x128xf32, #tpu.memory_space<hbm>>) target(%dma_start3A_1202 : memref<32x128xf32, #tpu.memory_space<vmem>>) target_semaphore(%arg15 : memref<!tpu.dma_semaphore, #tpu.memory_space<semaphore_mem>>)
    %dma_start3A_1205 = arith.constant 44 : i32
    %dma_start3A_1206 = arith.constant 0 : i32
    %dma_start3A_1207 = arith.constant 0 : i32
    %dma_start3A_1208 = tpu.memref_slice %arg12[%dma_start3A_1205, %dma_start3A_1206, %dma_start3A_1207] : memref<100x32x128xf32, #tpu.memory_space<vmem>> -> memref<1x32x128xf32, #tpu.memory_space<vmem>>
    %dma_start3A_1209 = tpu.memref_squeeze %dma_start3A_1208 : memref<1x32x128xf32, #tpu.memory_space<vmem>> -> memref<32x128xf32, #tpu.memory_space<vmem>>
    %dma_start3A_1210 = arith.constant 0 : i32
    %dma_start3A_1211 = tpu.memref_slice %arg6[%dma_start3A_1210, %multiple_of3A_402] : memref<32x100000xf32, #tpu.memory_space<hbm>> -> memref<32x128xf32, #tpu.memory_space<hbm>>
    tpu.enqueue_dma source(%dma_start3A_1211 : memref<32x128xf32, #tpu.memory_space<hbm>>) target(%dma_start3A_1209 : memref<32x128xf32, #tpu.memory_space<vmem>>) target_semaphore(%arg15 : memref<!tpu.dma_semaphore, #tpu.memory_space<semaphore_mem>>)
    %dma_start3A_1212 = arith.constant 45 : i32
    %dma_start3A_1213 = arith.constant 0 : i32
    %dma_start3A_1214 = arith.constant 0 : i32
    %dma_start3A_1215 = tpu.memref_slice %arg12[%dma_start3A_1212, %dma_start3A_1213, %dma_start3A_1214] : memref<100x32x128xf32, #tpu.memory_space<vmem>> -> memref<1x32x128xf32, #tpu.memory_space<vmem>>
    %dma_start3A_1216 = tpu.memref_squeeze %dma_start3A_1215 : memref<1x32x128xf32, #tpu.memory_space<vmem>> -> memref<32x128xf32, #tpu.memory_space<vmem>>
    %dma_start3A_1217 = arith.constant 0 : i32
    %dma_start3A_1218 = tpu.memref_slice %arg6[%dma_start3A_1217, %multiple_of3A_411] : memref<32x100000xf32, #tpu.memory_space<hbm>> -> memref<32x128xf32, #tpu.memory_space<hbm>>
    tpu.enqueue_dma source(%dma_start3A_1218 : memref<32x128xf32, #tpu.memory_space<hbm>>) target(%dma_start3A_1216 : memref<32x128xf32, #tpu.memory_space<vmem>>) target_semaphore(%arg15 : memref<!tpu.dma_semaphore, #tpu.memory_space<semaphore_mem>>)
    %dma_start3A_1219 = arith.constant 46 : i32
    %dma_start3A_1220 = arith.constant 0 : i32
    %dma_start3A_1221 = arith.constant 0 : i32
    %dma_start3A_1222 = tpu.memref_slice %arg12[%dma_start3A_1219, %dma_start3A_1220, %dma_start3A_1221] : memref<100x32x128xf32, #tpu.memory_space<vmem>> -> memref<1x32x128xf32, #tpu.memory_space<vmem>>
    %dma_start3A_1223 = tpu.memref_squeeze %dma_start3A_1222 : memref<1x32x128xf32, #tpu.memory_space<vmem>> -> memref<32x128xf32, #tpu.memory_space<vmem>>
    %dma_start3A_1224 = arith.constant 0 : i32
    %dma_start3A_1225 = tpu.memref_slice %arg6[%dma_start3A_1224, %multiple_of3A_420] : memref<32x100000xf32, #tpu.memory_space<hbm>> -> memref<32x128xf32, #tpu.memory_space<hbm>>
    tpu.enqueue_dma source(%dma_start3A_1225 : memref<32x128xf32, #tpu.memory_space<hbm>>) target(%dma_start3A_1223 : memref<32x128xf32, #tpu.memory_space<vmem>>) target_semaphore(%arg15 : memref<!tpu.dma_semaphore, #tpu.memory_space<semaphore_mem>>)
    %dma_start3A_1226 = arith.constant 47 : i32
    %dma_start3A_1227 = arith.constant 0 : i32
    %dma_start3A_1228 = arith.constant 0 : i32
    %dma_start3A_1229 = tpu.memref_slice %arg12[%dma_start3A_1226, %dma_start3A_1227, %dma_start3A_1228] : memref<100x32x128xf32, #tpu.memory_space<vmem>> -> memref<1x32x128xf32, #tpu.memory_space<vmem>>
    %dma_start3A_1230 = tpu.memref_squeeze %dma_start3A_1229 : memref<1x32x128xf32, #tpu.memory_space<vmem>> -> memref<32x128xf32, #tpu.memory_space<vmem>>
    %dma_start3A_1231 = arith.constant 0 : i32
    %dma_start3A_1232 = tpu.memref_slice %arg6[%dma_start3A_1231, %multiple_of3A_429] : memref<32x100000xf32, #tpu.memory_space<hbm>> -> memref<32x128xf32, #tpu.memory_space<hbm>>
    tpu.enqueue_dma source(%dma_start3A_1232 : memref<32x128xf32, #tpu.memory_space<hbm>>) target(%dma_start3A_1230 : memref<32x128xf32, #tpu.memory_space<vmem>>) target_semaphore(%arg15 : memref<!tpu.dma_semaphore, #tpu.memory_space<semaphore_mem>>)
    %dma_start3A_1233 = arith.constant 48 : i32
    %dma_start3A_1234 = arith.constant 0 : i32
    %dma_start3A_1235 = arith.constant 0 : i32
    %dma_start3A_1236 = tpu.memref_slice %arg12[%dma_start3A_1233, %dma_start3A_1234, %dma_start3A_1235] : memref<100x32x128xf32, #tpu.memory_space<vmem>> -> memref<1x32x128xf32, #tpu.memory_space<vmem>>
    %dma_start3A_1237 = tpu.memref_squeeze %dma_start3A_1236 : memref<1x32x128xf32, #tpu.memory_space<vmem>> -> memref<32x128xf32, #tpu.memory_space<vmem>>
    %dma_start3A_1238 = arith.constant 0 : i32
    %dma_start3A_1239 = tpu.memref_slice %arg6[%dma_start3A_1238, %multiple_of3A_438] : memref<32x100000xf32, #tpu.memory_space<hbm>> -> memref<32x128xf32, #tpu.memory_space<hbm>>
    tpu.enqueue_dma source(%dma_start3A_1239 : memref<32x128xf32, #tpu.memory_space<hbm>>) target(%dma_start3A_1237 : memref<32x128xf32, #tpu.memory_space<vmem>>) target_semaphore(%arg15 : memref<!tpu.dma_semaphore, #tpu.memory_space<semaphore_mem>>)
    %dma_start3A_1240 = arith.constant 49 : i32
    %dma_start3A_1241 = arith.constant 0 : i32
    %dma_start3A_1242 = arith.constant 0 : i32
    %dma_start3A_1243 = tpu.memref_slice %arg12[%dma_start3A_1240, %dma_start3A_1241, %dma_start3A_1242] : memref<100x32x128xf32, #tpu.memory_space<vmem>> -> memref<1x32x128xf32, #tpu.memory_space<vmem>>
    %dma_start3A_1244 = tpu.memref_squeeze %dma_start3A_1243 : memref<1x32x128xf32, #tpu.memory_space<vmem>> -> memref<32x128xf32, #tpu.memory_space<vmem>>
    %dma_start3A_1245 = arith.constant 0 : i32
    %dma_start3A_1246 = tpu.memref_slice %arg6[%dma_start3A_1245, %multiple_of3A_447] : memref<32x100000xf32, #tpu.memory_space<hbm>> -> memref<32x128xf32, #tpu.memory_space<hbm>>
    tpu.enqueue_dma source(%dma_start3A_1246 : memref<32x128xf32, #tpu.memory_space<hbm>>) target(%dma_start3A_1244 : memref<32x128xf32, #tpu.memory_space<vmem>>) target_semaphore(%arg15 : memref<!tpu.dma_semaphore, #tpu.memory_space<semaphore_mem>>)
    %dma_start3A_1247 = arith.constant 50 : i32
    %dma_start3A_1248 = arith.constant 0 : i32
    %dma_start3A_1249 = arith.constant 0 : i32
    %dma_start3A_1250 = tpu.memref_slice %arg12[%dma_start3A_1247, %dma_start3A_1248, %dma_start3A_1249] : memref<100x32x128xf32, #tpu.memory_space<vmem>> -> memref<1x32x128xf32, #tpu.memory_space<vmem>>
    %dma_start3A_1251 = tpu.memref_squeeze %dma_start3A_1250 : memref<1x32x128xf32, #tpu.memory_space<vmem>> -> memref<32x128xf32, #tpu.memory_space<vmem>>
    %dma_start3A_1252 = arith.constant 0 : i32
    %dma_start3A_1253 = tpu.memref_slice %arg6[%dma_start3A_1252, %multiple_of3A_456] : memref<32x100000xf32, #tpu.memory_space<hbm>> -> memref<32x128xf32, #tpu.memory_space<hbm>>
    tpu.enqueue_dma source(%dma_start3A_1253 : memref<32x128xf32, #tpu.memory_space<hbm>>) target(%dma_start3A_1251 : memref<32x128xf32, #tpu.memory_space<vmem>>) target_semaphore(%arg15 : memref<!tpu.dma_semaphore, #tpu.memory_space<semaphore_mem>>)
    %dma_start3A_1254 = arith.constant 51 : i32
    %dma_start3A_1255 = arith.constant 0 : i32
    %dma_start3A_1256 = arith.constant 0 : i32
    %dma_start3A_1257 = tpu.memref_slice %arg12[%dma_start3A_1254, %dma_start3A_1255, %dma_start3A_1256] : memref<100x32x128xf32, #tpu.memory_space<vmem>> -> memref<1x32x128xf32, #tpu.memory_space<vmem>>
    %dma_start3A_1258 = tpu.memref_squeeze %dma_start3A_1257 : memref<1x32x128xf32, #tpu.memory_space<vmem>> -> memref<32x128xf32, #tpu.memory_space<vmem>>
    %dma_start3A_1259 = arith.constant 0 : i32
    %dma_start3A_1260 = tpu.memref_slice %arg6[%dma_start3A_1259, %multiple_of3A_465] : memref<32x100000xf32, #tpu.memory_space<hbm>> -> memref<32x128xf32, #tpu.memory_space<hbm>>
    tpu.enqueue_dma source(%dma_start3A_1260 : memref<32x128xf32, #tpu.memory_space<hbm>>) target(%dma_start3A_1258 : memref<32x128xf32, #tpu.memory_space<vmem>>) target_semaphore(%arg15 : memref<!tpu.dma_semaphore, #tpu.memory_space<semaphore_mem>>)
    %dma_start3A_1261 = arith.constant 52 : i32
    %dma_start3A_1262 = arith.constant 0 : i32
    %dma_start3A_1263 = arith.constant 0 : i32
    %dma_start3A_1264 = tpu.memref_slice %arg12[%dma_start3A_1261, %dma_start3A_1262, %dma_start3A_1263] : memref<100x32x128xf32, #tpu.memory_space<vmem>> -> memref<1x32x128xf32, #tpu.memory_space<vmem>>
    %dma_start3A_1265 = tpu.memref_squeeze %dma_start3A_1264 : memref<1x32x128xf32, #tpu.memory_space<vmem>> -> memref<32x128xf32, #tpu.memory_space<vmem>>
    %dma_start3A_1266 = arith.constant 0 : i32
    %dma_start3A_1267 = tpu.memref_slice %arg6[%dma_start3A_1266, %multiple_of3A_474] : memref<32x100000xf32, #tpu.memory_space<hbm>> -> memref<32x128xf32, #tpu.memory_space<hbm>>
    tpu.enqueue_dma source(%dma_start3A_1267 : memref<32x128xf32, #tpu.memory_space<hbm>>) target(%dma_start3A_1265 : memref<32x128xf32, #tpu.memory_space<vmem>>) target_semaphore(%arg15 : memref<!tpu.dma_semaphore, #tpu.memory_space<semaphore_mem>>)
    %dma_start3A_1268 = arith.constant 53 : i32
    %dma_start3A_1269 = arith.constant 0 : i32
    %dma_start3A_1270 = arith.constant 0 : i32
    %dma_start3A_1271 = tpu.memref_slice %arg12[%dma_start3A_1268, %dma_start3A_1269, %dma_start3A_1270] : memref<100x32x128xf32, #tpu.memory_space<vmem>> -> memref<1x32x128xf32, #tpu.memory_space<vmem>>
    %dma_start3A_1272 = tpu.memref_squeeze %dma_start3A_1271 : memref<1x32x128xf32, #tpu.memory_space<vmem>> -> memref<32x128xf32, #tpu.memory_space<vmem>>
    %dma_start3A_1273 = arith.constant 0 : i32
    %dma_start3A_1274 = tpu.memref_slice %arg6[%dma_start3A_1273, %multiple_of3A_483] : memref<32x100000xf32, #tpu.memory_space<hbm>> -> memref<32x128xf32, #tpu.memory_space<hbm>>
    tpu.enqueue_dma source(%dma_start3A_1274 : memref<32x128xf32, #tpu.memory_space<hbm>>) target(%dma_start3A_1272 : memref<32x128xf32, #tpu.memory_space<vmem>>) target_semaphore(%arg15 : memref<!tpu.dma_semaphore, #tpu.memory_space<semaphore_mem>>)
    %dma_start3A_1275 = arith.constant 54 : i32
    %dma_start3A_1276 = arith.constant 0 : i32
    %dma_start3A_1277 = arith.constant 0 : i32
    %dma_start3A_1278 = tpu.memref_slice %arg12[%dma_start3A_1275, %dma_start3A_1276, %dma_start3A_1277] : memref<100x32x128xf32, #tpu.memory_space<vmem>> -> memref<1x32x128xf32, #tpu.memory_space<vmem>>
    %dma_start3A_1279 = tpu.memref_squeeze %dma_start3A_1278 : memref<1x32x128xf32, #tpu.memory_space<vmem>> -> memref<32x128xf32, #tpu.memory_space<vmem>>
    %dma_start3A_1280 = arith.constant 0 : i32
    %dma_start3A_1281 = tpu.memref_slice %arg6[%dma_start3A_1280, %multiple_of3A_492] : memref<32x100000xf32, #tpu.memory_space<hbm>> -> memref<32x128xf32, #tpu.memory_space<hbm>>
    tpu.enqueue_dma source(%dma_start3A_1281 : memref<32x128xf32, #tpu.memory_space<hbm>>) target(%dma_start3A_1279 : memref<32x128xf32, #tpu.memory_space<vmem>>) target_semaphore(%arg15 : memref<!tpu.dma_semaphore, #tpu.memory_space<semaphore_mem>>)
    %dma_start3A_1282 = arith.constant 55 : i32
    %dma_start3A_1283 = arith.constant 0 : i32
    %dma_start3A_1284 = arith.constant 0 : i32
    %dma_start3A_1285 = tpu.memref_slice %arg12[%dma_start3A_1282, %dma_start3A_1283, %dma_start3A_1284] : memref<100x32x128xf32, #tpu.memory_space<vmem>> -> memref<1x32x128xf32, #tpu.memory_space<vmem>>
    %dma_start3A_1286 = tpu.memref_squeeze %dma_start3A_1285 : memref<1x32x128xf32, #tpu.memory_space<vmem>> -> memref<32x128xf32, #tpu.memory_space<vmem>>
    %dma_start3A_1287 = arith.constant 0 : i32
    %dma_start3A_1288 = tpu.memref_slice %arg6[%dma_start3A_1287, %multiple_of3A_501] : memref<32x100000xf32, #tpu.memory_space<hbm>> -> memref<32x128xf32, #tpu.memory_space<hbm>>
    tpu.enqueue_dma source(%dma_start3A_1288 : memref<32x128xf32, #tpu.memory_space<hbm>>) target(%dma_start3A_1286 : memref<32x128xf32, #tpu.memory_space<vmem>>) target_semaphore(%arg15 : memref<!tpu.dma_semaphore, #tpu.memory_space<semaphore_mem>>)
    %dma_start3A_1289 = arith.constant 56 : i32
    %dma_start3A_1290 = arith.constant 0 : i32
    %dma_start3A_1291 = arith.constant 0 : i32
    %dma_start3A_1292 = tpu.memref_slice %arg12[%dma_start3A_1289, %dma_start3A_1290, %dma_start3A_1291] : memref<100x32x128xf32, #tpu.memory_space<vmem>> -> memref<1x32x128xf32, #tpu.memory_space<vmem>>
    %dma_start3A_1293 = tpu.memref_squeeze %dma_start3A_1292 : memref<1x32x128xf32, #tpu.memory_space<vmem>> -> memref<32x128xf32, #tpu.memory_space<vmem>>
    %dma_start3A_1294 = arith.constant 0 : i32
    %dma_start3A_1295 = tpu.memref_slice %arg6[%dma_start3A_1294, %multiple_of3A_510] : memref<32x100000xf32, #tpu.memory_space<hbm>> -> memref<32x128xf32, #tpu.memory_space<hbm>>
    tpu.enqueue_dma source(%dma_start3A_1295 : memref<32x128xf32, #tpu.memory_space<hbm>>) target(%dma_start3A_1293 : memref<32x128xf32, #tpu.memory_space<vmem>>) target_semaphore(%arg15 : memref<!tpu.dma_semaphore, #tpu.memory_space<semaphore_mem>>)
    %dma_start3A_1296 = arith.constant 57 : i32
    %dma_start3A_1297 = arith.constant 0 : i32
    %dma_start3A_1298 = arith.constant 0 : i32
    %dma_start3A_1299 = tpu.memref_slice %arg12[%dma_start3A_1296, %dma_start3A_1297, %dma_start3A_1298] : memref<100x32x128xf32, #tpu.memory_space<vmem>> -> memref<1x32x128xf32, #tpu.memory_space<vmem>>
    %dma_start3A_1300 = tpu.memref_squeeze %dma_start3A_1299 : memref<1x32x128xf32, #tpu.memory_space<vmem>> -> memref<32x128xf32, #tpu.memory_space<vmem>>
    %dma_start3A_1301 = arith.constant 0 : i32
    %dma_start3A_1302 = tpu.memref_slice %arg6[%dma_start3A_1301, %multiple_of3A_519] : memref<32x100000xf32, #tpu.memory_space<hbm>> -> memref<32x128xf32, #tpu.memory_space<hbm>>
    tpu.enqueue_dma source(%dma_start3A_1302 : memref<32x128xf32, #tpu.memory_space<hbm>>) target(%dma_start3A_1300 : memref<32x128xf32, #tpu.memory_space<vmem>>) target_semaphore(%arg15 : memref<!tpu.dma_semaphore, #tpu.memory_space<semaphore_mem>>)
    %dma_start3A_1303 = arith.constant 58 : i32
    %dma_start3A_1304 = arith.constant 0 : i32
    %dma_start3A_1305 = arith.constant 0 : i32
    %dma_start3A_1306 = tpu.memref_slice %arg12[%dma_start3A_1303, %dma_start3A_1304, %dma_start3A_1305] : memref<100x32x128xf32, #tpu.memory_space<vmem>> -> memref<1x32x128xf32, #tpu.memory_space<vmem>>
    %dma_start3A_1307 = tpu.memref_squeeze %dma_start3A_1306 : memref<1x32x128xf32, #tpu.memory_space<vmem>> -> memref<32x128xf32, #tpu.memory_space<vmem>>
    %dma_start3A_1308 = arith.constant 0 : i32
    %dma_start3A_1309 = tpu.memref_slice %arg6[%dma_start3A_1308, %multiple_of3A_528] : memref<32x100000xf32, #tpu.memory_space<hbm>> -> memref<32x128xf32, #tpu.memory_space<hbm>>
    tpu.enqueue_dma source(%dma_start3A_1309 : memref<32x128xf32, #tpu.memory_space<hbm>>) target(%dma_start3A_1307 : memref<32x128xf32, #tpu.memory_space<vmem>>) target_semaphore(%arg15 : memref<!tpu.dma_semaphore, #tpu.memory_space<semaphore_mem>>)
    %dma_start3A_1310 = arith.constant 59 : i32
    %dma_start3A_1311 = arith.constant 0 : i32
    %dma_start3A_1312 = arith.constant 0 : i32
    %dma_start3A_1313 = tpu.memref_slice %arg12[%dma_start3A_1310, %dma_start3A_1311, %dma_start3A_1312] : memref<100x32x128xf32, #tpu.memory_space<vmem>> -> memref<1x32x128xf32, #tpu.memory_space<vmem>>
    %dma_start3A_1314 = tpu.memref_squeeze %dma_start3A_1313 : memref<1x32x128xf32, #tpu.memory_space<vmem>> -> memref<32x128xf32, #tpu.memory_space<vmem>>
    %dma_start3A_1315 = arith.constant 0 : i32
    %dma_start3A_1316 = tpu.memref_slice %arg6[%dma_start3A_1315, %multiple_of3A_537] : memref<32x100000xf32, #tpu.memory_space<hbm>> -> memref<32x128xf32, #tpu.memory_space<hbm>>
    tpu.enqueue_dma source(%dma_start3A_1316 : memref<32x128xf32, #tpu.memory_space<hbm>>) target(%dma_start3A_1314 : memref<32x128xf32, #tpu.memory_space<vmem>>) target_semaphore(%arg15 : memref<!tpu.dma_semaphore, #tpu.memory_space<semaphore_mem>>)
    %dma_start3A_1317 = arith.constant 60 : i32
    %dma_start3A_1318 = arith.constant 0 : i32
    %dma_start3A_1319 = arith.constant 0 : i32
    %dma_start3A_1320 = tpu.memref_slice %arg12[%dma_start3A_1317, %dma_start3A_1318, %dma_start3A_1319] : memref<100x32x128xf32, #tpu.memory_space<vmem>> -> memref<1x32x128xf32, #tpu.memory_space<vmem>>
    %dma_start3A_1321 = tpu.memref_squeeze %dma_start3A_1320 : memref<1x32x128xf32, #tpu.memory_space<vmem>> -> memref<32x128xf32, #tpu.memory_space<vmem>>
    %dma_start3A_1322 = arith.constant 0 : i32
    %dma_start3A_1323 = tpu.memref_slice %arg6[%dma_start3A_1322, %multiple_of3A_546] : memref<32x100000xf32, #tpu.memory_space<hbm>> -> memref<32x128xf32, #tpu.memory_space<hbm>>
    tpu.enqueue_dma source(%dma_start3A_1323 : memref<32x128xf32, #tpu.memory_space<hbm>>) target(%dma_start3A_1321 : memref<32x128xf32, #tpu.memory_space<vmem>>) target_semaphore(%arg15 : memref<!tpu.dma_semaphore, #tpu.memory_space<semaphore_mem>>)
    %dma_start3A_1324 = arith.constant 61 : i32
    %dma_start3A_1325 = arith.constant 0 : i32
    %dma_start3A_1326 = arith.constant 0 : i32
    %dma_start3A_1327 = tpu.memref_slice %arg12[%dma_start3A_1324, %dma_start3A_1325, %dma_start3A_1326] : memref<100x32x128xf32, #tpu.memory_space<vmem>> -> memref<1x32x128xf32, #tpu.memory_space<vmem>>
    %dma_start3A_1328 = tpu.memref_squeeze %dma_start3A_1327 : memref<1x32x128xf32, #tpu.memory_space<vmem>> -> memref<32x128xf32, #tpu.memory_space<vmem>>
    %dma_start3A_1329 = arith.constant 0 : i32
    %dma_start3A_1330 = tpu.memref_slice %arg6[%dma_start3A_1329, %multiple_of3A_555] : memref<32x100000xf32, #tpu.memory_space<hbm>> -> memref<32x128xf32, #tpu.memory_space<hbm>>
    tpu.enqueue_dma source(%dma_start3A_1330 : memref<32x128xf32, #tpu.memory_space<hbm>>) target(%dma_start3A_1328 : memref<32x128xf32, #tpu.memory_space<vmem>>) target_semaphore(%arg15 : memref<!tpu.dma_semaphore, #tpu.memory_space<semaphore_mem>>)
    %dma_start3A_1331 = arith.constant 62 : i32
    %dma_start3A_1332 = arith.constant 0 : i32
    %dma_start3A_1333 = arith.constant 0 : i32
    %dma_start3A_1334 = tpu.memref_slice %arg12[%dma_start3A_1331, %dma_start3A_1332, %dma_start3A_1333] : memref<100x32x128xf32, #tpu.memory_space<vmem>> -> memref<1x32x128xf32, #tpu.memory_space<vmem>>
    %dma_start3A_1335 = tpu.memref_squeeze %dma_start3A_1334 : memref<1x32x128xf32, #tpu.memory_space<vmem>> -> memref<32x128xf32, #tpu.memory_space<vmem>>
    %dma_start3A_1336 = arith.constant 0 : i32
    %dma_start3A_1337 = tpu.memref_slice %arg6[%dma_start3A_1336, %multiple_of3A_564] : memref<32x100000xf32, #tpu.memory_space<hbm>> -> memref<32x128xf32, #tpu.memory_space<hbm>>
    tpu.enqueue_dma source(%dma_start3A_1337 : memref<32x128xf32, #tpu.memory_space<hbm>>) target(%dma_start3A_1335 : memref<32x128xf32, #tpu.memory_space<vmem>>) target_semaphore(%arg15 : memref<!tpu.dma_semaphore, #tpu.memory_space<semaphore_mem>>)
    %dma_start3A_1338 = arith.constant 63 : i32
    %dma_start3A_1339 = arith.constant 0 : i32
    %dma_start3A_1340 = arith.constant 0 : i32
    %dma_start3A_1341 = tpu.memref_slice %arg12[%dma_start3A_1338, %dma_start3A_1339, %dma_start3A_1340] : memref<100x32x128xf32, #tpu.memory_space<vmem>> -> memref<1x32x128xf32, #tpu.memory_space<vmem>>
    %dma_start3A_1342 = tpu.memref_squeeze %dma_start3A_1341 : memref<1x32x128xf32, #tpu.memory_space<vmem>> -> memref<32x128xf32, #tpu.memory_space<vmem>>
    %dma_start3A_1343 = arith.constant 0 : i32
    %dma_start3A_1344 = tpu.memref_slice %arg6[%dma_start3A_1343, %multiple_of3A_573] : memref<32x100000xf32, #tpu.memory_space<hbm>> -> memref<32x128xf32, #tpu.memory_space<hbm>>
    tpu.enqueue_dma source(%dma_start3A_1344 : memref<32x128xf32, #tpu.memory_space<hbm>>) target(%dma_start3A_1342 : memref<32x128xf32, #tpu.memory_space<vmem>>) target_semaphore(%arg15 : memref<!tpu.dma_semaphore, #tpu.memory_space<semaphore_mem>>)
    %dma_start3A_1345 = arith.constant 64 : i32
    %dma_start3A_1346 = arith.constant 0 : i32
    %dma_start3A_1347 = arith.constant 0 : i32
    %dma_start3A_1348 = tpu.memref_slice %arg12[%dma_start3A_1345, %dma_start3A_1346, %dma_start3A_1347] : memref<100x32x128xf32, #tpu.memory_space<vmem>> -> memref<1x32x128xf32, #tpu.memory_space<vmem>>
    %dma_start3A_1349 = tpu.memref_squeeze %dma_start3A_1348 : memref<1x32x128xf32, #tpu.memory_space<vmem>> -> memref<32x128xf32, #tpu.memory_space<vmem>>
    %dma_start3A_1350 = arith.constant 0 : i32
    %dma_start3A_1351 = tpu.memref_slice %arg6[%dma_start3A_1350, %multiple_of3A_582] : memref<32x100000xf32, #tpu.memory_space<hbm>> -> memref<32x128xf32, #tpu.memory_space<hbm>>
    tpu.enqueue_dma source(%dma_start3A_1351 : memref<32x128xf32, #tpu.memory_space<hbm>>) target(%dma_start3A_1349 : memref<32x128xf32, #tpu.memory_space<vmem>>) target_semaphore(%arg15 : memref<!tpu.dma_semaphore, #tpu.memory_space<semaphore_mem>>)
    %dma_start3A_1352 = arith.constant 65 : i32
    %dma_start3A_1353 = arith.constant 0 : i32
    %dma_start3A_1354 = arith.constant 0 : i32
    %dma_start3A_1355 = tpu.memref_slice %arg12[%dma_start3A_1352, %dma_start3A_1353, %dma_start3A_1354] : memref<100x32x128xf32, #tpu.memory_space<vmem>> -> memref<1x32x128xf32, #tpu.memory_space<vmem>>
    %dma_start3A_1356 = tpu.memref_squeeze %dma_start3A_1355 : memref<1x32x128xf32, #tpu.memory_space<vmem>> -> memref<32x128xf32, #tpu.memory_space<vmem>>
    %dma_start3A_1357 = arith.constant 0 : i32
    %dma_start3A_1358 = tpu.memref_slice %arg6[%dma_start3A_1357, %multiple_of3A_591] : memref<32x100000xf32, #tpu.memory_space<hbm>> -> memref<32x128xf32, #tpu.memory_space<hbm>>
    tpu.enqueue_dma source(%dma_start3A_1358 : memref<32x128xf32, #tpu.memory_space<hbm>>) target(%dma_start3A_1356 : memref<32x128xf32, #tpu.memory_space<vmem>>) target_semaphore(%arg15 : memref<!tpu.dma_semaphore, #tpu.memory_space<semaphore_mem>>)
    %dma_start3A_1359 = arith.constant 66 : i32
    %dma_start3A_1360 = arith.constant 0 : i32
    %dma_start3A_1361 = arith.constant 0 : i32
    %dma_start3A_1362 = tpu.memref_slice %arg12[%dma_start3A_1359, %dma_start3A_1360, %dma_start3A_1361] : memref<100x32x128xf32, #tpu.memory_space<vmem>> -> memref<1x32x128xf32, #tpu.memory_space<vmem>>
    %dma_start3A_1363 = tpu.memref_squeeze %dma_start3A_1362 : memref<1x32x128xf32, #tpu.memory_space<vmem>> -> memref<32x128xf32, #tpu.memory_space<vmem>>
    %dma_start3A_1364 = arith.constant 0 : i32
    %dma_start3A_1365 = tpu.memref_slice %arg6[%dma_start3A_1364, %multiple_of3A_600] : memref<32x100000xf32, #tpu.memory_space<hbm>> -> memref<32x128xf32, #tpu.memory_space<hbm>>
    tpu.enqueue_dma source(%dma_start3A_1365 : memref<32x128xf32, #tpu.memory_space<hbm>>) target(%dma_start3A_1363 : memref<32x128xf32, #tpu.memory_space<vmem>>) target_semaphore(%arg15 : memref<!tpu.dma_semaphore, #tpu.memory_space<semaphore_mem>>)
    %dma_start3A_1366 = arith.constant 67 : i32
    %dma_start3A_1367 = arith.constant 0 : i32
    %dma_start3A_1368 = arith.constant 0 : i32
    %dma_start3A_1369 = tpu.memref_slice %arg12[%dma_start3A_1366, %dma_start3A_1367, %dma_start3A_1368] : memref<100x32x128xf32, #tpu.memory_space<vmem>> -> memref<1x32x128xf32, #tpu.memory_space<vmem>>
    %dma_start3A_1370 = tpu.memref_squeeze %dma_start3A_1369 : memref<1x32x128xf32, #tpu.memory_space<vmem>> -> memref<32x128xf32, #tpu.memory_space<vmem>>
    %dma_start3A_1371 = arith.constant 0 : i32
    %dma_start3A_1372 = tpu.memref_slice %arg6[%dma_start3A_1371, %multiple_of3A_609] : memref<32x100000xf32, #tpu.memory_space<hbm>> -> memref<32x128xf32, #tpu.memory_space<hbm>>
    tpu.enqueue_dma source(%dma_start3A_1372 : memref<32x128xf32, #tpu.memory_space<hbm>>) target(%dma_start3A_1370 : memref<32x128xf32, #tpu.memory_space<vmem>>) target_semaphore(%arg15 : memref<!tpu.dma_semaphore, #tpu.memory_space<semaphore_mem>>)
    %dma_start3A_1373 = arith.constant 68 : i32
    %dma_start3A_1374 = arith.constant 0 : i32
    %dma_start3A_1375 = arith.constant 0 : i32
    %dma_start3A_1376 = tpu.memref_slice %arg12[%dma_start3A_1373, %dma_start3A_1374, %dma_start3A_1375] : memref<100x32x128xf32, #tpu.memory_space<vmem>> -> memref<1x32x128xf32, #tpu.memory_space<vmem>>
    %dma_start3A_1377 = tpu.memref_squeeze %dma_start3A_1376 : memref<1x32x128xf32, #tpu.memory_space<vmem>> -> memref<32x128xf32, #tpu.memory_space<vmem>>
    %dma_start3A_1378 = arith.constant 0 : i32
    %dma_start3A_1379 = tpu.memref_slice %arg6[%dma_start3A_1378, %multiple_of3A_618] : memref<32x100000xf32, #tpu.memory_space<hbm>> -> memref<32x128xf32, #tpu.memory_space<hbm>>
    tpu.enqueue_dma source(%dma_start3A_1379 : memref<32x128xf32, #tpu.memory_space<hbm>>) target(%dma_start3A_1377 : memref<32x128xf32, #tpu.memory_space<vmem>>) target_semaphore(%arg15 : memref<!tpu.dma_semaphore, #tpu.memory_space<semaphore_mem>>)
    %dma_start3A_1380 = arith.constant 69 : i32
    %dma_start3A_1381 = arith.constant 0 : i32
    %dma_start3A_1382 = arith.constant 0 : i32
    %dma_start3A_1383 = tpu.memref_slice %arg12[%dma_start3A_1380, %dma_start3A_1381, %dma_start3A_1382] : memref<100x32x128xf32, #tpu.memory_space<vmem>> -> memref<1x32x128xf32, #tpu.memory_space<vmem>>
    %dma_start3A_1384 = tpu.memref_squeeze %dma_start3A_1383 : memref<1x32x128xf32, #tpu.memory_space<vmem>> -> memref<32x128xf32, #tpu.memory_space<vmem>>
    %dma_start3A_1385 = arith.constant 0 : i32
    %dma_start3A_1386 = tpu.memref_slice %arg6[%dma_start3A_1385, %multiple_of3A_627] : memref<32x100000xf32, #tpu.memory_space<hbm>> -> memref<32x128xf32, #tpu.memory_space<hbm>>
    tpu.enqueue_dma source(%dma_start3A_1386 : memref<32x128xf32, #tpu.memory_space<hbm>>) target(%dma_start3A_1384 : memref<32x128xf32, #tpu.memory_space<vmem>>) target_semaphore(%arg15 : memref<!tpu.dma_semaphore, #tpu.memory_space<semaphore_mem>>)
    %dma_start3A_1387 = arith.constant 70 : i32
    %dma_start3A_1388 = arith.constant 0 : i32
    %dma_start3A_1389 = arith.constant 0 : i32
    %dma_start3A_1390 = tpu.memref_slice %arg12[%dma_start3A_1387, %dma_start3A_1388, %dma_start3A_1389] : memref<100x32x128xf32, #tpu.memory_space<vmem>> -> memref<1x32x128xf32, #tpu.memory_space<vmem>>
    %dma_start3A_1391 = tpu.memref_squeeze %dma_start3A_1390 : memref<1x32x128xf32, #tpu.memory_space<vmem>> -> memref<32x128xf32, #tpu.memory_space<vmem>>
    %dma_start3A_1392 = arith.constant 0 : i32
    %dma_start3A_1393 = tpu.memref_slice %arg6[%dma_start3A_1392, %multiple_of3A_636] : memref<32x100000xf32, #tpu.memory_space<hbm>> -> memref<32x128xf32, #tpu.memory_space<hbm>>
    tpu.enqueue_dma source(%dma_start3A_1393 : memref<32x128xf32, #tpu.memory_space<hbm>>) target(%dma_start3A_1391 : memref<32x128xf32, #tpu.memory_space<vmem>>) target_semaphore(%arg15 : memref<!tpu.dma_semaphore, #tpu.memory_space<semaphore_mem>>)
    %dma_start3A_1394 = arith.constant 71 : i32
    %dma_start3A_1395 = arith.constant 0 : i32
    %dma_start3A_1396 = arith.constant 0 : i32
    %dma_start3A_1397 = tpu.memref_slice %arg12[%dma_start3A_1394, %dma_start3A_1395, %dma_start3A_1396] : memref<100x32x128xf32, #tpu.memory_space<vmem>> -> memref<1x32x128xf32, #tpu.memory_space<vmem>>
    %dma_start3A_1398 = tpu.memref_squeeze %dma_start3A_1397 : memref<1x32x128xf32, #tpu.memory_space<vmem>> -> memref<32x128xf32, #tpu.memory_space<vmem>>
    %dma_start3A_1399 = arith.constant 0 : i32
    %dma_start3A_1400 = tpu.memref_slice %arg6[%dma_start3A_1399, %multiple_of3A_645] : memref<32x100000xf32, #tpu.memory_space<hbm>> -> memref<32x128xf32, #tpu.memory_space<hbm>>
    tpu.enqueue_dma source(%dma_start3A_1400 : memref<32x128xf32, #tpu.memory_space<hbm>>) target(%dma_start3A_1398 : memref<32x128xf32, #tpu.memory_space<vmem>>) target_semaphore(%arg15 : memref<!tpu.dma_semaphore, #tpu.memory_space<semaphore_mem>>)
    %dma_start3A_1401 = arith.constant 72 : i32
    %dma_start3A_1402 = arith.constant 0 : i32
    %dma_start3A_1403 = arith.constant 0 : i32
    %dma_start3A_1404 = tpu.memref_slice %arg12[%dma_start3A_1401, %dma_start3A_1402, %dma_start3A_1403] : memref<100x32x128xf32, #tpu.memory_space<vmem>> -> memref<1x32x128xf32, #tpu.memory_space<vmem>>
    %dma_start3A_1405 = tpu.memref_squeeze %dma_start3A_1404 : memref<1x32x128xf32, #tpu.memory_space<vmem>> -> memref<32x128xf32, #tpu.memory_space<vmem>>
    %dma_start3A_1406 = arith.constant 0 : i32
    %dma_start3A_1407 = tpu.memref_slice %arg6[%dma_start3A_1406, %multiple_of3A_654] : memref<32x100000xf32, #tpu.memory_space<hbm>> -> memref<32x128xf32, #tpu.memory_space<hbm>>
    tpu.enqueue_dma source(%dma_start3A_1407 : memref<32x128xf32, #tpu.memory_space<hbm>>) target(%dma_start3A_1405 : memref<32x128xf32, #tpu.memory_space<vmem>>) target_semaphore(%arg15 : memref<!tpu.dma_semaphore, #tpu.memory_space<semaphore_mem>>)
    %dma_start3A_1408 = arith.constant 73 : i32
    %dma_start3A_1409 = arith.constant 0 : i32
    %dma_start3A_1410 = arith.constant 0 : i32
    %dma_start3A_1411 = tpu.memref_slice %arg12[%dma_start3A_1408, %dma_start3A_1409, %dma_start3A_1410] : memref<100x32x128xf32, #tpu.memory_space<vmem>> -> memref<1x32x128xf32, #tpu.memory_space<vmem>>
    %dma_start3A_1412 = tpu.memref_squeeze %dma_start3A_1411 : memref<1x32x128xf32, #tpu.memory_space<vmem>> -> memref<32x128xf32, #tpu.memory_space<vmem>>
    %dma_start3A_1413 = arith.constant 0 : i32
    %dma_start3A_1414 = tpu.memref_slice %arg6[%dma_start3A_1413, %multiple_of3A_663] : memref<32x100000xf32, #tpu.memory_space<hbm>> -> memref<32x128xf32, #tpu.memory_space<hbm>>
    tpu.enqueue_dma source(%dma_start3A_1414 : memref<32x128xf32, #tpu.memory_space<hbm>>) target(%dma_start3A_1412 : memref<32x128xf32, #tpu.memory_space<vmem>>) target_semaphore(%arg15 : memref<!tpu.dma_semaphore, #tpu.memory_space<semaphore_mem>>)
    %dma_start3A_1415 = arith.constant 74 : i32
    %dma_start3A_1416 = arith.constant 0 : i32
    %dma_start3A_1417 = arith.constant 0 : i32
    %dma_start3A_1418 = tpu.memref_slice %arg12[%dma_start3A_1415, %dma_start3A_1416, %dma_start3A_1417] : memref<100x32x128xf32, #tpu.memory_space<vmem>> -> memref<1x32x128xf32, #tpu.memory_space<vmem>>
    %dma_start3A_1419 = tpu.memref_squeeze %dma_start3A_1418 : memref<1x32x128xf32, #tpu.memory_space<vmem>> -> memref<32x128xf32, #tpu.memory_space<vmem>>
    %dma_start3A_1420 = arith.constant 0 : i32
    %dma_start3A_1421 = tpu.memref_slice %arg6[%dma_start3A_1420, %multiple_of3A_672] : memref<32x100000xf32, #tpu.memory_space<hbm>> -> memref<32x128xf32, #tpu.memory_space<hbm>>
    tpu.enqueue_dma source(%dma_start3A_1421 : memref<32x128xf32, #tpu.memory_space<hbm>>) target(%dma_start3A_1419 : memref<32x128xf32, #tpu.memory_space<vmem>>) target_semaphore(%arg15 : memref<!tpu.dma_semaphore, #tpu.memory_space<semaphore_mem>>)
    %dma_start3A_1422 = arith.constant 75 : i32
    %dma_start3A_1423 = arith.constant 0 : i32
    %dma_start3A_1424 = arith.constant 0 : i32
    %dma_start3A_1425 = tpu.memref_slice %arg12[%dma_start3A_1422, %dma_start3A_1423, %dma_start3A_1424] : memref<100x32x128xf32, #tpu.memory_space<vmem>> -> memref<1x32x128xf32, #tpu.memory_space<vmem>>
    %dma_start3A_1426 = tpu.memref_squeeze %dma_start3A_1425 : memref<1x32x128xf32, #tpu.memory_space<vmem>> -> memref<32x128xf32, #tpu.memory_space<vmem>>
    %dma_start3A_1427 = arith.constant 0 : i32
    %dma_start3A_1428 = tpu.memref_slice %arg6[%dma_start3A_1427, %multiple_of3A_681] : memref<32x100000xf32, #tpu.memory_space<hbm>> -> memref<32x128xf32, #tpu.memory_space<hbm>>
    tpu.enqueue_dma source(%dma_start3A_1428 : memref<32x128xf32, #tpu.memory_space<hbm>>) target(%dma_start3A_1426 : memref<32x128xf32, #tpu.memory_space<vmem>>) target_semaphore(%arg15 : memref<!tpu.dma_semaphore, #tpu.memory_space<semaphore_mem>>)
    %dma_start3A_1429 = arith.constant 76 : i32
    %dma_start3A_1430 = arith.constant 0 : i32
    %dma_start3A_1431 = arith.constant 0 : i32
    %dma_start3A_1432 = tpu.memref_slice %arg12[%dma_start3A_1429, %dma_start3A_1430, %dma_start3A_1431] : memref<100x32x128xf32, #tpu.memory_space<vmem>> -> memref<1x32x128xf32, #tpu.memory_space<vmem>>
    %dma_start3A_1433 = tpu.memref_squeeze %dma_start3A_1432 : memref<1x32x128xf32, #tpu.memory_space<vmem>> -> memref<32x128xf32, #tpu.memory_space<vmem>>
    %dma_start3A_1434 = arith.constant 0 : i32
    %dma_start3A_1435 = tpu.memref_slice %arg6[%dma_start3A_1434, %multiple_of3A_690] : memref<32x100000xf32, #tpu.memory_space<hbm>> -> memref<32x128xf32, #tpu.memory_space<hbm>>
    tpu.enqueue_dma source(%dma_start3A_1435 : memref<32x128xf32, #tpu.memory_space<hbm>>) target(%dma_start3A_1433 : memref<32x128xf32, #tpu.memory_space<vmem>>) target_semaphore(%arg15 : memref<!tpu.dma_semaphore, #tpu.memory_space<semaphore_mem>>)
    %dma_start3A_1436 = arith.constant 77 : i32
    %dma_start3A_1437 = arith.constant 0 : i32
    %dma_start3A_1438 = arith.constant 0 : i32
    %dma_start3A_1439 = tpu.memref_slice %arg12[%dma_start3A_1436, %dma_start3A_1437, %dma_start3A_1438] : memref<100x32x128xf32, #tpu.memory_space<vmem>> -> memref<1x32x128xf32, #tpu.memory_space<vmem>>
    %dma_start3A_1440 = tpu.memref_squeeze %dma_start3A_1439 : memref<1x32x128xf32, #tpu.memory_space<vmem>> -> memref<32x128xf32, #tpu.memory_space<vmem>>
    %dma_start3A_1441 = arith.constant 0 : i32
    %dma_start3A_1442 = tpu.memref_slice %arg6[%dma_start3A_1441, %multiple_of3A_699] : memref<32x100000xf32, #tpu.memory_space<hbm>> -> memref<32x128xf32, #tpu.memory_space<hbm>>
    tpu.enqueue_dma source(%dma_start3A_1442 : memref<32x128xf32, #tpu.memory_space<hbm>>) target(%dma_start3A_1440 : memref<32x128xf32, #tpu.memory_space<vmem>>) target_semaphore(%arg15 : memref<!tpu.dma_semaphore, #tpu.memory_space<semaphore_mem>>)
    %dma_start3A_1443 = arith.constant 78 : i32
    %dma_start3A_1444 = arith.constant 0 : i32
    %dma_start3A_1445 = arith.constant 0 : i32
    %dma_start3A_1446 = tpu.memref_slice %arg12[%dma_start3A_1443, %dma_start3A_1444, %dma_start3A_1445] : memref<100x32x128xf32, #tpu.memory_space<vmem>> -> memref<1x32x128xf32, #tpu.memory_space<vmem>>
    %dma_start3A_1447 = tpu.memref_squeeze %dma_start3A_1446 : memref<1x32x128xf32, #tpu.memory_space<vmem>> -> memref<32x128xf32, #tpu.memory_space<vmem>>
    %dma_start3A_1448 = arith.constant 0 : i32
    %dma_start3A_1449 = tpu.memref_slice %arg6[%dma_start3A_1448, %multiple_of3A_708] : memref<32x100000xf32, #tpu.memory_space<hbm>> -> memref<32x128xf32, #tpu.memory_space<hbm>>
    tpu.enqueue_dma source(%dma_start3A_1449 : memref<32x128xf32, #tpu.memory_space<hbm>>) target(%dma_start3A_1447 : memref<32x128xf32, #tpu.memory_space<vmem>>) target_semaphore(%arg15 : memref<!tpu.dma_semaphore, #tpu.memory_space<semaphore_mem>>)
    %dma_start3A_1450 = arith.constant 79 : i32
    %dma_start3A_1451 = arith.constant 0 : i32
    %dma_start3A_1452 = arith.constant 0 : i32
    %dma_start3A_1453 = tpu.memref_slice %arg12[%dma_start3A_1450, %dma_start3A_1451, %dma_start3A_1452] : memref<100x32x128xf32, #tpu.memory_space<vmem>> -> memref<1x32x128xf32, #tpu.memory_space<vmem>>
    %dma_start3A_1454 = tpu.memref_squeeze %dma_start3A_1453 : memref<1x32x128xf32, #tpu.memory_space<vmem>> -> memref<32x128xf32, #tpu.memory_space<vmem>>
    %dma_start3A_1455 = arith.constant 0 : i32
    %dma_start3A_1456 = tpu.memref_slice %arg6[%dma_start3A_1455, %multiple_of3A_717] : memref<32x100000xf32, #tpu.memory_space<hbm>> -> memref<32x128xf32, #tpu.memory_space<hbm>>
    tpu.enqueue_dma source(%dma_start3A_1456 : memref<32x128xf32, #tpu.memory_space<hbm>>) target(%dma_start3A_1454 : memref<32x128xf32, #tpu.memory_space<vmem>>) target_semaphore(%arg15 : memref<!tpu.dma_semaphore, #tpu.memory_space<semaphore_mem>>)
    %dma_start3A_1457 = arith.constant 80 : i32
    %dma_start3A_1458 = arith.constant 0 : i32
    %dma_start3A_1459 = arith.constant 0 : i32
    %dma_start3A_1460 = tpu.memref_slice %arg12[%dma_start3A_1457, %dma_start3A_1458, %dma_start3A_1459] : memref<100x32x128xf32, #tpu.memory_space<vmem>> -> memref<1x32x128xf32, #tpu.memory_space<vmem>>
    %dma_start3A_1461 = tpu.memref_squeeze %dma_start3A_1460 : memref<1x32x128xf32, #tpu.memory_space<vmem>> -> memref<32x128xf32, #tpu.memory_space<vmem>>
    %dma_start3A_1462 = arith.constant 0 : i32
    %dma_start3A_1463 = tpu.memref_slice %arg6[%dma_start3A_1462, %multiple_of3A_726] : memref<32x100000xf32, #tpu.memory_space<hbm>> -> memref<32x128xf32, #tpu.memory_space<hbm>>
    tpu.enqueue_dma source(%dma_start3A_1463 : memref<32x128xf32, #tpu.memory_space<hbm>>) target(%dma_start3A_1461 : memref<32x128xf32, #tpu.memory_space<vmem>>) target_semaphore(%arg15 : memref<!tpu.dma_semaphore, #tpu.memory_space<semaphore_mem>>)
    %dma_start3A_1464 = arith.constant 81 : i32
    %dma_start3A_1465 = arith.constant 0 : i32
    %dma_start3A_1466 = arith.constant 0 : i32
    %dma_start3A_1467 = tpu.memref_slice %arg12[%dma_start3A_1464, %dma_start3A_1465, %dma_start3A_1466] : memref<100x32x128xf32, #tpu.memory_space<vmem>> -> memref<1x32x128xf32, #tpu.memory_space<vmem>>
    %dma_start3A_1468 = tpu.memref_squeeze %dma_start3A_1467 : memref<1x32x128xf32, #tpu.memory_space<vmem>> -> memref<32x128xf32, #tpu.memory_space<vmem>>
    %dma_start3A_1469 = arith.constant 0 : i32
    %dma_start3A_1470 = tpu.memref_slice %arg6[%dma_start3A_1469, %multiple_of3A_735] : memref<32x100000xf32, #tpu.memory_space<hbm>> -> memref<32x128xf32, #tpu.memory_space<hbm>>
    tpu.enqueue_dma source(%dma_start3A_1470 : memref<32x128xf32, #tpu.memory_space<hbm>>) target(%dma_start3A_1468 : memref<32x128xf32, #tpu.memory_space<vmem>>) target_semaphore(%arg15 : memref<!tpu.dma_semaphore, #tpu.memory_space<semaphore_mem>>)
    %dma_start3A_1471 = arith.constant 82 : i32
    %dma_start3A_1472 = arith.constant 0 : i32
    %dma_start3A_1473 = arith.constant 0 : i32
    %dma_start3A_1474 = tpu.memref_slice %arg12[%dma_start3A_1471, %dma_start3A_1472, %dma_start3A_1473] : memref<100x32x128xf32, #tpu.memory_space<vmem>> -> memref<1x32x128xf32, #tpu.memory_space<vmem>>
    %dma_start3A_1475 = tpu.memref_squeeze %dma_start3A_1474 : memref<1x32x128xf32, #tpu.memory_space<vmem>> -> memref<32x128xf32, #tpu.memory_space<vmem>>
    %dma_start3A_1476 = arith.constant 0 : i32
    %dma_start3A_1477 = tpu.memref_slice %arg6[%dma_start3A_1476, %multiple_of3A_744] : memref<32x100000xf32, #tpu.memory_space<hbm>> -> memref<32x128xf32, #tpu.memory_space<hbm>>
    tpu.enqueue_dma source(%dma_start3A_1477 : memref<32x128xf32, #tpu.memory_space<hbm>>) target(%dma_start3A_1475 : memref<32x128xf32, #tpu.memory_space<vmem>>) target_semaphore(%arg15 : memref<!tpu.dma_semaphore, #tpu.memory_space<semaphore_mem>>)
    %dma_start3A_1478 = arith.constant 83 : i32
    %dma_start3A_1479 = arith.constant 0 : i32
    %dma_start3A_1480 = arith.constant 0 : i32
    %dma_start3A_1481 = tpu.memref_slice %arg12[%dma_start3A_1478, %dma_start3A_1479, %dma_start3A_1480] : memref<100x32x128xf32, #tpu.memory_space<vmem>> -> memref<1x32x128xf32, #tpu.memory_space<vmem>>
    %dma_start3A_1482 = tpu.memref_squeeze %dma_start3A_1481 : memref<1x32x128xf32, #tpu.memory_space<vmem>> -> memref<32x128xf32, #tpu.memory_space<vmem>>
    %dma_start3A_1483 = arith.constant 0 : i32
    %dma_start3A_1484 = tpu.memref_slice %arg6[%dma_start3A_1483, %multiple_of3A_753] : memref<32x100000xf32, #tpu.memory_space<hbm>> -> memref<32x128xf32, #tpu.memory_space<hbm>>
    tpu.enqueue_dma source(%dma_start3A_1484 : memref<32x128xf32, #tpu.memory_space<hbm>>) target(%dma_start3A_1482 : memref<32x128xf32, #tpu.memory_space<vmem>>) target_semaphore(%arg15 : memref<!tpu.dma_semaphore, #tpu.memory_space<semaphore_mem>>)
    %dma_start3A_1485 = arith.constant 84 : i32
    %dma_start3A_1486 = arith.constant 0 : i32
    %dma_start3A_1487 = arith.constant 0 : i32
    %dma_start3A_1488 = tpu.memref_slice %arg12[%dma_start3A_1485, %dma_start3A_1486, %dma_start3A_1487] : memref<100x32x128xf32, #tpu.memory_space<vmem>> -> memref<1x32x128xf32, #tpu.memory_space<vmem>>
    %dma_start3A_1489 = tpu.memref_squeeze %dma_start3A_1488 : memref<1x32x128xf32, #tpu.memory_space<vmem>> -> memref<32x128xf32, #tpu.memory_space<vmem>>
    %dma_start3A_1490 = arith.constant 0 : i32
    %dma_start3A_1491 = tpu.memref_slice %arg6[%dma_start3A_1490, %multiple_of3A_762] : memref<32x100000xf32, #tpu.memory_space<hbm>> -> memref<32x128xf32, #tpu.memory_space<hbm>>
    tpu.enqueue_dma source(%dma_start3A_1491 : memref<32x128xf32, #tpu.memory_space<hbm>>) target(%dma_start3A_1489 : memref<32x128xf32, #tpu.memory_space<vmem>>) target_semaphore(%arg15 : memref<!tpu.dma_semaphore, #tpu.memory_space<semaphore_mem>>)
    %dma_start3A_1492 = arith.constant 85 : i32
    %dma_start3A_1493 = arith.constant 0 : i32
    %dma_start3A_1494 = arith.constant 0 : i32
    %dma_start3A_1495 = tpu.memref_slice %arg12[%dma_start3A_1492, %dma_start3A_1493, %dma_start3A_1494] : memref<100x32x128xf32, #tpu.memory_space<vmem>> -> memref<1x32x128xf32, #tpu.memory_space<vmem>>
    %dma_start3A_1496 = tpu.memref_squeeze %dma_start3A_1495 : memref<1x32x128xf32, #tpu.memory_space<vmem>> -> memref<32x128xf32, #tpu.memory_space<vmem>>
    %dma_start3A_1497 = arith.constant 0 : i32
    %dma_start3A_1498 = tpu.memref_slice %arg6[%dma_start3A_1497, %multiple_of3A_771] : memref<32x100000xf32, #tpu.memory_space<hbm>> -> memref<32x128xf32, #tpu.memory_space<hbm>>
    tpu.enqueue_dma source(%dma_start3A_1498 : memref<32x128xf32, #tpu.memory_space<hbm>>) target(%dma_start3A_1496 : memref<32x128xf32, #tpu.memory_space<vmem>>) target_semaphore(%arg15 : memref<!tpu.dma_semaphore, #tpu.memory_space<semaphore_mem>>)
    %dma_start3A_1499 = arith.constant 86 : i32
    %dma_start3A_1500 = arith.constant 0 : i32
    %dma_start3A_1501 = arith.constant 0 : i32
    %dma_start3A_1502 = tpu.memref_slice %arg12[%dma_start3A_1499, %dma_start3A_1500, %dma_start3A_1501] : memref<100x32x128xf32, #tpu.memory_space<vmem>> -> memref<1x32x128xf32, #tpu.memory_space<vmem>>
    %dma_start3A_1503 = tpu.memref_squeeze %dma_start3A_1502 : memref<1x32x128xf32, #tpu.memory_space<vmem>> -> memref<32x128xf32, #tpu.memory_space<vmem>>
    %dma_start3A_1504 = arith.constant 0 : i32
    %dma_start3A_1505 = tpu.memref_slice %arg6[%dma_start3A_1504, %multiple_of3A_780] : memref<32x100000xf32, #tpu.memory_space<hbm>> -> memref<32x128xf32, #tpu.memory_space<hbm>>
    tpu.enqueue_dma source(%dma_start3A_1505 : memref<32x128xf32, #tpu.memory_space<hbm>>) target(%dma_start3A_1503 : memref<32x128xf32, #tpu.memory_space<vmem>>) target_semaphore(%arg15 : memref<!tpu.dma_semaphore, #tpu.memory_space<semaphore_mem>>)
    %dma_start3A_1506 = arith.constant 87 : i32
    %dma_start3A_1507 = arith.constant 0 : i32
    %dma_start3A_1508 = arith.constant 0 : i32
    %dma_start3A_1509 = tpu.memref_slice %arg12[%dma_start3A_1506, %dma_start3A_1507, %dma_start3A_1508] : memref<100x32x128xf32, #tpu.memory_space<vmem>> -> memref<1x32x128xf32, #tpu.memory_space<vmem>>
    %dma_start3A_1510 = tpu.memref_squeeze %dma_start3A_1509 : memref<1x32x128xf32, #tpu.memory_space<vmem>> -> memref<32x128xf32, #tpu.memory_space<vmem>>
    %dma_start3A_1511 = arith.constant 0 : i32
    %dma_start3A_1512 = tpu.memref_slice %arg6[%dma_start3A_1511, %multiple_of3A_789] : memref<32x100000xf32, #tpu.memory_space<hbm>> -> memref<32x128xf32, #tpu.memory_space<hbm>>
    tpu.enqueue_dma source(%dma_start3A_1512 : memref<32x128xf32, #tpu.memory_space<hbm>>) target(%dma_start3A_1510 : memref<32x128xf32, #tpu.memory_space<vmem>>) target_semaphore(%arg15 : memref<!tpu.dma_semaphore, #tpu.memory_space<semaphore_mem>>)
    %dma_start3A_1513 = arith.constant 88 : i32
    %dma_start3A_1514 = arith.constant 0 : i32
    %dma_start3A_1515 = arith.constant 0 : i32
    %dma_start3A_1516 = tpu.memref_slice %arg12[%dma_start3A_1513, %dma_start3A_1514, %dma_start3A_1515] : memref<100x32x128xf32, #tpu.memory_space<vmem>> -> memref<1x32x128xf32, #tpu.memory_space<vmem>>
    %dma_start3A_1517 = tpu.memref_squeeze %dma_start3A_1516 : memref<1x32x128xf32, #tpu.memory_space<vmem>> -> memref<32x128xf32, #tpu.memory_space<vmem>>
    %dma_start3A_1518 = arith.constant 0 : i32
    %dma_start3A_1519 = tpu.memref_slice %arg6[%dma_start3A_1518, %multiple_of3A_798] : memref<32x100000xf32, #tpu.memory_space<hbm>> -> memref<32x128xf32, #tpu.memory_space<hbm>>
    tpu.enqueue_dma source(%dma_start3A_1519 : memref<32x128xf32, #tpu.memory_space<hbm>>) target(%dma_start3A_1517 : memref<32x128xf32, #tpu.memory_space<vmem>>) target_semaphore(%arg15 : memref<!tpu.dma_semaphore, #tpu.memory_space<semaphore_mem>>)
    %dma_start3A_1520 = arith.constant 89 : i32
    %dma_start3A_1521 = arith.constant 0 : i32
    %dma_start3A_1522 = arith.constant 0 : i32
    %dma_start3A_1523 = tpu.memref_slice %arg12[%dma_start3A_1520, %dma_start3A_1521, %dma_start3A_1522] : memref<100x32x128xf32, #tpu.memory_space<vmem>> -> memref<1x32x128xf32, #tpu.memory_space<vmem>>
    %dma_start3A_1524 = tpu.memref_squeeze %dma_start3A_1523 : memref<1x32x128xf32, #tpu.memory_space<vmem>> -> memref<32x128xf32, #tpu.memory_space<vmem>>
    %dma_start3A_1525 = arith.constant 0 : i32
    %dma_start3A_1526 = tpu.memref_slice %arg6[%dma_start3A_1525, %multiple_of3A_807] : memref<32x100000xf32, #tpu.memory_space<hbm>> -> memref<32x128xf32, #tpu.memory_space<hbm>>
    tpu.enqueue_dma source(%dma_start3A_1526 : memref<32x128xf32, #tpu.memory_space<hbm>>) target(%dma_start3A_1524 : memref<32x128xf32, #tpu.memory_space<vmem>>) target_semaphore(%arg15 : memref<!tpu.dma_semaphore, #tpu.memory_space<semaphore_mem>>)
    %dma_start3A_1527 = arith.constant 90 : i32
    %dma_start3A_1528 = arith.constant 0 : i32
    %dma_start3A_1529 = arith.constant 0 : i32
    %dma_start3A_1530 = tpu.memref_slice %arg12[%dma_start3A_1527, %dma_start3A_1528, %dma_start3A_1529] : memref<100x32x128xf32, #tpu.memory_space<vmem>> -> memref<1x32x128xf32, #tpu.memory_space<vmem>>
    %dma_start3A_1531 = tpu.memref_squeeze %dma_start3A_1530 : memref<1x32x128xf32, #tpu.memory_space<vmem>> -> memref<32x128xf32, #tpu.memory_space<vmem>>
    %dma_start3A_1532 = arith.constant 0 : i32
    %dma_start3A_1533 = tpu.memref_slice %arg6[%dma_start3A_1532, %multiple_of3A_816] : memref<32x100000xf32, #tpu.memory_space<hbm>> -> memref<32x128xf32, #tpu.memory_space<hbm>>
    tpu.enqueue_dma source(%dma_start3A_1533 : memref<32x128xf32, #tpu.memory_space<hbm>>) target(%dma_start3A_1531 : memref<32x128xf32, #tpu.memory_space<vmem>>) target_semaphore(%arg15 : memref<!tpu.dma_semaphore, #tpu.memory_space<semaphore_mem>>)
    %dma_start3A_1534 = arith.constant 91 : i32
    %dma_start3A_1535 = arith.constant 0 : i32
    %dma_start3A_1536 = arith.constant 0 : i32
    %dma_start3A_1537 = tpu.memref_slice %arg12[%dma_start3A_1534, %dma_start3A_1535, %dma_start3A_1536] : memref<100x32x128xf32, #tpu.memory_space<vmem>> -> memref<1x32x128xf32, #tpu.memory_space<vmem>>
    %dma_start3A_1538 = tpu.memref_squeeze %dma_start3A_1537 : memref<1x32x128xf32, #tpu.memory_space<vmem>> -> memref<32x128xf32, #tpu.memory_space<vmem>>
    %dma_start3A_1539 = arith.constant 0 : i32
    %dma_start3A_1540 = tpu.memref_slice %arg6[%dma_start3A_1539, %multiple_of3A_825] : memref<32x100000xf32, #tpu.memory_space<hbm>> -> memref<32x128xf32, #tpu.memory_space<hbm>>
    tpu.enqueue_dma source(%dma_start3A_1540 : memref<32x128xf32, #tpu.memory_space<hbm>>) target(%dma_start3A_1538 : memref<32x128xf32, #tpu.memory_space<vmem>>) target_semaphore(%arg15 : memref<!tpu.dma_semaphore, #tpu.memory_space<semaphore_mem>>)
    %dma_start3A_1541 = arith.constant 92 : i32
    %dma_start3A_1542 = arith.constant 0 : i32
    %dma_start3A_1543 = arith.constant 0 : i32
    %dma_start3A_1544 = tpu.memref_slice %arg12[%dma_start3A_1541, %dma_start3A_1542, %dma_start3A_1543] : memref<100x32x128xf32, #tpu.memory_space<vmem>> -> memref<1x32x128xf32, #tpu.memory_space<vmem>>
    %dma_start3A_1545 = tpu.memref_squeeze %dma_start3A_1544 : memref<1x32x128xf32, #tpu.memory_space<vmem>> -> memref<32x128xf32, #tpu.memory_space<vmem>>
    %dma_start3A_1546 = arith.constant 0 : i32
    %dma_start3A_1547 = tpu.memref_slice %arg6[%dma_start3A_1546, %multiple_of3A_834] : memref<32x100000xf32, #tpu.memory_space<hbm>> -> memref<32x128xf32, #tpu.memory_space<hbm>>
    tpu.enqueue_dma source(%dma_start3A_1547 : memref<32x128xf32, #tpu.memory_space<hbm>>) target(%dma_start3A_1545 : memref<32x128xf32, #tpu.memory_space<vmem>>) target_semaphore(%arg15 : memref<!tpu.dma_semaphore, #tpu.memory_space<semaphore_mem>>)
    %dma_start3A_1548 = arith.constant 93 : i32
    %dma_start3A_1549 = arith.constant 0 : i32
    %dma_start3A_1550 = arith.constant 0 : i32
    %dma_start3A_1551 = tpu.memref_slice %arg12[%dma_start3A_1548, %dma_start3A_1549, %dma_start3A_1550] : memref<100x32x128xf32, #tpu.memory_space<vmem>> -> memref<1x32x128xf32, #tpu.memory_space<vmem>>
    %dma_start3A_1552 = tpu.memref_squeeze %dma_start3A_1551 : memref<1x32x128xf32, #tpu.memory_space<vmem>> -> memref<32x128xf32, #tpu.memory_space<vmem>>
    %dma_start3A_1553 = arith.constant 0 : i32
    %dma_start3A_1554 = tpu.memref_slice %arg6[%dma_start3A_1553, %multiple_of3A_843] : memref<32x100000xf32, #tpu.memory_space<hbm>> -> memref<32x128xf32, #tpu.memory_space<hbm>>
    tpu.enqueue_dma source(%dma_start3A_1554 : memref<32x128xf32, #tpu.memory_space<hbm>>) target(%dma_start3A_1552 : memref<32x128xf32, #tpu.memory_space<vmem>>) target_semaphore(%arg15 : memref<!tpu.dma_semaphore, #tpu.memory_space<semaphore_mem>>)
    %dma_start3A_1555 = arith.constant 94 : i32
    %dma_start3A_1556 = arith.constant 0 : i32
    %dma_start3A_1557 = arith.constant 0 : i32
    %dma_start3A_1558 = tpu.memref_slice %arg12[%dma_start3A_1555, %dma_start3A_1556, %dma_start3A_1557] : memref<100x32x128xf32, #tpu.memory_space<vmem>> -> memref<1x32x128xf32, #tpu.memory_space<vmem>>
    %dma_start3A_1559 = tpu.memref_squeeze %dma_start3A_1558 : memref<1x32x128xf32, #tpu.memory_space<vmem>> -> memref<32x128xf32, #tpu.memory_space<vmem>>
    %dma_start3A_1560 = arith.constant 0 : i32
    %dma_start3A_1561 = tpu.memref_slice %arg6[%dma_start3A_1560, %multiple_of3A_852] : memref<32x100000xf32, #tpu.memory_space<hbm>> -> memref<32x128xf32, #tpu.memory_space<hbm>>
    tpu.enqueue_dma source(%dma_start3A_1561 : memref<32x128xf32, #tpu.memory_space<hbm>>) target(%dma_start3A_1559 : memref<32x128xf32, #tpu.memory_space<vmem>>) target_semaphore(%arg15 : memref<!tpu.dma_semaphore, #tpu.memory_space<semaphore_mem>>)
    %dma_start3A_1562 = arith.constant 95 : i32
    %dma_start3A_1563 = arith.constant 0 : i32
    %dma_start3A_1564 = arith.constant 0 : i32
    %dma_start3A_1565 = tpu.memref_slice %arg12[%dma_start3A_1562, %dma_start3A_1563, %dma_start3A_1564] : memref<100x32x128xf32, #tpu.memory_space<vmem>> -> memref<1x32x128xf32, #tpu.memory_space<vmem>>
    %dma_start3A_1566 = tpu.memref_squeeze %dma_start3A_1565 : memref<1x32x128xf32, #tpu.memory_space<vmem>> -> memref<32x128xf32, #tpu.memory_space<vmem>>
    %dma_start3A_1567 = arith.constant 0 : i32
    %dma_start3A_1568 = tpu.memref_slice %arg6[%dma_start3A_1567, %multiple_of3A_861] : memref<32x100000xf32, #tpu.memory_space<hbm>> -> memref<32x128xf32, #tpu.memory_space<hbm>>
    tpu.enqueue_dma source(%dma_start3A_1568 : memref<32x128xf32, #tpu.memory_space<hbm>>) target(%dma_start3A_1566 : memref<32x128xf32, #tpu.memory_space<vmem>>) target_semaphore(%arg15 : memref<!tpu.dma_semaphore, #tpu.memory_space<semaphore_mem>>)
    %dma_start3A_1569 = arith.constant 96 : i32
    %dma_start3A_1570 = arith.constant 0 : i32
    %dma_start3A_1571 = arith.constant 0 : i32
    %dma_start3A_1572 = tpu.memref_slice %arg12[%dma_start3A_1569, %dma_start3A_1570, %dma_start3A_1571] : memref<100x32x128xf32, #tpu.memory_space<vmem>> -> memref<1x32x128xf32, #tpu.memory_space<vmem>>
    %dma_start3A_1573 = tpu.memref_squeeze %dma_start3A_1572 : memref<1x32x128xf32, #tpu.memory_space<vmem>> -> memref<32x128xf32, #tpu.memory_space<vmem>>
    %dma_start3A_1574 = arith.constant 0 : i32
    %dma_start3A_1575 = tpu.memref_slice %arg6[%dma_start3A_1574, %multiple_of3A_870] : memref<32x100000xf32, #tpu.memory_space<hbm>> -> memref<32x128xf32, #tpu.memory_space<hbm>>
    tpu.enqueue_dma source(%dma_start3A_1575 : memref<32x128xf32, #tpu.memory_space<hbm>>) target(%dma_start3A_1573 : memref<32x128xf32, #tpu.memory_space<vmem>>) target_semaphore(%arg15 : memref<!tpu.dma_semaphore, #tpu.memory_space<semaphore_mem>>)
    %dma_start3A_1576 = arith.constant 97 : i32
    %dma_start3A_1577 = arith.constant 0 : i32
    %dma_start3A_1578 = arith.constant 0 : i32
    %dma_start3A_1579 = tpu.memref_slice %arg12[%dma_start3A_1576, %dma_start3A_1577, %dma_start3A_1578] : memref<100x32x128xf32, #tpu.memory_space<vmem>> -> memref<1x32x128xf32, #tpu.memory_space<vmem>>
    %dma_start3A_1580 = tpu.memref_squeeze %dma_start3A_1579 : memref<1x32x128xf32, #tpu.memory_space<vmem>> -> memref<32x128xf32, #tpu.memory_space<vmem>>
    %dma_start3A_1581 = arith.constant 0 : i32
    %dma_start3A_1582 = tpu.memref_slice %arg6[%dma_start3A_1581, %multiple_of3A_879] : memref<32x100000xf32, #tpu.memory_space<hbm>> -> memref<32x128xf32, #tpu.memory_space<hbm>>
    tpu.enqueue_dma source(%dma_start3A_1582 : memref<32x128xf32, #tpu.memory_space<hbm>>) target(%dma_start3A_1580 : memref<32x128xf32, #tpu.memory_space<vmem>>) target_semaphore(%arg15 : memref<!tpu.dma_semaphore, #tpu.memory_space<semaphore_mem>>)
    %dma_start3A_1583 = arith.constant 98 : i32
    %dma_start3A_1584 = arith.constant 0 : i32
    %dma_start3A_1585 = arith.constant 0 : i32
    %dma_start3A_1586 = tpu.memref_slice %arg12[%dma_start3A_1583, %dma_start3A_1584, %dma_start3A_1585] : memref<100x32x128xf32, #tpu.memory_space<vmem>> -> memref<1x32x128xf32, #tpu.memory_space<vmem>>
    %dma_start3A_1587 = tpu.memref_squeeze %dma_start3A_1586 : memref<1x32x128xf32, #tpu.memory_space<vmem>> -> memref<32x128xf32, #tpu.memory_space<vmem>>
    %dma_start3A_1588 = arith.constant 0 : i32
    %dma_start3A_1589 = tpu.memref_slice %arg6[%dma_start3A_1588, %multiple_of3A_888] : memref<32x100000xf32, #tpu.memory_space<hbm>> -> memref<32x128xf32, #tpu.memory_space<hbm>>
    tpu.enqueue_dma source(%dma_start3A_1589 : memref<32x128xf32, #tpu.memory_space<hbm>>) target(%dma_start3A_1587 : memref<32x128xf32, #tpu.memory_space<vmem>>) target_semaphore(%arg15 : memref<!tpu.dma_semaphore, #tpu.memory_space<semaphore_mem>>)
    %dma_start3A_1590 = arith.constant 99 : i32
    %dma_start3A_1591 = arith.constant 0 : i32
    %dma_start3A_1592 = arith.constant 0 : i32
    %dma_start3A_1593 = tpu.memref_slice %arg12[%dma_start3A_1590, %dma_start3A_1591, %dma_start3A_1592] : memref<100x32x128xf32, #tpu.memory_space<vmem>> -> memref<1x32x128xf32, #tpu.memory_space<vmem>>
    %dma_start3A_1594 = tpu.memref_squeeze %dma_start3A_1593 : memref<1x32x128xf32, #tpu.memory_space<vmem>> -> memref<32x128xf32, #tpu.memory_space<vmem>>
    %dma_start3A_1595 = arith.constant 0 : i32
    %dma_start3A_1596 = tpu.memref_slice %arg6[%dma_start3A_1595, %multiple_of3A_897] : memref<32x100000xf32, #tpu.memory_space<hbm>> -> memref<32x128xf32, #tpu.memory_space<hbm>>
    tpu.enqueue_dma source(%dma_start3A_1596 : memref<32x128xf32, #tpu.memory_space<hbm>>) target(%dma_start3A_1594 : memref<32x128xf32, #tpu.memory_space<vmem>>) target_semaphore(%arg15 : memref<!tpu.dma_semaphore, #tpu.memory_space<semaphore_mem>>)
    %dma_wait3A = arith.constant 0 : i32
    %dma_wait3A_1597 = arith.constant 0 : i32
    %dma_wait3A_1598 = arith.constant 0 : i32
    %dma_wait3A_1599 = tpu.memref_slice %arg12[%dma_wait3A, %dma_wait3A_1597, %dma_wait3A_1598] : memref<100x32x128xf32, #tpu.memory_space<vmem>> -> memref<1x32x128xf32, #tpu.memory_space<vmem>>
    %dma_wait3A_1600 = tpu.memref_squeeze %dma_wait3A_1599 : memref<1x32x128xf32, #tpu.memory_space<vmem>> -> memref<32x128xf32, #tpu.memory_space<vmem>>
    %dma_wait3A_1601 = arith.constant 0 : i32
    %dma_wait3A_1602 = tpu.memref_slice %arg6[%dma_wait3A_1601, %multiple_of3A] : memref<32x100000xf32, #tpu.memory_space<hbm>> -> memref<32x128xf32, #tpu.memory_space<hbm>>
    tpu.wait_dma2 semaphore(%arg15 : memref<!tpu.dma_semaphore, #tpu.memory_space<semaphore_mem>>) src(%dma_wait3A_1602 : memref<32x128xf32, #tpu.memory_space<hbm>>) dst(%dma_wait3A_1600 : memref<32x128xf32, #tpu.memory_space<vmem>>)
    %dma_wait3A_1603 = arith.constant 1 : i32
    %dma_wait3A_1604 = arith.constant 0 : i32
    %dma_wait3A_1605 = arith.constant 0 : i32
    %dma_wait3A_1606 = tpu.memref_slice %arg12[%dma_wait3A_1603, %dma_wait3A_1604, %dma_wait3A_1605] : memref<100x32x128xf32, #tpu.memory_space<vmem>> -> memref<1x32x128xf32, #tpu.memory_space<vmem>>
    %dma_wait3A_1607 = tpu.memref_squeeze %dma_wait3A_1606 : memref<1x32x128xf32, #tpu.memory_space<vmem>> -> memref<32x128xf32, #tpu.memory_space<vmem>>
    %dma_wait3A_1608 = arith.constant 0 : i32
    %dma_wait3A_1609 = tpu.memref_slice %arg6[%dma_wait3A_1608, %multiple_of3A_15] : memref<32x100000xf32, #tpu.memory_space<hbm>> -> memref<32x128xf32, #tpu.memory_space<hbm>>
    tpu.wait_dma2 semaphore(%arg15 : memref<!tpu.dma_semaphore, #tpu.memory_space<semaphore_mem>>) src(%dma_wait3A_1609 : memref<32x128xf32, #tpu.memory_space<hbm>>) dst(%dma_wait3A_1607 : memref<32x128xf32, #tpu.memory_space<vmem>>)
    %dma_wait3A_1610 = arith.constant 2 : i32
    %dma_wait3A_1611 = arith.constant 0 : i32
    %dma_wait3A_1612 = arith.constant 0 : i32
    %dma_wait3A_1613 = tpu.memref_slice %arg12[%dma_wait3A_1610, %dma_wait3A_1611, %dma_wait3A_1612] : memref<100x32x128xf32, #tpu.memory_space<vmem>> -> memref<1x32x128xf32, #tpu.memory_space<vmem>>
    %dma_wait3A_1614 = tpu.memref_squeeze %dma_wait3A_1613 : memref<1x32x128xf32, #tpu.memory_space<vmem>> -> memref<32x128xf32, #tpu.memory_space<vmem>>
    %dma_wait3A_1615 = arith.constant 0 : i32
    %dma_wait3A_1616 = tpu.memref_slice %arg6[%dma_wait3A_1615, %multiple_of3A_24] : memref<32x100000xf32, #tpu.memory_space<hbm>> -> memref<32x128xf32, #tpu.memory_space<hbm>>
    tpu.wait_dma2 semaphore(%arg15 : memref<!tpu.dma_semaphore, #tpu.memory_space<semaphore_mem>>) src(%dma_wait3A_1616 : memref<32x128xf32, #tpu.memory_space<hbm>>) dst(%dma_wait3A_1614 : memref<32x128xf32, #tpu.memory_space<vmem>>)
    %dma_wait3A_1617 = arith.constant 3 : i32
    %dma_wait3A_1618 = arith.constant 0 : i32
    %dma_wait3A_1619 = arith.constant 0 : i32
    %dma_wait3A_1620 = tpu.memref_slice %arg12[%dma_wait3A_1617, %dma_wait3A_1618, %dma_wait3A_1619] : memref<100x32x128xf32, #tpu.memory_space<vmem>> -> memref<1x32x128xf32, #tpu.memory_space<vmem>>
    %dma_wait3A_1621 = tpu.memref_squeeze %dma_wait3A_1620 : memref<1x32x128xf32, #tpu.memory_space<vmem>> -> memref<32x128xf32, #tpu.memory_space<vmem>>
    %dma_wait3A_1622 = arith.constant 0 : i32
    %dma_wait3A_1623 = tpu.memref_slice %arg6[%dma_wait3A_1622, %multiple_of3A_33] : memref<32x100000xf32, #tpu.memory_space<hbm>> -> memref<32x128xf32, #tpu.memory_space<hbm>>
    tpu.wait_dma2 semaphore(%arg15 : memref<!tpu.dma_semaphore, #tpu.memory_space<semaphore_mem>>) src(%dma_wait3A_1623 : memref<32x128xf32, #tpu.memory_space<hbm>>) dst(%dma_wait3A_1621 : memref<32x128xf32, #tpu.memory_space<vmem>>)
    %dma_wait3A_1624 = arith.constant 4 : i32
    %dma_wait3A_1625 = arith.constant 0 : i32
    %dma_wait3A_1626 = arith.constant 0 : i32
    %dma_wait3A_1627 = tpu.memref_slice %arg12[%dma_wait3A_1624, %dma_wait3A_1625, %dma_wait3A_1626] : memref<100x32x128xf32, #tpu.memory_space<vmem>> -> memref<1x32x128xf32, #tpu.memory_space<vmem>>
    %dma_wait3A_1628 = tpu.memref_squeeze %dma_wait3A_1627 : memref<1x32x128xf32, #tpu.memory_space<vmem>> -> memref<32x128xf32, #tpu.memory_space<vmem>>
    %dma_wait3A_1629 = arith.constant 0 : i32
    %dma_wait3A_1630 = tpu.memref_slice %arg6[%dma_wait3A_1629, %multiple_of3A_42] : memref<32x100000xf32, #tpu.memory_space<hbm>> -> memref<32x128xf32, #tpu.memory_space<hbm>>
    tpu.wait_dma2 semaphore(%arg15 : memref<!tpu.dma_semaphore, #tpu.memory_space<semaphore_mem>>) src(%dma_wait3A_1630 : memref<32x128xf32, #tpu.memory_space<hbm>>) dst(%dma_wait3A_1628 : memref<32x128xf32, #tpu.memory_space<vmem>>)
    %dma_wait3A_1631 = arith.constant 5 : i32
    %dma_wait3A_1632 = arith.constant 0 : i32
    %dma_wait3A_1633 = arith.constant 0 : i32
    %dma_wait3A_1634 = tpu.memref_slice %arg12[%dma_wait3A_1631, %dma_wait3A_1632, %dma_wait3A_1633] : memref<100x32x128xf32, #tpu.memory_space<vmem>> -> memref<1x32x128xf32, #tpu.memory_space<vmem>>
    %dma_wait3A_1635 = tpu.memref_squeeze %dma_wait3A_1634 : memref<1x32x128xf32, #tpu.memory_space<vmem>> -> memref<32x128xf32, #tpu.memory_space<vmem>>
    %dma_wait3A_1636 = arith.constant 0 : i32
    %dma_wait3A_1637 = tpu.memref_slice %arg6[%dma_wait3A_1636, %multiple_of3A_51] : memref<32x100000xf32, #tpu.memory_space<hbm>> -> memref<32x128xf32, #tpu.memory_space<hbm>>
    tpu.wait_dma2 semaphore(%arg15 : memref<!tpu.dma_semaphore, #tpu.memory_space<semaphore_mem>>) src(%dma_wait3A_1637 : memref<32x128xf32, #tpu.memory_space<hbm>>) dst(%dma_wait3A_1635 : memref<32x128xf32, #tpu.memory_space<vmem>>)
    %dma_wait3A_1638 = arith.constant 6 : i32
    %dma_wait3A_1639 = arith.constant 0 : i32
    %dma_wait3A_1640 = arith.constant 0 : i32
    %dma_wait3A_1641 = tpu.memref_slice %arg12[%dma_wait3A_1638, %dma_wait3A_1639, %dma_wait3A_1640] : memref<100x32x128xf32, #tpu.memory_space<vmem>> -> memref<1x32x128xf32, #tpu.memory_space<vmem>>
    %dma_wait3A_1642 = tpu.memref_squeeze %dma_wait3A_1641 : memref<1x32x128xf32, #tpu.memory_space<vmem>> -> memref<32x128xf32, #tpu.memory_space<vmem>>
    %dma_wait3A_1643 = arith.constant 0 : i32
    %dma_wait3A_1644 = tpu.memref_slice %arg6[%dma_wait3A_1643, %multiple_of3A_60] : memref<32x100000xf32, #tpu.memory_space<hbm>> -> memref<32x128xf32, #tpu.memory_space<hbm>>
    tpu.wait_dma2 semaphore(%arg15 : memref<!tpu.dma_semaphore, #tpu.memory_space<semaphore_mem>>) src(%dma_wait3A_1644 : memref<32x128xf32, #tpu.memory_space<hbm>>) dst(%dma_wait3A_1642 : memref<32x128xf32, #tpu.memory_space<vmem>>)
    %dma_wait3A_1645 = arith.constant 7 : i32
    %dma_wait3A_1646 = arith.constant 0 : i32
    %dma_wait3A_1647 = arith.constant 0 : i32
    %dma_wait3A_1648 = tpu.memref_slice %arg12[%dma_wait3A_1645, %dma_wait3A_1646, %dma_wait3A_1647] : memref<100x32x128xf32, #tpu.memory_space<vmem>> -> memref<1x32x128xf32, #tpu.memory_space<vmem>>
    %dma_wait3A_1649 = tpu.memref_squeeze %dma_wait3A_1648 : memref<1x32x128xf32, #tpu.memory_space<vmem>> -> memref<32x128xf32, #tpu.memory_space<vmem>>
    %dma_wait3A_1650 = arith.constant 0 : i32
    %dma_wait3A_1651 = tpu.memref_slice %arg6[%dma_wait3A_1650, %multiple_of3A_69] : memref<32x100000xf32, #tpu.memory_space<hbm>> -> memref<32x128xf32, #tpu.memory_space<hbm>>
    tpu.wait_dma2 semaphore(%arg15 : memref<!tpu.dma_semaphore, #tpu.memory_space<semaphore_mem>>) src(%dma_wait3A_1651 : memref<32x128xf32, #tpu.memory_space<hbm>>) dst(%dma_wait3A_1649 : memref<32x128xf32, #tpu.memory_space<vmem>>)
    %dma_wait3A_1652 = arith.constant 8 : i32
    %dma_wait3A_1653 = arith.constant 0 : i32
    %dma_wait3A_1654 = arith.constant 0 : i32
    %dma_wait3A_1655 = tpu.memref_slice %arg12[%dma_wait3A_1652, %dma_wait3A_1653, %dma_wait3A_1654] : memref<100x32x128xf32, #tpu.memory_space<vmem>> -> memref<1x32x128xf32, #tpu.memory_space<vmem>>
    %dma_wait3A_1656 = tpu.memref_squeeze %dma_wait3A_1655 : memref<1x32x128xf32, #tpu.memory_space<vmem>> -> memref<32x128xf32, #tpu.memory_space<vmem>>
    %dma_wait3A_1657 = arith.constant 0 : i32
    %dma_wait3A_1658 = tpu.memref_slice %arg6[%dma_wait3A_1657, %multiple_of3A_78] : memref<32x100000xf32, #tpu.memory_space<hbm>> -> memref<32x128xf32, #tpu.memory_space<hbm>>
    tpu.wait_dma2 semaphore(%arg15 : memref<!tpu.dma_semaphore, #tpu.memory_space<semaphore_mem>>) src(%dma_wait3A_1658 : memref<32x128xf32, #tpu.memory_space<hbm>>) dst(%dma_wait3A_1656 : memref<32x128xf32, #tpu.memory_space<vmem>>)
    %dma_wait3A_1659 = arith.constant 9 : i32
    %dma_wait3A_1660 = arith.constant 0 : i32
    %dma_wait3A_1661 = arith.constant 0 : i32
    %dma_wait3A_1662 = tpu.memref_slice %arg12[%dma_wait3A_1659, %dma_wait3A_1660, %dma_wait3A_1661] : memref<100x32x128xf32, #tpu.memory_space<vmem>> -> memref<1x32x128xf32, #tpu.memory_space<vmem>>
    %dma_wait3A_1663 = tpu.memref_squeeze %dma_wait3A_1662 : memref<1x32x128xf32, #tpu.memory_space<vmem>> -> memref<32x128xf32, #tpu.memory_space<vmem>>
    %dma_wait3A_1664 = arith.constant 0 : i32
    %dma_wait3A_1665 = tpu.memref_slice %arg6[%dma_wait3A_1664, %multiple_of3A_87] : memref<32x100000xf32, #tpu.memory_space<hbm>> -> memref<32x128xf32, #tpu.memory_space<hbm>>
    tpu.wait_dma2 semaphore(%arg15 : memref<!tpu.dma_semaphore, #tpu.memory_space<semaphore_mem>>) src(%dma_wait3A_1665 : memref<32x128xf32, #tpu.memory_space<hbm>>) dst(%dma_wait3A_1663 : memref<32x128xf32, #tpu.memory_space<vmem>>)
    %dma_wait3A_1666 = arith.constant 10 : i32
    %dma_wait3A_1667 = arith.constant 0 : i32
    %dma_wait3A_1668 = arith.constant 0 : i32
    %dma_wait3A_1669 = tpu.memref_slice %arg12[%dma_wait3A_1666, %dma_wait3A_1667, %dma_wait3A_1668] : memref<100x32x128xf32, #tpu.memory_space<vmem>> -> memref<1x32x128xf32, #tpu.memory_space<vmem>>
    %dma_wait3A_1670 = tpu.memref_squeeze %dma_wait3A_1669 : memref<1x32x128xf32, #tpu.memory_space<vmem>> -> memref<32x128xf32, #tpu.memory_space<vmem>>
    %dma_wait3A_1671 = arith.constant 0 : i32
    %dma_wait3A_1672 = tpu.memref_slice %arg6[%dma_wait3A_1671, %multiple_of3A_96] : memref<32x100000xf32, #tpu.memory_space<hbm>> -> memref<32x128xf32, #tpu.memory_space<hbm>>
    tpu.wait_dma2 semaphore(%arg15 : memref<!tpu.dma_semaphore, #tpu.memory_space<semaphore_mem>>) src(%dma_wait3A_1672 : memref<32x128xf32, #tpu.memory_space<hbm>>) dst(%dma_wait3A_1670 : memref<32x128xf32, #tpu.memory_space<vmem>>)
    %dma_wait3A_1673 = arith.constant 11 : i32
    %dma_wait3A_1674 = arith.constant 0 : i32
    %dma_wait3A_1675 = arith.constant 0 : i32
    %dma_wait3A_1676 = tpu.memref_slice %arg12[%dma_wait3A_1673, %dma_wait3A_1674, %dma_wait3A_1675] : memref<100x32x128xf32, #tpu.memory_space<vmem>> -> memref<1x32x128xf32, #tpu.memory_space<vmem>>
    %dma_wait3A_1677 = tpu.memref_squeeze %dma_wait3A_1676 : memref<1x32x128xf32, #tpu.memory_space<vmem>> -> memref<32x128xf32, #tpu.memory_space<vmem>>
    %dma_wait3A_1678 = arith.constant 0 : i32
    %dma_wait3A_1679 = tpu.memref_slice %arg6[%dma_wait3A_1678, %multiple_of3A_105] : memref<32x100000xf32, #tpu.memory_space<hbm>> -> memref<32x128xf32, #tpu.memory_space<hbm>>
    tpu.wait_dma2 semaphore(%arg15 : memref<!tpu.dma_semaphore, #tpu.memory_space<semaphore_mem>>) src(%dma_wait3A_1679 : memref<32x128xf32, #tpu.memory_space<hbm>>) dst(%dma_wait3A_1677 : memref<32x128xf32, #tpu.memory_space<vmem>>)
    %dma_wait3A_1680 = arith.constant 12 : i32
    %dma_wait3A_1681 = arith.constant 0 : i32
    %dma_wait3A_1682 = arith.constant 0 : i32
    %dma_wait3A_1683 = tpu.memref_slice %arg12[%dma_wait3A_1680, %dma_wait3A_1681, %dma_wait3A_1682] : memref<100x32x128xf32, #tpu.memory_space<vmem>> -> memref<1x32x128xf32, #tpu.memory_space<vmem>>
    %dma_wait3A_1684 = tpu.memref_squeeze %dma_wait3A_1683 : memref<1x32x128xf32, #tpu.memory_space<vmem>> -> memref<32x128xf32, #tpu.memory_space<vmem>>
    %dma_wait3A_1685 = arith.constant 0 : i32
    %dma_wait3A_1686 = tpu.memref_slice %arg6[%dma_wait3A_1685, %multiple_of3A_114] : memref<32x100000xf32, #tpu.memory_space<hbm>> -> memref<32x128xf32, #tpu.memory_space<hbm>>
    tpu.wait_dma2 semaphore(%arg15 : memref<!tpu.dma_semaphore, #tpu.memory_space<semaphore_mem>>) src(%dma_wait3A_1686 : memref<32x128xf32, #tpu.memory_space<hbm>>) dst(%dma_wait3A_1684 : memref<32x128xf32, #tpu.memory_space<vmem>>)
    %dma_wait3A_1687 = arith.constant 13 : i32
    %dma_wait3A_1688 = arith.constant 0 : i32
    %dma_wait3A_1689 = arith.constant 0 : i32
    %dma_wait3A_1690 = tpu.memref_slice %arg12[%dma_wait3A_1687, %dma_wait3A_1688, %dma_wait3A_1689] : memref<100x32x128xf32, #tpu.memory_space<vmem>> -> memref<1x32x128xf32, #tpu.memory_space<vmem>>
    %dma_wait3A_1691 = tpu.memref_squeeze %dma_wait3A_1690 : memref<1x32x128xf32, #tpu.memory_space<vmem>> -> memref<32x128xf32, #tpu.memory_space<vmem>>
    %dma_wait3A_1692 = arith.constant 0 : i32
    %dma_wait3A_1693 = tpu.memref_slice %arg6[%dma_wait3A_1692, %multiple_of3A_123] : memref<32x100000xf32, #tpu.memory_space<hbm>> -> memref<32x128xf32, #tpu.memory_space<hbm>>
    tpu.wait_dma2 semaphore(%arg15 : memref<!tpu.dma_semaphore, #tpu.memory_space<semaphore_mem>>) src(%dma_wait3A_1693 : memref<32x128xf32, #tpu.memory_space<hbm>>) dst(%dma_wait3A_1691 : memref<32x128xf32, #tpu.memory_space<vmem>>)
    %dma_wait3A_1694 = arith.constant 14 : i32
    %dma_wait3A_1695 = arith.constant 0 : i32
    %dma_wait3A_1696 = arith.constant 0 : i32
    %dma_wait3A_1697 = tpu.memref_slice %arg12[%dma_wait3A_1694, %dma_wait3A_1695, %dma_wait3A_1696] : memref<100x32x128xf32, #tpu.memory_space<vmem>> -> memref<1x32x128xf32, #tpu.memory_space<vmem>>
    %dma_wait3A_1698 = tpu.memref_squeeze %dma_wait3A_1697 : memref<1x32x128xf32, #tpu.memory_space<vmem>> -> memref<32x128xf32, #tpu.memory_space<vmem>>
    %dma_wait3A_1699 = arith.constant 0 : i32
    %dma_wait3A_1700 = tpu.memref_slice %arg6[%dma_wait3A_1699, %multiple_of3A_132] : memref<32x100000xf32, #tpu.memory_space<hbm>> -> memref<32x128xf32, #tpu.memory_space<hbm>>
    tpu.wait_dma2 semaphore(%arg15 : memref<!tpu.dma_semaphore, #tpu.memory_space<semaphore_mem>>) src(%dma_wait3A_1700 : memref<32x128xf32, #tpu.memory_space<hbm>>) dst(%dma_wait3A_1698 : memref<32x128xf32, #tpu.memory_space<vmem>>)
    %dma_wait3A_1701 = arith.constant 15 : i32
    %dma_wait3A_1702 = arith.constant 0 : i32
    %dma_wait3A_1703 = arith.constant 0 : i32
    %dma_wait3A_1704 = tpu.memref_slice %arg12[%dma_wait3A_1701, %dma_wait3A_1702, %dma_wait3A_1703] : memref<100x32x128xf32, #tpu.memory_space<vmem>> -> memref<1x32x128xf32, #tpu.memory_space<vmem>>
    %dma_wait3A_1705 = tpu.memref_squeeze %dma_wait3A_1704 : memref<1x32x128xf32, #tpu.memory_space<vmem>> -> memref<32x128xf32, #tpu.memory_space<vmem>>
    %dma_wait3A_1706 = arith.constant 0 : i32
    %dma_wait3A_1707 = tpu.memref_slice %arg6[%dma_wait3A_1706, %multiple_of3A_141] : memref<32x100000xf32, #tpu.memory_space<hbm>> -> memref<32x128xf32, #tpu.memory_space<hbm>>
    tpu.wait_dma2 semaphore(%arg15 : memref<!tpu.dma_semaphore, #tpu.memory_space<semaphore_mem>>) src(%dma_wait3A_1707 : memref<32x128xf32, #tpu.memory_space<hbm>>) dst(%dma_wait3A_1705 : memref<32x128xf32, #tpu.memory_space<vmem>>)
    %dma_wait3A_1708 = arith.constant 16 : i32
    %dma_wait3A_1709 = arith.constant 0 : i32
    %dma_wait3A_1710 = arith.constant 0 : i32
    %dma_wait3A_1711 = tpu.memref_slice %arg12[%dma_wait3A_1708, %dma_wait3A_1709, %dma_wait3A_1710] : memref<100x32x128xf32, #tpu.memory_space<vmem>> -> memref<1x32x128xf32, #tpu.memory_space<vmem>>
    %dma_wait3A_1712 = tpu.memref_squeeze %dma_wait3A_1711 : memref<1x32x128xf32, #tpu.memory_space<vmem>> -> memref<32x128xf32, #tpu.memory_space<vmem>>
    %dma_wait3A_1713 = arith.constant 0 : i32
    %dma_wait3A_1714 = tpu.memref_slice %arg6[%dma_wait3A_1713, %multiple_of3A_150] : memref<32x100000xf32, #tpu.memory_space<hbm>> -> memref<32x128xf32, #tpu.memory_space<hbm>>
    tpu.wait_dma2 semaphore(%arg15 : memref<!tpu.dma_semaphore, #tpu.memory_space<semaphore_mem>>) src(%dma_wait3A_1714 : memref<32x128xf32, #tpu.memory_space<hbm>>) dst(%dma_wait3A_1712 : memref<32x128xf32, #tpu.memory_space<vmem>>)
    %dma_wait3A_1715 = arith.constant 17 : i32
    %dma_wait3A_1716 = arith.constant 0 : i32
    %dma_wait3A_1717 = arith.constant 0 : i32
    %dma_wait3A_1718 = tpu.memref_slice %arg12[%dma_wait3A_1715, %dma_wait3A_1716, %dma_wait3A_1717] : memref<100x32x128xf32, #tpu.memory_space<vmem>> -> memref<1x32x128xf32, #tpu.memory_space<vmem>>
    %dma_wait3A_1719 = tpu.memref_squeeze %dma_wait3A_1718 : memref<1x32x128xf32, #tpu.memory_space<vmem>> -> memref<32x128xf32, #tpu.memory_space<vmem>>
    %dma_wait3A_1720 = arith.constant 0 : i32
    %dma_wait3A_1721 = tpu.memref_slice %arg6[%dma_wait3A_1720, %multiple_of3A_159] : memref<32x100000xf32, #tpu.memory_space<hbm>> -> memref<32x128xf32, #tpu.memory_space<hbm>>
    tpu.wait_dma2 semaphore(%arg15 : memref<!tpu.dma_semaphore, #tpu.memory_space<semaphore_mem>>) src(%dma_wait3A_1721 : memref<32x128xf32, #tpu.memory_space<hbm>>) dst(%dma_wait3A_1719 : memref<32x128xf32, #tpu.memory_space<vmem>>)
    %dma_wait3A_1722 = arith.constant 18 : i32
    %dma_wait3A_1723 = arith.constant 0 : i32
    %dma_wait3A_1724 = arith.constant 0 : i32
    %dma_wait3A_1725 = tpu.memref_slice %arg12[%dma_wait3A_1722, %dma_wait3A_1723, %dma_wait3A_1724] : memref<100x32x128xf32, #tpu.memory_space<vmem>> -> memref<1x32x128xf32, #tpu.memory_space<vmem>>
    %dma_wait3A_1726 = tpu.memref_squeeze %dma_wait3A_1725 : memref<1x32x128xf32, #tpu.memory_space<vmem>> -> memref<32x128xf32, #tpu.memory_space<vmem>>
    %dma_wait3A_1727 = arith.constant 0 : i32
    %dma_wait3A_1728 = tpu.memref_slice %arg6[%dma_wait3A_1727, %multiple_of3A_168] : memref<32x100000xf32, #tpu.memory_space<hbm>> -> memref<32x128xf32, #tpu.memory_space<hbm>>
    tpu.wait_dma2 semaphore(%arg15 : memref<!tpu.dma_semaphore, #tpu.memory_space<semaphore_mem>>) src(%dma_wait3A_1728 : memref<32x128xf32, #tpu.memory_space<hbm>>) dst(%dma_wait3A_1726 : memref<32x128xf32, #tpu.memory_space<vmem>>)
    %dma_wait3A_1729 = arith.constant 19 : i32
    %dma_wait3A_1730 = arith.constant 0 : i32
    %dma_wait3A_1731 = arith.constant 0 : i32
    %dma_wait3A_1732 = tpu.memref_slice %arg12[%dma_wait3A_1729, %dma_wait3A_1730, %dma_wait3A_1731] : memref<100x32x128xf32, #tpu.memory_space<vmem>> -> memref<1x32x128xf32, #tpu.memory_space<vmem>>
    %dma_wait3A_1733 = tpu.memref_squeeze %dma_wait3A_1732 : memref<1x32x128xf32, #tpu.memory_space<vmem>> -> memref<32x128xf32, #tpu.memory_space<vmem>>
    %dma_wait3A_1734 = arith.constant 0 : i32
    %dma_wait3A_1735 = tpu.memref_slice %arg6[%dma_wait3A_1734, %multiple_of3A_177] : memref<32x100000xf32, #tpu.memory_space<hbm>> -> memref<32x128xf32, #tpu.memory_space<hbm>>
    tpu.wait_dma2 semaphore(%arg15 : memref<!tpu.dma_semaphore, #tpu.memory_space<semaphore_mem>>) src(%dma_wait3A_1735 : memref<32x128xf32, #tpu.memory_space<hbm>>) dst(%dma_wait3A_1733 : memref<32x128xf32, #tpu.memory_space<vmem>>)
    %dma_wait3A_1736 = arith.constant 20 : i32
    %dma_wait3A_1737 = arith.constant 0 : i32
    %dma_wait3A_1738 = arith.constant 0 : i32
    %dma_wait3A_1739 = tpu.memref_slice %arg12[%dma_wait3A_1736, %dma_wait3A_1737, %dma_wait3A_1738] : memref<100x32x128xf32, #tpu.memory_space<vmem>> -> memref<1x32x128xf32, #tpu.memory_space<vmem>>
    %dma_wait3A_1740 = tpu.memref_squeeze %dma_wait3A_1739 : memref<1x32x128xf32, #tpu.memory_space<vmem>> -> memref<32x128xf32, #tpu.memory_space<vmem>>
    %dma_wait3A_1741 = arith.constant 0 : i32
    %dma_wait3A_1742 = tpu.memref_slice %arg6[%dma_wait3A_1741, %multiple_of3A_186] : memref<32x100000xf32, #tpu.memory_space<hbm>> -> memref<32x128xf32, #tpu.memory_space<hbm>>
    tpu.wait_dma2 semaphore(%arg15 : memref<!tpu.dma_semaphore, #tpu.memory_space<semaphore_mem>>) src(%dma_wait3A_1742 : memref<32x128xf32, #tpu.memory_space<hbm>>) dst(%dma_wait3A_1740 : memref<32x128xf32, #tpu.memory_space<vmem>>)
    %dma_wait3A_1743 = arith.constant 21 : i32
    %dma_wait3A_1744 = arith.constant 0 : i32
    %dma_wait3A_1745 = arith.constant 0 : i32
    %dma_wait3A_1746 = tpu.memref_slice %arg12[%dma_wait3A_1743, %dma_wait3A_1744, %dma_wait3A_1745] : memref<100x32x128xf32, #tpu.memory_space<vmem>> -> memref<1x32x128xf32, #tpu.memory_space<vmem>>
    %dma_wait3A_1747 = tpu.memref_squeeze %dma_wait3A_1746 : memref<1x32x128xf32, #tpu.memory_space<vmem>> -> memref<32x128xf32, #tpu.memory_space<vmem>>
    %dma_wait3A_1748 = arith.constant 0 : i32
    %dma_wait3A_1749 = tpu.memref_slice %arg6[%dma_wait3A_1748, %multiple_of3A_195] : memref<32x100000xf32, #tpu.memory_space<hbm>> -> memref<32x128xf32, #tpu.memory_space<hbm>>
    tpu.wait_dma2 semaphore(%arg15 : memref<!tpu.dma_semaphore, #tpu.memory_space<semaphore_mem>>) src(%dma_wait3A_1749 : memref<32x128xf32, #tpu.memory_space<hbm>>) dst(%dma_wait3A_1747 : memref<32x128xf32, #tpu.memory_space<vmem>>)
    %dma_wait3A_1750 = arith.constant 22 : i32
    %dma_wait3A_1751 = arith.constant 0 : i32
    %dma_wait3A_1752 = arith.constant 0 : i32
    %dma_wait3A_1753 = tpu.memref_slice %arg12[%dma_wait3A_1750, %dma_wait3A_1751, %dma_wait3A_1752] : memref<100x32x128xf32, #tpu.memory_space<vmem>> -> memref<1x32x128xf32, #tpu.memory_space<vmem>>
    %dma_wait3A_1754 = tpu.memref_squeeze %dma_wait3A_1753 : memref<1x32x128xf32, #tpu.memory_space<vmem>> -> memref<32x128xf32, #tpu.memory_space<vmem>>
    %dma_wait3A_1755 = arith.constant 0 : i32
    %dma_wait3A_1756 = tpu.memref_slice %arg6[%dma_wait3A_1755, %multiple_of3A_204] : memref<32x100000xf32, #tpu.memory_space<hbm>> -> memref<32x128xf32, #tpu.memory_space<hbm>>
    tpu.wait_dma2 semaphore(%arg15 : memref<!tpu.dma_semaphore, #tpu.memory_space<semaphore_mem>>) src(%dma_wait3A_1756 : memref<32x128xf32, #tpu.memory_space<hbm>>) dst(%dma_wait3A_1754 : memref<32x128xf32, #tpu.memory_space<vmem>>)
    %dma_wait3A_1757 = arith.constant 23 : i32
    %dma_wait3A_1758 = arith.constant 0 : i32
    %dma_wait3A_1759 = arith.constant 0 : i32
    %dma_wait3A_1760 = tpu.memref_slice %arg12[%dma_wait3A_1757, %dma_wait3A_1758, %dma_wait3A_1759] : memref<100x32x128xf32, #tpu.memory_space<vmem>> -> memref<1x32x128xf32, #tpu.memory_space<vmem>>
    %dma_wait3A_1761 = tpu.memref_squeeze %dma_wait3A_1760 : memref<1x32x128xf32, #tpu.memory_space<vmem>> -> memref<32x128xf32, #tpu.memory_space<vmem>>
    %dma_wait3A_1762 = arith.constant 0 : i32
    %dma_wait3A_1763 = tpu.memref_slice %arg6[%dma_wait3A_1762, %multiple_of3A_213] : memref<32x100000xf32, #tpu.memory_space<hbm>> -> memref<32x128xf32, #tpu.memory_space<hbm>>
    tpu.wait_dma2 semaphore(%arg15 : memref<!tpu.dma_semaphore, #tpu.memory_space<semaphore_mem>>) src(%dma_wait3A_1763 : memref<32x128xf32, #tpu.memory_space<hbm>>) dst(%dma_wait3A_1761 : memref<32x128xf32, #tpu.memory_space<vmem>>)
    %dma_wait3A_1764 = arith.constant 24 : i32
    %dma_wait3A_1765 = arith.constant 0 : i32
    %dma_wait3A_1766 = arith.constant 0 : i32
    %dma_wait3A_1767 = tpu.memref_slice %arg12[%dma_wait3A_1764, %dma_wait3A_1765, %dma_wait3A_1766] : memref<100x32x128xf32, #tpu.memory_space<vmem>> -> memref<1x32x128xf32, #tpu.memory_space<vmem>>
    %dma_wait3A_1768 = tpu.memref_squeeze %dma_wait3A_1767 : memref<1x32x128xf32, #tpu.memory_space<vmem>> -> memref<32x128xf32, #tpu.memory_space<vmem>>
    %dma_wait3A_1769 = arith.constant 0 : i32
    %dma_wait3A_1770 = tpu.memref_slice %arg6[%dma_wait3A_1769, %multiple_of3A_222] : memref<32x100000xf32, #tpu.memory_space<hbm>> -> memref<32x128xf32, #tpu.memory_space<hbm>>
    tpu.wait_dma2 semaphore(%arg15 : memref<!tpu.dma_semaphore, #tpu.memory_space<semaphore_mem>>) src(%dma_wait3A_1770 : memref<32x128xf32, #tpu.memory_space<hbm>>) dst(%dma_wait3A_1768 : memref<32x128xf32, #tpu.memory_space<vmem>>)
    %dma_wait3A_1771 = arith.constant 25 : i32
    %dma_wait3A_1772 = arith.constant 0 : i32
    %dma_wait3A_1773 = arith.constant 0 : i32
    %dma_wait3A_1774 = tpu.memref_slice %arg12[%dma_wait3A_1771, %dma_wait3A_1772, %dma_wait3A_1773] : memref<100x32x128xf32, #tpu.memory_space<vmem>> -> memref<1x32x128xf32, #tpu.memory_space<vmem>>
    %dma_wait3A_1775 = tpu.memref_squeeze %dma_wait3A_1774 : memref<1x32x128xf32, #tpu.memory_space<vmem>> -> memref<32x128xf32, #tpu.memory_space<vmem>>
    %dma_wait3A_1776 = arith.constant 0 : i32
    %dma_wait3A_1777 = tpu.memref_slice %arg6[%dma_wait3A_1776, %multiple_of3A_231] : memref<32x100000xf32, #tpu.memory_space<hbm>> -> memref<32x128xf32, #tpu.memory_space<hbm>>
    tpu.wait_dma2 semaphore(%arg15 : memref<!tpu.dma_semaphore, #tpu.memory_space<semaphore_mem>>) src(%dma_wait3A_1777 : memref<32x128xf32, #tpu.memory_space<hbm>>) dst(%dma_wait3A_1775 : memref<32x128xf32, #tpu.memory_space<vmem>>)
    %dma_wait3A_1778 = arith.constant 26 : i32
    %dma_wait3A_1779 = arith.constant 0 : i32
    %dma_wait3A_1780 = arith.constant 0 : i32
    %dma_wait3A_1781 = tpu.memref_slice %arg12[%dma_wait3A_1778, %dma_wait3A_1779, %dma_wait3A_1780] : memref<100x32x128xf32, #tpu.memory_space<vmem>> -> memref<1x32x128xf32, #tpu.memory_space<vmem>>
    %dma_wait3A_1782 = tpu.memref_squeeze %dma_wait3A_1781 : memref<1x32x128xf32, #tpu.memory_space<vmem>> -> memref<32x128xf32, #tpu.memory_space<vmem>>
    %dma_wait3A_1783 = arith.constant 0 : i32
    %dma_wait3A_1784 = tpu.memref_slice %arg6[%dma_wait3A_1783, %multiple_of3A_240] : memref<32x100000xf32, #tpu.memory_space<hbm>> -> memref<32x128xf32, #tpu.memory_space<hbm>>
    tpu.wait_dma2 semaphore(%arg15 : memref<!tpu.dma_semaphore, #tpu.memory_space<semaphore_mem>>) src(%dma_wait3A_1784 : memref<32x128xf32, #tpu.memory_space<hbm>>) dst(%dma_wait3A_1782 : memref<32x128xf32, #tpu.memory_space<vmem>>)
    %dma_wait3A_1785 = arith.constant 27 : i32
    %dma_wait3A_1786 = arith.constant 0 : i32
    %dma_wait3A_1787 = arith.constant 0 : i32
    %dma_wait3A_1788 = tpu.memref_slice %arg12[%dma_wait3A_1785, %dma_wait3A_1786, %dma_wait3A_1787] : memref<100x32x128xf32, #tpu.memory_space<vmem>> -> memref<1x32x128xf32, #tpu.memory_space<vmem>>
    %dma_wait3A_1789 = tpu.memref_squeeze %dma_wait3A_1788 : memref<1x32x128xf32, #tpu.memory_space<vmem>> -> memref<32x128xf32, #tpu.memory_space<vmem>>
    %dma_wait3A_1790 = arith.constant 0 : i32
    %dma_wait3A_1791 = tpu.memref_slice %arg6[%dma_wait3A_1790, %multiple_of3A_249] : memref<32x100000xf32, #tpu.memory_space<hbm>> -> memref<32x128xf32, #tpu.memory_space<hbm>>
    tpu.wait_dma2 semaphore(%arg15 : memref<!tpu.dma_semaphore, #tpu.memory_space<semaphore_mem>>) src(%dma_wait3A_1791 : memref<32x128xf32, #tpu.memory_space<hbm>>) dst(%dma_wait3A_1789 : memref<32x128xf32, #tpu.memory_space<vmem>>)
    %dma_wait3A_1792 = arith.constant 28 : i32
    %dma_wait3A_1793 = arith.constant 0 : i32
    %dma_wait3A_1794 = arith.constant 0 : i32
    %dma_wait3A_1795 = tpu.memref_slice %arg12[%dma_wait3A_1792, %dma_wait3A_1793, %dma_wait3A_1794] : memref<100x32x128xf32, #tpu.memory_space<vmem>> -> memref<1x32x128xf32, #tpu.memory_space<vmem>>
    %dma_wait3A_1796 = tpu.memref_squeeze %dma_wait3A_1795 : memref<1x32x128xf32, #tpu.memory_space<vmem>> -> memref<32x128xf32, #tpu.memory_space<vmem>>
    %dma_wait3A_1797 = arith.constant 0 : i32
    %dma_wait3A_1798 = tpu.memref_slice %arg6[%dma_wait3A_1797, %multiple_of3A_258] : memref<32x100000xf32, #tpu.memory_space<hbm>> -> memref<32x128xf32, #tpu.memory_space<hbm>>
    tpu.wait_dma2 semaphore(%arg15 : memref<!tpu.dma_semaphore, #tpu.memory_space<semaphore_mem>>) src(%dma_wait3A_1798 : memref<32x128xf32, #tpu.memory_space<hbm>>) dst(%dma_wait3A_1796 : memref<32x128xf32, #tpu.memory_space<vmem>>)
    %dma_wait3A_1799 = arith.constant 29 : i32
    %dma_wait3A_1800 = arith.constant 0 : i32
    %dma_wait3A_1801 = arith.constant 0 : i32
    %dma_wait3A_1802 = tpu.memref_slice %arg12[%dma_wait3A_1799, %dma_wait3A_1800, %dma_wait3A_1801] : memref<100x32x128xf32, #tpu.memory_space<vmem>> -> memref<1x32x128xf32, #tpu.memory_space<vmem>>
    %dma_wait3A_1803 = tpu.memref_squeeze %dma_wait3A_1802 : memref<1x32x128xf32, #tpu.memory_space<vmem>> -> memref<32x128xf32, #tpu.memory_space<vmem>>
    %dma_wait3A_1804 = arith.constant 0 : i32
    %dma_wait3A_1805 = tpu.memref_slice %arg6[%dma_wait3A_1804, %multiple_of3A_267] : memref<32x100000xf32, #tpu.memory_space<hbm>> -> memref<32x128xf32, #tpu.memory_space<hbm>>
    tpu.wait_dma2 semaphore(%arg15 : memref<!tpu.dma_semaphore, #tpu.memory_space<semaphore_mem>>) src(%dma_wait3A_1805 : memref<32x128xf32, #tpu.memory_space<hbm>>) dst(%dma_wait3A_1803 : memref<32x128xf32, #tpu.memory_space<vmem>>)
    %dma_wait3A_1806 = arith.constant 30 : i32
    %dma_wait3A_1807 = arith.constant 0 : i32
    %dma_wait3A_1808 = arith.constant 0 : i32
    %dma_wait3A_1809 = tpu.memref_slice %arg12[%dma_wait3A_1806, %dma_wait3A_1807, %dma_wait3A_1808] : memref<100x32x128xf32, #tpu.memory_space<vmem>> -> memref<1x32x128xf32, #tpu.memory_space<vmem>>
    %dma_wait3A_1810 = tpu.memref_squeeze %dma_wait3A_1809 : memref<1x32x128xf32, #tpu.memory_space<vmem>> -> memref<32x128xf32, #tpu.memory_space<vmem>>
    %dma_wait3A_1811 = arith.constant 0 : i32
    %dma_wait3A_1812 = tpu.memref_slice %arg6[%dma_wait3A_1811, %multiple_of3A_276] : memref<32x100000xf32, #tpu.memory_space<hbm>> -> memref<32x128xf32, #tpu.memory_space<hbm>>
    tpu.wait_dma2 semaphore(%arg15 : memref<!tpu.dma_semaphore, #tpu.memory_space<semaphore_mem>>) src(%dma_wait3A_1812 : memref<32x128xf32, #tpu.memory_space<hbm>>) dst(%dma_wait3A_1810 : memref<32x128xf32, #tpu.memory_space<vmem>>)
    %dma_wait3A_1813 = arith.constant 31 : i32
    %dma_wait3A_1814 = arith.constant 0 : i32
    %dma_wait3A_1815 = arith.constant 0 : i32
    %dma_wait3A_1816 = tpu.memref_slice %arg12[%dma_wait3A_1813, %dma_wait3A_1814, %dma_wait3A_1815] : memref<100x32x128xf32, #tpu.memory_space<vmem>> -> memref<1x32x128xf32, #tpu.memory_space<vmem>>
    %dma_wait3A_1817 = tpu.memref_squeeze %dma_wait3A_1816 : memref<1x32x128xf32, #tpu.memory_space<vmem>> -> memref<32x128xf32, #tpu.memory_space<vmem>>
    %dma_wait3A_1818 = arith.constant 0 : i32
    %dma_wait3A_1819 = tpu.memref_slice %arg6[%dma_wait3A_1818, %multiple_of3A_285] : memref<32x100000xf32, #tpu.memory_space<hbm>> -> memref<32x128xf32, #tpu.memory_space<hbm>>
    tpu.wait_dma2 semaphore(%arg15 : memref<!tpu.dma_semaphore, #tpu.memory_space<semaphore_mem>>) src(%dma_wait3A_1819 : memref<32x128xf32, #tpu.memory_space<hbm>>) dst(%dma_wait3A_1817 : memref<32x128xf32, #tpu.memory_space<vmem>>)
    %dma_wait3A_1820 = arith.constant 32 : i32
    %dma_wait3A_1821 = arith.constant 0 : i32
    %dma_wait3A_1822 = arith.constant 0 : i32
    %dma_wait3A_1823 = tpu.memref_slice %arg12[%dma_wait3A_1820, %dma_wait3A_1821, %dma_wait3A_1822] : memref<100x32x128xf32, #tpu.memory_space<vmem>> -> memref<1x32x128xf32, #tpu.memory_space<vmem>>
    %dma_wait3A_1824 = tpu.memref_squeeze %dma_wait3A_1823 : memref<1x32x128xf32, #tpu.memory_space<vmem>> -> memref<32x128xf32, #tpu.memory_space<vmem>>
    %dma_wait3A_1825 = arith.constant 0 : i32
    %dma_wait3A_1826 = tpu.memref_slice %arg6[%dma_wait3A_1825, %multiple_of3A_294] : memref<32x100000xf32, #tpu.memory_space<hbm>> -> memref<32x128xf32, #tpu.memory_space<hbm>>
    tpu.wait_dma2 semaphore(%arg15 : memref<!tpu.dma_semaphore, #tpu.memory_space<semaphore_mem>>) src(%dma_wait3A_1826 : memref<32x128xf32, #tpu.memory_space<hbm>>) dst(%dma_wait3A_1824 : memref<32x128xf32, #tpu.memory_space<vmem>>)
    %dma_wait3A_1827 = arith.constant 33 : i32
    %dma_wait3A_1828 = arith.constant 0 : i32
    %dma_wait3A_1829 = arith.constant 0 : i32
    %dma_wait3A_1830 = tpu.memref_slice %arg12[%dma_wait3A_1827, %dma_wait3A_1828, %dma_wait3A_1829] : memref<100x32x128xf32, #tpu.memory_space<vmem>> -> memref<1x32x128xf32, #tpu.memory_space<vmem>>
    %dma_wait3A_1831 = tpu.memref_squeeze %dma_wait3A_1830 : memref<1x32x128xf32, #tpu.memory_space<vmem>> -> memref<32x128xf32, #tpu.memory_space<vmem>>
    %dma_wait3A_1832 = arith.constant 0 : i32
    %dma_wait3A_1833 = tpu.memref_slice %arg6[%dma_wait3A_1832, %multiple_of3A_303] : memref<32x100000xf32, #tpu.memory_space<hbm>> -> memref<32x128xf32, #tpu.memory_space<hbm>>
    tpu.wait_dma2 semaphore(%arg15 : memref<!tpu.dma_semaphore, #tpu.memory_space<semaphore_mem>>) src(%dma_wait3A_1833 : memref<32x128xf32, #tpu.memory_space<hbm>>) dst(%dma_wait3A_1831 : memref<32x128xf32, #tpu.memory_space<vmem>>)
    %dma_wait3A_1834 = arith.constant 34 : i32
    %dma_wait3A_1835 = arith.constant 0 : i32
    %dma_wait3A_1836 = arith.constant 0 : i32
    %dma_wait3A_1837 = tpu.memref_slice %arg12[%dma_wait3A_1834, %dma_wait3A_1835, %dma_wait3A_1836] : memref<100x32x128xf32, #tpu.memory_space<vmem>> -> memref<1x32x128xf32, #tpu.memory_space<vmem>>
    %dma_wait3A_1838 = tpu.memref_squeeze %dma_wait3A_1837 : memref<1x32x128xf32, #tpu.memory_space<vmem>> -> memref<32x128xf32, #tpu.memory_space<vmem>>
    %dma_wait3A_1839 = arith.constant 0 : i32
    %dma_wait3A_1840 = tpu.memref_slice %arg6[%dma_wait3A_1839, %multiple_of3A_312] : memref<32x100000xf32, #tpu.memory_space<hbm>> -> memref<32x128xf32, #tpu.memory_space<hbm>>
    tpu.wait_dma2 semaphore(%arg15 : memref<!tpu.dma_semaphore, #tpu.memory_space<semaphore_mem>>) src(%dma_wait3A_1840 : memref<32x128xf32, #tpu.memory_space<hbm>>) dst(%dma_wait3A_1838 : memref<32x128xf32, #tpu.memory_space<vmem>>)
    %dma_wait3A_1841 = arith.constant 35 : i32
    %dma_wait3A_1842 = arith.constant 0 : i32
    %dma_wait3A_1843 = arith.constant 0 : i32
    %dma_wait3A_1844 = tpu.memref_slice %arg12[%dma_wait3A_1841, %dma_wait3A_1842, %dma_wait3A_1843] : memref<100x32x128xf32, #tpu.memory_space<vmem>> -> memref<1x32x128xf32, #tpu.memory_space<vmem>>
    %dma_wait3A_1845 = tpu.memref_squeeze %dma_wait3A_1844 : memref<1x32x128xf32, #tpu.memory_space<vmem>> -> memref<32x128xf32, #tpu.memory_space<vmem>>
    %dma_wait3A_1846 = arith.constant 0 : i32
    %dma_wait3A_1847 = tpu.memref_slice %arg6[%dma_wait3A_1846, %multiple_of3A_321] : memref<32x100000xf32, #tpu.memory_space<hbm>> -> memref<32x128xf32, #tpu.memory_space<hbm>>
    tpu.wait_dma2 semaphore(%arg15 : memref<!tpu.dma_semaphore, #tpu.memory_space<semaphore_mem>>) src(%dma_wait3A_1847 : memref<32x128xf32, #tpu.memory_space<hbm>>) dst(%dma_wait3A_1845 : memref<32x128xf32, #tpu.memory_space<vmem>>)
    %dma_wait3A_1848 = arith.constant 36 : i32
    %dma_wait3A_1849 = arith.constant 0 : i32
    %dma_wait3A_1850 = arith.constant 0 : i32
    %dma_wait3A_1851 = tpu.memref_slice %arg12[%dma_wait3A_1848, %dma_wait3A_1849, %dma_wait3A_1850] : memref<100x32x128xf32, #tpu.memory_space<vmem>> -> memref<1x32x128xf32, #tpu.memory_space<vmem>>
    %dma_wait3A_1852 = tpu.memref_squeeze %dma_wait3A_1851 : memref<1x32x128xf32, #tpu.memory_space<vmem>> -> memref<32x128xf32, #tpu.memory_space<vmem>>
    %dma_wait3A_1853 = arith.constant 0 : i32
    %dma_wait3A_1854 = tpu.memref_slice %arg6[%dma_wait3A_1853, %multiple_of3A_330] : memref<32x100000xf32, #tpu.memory_space<hbm>> -> memref<32x128xf32, #tpu.memory_space<hbm>>
    tpu.wait_dma2 semaphore(%arg15 : memref<!tpu.dma_semaphore, #tpu.memory_space<semaphore_mem>>) src(%dma_wait3A_1854 : memref<32x128xf32, #tpu.memory_space<hbm>>) dst(%dma_wait3A_1852 : memref<32x128xf32, #tpu.memory_space<vmem>>)
    %dma_wait3A_1855 = arith.constant 37 : i32
    %dma_wait3A_1856 = arith.constant 0 : i32
    %dma_wait3A_1857 = arith.constant 0 : i32
    %dma_wait3A_1858 = tpu.memref_slice %arg12[%dma_wait3A_1855, %dma_wait3A_1856, %dma_wait3A_1857] : memref<100x32x128xf32, #tpu.memory_space<vmem>> -> memref<1x32x128xf32, #tpu.memory_space<vmem>>
    %dma_wait3A_1859 = tpu.memref_squeeze %dma_wait3A_1858 : memref<1x32x128xf32, #tpu.memory_space<vmem>> -> memref<32x128xf32, #tpu.memory_space<vmem>>
    %dma_wait3A_1860 = arith.constant 0 : i32
    %dma_wait3A_1861 = tpu.memref_slice %arg6[%dma_wait3A_1860, %multiple_of3A_339] : memref<32x100000xf32, #tpu.memory_space<hbm>> -> memref<32x128xf32, #tpu.memory_space<hbm>>
    tpu.wait_dma2 semaphore(%arg15 : memref<!tpu.dma_semaphore, #tpu.memory_space<semaphore_mem>>) src(%dma_wait3A_1861 : memref<32x128xf32, #tpu.memory_space<hbm>>) dst(%dma_wait3A_1859 : memref<32x128xf32, #tpu.memory_space<vmem>>)
    %dma_wait3A_1862 = arith.constant 38 : i32
    %dma_wait3A_1863 = arith.constant 0 : i32
    %dma_wait3A_1864 = arith.constant 0 : i32
    %dma_wait3A_1865 = tpu.memref_slice %arg12[%dma_wait3A_1862, %dma_wait3A_1863, %dma_wait3A_1864] : memref<100x32x128xf32, #tpu.memory_space<vmem>> -> memref<1x32x128xf32, #tpu.memory_space<vmem>>
    %dma_wait3A_1866 = tpu.memref_squeeze %dma_wait3A_1865 : memref<1x32x128xf32, #tpu.memory_space<vmem>> -> memref<32x128xf32, #tpu.memory_space<vmem>>
    %dma_wait3A_1867 = arith.constant 0 : i32
    %dma_wait3A_1868 = tpu.memref_slice %arg6[%dma_wait3A_1867, %multiple_of3A_348] : memref<32x100000xf32, #tpu.memory_space<hbm>> -> memref<32x128xf32, #tpu.memory_space<hbm>>
    tpu.wait_dma2 semaphore(%arg15 : memref<!tpu.dma_semaphore, #tpu.memory_space<semaphore_mem>>) src(%dma_wait3A_1868 : memref<32x128xf32, #tpu.memory_space<hbm>>) dst(%dma_wait3A_1866 : memref<32x128xf32, #tpu.memory_space<vmem>>)
    %dma_wait3A_1869 = arith.constant 39 : i32
    %dma_wait3A_1870 = arith.constant 0 : i32
    %dma_wait3A_1871 = arith.constant 0 : i32
    %dma_wait3A_1872 = tpu.memref_slice %arg12[%dma_wait3A_1869, %dma_wait3A_1870, %dma_wait3A_1871] : memref<100x32x128xf32, #tpu.memory_space<vmem>> -> memref<1x32x128xf32, #tpu.memory_space<vmem>>
    %dma_wait3A_1873 = tpu.memref_squeeze %dma_wait3A_1872 : memref<1x32x128xf32, #tpu.memory_space<vmem>> -> memref<32x128xf32, #tpu.memory_space<vmem>>
    %dma_wait3A_1874 = arith.constant 0 : i32
    %dma_wait3A_1875 = tpu.memref_slice %arg6[%dma_wait3A_1874, %multiple_of3A_357] : memref<32x100000xf32, #tpu.memory_space<hbm>> -> memref<32x128xf32, #tpu.memory_space<hbm>>
    tpu.wait_dma2 semaphore(%arg15 : memref<!tpu.dma_semaphore, #tpu.memory_space<semaphore_mem>>) src(%dma_wait3A_1875 : memref<32x128xf32, #tpu.memory_space<hbm>>) dst(%dma_wait3A_1873 : memref<32x128xf32, #tpu.memory_space<vmem>>)
    %dma_wait3A_1876 = arith.constant 40 : i32
    %dma_wait3A_1877 = arith.constant 0 : i32
    %dma_wait3A_1878 = arith.constant 0 : i32
    %dma_wait3A_1879 = tpu.memref_slice %arg12[%dma_wait3A_1876, %dma_wait3A_1877, %dma_wait3A_1878] : memref<100x32x128xf32, #tpu.memory_space<vmem>> -> memref<1x32x128xf32, #tpu.memory_space<vmem>>
    %dma_wait3A_1880 = tpu.memref_squeeze %dma_wait3A_1879 : memref<1x32x128xf32, #tpu.memory_space<vmem>> -> memref<32x128xf32, #tpu.memory_space<vmem>>
    %dma_wait3A_1881 = arith.constant 0 : i32
    %dma_wait3A_1882 = tpu.memref_slice %arg6[%dma_wait3A_1881, %multiple_of3A_366] : memref<32x100000xf32, #tpu.memory_space<hbm>> -> memref<32x128xf32, #tpu.memory_space<hbm>>
    tpu.wait_dma2 semaphore(%arg15 : memref<!tpu.dma_semaphore, #tpu.memory_space<semaphore_mem>>) src(%dma_wait3A_1882 : memref<32x128xf32, #tpu.memory_space<hbm>>) dst(%dma_wait3A_1880 : memref<32x128xf32, #tpu.memory_space<vmem>>)
    %dma_wait3A_1883 = arith.constant 41 : i32
    %dma_wait3A_1884 = arith.constant 0 : i32
    %dma_wait3A_1885 = arith.constant 0 : i32
    %dma_wait3A_1886 = tpu.memref_slice %arg12[%dma_wait3A_1883, %dma_wait3A_1884, %dma_wait3A_1885] : memref<100x32x128xf32, #tpu.memory_space<vmem>> -> memref<1x32x128xf32, #tpu.memory_space<vmem>>
    %dma_wait3A_1887 = tpu.memref_squeeze %dma_wait3A_1886 : memref<1x32x128xf32, #tpu.memory_space<vmem>> -> memref<32x128xf32, #tpu.memory_space<vmem>>
    %dma_wait3A_1888 = arith.constant 0 : i32
    %dma_wait3A_1889 = tpu.memref_slice %arg6[%dma_wait3A_1888, %multiple_of3A_375] : memref<32x100000xf32, #tpu.memory_space<hbm>> -> memref<32x128xf32, #tpu.memory_space<hbm>>
    tpu.wait_dma2 semaphore(%arg15 : memref<!tpu.dma_semaphore, #tpu.memory_space<semaphore_mem>>) src(%dma_wait3A_1889 : memref<32x128xf32, #tpu.memory_space<hbm>>) dst(%dma_wait3A_1887 : memref<32x128xf32, #tpu.memory_space<vmem>>)
    %dma_wait3A_1890 = arith.constant 42 : i32
    %dma_wait3A_1891 = arith.constant 0 : i32
    %dma_wait3A_1892 = arith.constant 0 : i32
    %dma_wait3A_1893 = tpu.memref_slice %arg12[%dma_wait3A_1890, %dma_wait3A_1891, %dma_wait3A_1892] : memref<100x32x128xf32, #tpu.memory_space<vmem>> -> memref<1x32x128xf32, #tpu.memory_space<vmem>>
    %dma_wait3A_1894 = tpu.memref_squeeze %dma_wait3A_1893 : memref<1x32x128xf32, #tpu.memory_space<vmem>> -> memref<32x128xf32, #tpu.memory_space<vmem>>
    %dma_wait3A_1895 = arith.constant 0 : i32
    %dma_wait3A_1896 = tpu.memref_slice %arg6[%dma_wait3A_1895, %multiple_of3A_384] : memref<32x100000xf32, #tpu.memory_space<hbm>> -> memref<32x128xf32, #tpu.memory_space<hbm>>
    tpu.wait_dma2 semaphore(%arg15 : memref<!tpu.dma_semaphore, #tpu.memory_space<semaphore_mem>>) src(%dma_wait3A_1896 : memref<32x128xf32, #tpu.memory_space<hbm>>) dst(%dma_wait3A_1894 : memref<32x128xf32, #tpu.memory_space<vmem>>)
    %dma_wait3A_1897 = arith.constant 43 : i32
    %dma_wait3A_1898 = arith.constant 0 : i32
    %dma_wait3A_1899 = arith.constant 0 : i32
    %dma_wait3A_1900 = tpu.memref_slice %arg12[%dma_wait3A_1897, %dma_wait3A_1898, %dma_wait3A_1899] : memref<100x32x128xf32, #tpu.memory_space<vmem>> -> memref<1x32x128xf32, #tpu.memory_space<vmem>>
    %dma_wait3A_1901 = tpu.memref_squeeze %dma_wait3A_1900 : memref<1x32x128xf32, #tpu.memory_space<vmem>> -> memref<32x128xf32, #tpu.memory_space<vmem>>
    %dma_wait3A_1902 = arith.constant 0 : i32
    %dma_wait3A_1903 = tpu.memref_slice %arg6[%dma_wait3A_1902, %multiple_of3A_393] : memref<32x100000xf32, #tpu.memory_space<hbm>> -> memref<32x128xf32, #tpu.memory_space<hbm>>
    tpu.wait_dma2 semaphore(%arg15 : memref<!tpu.dma_semaphore, #tpu.memory_space<semaphore_mem>>) src(%dma_wait3A_1903 : memref<32x128xf32, #tpu.memory_space<hbm>>) dst(%dma_wait3A_1901 : memref<32x128xf32, #tpu.memory_space<vmem>>)
    %dma_wait3A_1904 = arith.constant 44 : i32
    %dma_wait3A_1905 = arith.constant 0 : i32
    %dma_wait3A_1906 = arith.constant 0 : i32
    %dma_wait3A_1907 = tpu.memref_slice %arg12[%dma_wait3A_1904, %dma_wait3A_1905, %dma_wait3A_1906] : memref<100x32x128xf32, #tpu.memory_space<vmem>> -> memref<1x32x128xf32, #tpu.memory_space<vmem>>
    %dma_wait3A_1908 = tpu.memref_squeeze %dma_wait3A_1907 : memref<1x32x128xf32, #tpu.memory_space<vmem>> -> memref<32x128xf32, #tpu.memory_space<vmem>>
    %dma_wait3A_1909 = arith.constant 0 : i32
    %dma_wait3A_1910 = tpu.memref_slice %arg6[%dma_wait3A_1909, %multiple_of3A_402] : memref<32x100000xf32, #tpu.memory_space<hbm>> -> memref<32x128xf32, #tpu.memory_space<hbm>>
    tpu.wait_dma2 semaphore(%arg15 : memref<!tpu.dma_semaphore, #tpu.memory_space<semaphore_mem>>) src(%dma_wait3A_1910 : memref<32x128xf32, #tpu.memory_space<hbm>>) dst(%dma_wait3A_1908 : memref<32x128xf32, #tpu.memory_space<vmem>>)
    %dma_wait3A_1911 = arith.constant 45 : i32
    %dma_wait3A_1912 = arith.constant 0 : i32
    %dma_wait3A_1913 = arith.constant 0 : i32
    %dma_wait3A_1914 = tpu.memref_slice %arg12[%dma_wait3A_1911, %dma_wait3A_1912, %dma_wait3A_1913] : memref<100x32x128xf32, #tpu.memory_space<vmem>> -> memref<1x32x128xf32, #tpu.memory_space<vmem>>
    %dma_wait3A_1915 = tpu.memref_squeeze %dma_wait3A_1914 : memref<1x32x128xf32, #tpu.memory_space<vmem>> -> memref<32x128xf32, #tpu.memory_space<vmem>>
    %dma_wait3A_1916 = arith.constant 0 : i32
    %dma_wait3A_1917 = tpu.memref_slice %arg6[%dma_wait3A_1916, %multiple_of3A_411] : memref<32x100000xf32, #tpu.memory_space<hbm>> -> memref<32x128xf32, #tpu.memory_space<hbm>>
    tpu.wait_dma2 semaphore(%arg15 : memref<!tpu.dma_semaphore, #tpu.memory_space<semaphore_mem>>) src(%dma_wait3A_1917 : memref<32x128xf32, #tpu.memory_space<hbm>>) dst(%dma_wait3A_1915 : memref<32x128xf32, #tpu.memory_space<vmem>>)
    %dma_wait3A_1918 = arith.constant 46 : i32
    %dma_wait3A_1919 = arith.constant 0 : i32
    %dma_wait3A_1920 = arith.constant 0 : i32
    %dma_wait3A_1921 = tpu.memref_slice %arg12[%dma_wait3A_1918, %dma_wait3A_1919, %dma_wait3A_1920] : memref<100x32x128xf32, #tpu.memory_space<vmem>> -> memref<1x32x128xf32, #tpu.memory_space<vmem>>
    %dma_wait3A_1922 = tpu.memref_squeeze %dma_wait3A_1921 : memref<1x32x128xf32, #tpu.memory_space<vmem>> -> memref<32x128xf32, #tpu.memory_space<vmem>>
    %dma_wait3A_1923 = arith.constant 0 : i32
    %dma_wait3A_1924 = tpu.memref_slice %arg6[%dma_wait3A_1923, %multiple_of3A_420] : memref<32x100000xf32, #tpu.memory_space<hbm>> -> memref<32x128xf32, #tpu.memory_space<hbm>>
    tpu.wait_dma2 semaphore(%arg15 : memref<!tpu.dma_semaphore, #tpu.memory_space<semaphore_mem>>) src(%dma_wait3A_1924 : memref<32x128xf32, #tpu.memory_space<hbm>>) dst(%dma_wait3A_1922 : memref<32x128xf32, #tpu.memory_space<vmem>>)
    %dma_wait3A_1925 = arith.constant 47 : i32
    %dma_wait3A_1926 = arith.constant 0 : i32
    %dma_wait3A_1927 = arith.constant 0 : i32
    %dma_wait3A_1928 = tpu.memref_slice %arg12[%dma_wait3A_1925, %dma_wait3A_1926, %dma_wait3A_1927] : memref<100x32x128xf32, #tpu.memory_space<vmem>> -> memref<1x32x128xf32, #tpu.memory_space<vmem>>
    %dma_wait3A_1929 = tpu.memref_squeeze %dma_wait3A_1928 : memref<1x32x128xf32, #tpu.memory_space<vmem>> -> memref<32x128xf32, #tpu.memory_space<vmem>>
    %dma_wait3A_1930 = arith.constant 0 : i32
    %dma_wait3A_1931 = tpu.memref_slice %arg6[%dma_wait3A_1930, %multiple_of3A_429] : memref<32x100000xf32, #tpu.memory_space<hbm>> -> memref<32x128xf32, #tpu.memory_space<hbm>>
    tpu.wait_dma2 semaphore(%arg15 : memref<!tpu.dma_semaphore, #tpu.memory_space<semaphore_mem>>) src(%dma_wait3A_1931 : memref<32x128xf32, #tpu.memory_space<hbm>>) dst(%dma_wait3A_1929 : memref<32x128xf32, #tpu.memory_space<vmem>>)
    %dma_wait3A_1932 = arith.constant 48 : i32
    %dma_wait3A_1933 = arith.constant 0 : i32
    %dma_wait3A_1934 = arith.constant 0 : i32
    %dma_wait3A_1935 = tpu.memref_slice %arg12[%dma_wait3A_1932, %dma_wait3A_1933, %dma_wait3A_1934] : memref<100x32x128xf32, #tpu.memory_space<vmem>> -> memref<1x32x128xf32, #tpu.memory_space<vmem>>
    %dma_wait3A_1936 = tpu.memref_squeeze %dma_wait3A_1935 : memref<1x32x128xf32, #tpu.memory_space<vmem>> -> memref<32x128xf32, #tpu.memory_space<vmem>>
    %dma_wait3A_1937 = arith.constant 0 : i32
    %dma_wait3A_1938 = tpu.memref_slice %arg6[%dma_wait3A_1937, %multiple_of3A_438] : memref<32x100000xf32, #tpu.memory_space<hbm>> -> memref<32x128xf32, #tpu.memory_space<hbm>>
    tpu.wait_dma2 semaphore(%arg15 : memref<!tpu.dma_semaphore, #tpu.memory_space<semaphore_mem>>) src(%dma_wait3A_1938 : memref<32x128xf32, #tpu.memory_space<hbm>>) dst(%dma_wait3A_1936 : memref<32x128xf32, #tpu.memory_space<vmem>>)
    %dma_wait3A_1939 = arith.constant 49 : i32
    %dma_wait3A_1940 = arith.constant 0 : i32
    %dma_wait3A_1941 = arith.constant 0 : i32
    %dma_wait3A_1942 = tpu.memref_slice %arg12[%dma_wait3A_1939, %dma_wait3A_1940, %dma_wait3A_1941] : memref<100x32x128xf32, #tpu.memory_space<vmem>> -> memref<1x32x128xf32, #tpu.memory_space<vmem>>
    %dma_wait3A_1943 = tpu.memref_squeeze %dma_wait3A_1942 : memref<1x32x128xf32, #tpu.memory_space<vmem>> -> memref<32x128xf32, #tpu.memory_space<vmem>>
    %dma_wait3A_1944 = arith.constant 0 : i32
    %dma_wait3A_1945 = tpu.memref_slice %arg6[%dma_wait3A_1944, %multiple_of3A_447] : memref<32x100000xf32, #tpu.memory_space<hbm>> -> memref<32x128xf32, #tpu.memory_space<hbm>>
    tpu.wait_dma2 semaphore(%arg15 : memref<!tpu.dma_semaphore, #tpu.memory_space<semaphore_mem>>) src(%dma_wait3A_1945 : memref<32x128xf32, #tpu.memory_space<hbm>>) dst(%dma_wait3A_1943 : memref<32x128xf32, #tpu.memory_space<vmem>>)
    %dma_wait3A_1946 = arith.constant 50 : i32
    %dma_wait3A_1947 = arith.constant 0 : i32
    %dma_wait3A_1948 = arith.constant 0 : i32
    %dma_wait3A_1949 = tpu.memref_slice %arg12[%dma_wait3A_1946, %dma_wait3A_1947, %dma_wait3A_1948] : memref<100x32x128xf32, #tpu.memory_space<vmem>> -> memref<1x32x128xf32, #tpu.memory_space<vmem>>
    %dma_wait3A_1950 = tpu.memref_squeeze %dma_wait3A_1949 : memref<1x32x128xf32, #tpu.memory_space<vmem>> -> memref<32x128xf32, #tpu.memory_space<vmem>>
    %dma_wait3A_1951 = arith.constant 0 : i32
    %dma_wait3A_1952 = tpu.memref_slice %arg6[%dma_wait3A_1951, %multiple_of3A_456] : memref<32x100000xf32, #tpu.memory_space<hbm>> -> memref<32x128xf32, #tpu.memory_space<hbm>>
    tpu.wait_dma2 semaphore(%arg15 : memref<!tpu.dma_semaphore, #tpu.memory_space<semaphore_mem>>) src(%dma_wait3A_1952 : memref<32x128xf32, #tpu.memory_space<hbm>>) dst(%dma_wait3A_1950 : memref<32x128xf32, #tpu.memory_space<vmem>>)
    %dma_wait3A_1953 = arith.constant 51 : i32
    %dma_wait3A_1954 = arith.constant 0 : i32
    %dma_wait3A_1955 = arith.constant 0 : i32
    %dma_wait3A_1956 = tpu.memref_slice %arg12[%dma_wait3A_1953, %dma_wait3A_1954, %dma_wait3A_1955] : memref<100x32x128xf32, #tpu.memory_space<vmem>> -> memref<1x32x128xf32, #tpu.memory_space<vmem>>
    %dma_wait3A_1957 = tpu.memref_squeeze %dma_wait3A_1956 : memref<1x32x128xf32, #tpu.memory_space<vmem>> -> memref<32x128xf32, #tpu.memory_space<vmem>>
    %dma_wait3A_1958 = arith.constant 0 : i32
    %dma_wait3A_1959 = tpu.memref_slice %arg6[%dma_wait3A_1958, %multiple_of3A_465] : memref<32x100000xf32, #tpu.memory_space<hbm>> -> memref<32x128xf32, #tpu.memory_space<hbm>>
    tpu.wait_dma2 semaphore(%arg15 : memref<!tpu.dma_semaphore, #tpu.memory_space<semaphore_mem>>) src(%dma_wait3A_1959 : memref<32x128xf32, #tpu.memory_space<hbm>>) dst(%dma_wait3A_1957 : memref<32x128xf32, #tpu.memory_space<vmem>>)
    %dma_wait3A_1960 = arith.constant 52 : i32
    %dma_wait3A_1961 = arith.constant 0 : i32
    %dma_wait3A_1962 = arith.constant 0 : i32
    %dma_wait3A_1963 = tpu.memref_slice %arg12[%dma_wait3A_1960, %dma_wait3A_1961, %dma_wait3A_1962] : memref<100x32x128xf32, #tpu.memory_space<vmem>> -> memref<1x32x128xf32, #tpu.memory_space<vmem>>
    %dma_wait3A_1964 = tpu.memref_squeeze %dma_wait3A_1963 : memref<1x32x128xf32, #tpu.memory_space<vmem>> -> memref<32x128xf32, #tpu.memory_space<vmem>>
    %dma_wait3A_1965 = arith.constant 0 : i32
    %dma_wait3A_1966 = tpu.memref_slice %arg6[%dma_wait3A_1965, %multiple_of3A_474] : memref<32x100000xf32, #tpu.memory_space<hbm>> -> memref<32x128xf32, #tpu.memory_space<hbm>>
    tpu.wait_dma2 semaphore(%arg15 : memref<!tpu.dma_semaphore, #tpu.memory_space<semaphore_mem>>) src(%dma_wait3A_1966 : memref<32x128xf32, #tpu.memory_space<hbm>>) dst(%dma_wait3A_1964 : memref<32x128xf32, #tpu.memory_space<vmem>>)
    %dma_wait3A_1967 = arith.constant 53 : i32
    %dma_wait3A_1968 = arith.constant 0 : i32
    %dma_wait3A_1969 = arith.constant 0 : i32
    %dma_wait3A_1970 = tpu.memref_slice %arg12[%dma_wait3A_1967, %dma_wait3A_1968, %dma_wait3A_1969] : memref<100x32x128xf32, #tpu.memory_space<vmem>> -> memref<1x32x128xf32, #tpu.memory_space<vmem>>
    %dma_wait3A_1971 = tpu.memref_squeeze %dma_wait3A_1970 : memref<1x32x128xf32, #tpu.memory_space<vmem>> -> memref<32x128xf32, #tpu.memory_space<vmem>>
    %dma_wait3A_1972 = arith.constant 0 : i32
    %dma_wait3A_1973 = tpu.memref_slice %arg6[%dma_wait3A_1972, %multiple_of3A_483] : memref<32x100000xf32, #tpu.memory_space<hbm>> -> memref<32x128xf32, #tpu.memory_space<hbm>>
    tpu.wait_dma2 semaphore(%arg15 : memref<!tpu.dma_semaphore, #tpu.memory_space<semaphore_mem>>) src(%dma_wait3A_1973 : memref<32x128xf32, #tpu.memory_space<hbm>>) dst(%dma_wait3A_1971 : memref<32x128xf32, #tpu.memory_space<vmem>>)
    %dma_wait3A_1974 = arith.constant 54 : i32
    %dma_wait3A_1975 = arith.constant 0 : i32
    %dma_wait3A_1976 = arith.constant 0 : i32
    %dma_wait3A_1977 = tpu.memref_slice %arg12[%dma_wait3A_1974, %dma_wait3A_1975, %dma_wait3A_1976] : memref<100x32x128xf32, #tpu.memory_space<vmem>> -> memref<1x32x128xf32, #tpu.memory_space<vmem>>
    %dma_wait3A_1978 = tpu.memref_squeeze %dma_wait3A_1977 : memref<1x32x128xf32, #tpu.memory_space<vmem>> -> memref<32x128xf32, #tpu.memory_space<vmem>>
    %dma_wait3A_1979 = arith.constant 0 : i32
    %dma_wait3A_1980 = tpu.memref_slice %arg6[%dma_wait3A_1979, %multiple_of3A_492] : memref<32x100000xf32, #tpu.memory_space<hbm>> -> memref<32x128xf32, #tpu.memory_space<hbm>>
    tpu.wait_dma2 semaphore(%arg15 : memref<!tpu.dma_semaphore, #tpu.memory_space<semaphore_mem>>) src(%dma_wait3A_1980 : memref<32x128xf32, #tpu.memory_space<hbm>>) dst(%dma_wait3A_1978 : memref<32x128xf32, #tpu.memory_space<vmem>>)
    %dma_wait3A_1981 = arith.constant 55 : i32
    %dma_wait3A_1982 = arith.constant 0 : i32
    %dma_wait3A_1983 = arith.constant 0 : i32
    %dma_wait3A_1984 = tpu.memref_slice %arg12[%dma_wait3A_1981, %dma_wait3A_1982, %dma_wait3A_1983] : memref<100x32x128xf32, #tpu.memory_space<vmem>> -> memref<1x32x128xf32, #tpu.memory_space<vmem>>
    %dma_wait3A_1985 = tpu.memref_squeeze %dma_wait3A_1984 : memref<1x32x128xf32, #tpu.memory_space<vmem>> -> memref<32x128xf32, #tpu.memory_space<vmem>>
    %dma_wait3A_1986 = arith.constant 0 : i32
    %dma_wait3A_1987 = tpu.memref_slice %arg6[%dma_wait3A_1986, %multiple_of3A_501] : memref<32x100000xf32, #tpu.memory_space<hbm>> -> memref<32x128xf32, #tpu.memory_space<hbm>>
    tpu.wait_dma2 semaphore(%arg15 : memref<!tpu.dma_semaphore, #tpu.memory_space<semaphore_mem>>) src(%dma_wait3A_1987 : memref<32x128xf32, #tpu.memory_space<hbm>>) dst(%dma_wait3A_1985 : memref<32x128xf32, #tpu.memory_space<vmem>>)
    %dma_wait3A_1988 = arith.constant 56 : i32
    %dma_wait3A_1989 = arith.constant 0 : i32
    %dma_wait3A_1990 = arith.constant 0 : i32
    %dma_wait3A_1991 = tpu.memref_slice %arg12[%dma_wait3A_1988, %dma_wait3A_1989, %dma_wait3A_1990] : memref<100x32x128xf32, #tpu.memory_space<vmem>> -> memref<1x32x128xf32, #tpu.memory_space<vmem>>
    %dma_wait3A_1992 = tpu.memref_squeeze %dma_wait3A_1991 : memref<1x32x128xf32, #tpu.memory_space<vmem>> -> memref<32x128xf32, #tpu.memory_space<vmem>>
    %dma_wait3A_1993 = arith.constant 0 : i32
    %dma_wait3A_1994 = tpu.memref_slice %arg6[%dma_wait3A_1993, %multiple_of3A_510] : memref<32x100000xf32, #tpu.memory_space<hbm>> -> memref<32x128xf32, #tpu.memory_space<hbm>>
    tpu.wait_dma2 semaphore(%arg15 : memref<!tpu.dma_semaphore, #tpu.memory_space<semaphore_mem>>) src(%dma_wait3A_1994 : memref<32x128xf32, #tpu.memory_space<hbm>>) dst(%dma_wait3A_1992 : memref<32x128xf32, #tpu.memory_space<vmem>>)
    %dma_wait3A_1995 = arith.constant 57 : i32
    %dma_wait3A_1996 = arith.constant 0 : i32
    %dma_wait3A_1997 = arith.constant 0 : i32
    %dma_wait3A_1998 = tpu.memref_slice %arg12[%dma_wait3A_1995, %dma_wait3A_1996, %dma_wait3A_1997] : memref<100x32x128xf32, #tpu.memory_space<vmem>> -> memref<1x32x128xf32, #tpu.memory_space<vmem>>
    %dma_wait3A_1999 = tpu.memref_squeeze %dma_wait3A_1998 : memref<1x32x128xf32, #tpu.memory_space<vmem>> -> memref<32x128xf32, #tpu.memory_space<vmem>>
    %dma_wait3A_2000 = arith.constant 0 : i32
    %dma_wait3A_2001 = tpu.memref_slice %arg6[%dma_wait3A_2000, %multiple_of3A_519] : memref<32x100000xf32, #tpu.memory_space<hbm>> -> memref<32x128xf32, #tpu.memory_space<hbm>>
    tpu.wait_dma2 semaphore(%arg15 : memref<!tpu.dma_semaphore, #tpu.memory_space<semaphore_mem>>) src(%dma_wait3A_2001 : memref<32x128xf32, #tpu.memory_space<hbm>>) dst(%dma_wait3A_1999 : memref<32x128xf32, #tpu.memory_space<vmem>>)
    %dma_wait3A_2002 = arith.constant 58 : i32
    %dma_wait3A_2003 = arith.constant 0 : i32
    %dma_wait3A_2004 = arith.constant 0 : i32
    %dma_wait3A_2005 = tpu.memref_slice %arg12[%dma_wait3A_2002, %dma_wait3A_2003, %dma_wait3A_2004] : memref<100x32x128xf32, #tpu.memory_space<vmem>> -> memref<1x32x128xf32, #tpu.memory_space<vmem>>
    %dma_wait3A_2006 = tpu.memref_squeeze %dma_wait3A_2005 : memref<1x32x128xf32, #tpu.memory_space<vmem>> -> memref<32x128xf32, #tpu.memory_space<vmem>>
    %dma_wait3A_2007 = arith.constant 0 : i32
    %dma_wait3A_2008 = tpu.memref_slice %arg6[%dma_wait3A_2007, %multiple_of3A_528] : memref<32x100000xf32, #tpu.memory_space<hbm>> -> memref<32x128xf32, #tpu.memory_space<hbm>>
    tpu.wait_dma2 semaphore(%arg15 : memref<!tpu.dma_semaphore, #tpu.memory_space<semaphore_mem>>) src(%dma_wait3A_2008 : memref<32x128xf32, #tpu.memory_space<hbm>>) dst(%dma_wait3A_2006 : memref<32x128xf32, #tpu.memory_space<vmem>>)
    %dma_wait3A_2009 = arith.constant 59 : i32
    %dma_wait3A_2010 = arith.constant 0 : i32
    %dma_wait3A_2011 = arith.constant 0 : i32
    %dma_wait3A_2012 = tpu.memref_slice %arg12[%dma_wait3A_2009, %dma_wait3A_2010, %dma_wait3A_2011] : memref<100x32x128xf32, #tpu.memory_space<vmem>> -> memref<1x32x128xf32, #tpu.memory_space<vmem>>
    %dma_wait3A_2013 = tpu.memref_squeeze %dma_wait3A_2012 : memref<1x32x128xf32, #tpu.memory_space<vmem>> -> memref<32x128xf32, #tpu.memory_space<vmem>>
    %dma_wait3A_2014 = arith.constant 0 : i32
    %dma_wait3A_2015 = tpu.memref_slice %arg6[%dma_wait3A_2014, %multiple_of3A_537] : memref<32x100000xf32, #tpu.memory_space<hbm>> -> memref<32x128xf32, #tpu.memory_space<hbm>>
    tpu.wait_dma2 semaphore(%arg15 : memref<!tpu.dma_semaphore, #tpu.memory_space<semaphore_mem>>) src(%dma_wait3A_2015 : memref<32x128xf32, #tpu.memory_space<hbm>>) dst(%dma_wait3A_2013 : memref<32x128xf32, #tpu.memory_space<vmem>>)
    %dma_wait3A_2016 = arith.constant 60 : i32
    %dma_wait3A_2017 = arith.constant 0 : i32
    %dma_wait3A_2018 = arith.constant 0 : i32
    %dma_wait3A_2019 = tpu.memref_slice %arg12[%dma_wait3A_2016, %dma_wait3A_2017, %dma_wait3A_2018] : memref<100x32x128xf32, #tpu.memory_space<vmem>> -> memref<1x32x128xf32, #tpu.memory_space<vmem>>
    %dma_wait3A_2020 = tpu.memref_squeeze %dma_wait3A_2019 : memref<1x32x128xf32, #tpu.memory_space<vmem>> -> memref<32x128xf32, #tpu.memory_space<vmem>>
    %dma_wait3A_2021 = arith.constant 0 : i32
    %dma_wait3A_2022 = tpu.memref_slice %arg6[%dma_wait3A_2021, %multiple_of3A_546] : memref<32x100000xf32, #tpu.memory_space<hbm>> -> memref<32x128xf32, #tpu.memory_space<hbm>>
    tpu.wait_dma2 semaphore(%arg15 : memref<!tpu.dma_semaphore, #tpu.memory_space<semaphore_mem>>) src(%dma_wait3A_2022 : memref<32x128xf32, #tpu.memory_space<hbm>>) dst(%dma_wait3A_2020 : memref<32x128xf32, #tpu.memory_space<vmem>>)
    %dma_wait3A_2023 = arith.constant 61 : i32
    %dma_wait3A_2024 = arith.constant 0 : i32
    %dma_wait3A_2025 = arith.constant 0 : i32
    %dma_wait3A_2026 = tpu.memref_slice %arg12[%dma_wait3A_2023, %dma_wait3A_2024, %dma_wait3A_2025] : memref<100x32x128xf32, #tpu.memory_space<vmem>> -> memref<1x32x128xf32, #tpu.memory_space<vmem>>
    %dma_wait3A_2027 = tpu.memref_squeeze %dma_wait3A_2026 : memref<1x32x128xf32, #tpu.memory_space<vmem>> -> memref<32x128xf32, #tpu.memory_space<vmem>>
    %dma_wait3A_2028 = arith.constant 0 : i32
    %dma_wait3A_2029 = tpu.memref_slice %arg6[%dma_wait3A_2028, %multiple_of3A_555] : memref<32x100000xf32, #tpu.memory_space<hbm>> -> memref<32x128xf32, #tpu.memory_space<hbm>>
    tpu.wait_dma2 semaphore(%arg15 : memref<!tpu.dma_semaphore, #tpu.memory_space<semaphore_mem>>) src(%dma_wait3A_2029 : memref<32x128xf32, #tpu.memory_space<hbm>>) dst(%dma_wait3A_2027 : memref<32x128xf32, #tpu.memory_space<vmem>>)
    %dma_wait3A_2030 = arith.constant 62 : i32
    %dma_wait3A_2031 = arith.constant 0 : i32
    %dma_wait3A_2032 = arith.constant 0 : i32
    %dma_wait3A_2033 = tpu.memref_slice %arg12[%dma_wait3A_2030, %dma_wait3A_2031, %dma_wait3A_2032] : memref<100x32x128xf32, #tpu.memory_space<vmem>> -> memref<1x32x128xf32, #tpu.memory_space<vmem>>
    %dma_wait3A_2034 = tpu.memref_squeeze %dma_wait3A_2033 : memref<1x32x128xf32, #tpu.memory_space<vmem>> -> memref<32x128xf32, #tpu.memory_space<vmem>>
    %dma_wait3A_2035 = arith.constant 0 : i32
    %dma_wait3A_2036 = tpu.memref_slice %arg6[%dma_wait3A_2035, %multiple_of3A_564] : memref<32x100000xf32, #tpu.memory_space<hbm>> -> memref<32x128xf32, #tpu.memory_space<hbm>>
    tpu.wait_dma2 semaphore(%arg15 : memref<!tpu.dma_semaphore, #tpu.memory_space<semaphore_mem>>) src(%dma_wait3A_2036 : memref<32x128xf32, #tpu.memory_space<hbm>>) dst(%dma_wait3A_2034 : memref<32x128xf32, #tpu.memory_space<vmem>>)
    %dma_wait3A_2037 = arith.constant 63 : i32
    %dma_wait3A_2038 = arith.constant 0 : i32
    %dma_wait3A_2039 = arith.constant 0 : i32
    %dma_wait3A_2040 = tpu.memref_slice %arg12[%dma_wait3A_2037, %dma_wait3A_2038, %dma_wait3A_2039] : memref<100x32x128xf32, #tpu.memory_space<vmem>> -> memref<1x32x128xf32, #tpu.memory_space<vmem>>
    %dma_wait3A_2041 = tpu.memref_squeeze %dma_wait3A_2040 : memref<1x32x128xf32, #tpu.memory_space<vmem>> -> memref<32x128xf32, #tpu.memory_space<vmem>>
    %dma_wait3A_2042 = arith.constant 0 : i32
    %dma_wait3A_2043 = tpu.memref_slice %arg6[%dma_wait3A_2042, %multiple_of3A_573] : memref<32x100000xf32, #tpu.memory_space<hbm>> -> memref<32x128xf32, #tpu.memory_space<hbm>>
    tpu.wait_dma2 semaphore(%arg15 : memref<!tpu.dma_semaphore, #tpu.memory_space<semaphore_mem>>) src(%dma_wait3A_2043 : memref<32x128xf32, #tpu.memory_space<hbm>>) dst(%dma_wait3A_2041 : memref<32x128xf32, #tpu.memory_space<vmem>>)
    %dma_wait3A_2044 = arith.constant 64 : i32
    %dma_wait3A_2045 = arith.constant 0 : i32
    %dma_wait3A_2046 = arith.constant 0 : i32
    %dma_wait3A_2047 = tpu.memref_slice %arg12[%dma_wait3A_2044, %dma_wait3A_2045, %dma_wait3A_2046] : memref<100x32x128xf32, #tpu.memory_space<vmem>> -> memref<1x32x128xf32, #tpu.memory_space<vmem>>
    %dma_wait3A_2048 = tpu.memref_squeeze %dma_wait3A_2047 : memref<1x32x128xf32, #tpu.memory_space<vmem>> -> memref<32x128xf32, #tpu.memory_space<vmem>>
    %dma_wait3A_2049 = arith.constant 0 : i32
    %dma_wait3A_2050 = tpu.memref_slice %arg6[%dma_wait3A_2049, %multiple_of3A_582] : memref<32x100000xf32, #tpu.memory_space<hbm>> -> memref<32x128xf32, #tpu.memory_space<hbm>>
    tpu.wait_dma2 semaphore(%arg15 : memref<!tpu.dma_semaphore, #tpu.memory_space<semaphore_mem>>) src(%dma_wait3A_2050 : memref<32x128xf32, #tpu.memory_space<hbm>>) dst(%dma_wait3A_2048 : memref<32x128xf32, #tpu.memory_space<vmem>>)
    %dma_wait3A_2051 = arith.constant 65 : i32
    %dma_wait3A_2052 = arith.constant 0 : i32
    %dma_wait3A_2053 = arith.constant 0 : i32
    %dma_wait3A_2054 = tpu.memref_slice %arg12[%dma_wait3A_2051, %dma_wait3A_2052, %dma_wait3A_2053] : memref<100x32x128xf32, #tpu.memory_space<vmem>> -> memref<1x32x128xf32, #tpu.memory_space<vmem>>
    %dma_wait3A_2055 = tpu.memref_squeeze %dma_wait3A_2054 : memref<1x32x128xf32, #tpu.memory_space<vmem>> -> memref<32x128xf32, #tpu.memory_space<vmem>>
    %dma_wait3A_2056 = arith.constant 0 : i32
    %dma_wait3A_2057 = tpu.memref_slice %arg6[%dma_wait3A_2056, %multiple_of3A_591] : memref<32x100000xf32, #tpu.memory_space<hbm>> -> memref<32x128xf32, #tpu.memory_space<hbm>>
    tpu.wait_dma2 semaphore(%arg15 : memref<!tpu.dma_semaphore, #tpu.memory_space<semaphore_mem>>) src(%dma_wait3A_2057 : memref<32x128xf32, #tpu.memory_space<hbm>>) dst(%dma_wait3A_2055 : memref<32x128xf32, #tpu.memory_space<vmem>>)
    %dma_wait3A_2058 = arith.constant 66 : i32
    %dma_wait3A_2059 = arith.constant 0 : i32
    %dma_wait3A_2060 = arith.constant 0 : i32
    %dma_wait3A_2061 = tpu.memref_slice %arg12[%dma_wait3A_2058, %dma_wait3A_2059, %dma_wait3A_2060] : memref<100x32x128xf32, #tpu.memory_space<vmem>> -> memref<1x32x128xf32, #tpu.memory_space<vmem>>
    %dma_wait3A_2062 = tpu.memref_squeeze %dma_wait3A_2061 : memref<1x32x128xf32, #tpu.memory_space<vmem>> -> memref<32x128xf32, #tpu.memory_space<vmem>>
    %dma_wait3A_2063 = arith.constant 0 : i32
    %dma_wait3A_2064 = tpu.memref_slice %arg6[%dma_wait3A_2063, %multiple_of3A_600] : memref<32x100000xf32, #tpu.memory_space<hbm>> -> memref<32x128xf32, #tpu.memory_space<hbm>>
    tpu.wait_dma2 semaphore(%arg15 : memref<!tpu.dma_semaphore, #tpu.memory_space<semaphore_mem>>) src(%dma_wait3A_2064 : memref<32x128xf32, #tpu.memory_space<hbm>>) dst(%dma_wait3A_2062 : memref<32x128xf32, #tpu.memory_space<vmem>>)
    %dma_wait3A_2065 = arith.constant 67 : i32
    %dma_wait3A_2066 = arith.constant 0 : i32
    %dma_wait3A_2067 = arith.constant 0 : i32
    %dma_wait3A_2068 = tpu.memref_slice %arg12[%dma_wait3A_2065, %dma_wait3A_2066, %dma_wait3A_2067] : memref<100x32x128xf32, #tpu.memory_space<vmem>> -> memref<1x32x128xf32, #tpu.memory_space<vmem>>
    %dma_wait3A_2069 = tpu.memref_squeeze %dma_wait3A_2068 : memref<1x32x128xf32, #tpu.memory_space<vmem>> -> memref<32x128xf32, #tpu.memory_space<vmem>>
    %dma_wait3A_2070 = arith.constant 0 : i32
    %dma_wait3A_2071 = tpu.memref_slice %arg6[%dma_wait3A_2070, %multiple_of3A_609] : memref<32x100000xf32, #tpu.memory_space<hbm>> -> memref<32x128xf32, #tpu.memory_space<hbm>>
    tpu.wait_dma2 semaphore(%arg15 : memref<!tpu.dma_semaphore, #tpu.memory_space<semaphore_mem>>) src(%dma_wait3A_2071 : memref<32x128xf32, #tpu.memory_space<hbm>>) dst(%dma_wait3A_2069 : memref<32x128xf32, #tpu.memory_space<vmem>>)
    %dma_wait3A_2072 = arith.constant 68 : i32
    %dma_wait3A_2073 = arith.constant 0 : i32
    %dma_wait3A_2074 = arith.constant 0 : i32
    %dma_wait3A_2075 = tpu.memref_slice %arg12[%dma_wait3A_2072, %dma_wait3A_2073, %dma_wait3A_2074] : memref<100x32x128xf32, #tpu.memory_space<vmem>> -> memref<1x32x128xf32, #tpu.memory_space<vmem>>
    %dma_wait3A_2076 = tpu.memref_squeeze %dma_wait3A_2075 : memref<1x32x128xf32, #tpu.memory_space<vmem>> -> memref<32x128xf32, #tpu.memory_space<vmem>>
    %dma_wait3A_2077 = arith.constant 0 : i32
    %dma_wait3A_2078 = tpu.memref_slice %arg6[%dma_wait3A_2077, %multiple_of3A_618] : memref<32x100000xf32, #tpu.memory_space<hbm>> -> memref<32x128xf32, #tpu.memory_space<hbm>>
    tpu.wait_dma2 semaphore(%arg15 : memref<!tpu.dma_semaphore, #tpu.memory_space<semaphore_mem>>) src(%dma_wait3A_2078 : memref<32x128xf32, #tpu.memory_space<hbm>>) dst(%dma_wait3A_2076 : memref<32x128xf32, #tpu.memory_space<vmem>>)
    %dma_wait3A_2079 = arith.constant 69 : i32
    %dma_wait3A_2080 = arith.constant 0 : i32
    %dma_wait3A_2081 = arith.constant 0 : i32
    %dma_wait3A_2082 = tpu.memref_slice %arg12[%dma_wait3A_2079, %dma_wait3A_2080, %dma_wait3A_2081] : memref<100x32x128xf32, #tpu.memory_space<vmem>> -> memref<1x32x128xf32, #tpu.memory_space<vmem>>
    %dma_wait3A_2083 = tpu.memref_squeeze %dma_wait3A_2082 : memref<1x32x128xf32, #tpu.memory_space<vmem>> -> memref<32x128xf32, #tpu.memory_space<vmem>>
    %dma_wait3A_2084 = arith.constant 0 : i32
    %dma_wait3A_2085 = tpu.memref_slice %arg6[%dma_wait3A_2084, %multiple_of3A_627] : memref<32x100000xf32, #tpu.memory_space<hbm>> -> memref<32x128xf32, #tpu.memory_space<hbm>>
    tpu.wait_dma2 semaphore(%arg15 : memref<!tpu.dma_semaphore, #tpu.memory_space<semaphore_mem>>) src(%dma_wait3A_2085 : memref<32x128xf32, #tpu.memory_space<hbm>>) dst(%dma_wait3A_2083 : memref<32x128xf32, #tpu.memory_space<vmem>>)
    %dma_wait3A_2086 = arith.constant 70 : i32
    %dma_wait3A_2087 = arith.constant 0 : i32
    %dma_wait3A_2088 = arith.constant 0 : i32
    %dma_wait3A_2089 = tpu.memref_slice %arg12[%dma_wait3A_2086, %dma_wait3A_2087, %dma_wait3A_2088] : memref<100x32x128xf32, #tpu.memory_space<vmem>> -> memref<1x32x128xf32, #tpu.memory_space<vmem>>
    %dma_wait3A_2090 = tpu.memref_squeeze %dma_wait3A_2089 : memref<1x32x128xf32, #tpu.memory_space<vmem>> -> memref<32x128xf32, #tpu.memory_space<vmem>>
    %dma_wait3A_2091 = arith.constant 0 : i32
    %dma_wait3A_2092 = tpu.memref_slice %arg6[%dma_wait3A_2091, %multiple_of3A_636] : memref<32x100000xf32, #tpu.memory_space<hbm>> -> memref<32x128xf32, #tpu.memory_space<hbm>>
    tpu.wait_dma2 semaphore(%arg15 : memref<!tpu.dma_semaphore, #tpu.memory_space<semaphore_mem>>) src(%dma_wait3A_2092 : memref<32x128xf32, #tpu.memory_space<hbm>>) dst(%dma_wait3A_2090 : memref<32x128xf32, #tpu.memory_space<vmem>>)
    %dma_wait3A_2093 = arith.constant 71 : i32
    %dma_wait3A_2094 = arith.constant 0 : i32
    %dma_wait3A_2095 = arith.constant 0 : i32
    %dma_wait3A_2096 = tpu.memref_slice %arg12[%dma_wait3A_2093, %dma_wait3A_2094, %dma_wait3A_2095] : memref<100x32x128xf32, #tpu.memory_space<vmem>> -> memref<1x32x128xf32, #tpu.memory_space<vmem>>
    %dma_wait3A_2097 = tpu.memref_squeeze %dma_wait3A_2096 : memref<1x32x128xf32, #tpu.memory_space<vmem>> -> memref<32x128xf32, #tpu.memory_space<vmem>>
    %dma_wait3A_2098 = arith.constant 0 : i32
    %dma_wait3A_2099 = tpu.memref_slice %arg6[%dma_wait3A_2098, %multiple_of3A_645] : memref<32x100000xf32, #tpu.memory_space<hbm>> -> memref<32x128xf32, #tpu.memory_space<hbm>>
    tpu.wait_dma2 semaphore(%arg15 : memref<!tpu.dma_semaphore, #tpu.memory_space<semaphore_mem>>) src(%dma_wait3A_2099 : memref<32x128xf32, #tpu.memory_space<hbm>>) dst(%dma_wait3A_2097 : memref<32x128xf32, #tpu.memory_space<vmem>>)
    %dma_wait3A_2100 = arith.constant 72 : i32
    %dma_wait3A_2101 = arith.constant 0 : i32
    %dma_wait3A_2102 = arith.constant 0 : i32
    %dma_wait3A_2103 = tpu.memref_slice %arg12[%dma_wait3A_2100, %dma_wait3A_2101, %dma_wait3A_2102] : memref<100x32x128xf32, #tpu.memory_space<vmem>> -> memref<1x32x128xf32, #tpu.memory_space<vmem>>
    %dma_wait3A_2104 = tpu.memref_squeeze %dma_wait3A_2103 : memref<1x32x128xf32, #tpu.memory_space<vmem>> -> memref<32x128xf32, #tpu.memory_space<vmem>>
    %dma_wait3A_2105 = arith.constant 0 : i32
    %dma_wait3A_2106 = tpu.memref_slice %arg6[%dma_wait3A_2105, %multiple_of3A_654] : memref<32x100000xf32, #tpu.memory_space<hbm>> -> memref<32x128xf32, #tpu.memory_space<hbm>>
    tpu.wait_dma2 semaphore(%arg15 : memref<!tpu.dma_semaphore, #tpu.memory_space<semaphore_mem>>) src(%dma_wait3A_2106 : memref<32x128xf32, #tpu.memory_space<hbm>>) dst(%dma_wait3A_2104 : memref<32x128xf32, #tpu.memory_space<vmem>>)
    %dma_wait3A_2107 = arith.constant 73 : i32
    %dma_wait3A_2108 = arith.constant 0 : i32
    %dma_wait3A_2109 = arith.constant 0 : i32
    %dma_wait3A_2110 = tpu.memref_slice %arg12[%dma_wait3A_2107, %dma_wait3A_2108, %dma_wait3A_2109] : memref<100x32x128xf32, #tpu.memory_space<vmem>> -> memref<1x32x128xf32, #tpu.memory_space<vmem>>
    %dma_wait3A_2111 = tpu.memref_squeeze %dma_wait3A_2110 : memref<1x32x128xf32, #tpu.memory_space<vmem>> -> memref<32x128xf32, #tpu.memory_space<vmem>>
    %dma_wait3A_2112 = arith.constant 0 : i32
    %dma_wait3A_2113 = tpu.memref_slice %arg6[%dma_wait3A_2112, %multiple_of3A_663] : memref<32x100000xf32, #tpu.memory_space<hbm>> -> memref<32x128xf32, #tpu.memory_space<hbm>>
    tpu.wait_dma2 semaphore(%arg15 : memref<!tpu.dma_semaphore, #tpu.memory_space<semaphore_mem>>) src(%dma_wait3A_2113 : memref<32x128xf32, #tpu.memory_space<hbm>>) dst(%dma_wait3A_2111 : memref<32x128xf32, #tpu.memory_space<vmem>>)
    %dma_wait3A_2114 = arith.constant 74 : i32
    %dma_wait3A_2115 = arith.constant 0 : i32
    %dma_wait3A_2116 = arith.constant 0 : i32
    %dma_wait3A_2117 = tpu.memref_slice %arg12[%dma_wait3A_2114, %dma_wait3A_2115, %dma_wait3A_2116] : memref<100x32x128xf32, #tpu.memory_space<vmem>> -> memref<1x32x128xf32, #tpu.memory_space<vmem>>
    %dma_wait3A_2118 = tpu.memref_squeeze %dma_wait3A_2117 : memref<1x32x128xf32, #tpu.memory_space<vmem>> -> memref<32x128xf32, #tpu.memory_space<vmem>>
    %dma_wait3A_2119 = arith.constant 0 : i32
    %dma_wait3A_2120 = tpu.memref_slice %arg6[%dma_wait3A_2119, %multiple_of3A_672] : memref<32x100000xf32, #tpu.memory_space<hbm>> -> memref<32x128xf32, #tpu.memory_space<hbm>>
    tpu.wait_dma2 semaphore(%arg15 : memref<!tpu.dma_semaphore, #tpu.memory_space<semaphore_mem>>) src(%dma_wait3A_2120 : memref<32x128xf32, #tpu.memory_space<hbm>>) dst(%dma_wait3A_2118 : memref<32x128xf32, #tpu.memory_space<vmem>>)
    %dma_wait3A_2121 = arith.constant 75 : i32
    %dma_wait3A_2122 = arith.constant 0 : i32
    %dma_wait3A_2123 = arith.constant 0 : i32
    %dma_wait3A_2124 = tpu.memref_slice %arg12[%dma_wait3A_2121, %dma_wait3A_2122, %dma_wait3A_2123] : memref<100x32x128xf32, #tpu.memory_space<vmem>> -> memref<1x32x128xf32, #tpu.memory_space<vmem>>
    %dma_wait3A_2125 = tpu.memref_squeeze %dma_wait3A_2124 : memref<1x32x128xf32, #tpu.memory_space<vmem>> -> memref<32x128xf32, #tpu.memory_space<vmem>>
    %dma_wait3A_2126 = arith.constant 0 : i32
    %dma_wait3A_2127 = tpu.memref_slice %arg6[%dma_wait3A_2126, %multiple_of3A_681] : memref<32x100000xf32, #tpu.memory_space<hbm>> -> memref<32x128xf32, #tpu.memory_space<hbm>>
    tpu.wait_dma2 semaphore(%arg15 : memref<!tpu.dma_semaphore, #tpu.memory_space<semaphore_mem>>) src(%dma_wait3A_2127 : memref<32x128xf32, #tpu.memory_space<hbm>>) dst(%dma_wait3A_2125 : memref<32x128xf32, #tpu.memory_space<vmem>>)
    %dma_wait3A_2128 = arith.constant 76 : i32
    %dma_wait3A_2129 = arith.constant 0 : i32
    %dma_wait3A_2130 = arith.constant 0 : i32
    %dma_wait3A_2131 = tpu.memref_slice %arg12[%dma_wait3A_2128, %dma_wait3A_2129, %dma_wait3A_2130] : memref<100x32x128xf32, #tpu.memory_space<vmem>> -> memref<1x32x128xf32, #tpu.memory_space<vmem>>
    %dma_wait3A_2132 = tpu.memref_squeeze %dma_wait3A_2131 : memref<1x32x128xf32, #tpu.memory_space<vmem>> -> memref<32x128xf32, #tpu.memory_space<vmem>>
    %dma_wait3A_2133 = arith.constant 0 : i32
    %dma_wait3A_2134 = tpu.memref_slice %arg6[%dma_wait3A_2133, %multiple_of3A_690] : memref<32x100000xf32, #tpu.memory_space<hbm>> -> memref<32x128xf32, #tpu.memory_space<hbm>>
    tpu.wait_dma2 semaphore(%arg15 : memref<!tpu.dma_semaphore, #tpu.memory_space<semaphore_mem>>) src(%dma_wait3A_2134 : memref<32x128xf32, #tpu.memory_space<hbm>>) dst(%dma_wait3A_2132 : memref<32x128xf32, #tpu.memory_space<vmem>>)
    %dma_wait3A_2135 = arith.constant 77 : i32
    %dma_wait3A_2136 = arith.constant 0 : i32
    %dma_wait3A_2137 = arith.constant 0 : i32
    %dma_wait3A_2138 = tpu.memref_slice %arg12[%dma_wait3A_2135, %dma_wait3A_2136, %dma_wait3A_2137] : memref<100x32x128xf32, #tpu.memory_space<vmem>> -> memref<1x32x128xf32, #tpu.memory_space<vmem>>
    %dma_wait3A_2139 = tpu.memref_squeeze %dma_wait3A_2138 : memref<1x32x128xf32, #tpu.memory_space<vmem>> -> memref<32x128xf32, #tpu.memory_space<vmem>>
    %dma_wait3A_2140 = arith.constant 0 : i32
    %dma_wait3A_2141 = tpu.memref_slice %arg6[%dma_wait3A_2140, %multiple_of3A_699] : memref<32x100000xf32, #tpu.memory_space<hbm>> -> memref<32x128xf32, #tpu.memory_space<hbm>>
    tpu.wait_dma2 semaphore(%arg15 : memref<!tpu.dma_semaphore, #tpu.memory_space<semaphore_mem>>) src(%dma_wait3A_2141 : memref<32x128xf32, #tpu.memory_space<hbm>>) dst(%dma_wait3A_2139 : memref<32x128xf32, #tpu.memory_space<vmem>>)
    %dma_wait3A_2142 = arith.constant 78 : i32
    %dma_wait3A_2143 = arith.constant 0 : i32
    %dma_wait3A_2144 = arith.constant 0 : i32
    %dma_wait3A_2145 = tpu.memref_slice %arg12[%dma_wait3A_2142, %dma_wait3A_2143, %dma_wait3A_2144] : memref<100x32x128xf32, #tpu.memory_space<vmem>> -> memref<1x32x128xf32, #tpu.memory_space<vmem>>
    %dma_wait3A_2146 = tpu.memref_squeeze %dma_wait3A_2145 : memref<1x32x128xf32, #tpu.memory_space<vmem>> -> memref<32x128xf32, #tpu.memory_space<vmem>>
    %dma_wait3A_2147 = arith.constant 0 : i32
    %dma_wait3A_2148 = tpu.memref_slice %arg6[%dma_wait3A_2147, %multiple_of3A_708] : memref<32x100000xf32, #tpu.memory_space<hbm>> -> memref<32x128xf32, #tpu.memory_space<hbm>>
    tpu.wait_dma2 semaphore(%arg15 : memref<!tpu.dma_semaphore, #tpu.memory_space<semaphore_mem>>) src(%dma_wait3A_2148 : memref<32x128xf32, #tpu.memory_space<hbm>>) dst(%dma_wait3A_2146 : memref<32x128xf32, #tpu.memory_space<vmem>>)
    %dma_wait3A_2149 = arith.constant 79 : i32
    %dma_wait3A_2150 = arith.constant 0 : i32
    %dma_wait3A_2151 = arith.constant 0 : i32
    %dma_wait3A_2152 = tpu.memref_slice %arg12[%dma_wait3A_2149, %dma_wait3A_2150, %dma_wait3A_2151] : memref<100x32x128xf32, #tpu.memory_space<vmem>> -> memref<1x32x128xf32, #tpu.memory_space<vmem>>
    %dma_wait3A_2153 = tpu.memref_squeeze %dma_wait3A_2152 : memref<1x32x128xf32, #tpu.memory_space<vmem>> -> memref<32x128xf32, #tpu.memory_space<vmem>>
    %dma_wait3A_2154 = arith.constant 0 : i32
    %dma_wait3A_2155 = tpu.memref_slice %arg6[%dma_wait3A_2154, %multiple_of3A_717] : memref<32x100000xf32, #tpu.memory_space<hbm>> -> memref<32x128xf32, #tpu.memory_space<hbm>>
    tpu.wait_dma2 semaphore(%arg15 : memref<!tpu.dma_semaphore, #tpu.memory_space<semaphore_mem>>) src(%dma_wait3A_2155 : memref<32x128xf32, #tpu.memory_space<hbm>>) dst(%dma_wait3A_2153 : memref<32x128xf32, #tpu.memory_space<vmem>>)
    %dma_wait3A_2156 = arith.constant 80 : i32
    %dma_wait3A_2157 = arith.constant 0 : i32
    %dma_wait3A_2158 = arith.constant 0 : i32
    %dma_wait3A_2159 = tpu.memref_slice %arg12[%dma_wait3A_2156, %dma_wait3A_2157, %dma_wait3A_2158] : memref<100x32x128xf32, #tpu.memory_space<vmem>> -> memref<1x32x128xf32, #tpu.memory_space<vmem>>
    %dma_wait3A_2160 = tpu.memref_squeeze %dma_wait3A_2159 : memref<1x32x128xf32, #tpu.memory_space<vmem>> -> memref<32x128xf32, #tpu.memory_space<vmem>>
    %dma_wait3A_2161 = arith.constant 0 : i32
    %dma_wait3A_2162 = tpu.memref_slice %arg6[%dma_wait3A_2161, %multiple_of3A_726] : memref<32x100000xf32, #tpu.memory_space<hbm>> -> memref<32x128xf32, #tpu.memory_space<hbm>>
    tpu.wait_dma2 semaphore(%arg15 : memref<!tpu.dma_semaphore, #tpu.memory_space<semaphore_mem>>) src(%dma_wait3A_2162 : memref<32x128xf32, #tpu.memory_space<hbm>>) dst(%dma_wait3A_2160 : memref<32x128xf32, #tpu.memory_space<vmem>>)
    %dma_wait3A_2163 = arith.constant 81 : i32
    %dma_wait3A_2164 = arith.constant 0 : i32
    %dma_wait3A_2165 = arith.constant 0 : i32
    %dma_wait3A_2166 = tpu.memref_slice %arg12[%dma_wait3A_2163, %dma_wait3A_2164, %dma_wait3A_2165] : memref<100x32x128xf32, #tpu.memory_space<vmem>> -> memref<1x32x128xf32, #tpu.memory_space<vmem>>
    %dma_wait3A_2167 = tpu.memref_squeeze %dma_wait3A_2166 : memref<1x32x128xf32, #tpu.memory_space<vmem>> -> memref<32x128xf32, #tpu.memory_space<vmem>>
    %dma_wait3A_2168 = arith.constant 0 : i32
    %dma_wait3A_2169 = tpu.memref_slice %arg6[%dma_wait3A_2168, %multiple_of3A_735] : memref<32x100000xf32, #tpu.memory_space<hbm>> -> memref<32x128xf32, #tpu.memory_space<hbm>>
    tpu.wait_dma2 semaphore(%arg15 : memref<!tpu.dma_semaphore, #tpu.memory_space<semaphore_mem>>) src(%dma_wait3A_2169 : memref<32x128xf32, #tpu.memory_space<hbm>>) dst(%dma_wait3A_2167 : memref<32x128xf32, #tpu.memory_space<vmem>>)
    %dma_wait3A_2170 = arith.constant 82 : i32
    %dma_wait3A_2171 = arith.constant 0 : i32
    %dma_wait3A_2172 = arith.constant 0 : i32
    %dma_wait3A_2173 = tpu.memref_slice %arg12[%dma_wait3A_2170, %dma_wait3A_2171, %dma_wait3A_2172] : memref<100x32x128xf32, #tpu.memory_space<vmem>> -> memref<1x32x128xf32, #tpu.memory_space<vmem>>
    %dma_wait3A_2174 = tpu.memref_squeeze %dma_wait3A_2173 : memref<1x32x128xf32, #tpu.memory_space<vmem>> -> memref<32x128xf32, #tpu.memory_space<vmem>>
    %dma_wait3A_2175 = arith.constant 0 : i32
    %dma_wait3A_2176 = tpu.memref_slice %arg6[%dma_wait3A_2175, %multiple_of3A_744] : memref<32x100000xf32, #tpu.memory_space<hbm>> -> memref<32x128xf32, #tpu.memory_space<hbm>>
    tpu.wait_dma2 semaphore(%arg15 : memref<!tpu.dma_semaphore, #tpu.memory_space<semaphore_mem>>) src(%dma_wait3A_2176 : memref<32x128xf32, #tpu.memory_space<hbm>>) dst(%dma_wait3A_2174 : memref<32x128xf32, #tpu.memory_space<vmem>>)
    %dma_wait3A_2177 = arith.constant 83 : i32
    %dma_wait3A_2178 = arith.constant 0 : i32
    %dma_wait3A_2179 = arith.constant 0 : i32
    %dma_wait3A_2180 = tpu.memref_slice %arg12[%dma_wait3A_2177, %dma_wait3A_2178, %dma_wait3A_2179] : memref<100x32x128xf32, #tpu.memory_space<vmem>> -> memref<1x32x128xf32, #tpu.memory_space<vmem>>
    %dma_wait3A_2181 = tpu.memref_squeeze %dma_wait3A_2180 : memref<1x32x128xf32, #tpu.memory_space<vmem>> -> memref<32x128xf32, #tpu.memory_space<vmem>>
    %dma_wait3A_2182 = arith.constant 0 : i32
    %dma_wait3A_2183 = tpu.memref_slice %arg6[%dma_wait3A_2182, %multiple_of3A_753] : memref<32x100000xf32, #tpu.memory_space<hbm>> -> memref<32x128xf32, #tpu.memory_space<hbm>>
    tpu.wait_dma2 semaphore(%arg15 : memref<!tpu.dma_semaphore, #tpu.memory_space<semaphore_mem>>) src(%dma_wait3A_2183 : memref<32x128xf32, #tpu.memory_space<hbm>>) dst(%dma_wait3A_2181 : memref<32x128xf32, #tpu.memory_space<vmem>>)
    %dma_wait3A_2184 = arith.constant 84 : i32
    %dma_wait3A_2185 = arith.constant 0 : i32
    %dma_wait3A_2186 = arith.constant 0 : i32
    %dma_wait3A_2187 = tpu.memref_slice %arg12[%dma_wait3A_2184, %dma_wait3A_2185, %dma_wait3A_2186] : memref<100x32x128xf32, #tpu.memory_space<vmem>> -> memref<1x32x128xf32, #tpu.memory_space<vmem>>
    %dma_wait3A_2188 = tpu.memref_squeeze %dma_wait3A_2187 : memref<1x32x128xf32, #tpu.memory_space<vmem>> -> memref<32x128xf32, #tpu.memory_space<vmem>>
    %dma_wait3A_2189 = arith.constant 0 : i32
    %dma_wait3A_2190 = tpu.memref_slice %arg6[%dma_wait3A_2189, %multiple_of3A_762] : memref<32x100000xf32, #tpu.memory_space<hbm>> -> memref<32x128xf32, #tpu.memory_space<hbm>>
    tpu.wait_dma2 semaphore(%arg15 : memref<!tpu.dma_semaphore, #tpu.memory_space<semaphore_mem>>) src(%dma_wait3A_2190 : memref<32x128xf32, #tpu.memory_space<hbm>>) dst(%dma_wait3A_2188 : memref<32x128xf32, #tpu.memory_space<vmem>>)
    %dma_wait3A_2191 = arith.constant 85 : i32
    %dma_wait3A_2192 = arith.constant 0 : i32
    %dma_wait3A_2193 = arith.constant 0 : i32
    %dma_wait3A_2194 = tpu.memref_slice %arg12[%dma_wait3A_2191, %dma_wait3A_2192, %dma_wait3A_2193] : memref<100x32x128xf32, #tpu.memory_space<vmem>> -> memref<1x32x128xf32, #tpu.memory_space<vmem>>
    %dma_wait3A_2195 = tpu.memref_squeeze %dma_wait3A_2194 : memref<1x32x128xf32, #tpu.memory_space<vmem>> -> memref<32x128xf32, #tpu.memory_space<vmem>>
    %dma_wait3A_2196 = arith.constant 0 : i32
    %dma_wait3A_2197 = tpu.memref_slice %arg6[%dma_wait3A_2196, %multiple_of3A_771] : memref<32x100000xf32, #tpu.memory_space<hbm>> -> memref<32x128xf32, #tpu.memory_space<hbm>>
    tpu.wait_dma2 semaphore(%arg15 : memref<!tpu.dma_semaphore, #tpu.memory_space<semaphore_mem>>) src(%dma_wait3A_2197 : memref<32x128xf32, #tpu.memory_space<hbm>>) dst(%dma_wait3A_2195 : memref<32x128xf32, #tpu.memory_space<vmem>>)
    %dma_wait3A_2198 = arith.constant 86 : i32
    %dma_wait3A_2199 = arith.constant 0 : i32
    %dma_wait3A_2200 = arith.constant 0 : i32
    %dma_wait3A_2201 = tpu.memref_slice %arg12[%dma_wait3A_2198, %dma_wait3A_2199, %dma_wait3A_2200] : memref<100x32x128xf32, #tpu.memory_space<vmem>> -> memref<1x32x128xf32, #tpu.memory_space<vmem>>
    %dma_wait3A_2202 = tpu.memref_squeeze %dma_wait3A_2201 : memref<1x32x128xf32, #tpu.memory_space<vmem>> -> memref<32x128xf32, #tpu.memory_space<vmem>>
    %dma_wait3A_2203 = arith.constant 0 : i32
    %dma_wait3A_2204 = tpu.memref_slice %arg6[%dma_wait3A_2203, %multiple_of3A_780] : memref<32x100000xf32, #tpu.memory_space<hbm>> -> memref<32x128xf32, #tpu.memory_space<hbm>>
    tpu.wait_dma2 semaphore(%arg15 : memref<!tpu.dma_semaphore, #tpu.memory_space<semaphore_mem>>) src(%dma_wait3A_2204 : memref<32x128xf32, #tpu.memory_space<hbm>>) dst(%dma_wait3A_2202 : memref<32x128xf32, #tpu.memory_space<vmem>>)
    %dma_wait3A_2205 = arith.constant 87 : i32
    %dma_wait3A_2206 = arith.constant 0 : i32
    %dma_wait3A_2207 = arith.constant 0 : i32
    %dma_wait3A_2208 = tpu.memref_slice %arg12[%dma_wait3A_2205, %dma_wait3A_2206, %dma_wait3A_2207] : memref<100x32x128xf32, #tpu.memory_space<vmem>> -> memref<1x32x128xf32, #tpu.memory_space<vmem>>
    %dma_wait3A_2209 = tpu.memref_squeeze %dma_wait3A_2208 : memref<1x32x128xf32, #tpu.memory_space<vmem>> -> memref<32x128xf32, #tpu.memory_space<vmem>>
    %dma_wait3A_2210 = arith.constant 0 : i32
    %dma_wait3A_2211 = tpu.memref_slice %arg6[%dma_wait3A_2210, %multiple_of3A_789] : memref<32x100000xf32, #tpu.memory_space<hbm>> -> memref<32x128xf32, #tpu.memory_space<hbm>>
    tpu.wait_dma2 semaphore(%arg15 : memref<!tpu.dma_semaphore, #tpu.memory_space<semaphore_mem>>) src(%dma_wait3A_2211 : memref<32x128xf32, #tpu.memory_space<hbm>>) dst(%dma_wait3A_2209 : memref<32x128xf32, #tpu.memory_space<vmem>>)
    %dma_wait3A_2212 = arith.constant 88 : i32
    %dma_wait3A_2213 = arith.constant 0 : i32
    %dma_wait3A_2214 = arith.constant 0 : i32
    %dma_wait3A_2215 = tpu.memref_slice %arg12[%dma_wait3A_2212, %dma_wait3A_2213, %dma_wait3A_2214] : memref<100x32x128xf32, #tpu.memory_space<vmem>> -> memref<1x32x128xf32, #tpu.memory_space<vmem>>
    %dma_wait3A_2216 = tpu.memref_squeeze %dma_wait3A_2215 : memref<1x32x128xf32, #tpu.memory_space<vmem>> -> memref<32x128xf32, #tpu.memory_space<vmem>>
    %dma_wait3A_2217 = arith.constant 0 : i32
    %dma_wait3A_2218 = tpu.memref_slice %arg6[%dma_wait3A_2217, %multiple_of3A_798] : memref<32x100000xf32, #tpu.memory_space<hbm>> -> memref<32x128xf32, #tpu.memory_space<hbm>>
    tpu.wait_dma2 semaphore(%arg15 : memref<!tpu.dma_semaphore, #tpu.memory_space<semaphore_mem>>) src(%dma_wait3A_2218 : memref<32x128xf32, #tpu.memory_space<hbm>>) dst(%dma_wait3A_2216 : memref<32x128xf32, #tpu.memory_space<vmem>>)
    %dma_wait3A_2219 = arith.constant 89 : i32
    %dma_wait3A_2220 = arith.constant 0 : i32
    %dma_wait3A_2221 = arith.constant 0 : i32
    %dma_wait3A_2222 = tpu.memref_slice %arg12[%dma_wait3A_2219, %dma_wait3A_2220, %dma_wait3A_2221] : memref<100x32x128xf32, #tpu.memory_space<vmem>> -> memref<1x32x128xf32, #tpu.memory_space<vmem>>
    %dma_wait3A_2223 = tpu.memref_squeeze %dma_wait3A_2222 : memref<1x32x128xf32, #tpu.memory_space<vmem>> -> memref<32x128xf32, #tpu.memory_space<vmem>>
    %dma_wait3A_2224 = arith.constant 0 : i32
    %dma_wait3A_2225 = tpu.memref_slice %arg6[%dma_wait3A_2224, %multiple_of3A_807] : memref<32x100000xf32, #tpu.memory_space<hbm>> -> memref<32x128xf32, #tpu.memory_space<hbm>>
    tpu.wait_dma2 semaphore(%arg15 : memref<!tpu.dma_semaphore, #tpu.memory_space<semaphore_mem>>) src(%dma_wait3A_2225 : memref<32x128xf32, #tpu.memory_space<hbm>>) dst(%dma_wait3A_2223 : memref<32x128xf32, #tpu.memory_space<vmem>>)
    %dma_wait3A_2226 = arith.constant 90 : i32
    %dma_wait3A_2227 = arith.constant 0 : i32
    %dma_wait3A_2228 = arith.constant 0 : i32
    %dma_wait3A_2229 = tpu.memref_slice %arg12[%dma_wait3A_2226, %dma_wait3A_2227, %dma_wait3A_2228] : memref<100x32x128xf32, #tpu.memory_space<vmem>> -> memref<1x32x128xf32, #tpu.memory_space<vmem>>
    %dma_wait3A_2230 = tpu.memref_squeeze %dma_wait3A_2229 : memref<1x32x128xf32, #tpu.memory_space<vmem>> -> memref<32x128xf32, #tpu.memory_space<vmem>>
    %dma_wait3A_2231 = arith.constant 0 : i32
    %dma_wait3A_2232 = tpu.memref_slice %arg6[%dma_wait3A_2231, %multiple_of3A_816] : memref<32x100000xf32, #tpu.memory_space<hbm>> -> memref<32x128xf32, #tpu.memory_space<hbm>>
    tpu.wait_dma2 semaphore(%arg15 : memref<!tpu.dma_semaphore, #tpu.memory_space<semaphore_mem>>) src(%dma_wait3A_2232 : memref<32x128xf32, #tpu.memory_space<hbm>>) dst(%dma_wait3A_2230 : memref<32x128xf32, #tpu.memory_space<vmem>>)
    %dma_wait3A_2233 = arith.constant 91 : i32
    %dma_wait3A_2234 = arith.constant 0 : i32
    %dma_wait3A_2235 = arith.constant 0 : i32
    %dma_wait3A_2236 = tpu.memref_slice %arg12[%dma_wait3A_2233, %dma_wait3A_2234, %dma_wait3A_2235] : memref<100x32x128xf32, #tpu.memory_space<vmem>> -> memref<1x32x128xf32, #tpu.memory_space<vmem>>
    %dma_wait3A_2237 = tpu.memref_squeeze %dma_wait3A_2236 : memref<1x32x128xf32, #tpu.memory_space<vmem>> -> memref<32x128xf32, #tpu.memory_space<vmem>>
    %dma_wait3A_2238 = arith.constant 0 : i32
    %dma_wait3A_2239 = tpu.memref_slice %arg6[%dma_wait3A_2238, %multiple_of3A_825] : memref<32x100000xf32, #tpu.memory_space<hbm>> -> memref<32x128xf32, #tpu.memory_space<hbm>>
    tpu.wait_dma2 semaphore(%arg15 : memref<!tpu.dma_semaphore, #tpu.memory_space<semaphore_mem>>) src(%dma_wait3A_2239 : memref<32x128xf32, #tpu.memory_space<hbm>>) dst(%dma_wait3A_2237 : memref<32x128xf32, #tpu.memory_space<vmem>>)
    %dma_wait3A_2240 = arith.constant 92 : i32
    %dma_wait3A_2241 = arith.constant 0 : i32
    %dma_wait3A_2242 = arith.constant 0 : i32
    %dma_wait3A_2243 = tpu.memref_slice %arg12[%dma_wait3A_2240, %dma_wait3A_2241, %dma_wait3A_2242] : memref<100x32x128xf32, #tpu.memory_space<vmem>> -> memref<1x32x128xf32, #tpu.memory_space<vmem>>
    %dma_wait3A_2244 = tpu.memref_squeeze %dma_wait3A_2243 : memref<1x32x128xf32, #tpu.memory_space<vmem>> -> memref<32x128xf32, #tpu.memory_space<vmem>>
    %dma_wait3A_2245 = arith.constant 0 : i32
    %dma_wait3A_2246 = tpu.memref_slice %arg6[%dma_wait3A_2245, %multiple_of3A_834] : memref<32x100000xf32, #tpu.memory_space<hbm>> -> memref<32x128xf32, #tpu.memory_space<hbm>>
    tpu.wait_dma2 semaphore(%arg15 : memref<!tpu.dma_semaphore, #tpu.memory_space<semaphore_mem>>) src(%dma_wait3A_2246 : memref<32x128xf32, #tpu.memory_space<hbm>>) dst(%dma_wait3A_2244 : memref<32x128xf32, #tpu.memory_space<vmem>>)
    %dma_wait3A_2247 = arith.constant 93 : i32
    %dma_wait3A_2248 = arith.constant 0 : i32
    %dma_wait3A_2249 = arith.constant 0 : i32
    %dma_wait3A_2250 = tpu.memref_slice %arg12[%dma_wait3A_2247, %dma_wait3A_2248, %dma_wait3A_2249] : memref<100x32x128xf32, #tpu.memory_space<vmem>> -> memref<1x32x128xf32, #tpu.memory_space<vmem>>
    %dma_wait3A_2251 = tpu.memref_squeeze %dma_wait3A_2250 : memref<1x32x128xf32, #tpu.memory_space<vmem>> -> memref<32x128xf32, #tpu.memory_space<vmem>>
    %dma_wait3A_2252 = arith.constant 0 : i32
    %dma_wait3A_2253 = tpu.memref_slice %arg6[%dma_wait3A_2252, %multiple_of3A_843] : memref<32x100000xf32, #tpu.memory_space<hbm>> -> memref<32x128xf32, #tpu.memory_space<hbm>>
    tpu.wait_dma2 semaphore(%arg15 : memref<!tpu.dma_semaphore, #tpu.memory_space<semaphore_mem>>) src(%dma_wait3A_2253 : memref<32x128xf32, #tpu.memory_space<hbm>>) dst(%dma_wait3A_2251 : memref<32x128xf32, #tpu.memory_space<vmem>>)
    %dma_wait3A_2254 = arith.constant 94 : i32
    %dma_wait3A_2255 = arith.constant 0 : i32
    %dma_wait3A_2256 = arith.constant 0 : i32
    %dma_wait3A_2257 = tpu.memref_slice %arg12[%dma_wait3A_2254, %dma_wait3A_2255, %dma_wait3A_2256] : memref<100x32x128xf32, #tpu.memory_space<vmem>> -> memref<1x32x128xf32, #tpu.memory_space<vmem>>
    %dma_wait3A_2258 = tpu.memref_squeeze %dma_wait3A_2257 : memref<1x32x128xf32, #tpu.memory_space<vmem>> -> memref<32x128xf32, #tpu.memory_space<vmem>>
    %dma_wait3A_2259 = arith.constant 0 : i32
    %dma_wait3A_2260 = tpu.memref_slice %arg6[%dma_wait3A_2259, %multiple_of3A_852] : memref<32x100000xf32, #tpu.memory_space<hbm>> -> memref<32x128xf32, #tpu.memory_space<hbm>>
    tpu.wait_dma2 semaphore(%arg15 : memref<!tpu.dma_semaphore, #tpu.memory_space<semaphore_mem>>) src(%dma_wait3A_2260 : memref<32x128xf32, #tpu.memory_space<hbm>>) dst(%dma_wait3A_2258 : memref<32x128xf32, #tpu.memory_space<vmem>>)
    %dma_wait3A_2261 = arith.constant 95 : i32
    %dma_wait3A_2262 = arith.constant 0 : i32
    %dma_wait3A_2263 = arith.constant 0 : i32
    %dma_wait3A_2264 = tpu.memref_slice %arg12[%dma_wait3A_2261, %dma_wait3A_2262, %dma_wait3A_2263] : memref<100x32x128xf32, #tpu.memory_space<vmem>> -> memref<1x32x128xf32, #tpu.memory_space<vmem>>
    %dma_wait3A_2265 = tpu.memref_squeeze %dma_wait3A_2264 : memref<1x32x128xf32, #tpu.memory_space<vmem>> -> memref<32x128xf32, #tpu.memory_space<vmem>>
    %dma_wait3A_2266 = arith.constant 0 : i32
    %dma_wait3A_2267 = tpu.memref_slice %arg6[%dma_wait3A_2266, %multiple_of3A_861] : memref<32x100000xf32, #tpu.memory_space<hbm>> -> memref<32x128xf32, #tpu.memory_space<hbm>>
    tpu.wait_dma2 semaphore(%arg15 : memref<!tpu.dma_semaphore, #tpu.memory_space<semaphore_mem>>) src(%dma_wait3A_2267 : memref<32x128xf32, #tpu.memory_space<hbm>>) dst(%dma_wait3A_2265 : memref<32x128xf32, #tpu.memory_space<vmem>>)
    %dma_wait3A_2268 = arith.constant 96 : i32
    %dma_wait3A_2269 = arith.constant 0 : i32
    %dma_wait3A_2270 = arith.constant 0 : i32
    %dma_wait3A_2271 = tpu.memref_slice %arg12[%dma_wait3A_2268, %dma_wait3A_2269, %dma_wait3A_2270] : memref<100x32x128xf32, #tpu.memory_space<vmem>> -> memref<1x32x128xf32, #tpu.memory_space<vmem>>
    %dma_wait3A_2272 = tpu.memref_squeeze %dma_wait3A_2271 : memref<1x32x128xf32, #tpu.memory_space<vmem>> -> memref<32x128xf32, #tpu.memory_space<vmem>>
    %dma_wait3A_2273 = arith.constant 0 : i32
    %dma_wait3A_2274 = tpu.memref_slice %arg6[%dma_wait3A_2273, %multiple_of3A_870] : memref<32x100000xf32, #tpu.memory_space<hbm>> -> memref<32x128xf32, #tpu.memory_space<hbm>>
    tpu.wait_dma2 semaphore(%arg15 : memref<!tpu.dma_semaphore, #tpu.memory_space<semaphore_mem>>) src(%dma_wait3A_2274 : memref<32x128xf32, #tpu.memory_space<hbm>>) dst(%dma_wait3A_2272 : memref<32x128xf32, #tpu.memory_space<vmem>>)
    %dma_wait3A_2275 = arith.constant 97 : i32
    %dma_wait3A_2276 = arith.constant 0 : i32
    %dma_wait3A_2277 = arith.constant 0 : i32
    %dma_wait3A_2278 = tpu.memref_slice %arg12[%dma_wait3A_2275, %dma_wait3A_2276, %dma_wait3A_2277] : memref<100x32x128xf32, #tpu.memory_space<vmem>> -> memref<1x32x128xf32, #tpu.memory_space<vmem>>
    %dma_wait3A_2279 = tpu.memref_squeeze %dma_wait3A_2278 : memref<1x32x128xf32, #tpu.memory_space<vmem>> -> memref<32x128xf32, #tpu.memory_space<vmem>>
    %dma_wait3A_2280 = arith.constant 0 : i32
    %dma_wait3A_2281 = tpu.memref_slice %arg6[%dma_wait3A_2280, %multiple_of3A_879] : memref<32x100000xf32, #tpu.memory_space<hbm>> -> memref<32x128xf32, #tpu.memory_space<hbm>>
    tpu.wait_dma2 semaphore(%arg15 : memref<!tpu.dma_semaphore, #tpu.memory_space<semaphore_mem>>) src(%dma_wait3A_2281 : memref<32x128xf32, #tpu.memory_space<hbm>>) dst(%dma_wait3A_2279 : memref<32x128xf32, #tpu.memory_space<vmem>>)
    %dma_wait3A_2282 = arith.constant 98 : i32
    %dma_wait3A_2283 = arith.constant 0 : i32
    %dma_wait3A_2284 = arith.constant 0 : i32
    %dma_wait3A_2285 = tpu.memref_slice %arg12[%dma_wait3A_2282, %dma_wait3A_2283, %dma_wait3A_2284] : memref<100x32x128xf32, #tpu.memory_space<vmem>> -> memref<1x32x128xf32, #tpu.memory_space<vmem>>
    %dma_wait3A_2286 = tpu.memref_squeeze %dma_wait3A_2285 : memref<1x32x128xf32, #tpu.memory_space<vmem>> -> memref<32x128xf32, #tpu.memory_space<vmem>>
    %dma_wait3A_2287 = arith.constant 0 : i32
    %dma_wait3A_2288 = tpu.memref_slice %arg6[%dma_wait3A_2287, %multiple_of3A_888] : memref<32x100000xf32, #tpu.memory_space<hbm>> -> memref<32x128xf32, #tpu.memory_space<hbm>>
    tpu.wait_dma2 semaphore(%arg15 : memref<!tpu.dma_semaphore, #tpu.memory_space<semaphore_mem>>) src(%dma_wait3A_2288 : memref<32x128xf32, #tpu.memory_space<hbm>>) dst(%dma_wait3A_2286 : memref<32x128xf32, #tpu.memory_space<vmem>>)
    %dma_wait3A_2289 = arith.constant 99 : i32
    %dma_wait3A_2290 = arith.constant 0 : i32
    %dma_wait3A_2291 = arith.constant 0 : i32
    %dma_wait3A_2292 = tpu.memref_slice %arg12[%dma_wait3A_2289, %dma_wait3A_2290, %dma_wait3A_2291] : memref<100x32x128xf32, #tpu.memory_space<vmem>> -> memref<1x32x128xf32, #tpu.memory_space<vmem>>
    %dma_wait3A_2293 = tpu.memref_squeeze %dma_wait3A_2292 : memref<1x32x128xf32, #tpu.memory_space<vmem>> -> memref<32x128xf32, #tpu.memory_space<vmem>>
    %dma_wait3A_2294 = arith.constant 0 : i32
    %dma_wait3A_2295 = tpu.memref_slice %arg6[%dma_wait3A_2294, %multiple_of3A_897] : memref<32x100000xf32, #tpu.memory_space<hbm>> -> memref<32x128xf32, #tpu.memory_space<hbm>>
    tpu.wait_dma2 semaphore(%arg15 : memref<!tpu.dma_semaphore, #tpu.memory_space<semaphore_mem>>) src(%dma_wait3A_2295 : memref<32x128xf32, #tpu.memory_space<hbm>>) dst(%dma_wait3A_2293 : memref<32x128xf32, #tpu.memory_space<vmem>>)
    %iota3A = tpu.iota {dimensions = array<i32: 1>} : vector<32x128xi32>
    %get3A_2296 = arith.constant 0 : index
    %get3A_2297 = memref.load %arg7[%get3A_2296] : memref<100xi32, #tpu.memory_space<smem>>
    %shift_right_arithmetic3A_2298 = arith.constant 7 : i32
    %shift_right_arithmetic3A_2299 = arith.shrsi %get3A_2297, %shift_right_arithmetic3A_2298 : i32
    %mul3A_2300 = arith.constant 128 : i32
    %mul3A_2301 = arith.muli %shift_right_arithmetic3A_2299, %mul3A_2300 : i32
    %min3A_2302 = arith.constant 99872 : i32
    %min3A_2303 = arith.minsi %mul3A_2301, %min3A_2302 : i32
    %get3A_2304 = arith.constant 0 : index
    %get3A_2305 = memref.load %arg7[%get3A_2304] : memref<100xi32, #tpu.memory_space<smem>>
    %sub3A = arith.subi %get3A_2305, %min3A_2303 : i32
    %eq3A = vector.broadcast %sub3A : i32 to vector<32x128xi32>
    %eq3A_2306 = arith.cmpi eq, %iota3A, %eq3A : vector<32x128xi32>
    %get3A_2307 = arith.constant 0 : index
    %get3A_2308 = arith.constant 0 : index
    %get3A_2309 = arith.constant 0 : index
    %get3A_2310 = vector.load %arg12[%get3A_2307, %get3A_2308, %get3A_2309] : memref<100x32x128xf32, #tpu.memory_space<vmem>>, vector<1x32x128xf32>
    %get3A_2311 = vector.shape_cast %get3A_2310 : vector<1x32x128xf32> to vector<32x128xf32>
    %jit3A = arith.constant 0.000000e+00 : f32
    %broadcast_in_dim3A_2312 = vector.broadcast %jit3A : f32 to vector<32x128xf32>
    %select_n3A = arith.select %eq3A_2306, %get3A_2311, %broadcast_in_dim3A_2312 : vector<32x128xi1>, vector<32x128xf32>
    %reduce_sum3A = arith.constant dense<0.000000e+00> : vector<32xf32>
    %reduce_sum3A_2313 = vector.multi_reduction <add>, %select_n3A, %reduce_sum3A [1] : vector<32x128xf32> to vector<32xf32>
    %broadcast_in_dim3A_2314 = vector.shape_cast %reduce_sum3A_2313 : vector<32xf32> to vector<32x1xf32>
    %swap3A_2315 = arith.constant 0 : index
    %swap3A_2316 = arith.constant 0 : index
    %swap3A_2317 = vector.load %arg11[%swap3A_2315, %swap3A_2316] : memref<32x100xf32, #tpu.memory_space<vmem>>, vector<32x1xf32>
    tpu.vector_store %arg11[%swap3A_2315, %swap3A_2316], %broadcast_in_dim3A_2314 {strides = array<i32>} : memref<32x100xf32, #tpu.memory_space<vmem>>, vector<32x1xf32>,
    %get3A_2318 = arith.constant 1 : index
    %get3A_2319 = memref.load %arg7[%get3A_2318] : memref<100xi32, #tpu.memory_space<smem>>
    %shift_right_arithmetic3A_2320 = arith.constant 7 : i32
    %shift_right_arithmetic3A_2321 = arith.shrsi %get3A_2319, %shift_right_arithmetic3A_2320 : i32
    %mul3A_2322 = arith.constant 128 : i32
    %mul3A_2323 = arith.muli %shift_right_arithmetic3A_2321, %mul3A_2322 : i32
    %min3A_2324 = arith.constant 99872 : i32
    %min3A_2325 = arith.minsi %mul3A_2323, %min3A_2324 : i32
    %get3A_2326 = arith.constant 1 : index
    %get3A_2327 = memref.load %arg7[%get3A_2326] : memref<100xi32, #tpu.memory_space<smem>>
    %sub3A_2328 = arith.subi %get3A_2327, %min3A_2325 : i32
    %eq3A_2329 = vector.broadcast %sub3A_2328 : i32 to vector<32x128xi32>
    %eq3A_2330 = arith.cmpi eq, %iota3A, %eq3A_2329 : vector<32x128xi32>
    %get3A_2331 = arith.constant 1 : index
    %get3A_2332 = arith.constant 0 : index
    %get3A_2333 = arith.constant 0 : index
    %get3A_2334 = vector.load %arg12[%get3A_2331, %get3A_2332, %get3A_2333] : memref<100x32x128xf32, #tpu.memory_space<vmem>>, vector<1x32x128xf32>
    %get3A_2335 = vector.shape_cast %get3A_2334 : vector<1x32x128xf32> to vector<32x128xf32>
    %jit3A_2336 = arith.constant 0.000000e+00 : f32
    %broadcast_in_dim3A_2337 = vector.broadcast %jit3A_2336 : f32 to vector<32x128xf32>
    %select_n3A_2338 = arith.select %eq3A_2330, %get3A_2335, %broadcast_in_dim3A_2337 : vector<32x128xi1>, vector<32x128xf32>
    %reduce_sum3A_2339 = arith.constant dense<0.000000e+00> : vector<32xf32>
    %reduce_sum3A_2340 = vector.multi_reduction <add>, %select_n3A_2338, %reduce_sum3A_2339 [1] : vector<32x128xf32> to vector<32xf32>
    %broadcast_in_dim3A_2341 = vector.shape_cast %reduce_sum3A_2340 : vector<32xf32> to vector<32x1xf32>
    %swap3A_2342 = arith.constant 0 : index
    %swap3A_2343 = arith.constant 1 : index
    %swap3A_2344 = vector.load %arg11[%swap3A_2342, %swap3A_2343] : memref<32x100xf32, #tpu.memory_space<vmem>>, vector<32x1xf32>
    tpu.vector_store %arg11[%swap3A_2342, %swap3A_2343], %broadcast_in_dim3A_2341 {strides = array<i32>} : memref<32x100xf32, #tpu.memory_space<vmem>>, vector<32x1xf32>,
    %get3A_2345 = arith.constant 2 : index
    %get3A_2346 = memref.load %arg7[%get3A_2345] : memref<100xi32, #tpu.memory_space<smem>>
    %shift_right_arithmetic3A_2347 = arith.constant 7 : i32
    %shift_right_arithmetic3A_2348 = arith.shrsi %get3A_2346, %shift_right_arithmetic3A_2347 : i32
    %mul3A_2349 = arith.constant 128 : i32
    %mul3A_2350 = arith.muli %shift_right_arithmetic3A_2348, %mul3A_2349 : i32
    %min3A_2351 = arith.constant 99872 : i32
    %min3A_2352 = arith.minsi %mul3A_2350, %min3A_2351 : i32
    %get3A_2353 = arith.constant 2 : index
    %get3A_2354 = memref.load %arg7[%get3A_2353] : memref<100xi32, #tpu.memory_space<smem>>
    %sub3A_2355 = arith.subi %get3A_2354, %min3A_2352 : i32
    %eq3A_2356 = vector.broadcast %sub3A_2355 : i32 to vector<32x128xi32>
    %eq3A_2357 = arith.cmpi eq, %iota3A, %eq3A_2356 : vector<32x128xi32>
    %get3A_2358 = arith.constant 2 : index
    %get3A_2359 = arith.constant 0 : index
    %get3A_2360 = arith.constant 0 : index
    %get3A_2361 = vector.load %arg12[%get3A_2358, %get3A_2359, %get3A_2360] : memref<100x32x128xf32, #tpu.memory_space<vmem>>, vector<1x32x128xf32>
    %get3A_2362 = vector.shape_cast %get3A_2361 : vector<1x32x128xf32> to vector<32x128xf32>
    %jit3A_2363 = arith.constant 0.000000e+00 : f32
    %broadcast_in_dim3A_2364 = vector.broadcast %jit3A_2363 : f32 to vector<32x128xf32>
    %select_n3A_2365 = arith.select %eq3A_2357, %get3A_2362, %broadcast_in_dim3A_2364 : vector<32x128xi1>, vector<32x128xf32>
    %reduce_sum3A_2366 = arith.constant dense<0.000000e+00> : vector<32xf32>
    %reduce_sum3A_2367 = vector.multi_reduction <add>, %select_n3A_2365, %reduce_sum3A_2366 [1] : vector<32x128xf32> to vector<32xf32>
    %broadcast_in_dim3A_2368 = vector.shape_cast %reduce_sum3A_2367 : vector<32xf32> to vector<32x1xf32>
    %swap3A_2369 = arith.constant 0 : index
    %swap3A_2370 = arith.constant 2 : index
    %swap3A_2371 = vector.load %arg11[%swap3A_2369, %swap3A_2370] : memref<32x100xf32, #tpu.memory_space<vmem>>, vector<32x1xf32>
    tpu.vector_store %arg11[%swap3A_2369, %swap3A_2370], %broadcast_in_dim3A_2368 {strides = array<i32>} : memref<32x100xf32, #tpu.memory_space<vmem>>, vector<32x1xf32>,
    %get3A_2372 = arith.constant 3 : index
    %get3A_2373 = memref.load %arg7[%get3A_2372] : memref<100xi32, #tpu.memory_space<smem>>
    %shift_right_arithmetic3A_2374 = arith.constant 7 : i32
    %shift_right_arithmetic3A_2375 = arith.shrsi %get3A_2373, %shift_right_arithmetic3A_2374 : i32
    %mul3A_2376 = arith.constant 128 : i32
    %mul3A_2377 = arith.muli %shift_right_arithmetic3A_2375, %mul3A_2376 : i32
    %min3A_2378 = arith.constant 99872 : i32
    %min3A_2379 = arith.minsi %mul3A_2377, %min3A_2378 : i32
    %get3A_2380 = arith.constant 3 : index
    %get3A_2381 = memref.load %arg7[%get3A_2380] : memref<100xi32, #tpu.memory_space<smem>>
    %sub3A_2382 = arith.subi %get3A_2381, %min3A_2379 : i32
    %eq3A_2383 = vector.broadcast %sub3A_2382 : i32 to vector<32x128xi32>
    %eq3A_2384 = arith.cmpi eq, %iota3A, %eq3A_2383 : vector<32x128xi32>
    %get3A_2385 = arith.constant 3 : index
    %get3A_2386 = arith.constant 0 : index
    %get3A_2387 = arith.constant 0 : index
    %get3A_2388 = vector.load %arg12[%get3A_2385, %get3A_2386, %get3A_2387] : memref<100x32x128xf32, #tpu.memory_space<vmem>>, vector<1x32x128xf32>
    %get3A_2389 = vector.shape_cast %get3A_2388 : vector<1x32x128xf32> to vector<32x128xf32>
    %jit3A_2390 = arith.constant 0.000000e+00 : f32
    %broadcast_in_dim3A_2391 = vector.broadcast %jit3A_2390 : f32 to vector<32x128xf32>
    %select_n3A_2392 = arith.select %eq3A_2384, %get3A_2389, %broadcast_in_dim3A_2391 : vector<32x128xi1>, vector<32x128xf32>
    %reduce_sum3A_2393 = arith.constant dense<0.000000e+00> : vector<32xf32>
    %reduce_sum3A_2394 = vector.multi_reduction <add>, %select_n3A_2392, %reduce_sum3A_2393 [1] : vector<32x128xf32> to vector<32xf32>
    %broadcast_in_dim3A_2395 = vector.shape_cast %reduce_sum3A_2394 : vector<32xf32> to vector<32x1xf32>
    %swap3A_2396 = arith.constant 0 : index
    %swap3A_2397 = arith.constant 3 : index
    %swap3A_2398 = vector.load %arg11[%swap3A_2396, %swap3A_2397] : memref<32x100xf32, #tpu.memory_space<vmem>>, vector<32x1xf32>
    tpu.vector_store %arg11[%swap3A_2396, %swap3A_2397], %broadcast_in_dim3A_2395 {strides = array<i32>} : memref<32x100xf32, #tpu.memory_space<vmem>>, vector<32x1xf32>,
    %get3A_2399 = arith.constant 4 : index
    %get3A_2400 = memref.load %arg7[%get3A_2399] : memref<100xi32, #tpu.memory_space<smem>>
    %shift_right_arithmetic3A_2401 = arith.constant 7 : i32
    %shift_right_arithmetic3A_2402 = arith.shrsi %get3A_2400, %shift_right_arithmetic3A_2401 : i32
    %mul3A_2403 = arith.constant 128 : i32
    %mul3A_2404 = arith.muli %shift_right_arithmetic3A_2402, %mul3A_2403 : i32
    %min3A_2405 = arith.constant 99872 : i32
    %min3A_2406 = arith.minsi %mul3A_2404, %min3A_2405 : i32
    %get3A_2407 = arith.constant 4 : index
    %get3A_2408 = memref.load %arg7[%get3A_2407] : memref<100xi32, #tpu.memory_space<smem>>
    %sub3A_2409 = arith.subi %get3A_2408, %min3A_2406 : i32
    %eq3A_2410 = vector.broadcast %sub3A_2409 : i32 to vector<32x128xi32>
    %eq3A_2411 = arith.cmpi eq, %iota3A, %eq3A_2410 : vector<32x128xi32>
    %get3A_2412 = arith.constant 4 : index
    %get3A_2413 = arith.constant 0 : index
    %get3A_2414 = arith.constant 0 : index
    %get3A_2415 = vector.load %arg12[%get3A_2412, %get3A_2413, %get3A_2414] : memref<100x32x128xf32, #tpu.memory_space<vmem>>, vector<1x32x128xf32>
    %get3A_2416 = vector.shape_cast %get3A_2415 : vector<1x32x128xf32> to vector<32x128xf32>
    %jit3A_2417 = arith.constant 0.000000e+00 : f32
    %broadcast_in_dim3A_2418 = vector.broadcast %jit3A_2417 : f32 to vector<32x128xf32>
    %select_n3A_2419 = arith.select %eq3A_2411, %get3A_2416, %broadcast_in_dim3A_2418 : vector<32x128xi1>, vector<32x128xf32>
    %reduce_sum3A_2420 = arith.constant dense<0.000000e+00> : vector<32xf32>
    %reduce_sum3A_2421 = vector.multi_reduction <add>, %select_n3A_2419, %reduce_sum3A_2420 [1] : vector<32x128xf32> to vector<32xf32>
    %broadcast_in_dim3A_2422 = vector.shape_cast %reduce_sum3A_2421 : vector<32xf32> to vector<32x1xf32>
    %swap3A_2423 = arith.constant 0 : index
    %swap3A_2424 = arith.constant 4 : index
    %swap3A_2425 = vector.load %arg11[%swap3A_2423, %swap3A_2424] : memref<32x100xf32, #tpu.memory_space<vmem>>, vector<32x1xf32>
    tpu.vector_store %arg11[%swap3A_2423, %swap3A_2424], %broadcast_in_dim3A_2422 {strides = array<i32>} : memref<32x100xf32, #tpu.memory_space<vmem>>, vector<32x1xf32>,
    %get3A_2426 = arith.constant 5 : index
    %get3A_2427 = memref.load %arg7[%get3A_2426] : memref<100xi32, #tpu.memory_space<smem>>
    %shift_right_arithmetic3A_2428 = arith.constant 7 : i32
    %shift_right_arithmetic3A_2429 = arith.shrsi %get3A_2427, %shift_right_arithmetic3A_2428 : i32
    %mul3A_2430 = arith.constant 128 : i32
    %mul3A_2431 = arith.muli %shift_right_arithmetic3A_2429, %mul3A_2430 : i32
    %min3A_2432 = arith.constant 99872 : i32
    %min3A_2433 = arith.minsi %mul3A_2431, %min3A_2432 : i32
    %get3A_2434 = arith.constant 5 : index
    %get3A_2435 = memref.load %arg7[%get3A_2434] : memref<100xi32, #tpu.memory_space<smem>>
    %sub3A_2436 = arith.subi %get3A_2435, %min3A_2433 : i32
    %eq3A_2437 = vector.broadcast %sub3A_2436 : i32 to vector<32x128xi32>
    %eq3A_2438 = arith.cmpi eq, %iota3A, %eq3A_2437 : vector<32x128xi32>
    %get3A_2439 = arith.constant 5 : index
    %get3A_2440 = arith.constant 0 : index
    %get3A_2441 = arith.constant 0 : index
    %get3A_2442 = vector.load %arg12[%get3A_2439, %get3A_2440, %get3A_2441] : memref<100x32x128xf32, #tpu.memory_space<vmem>>, vector<1x32x128xf32>
    %get3A_2443 = vector.shape_cast %get3A_2442 : vector<1x32x128xf32> to vector<32x128xf32>
    %jit3A_2444 = arith.constant 0.000000e+00 : f32
    %broadcast_in_dim3A_2445 = vector.broadcast %jit3A_2444 : f32 to vector<32x128xf32>
    %select_n3A_2446 = arith.select %eq3A_2438, %get3A_2443, %broadcast_in_dim3A_2445 : vector<32x128xi1>, vector<32x128xf32>
    %reduce_sum3A_2447 = arith.constant dense<0.000000e+00> : vector<32xf32>
    %reduce_sum3A_2448 = vector.multi_reduction <add>, %select_n3A_2446, %reduce_sum3A_2447 [1] : vector<32x128xf32> to vector<32xf32>
    %broadcast_in_dim3A_2449 = vector.shape_cast %reduce_sum3A_2448 : vector<32xf32> to vector<32x1xf32>
    %swap3A_2450 = arith.constant 0 : index
    %swap3A_2451 = arith.constant 5 : index
    %swap3A_2452 = vector.load %arg11[%swap3A_2450, %swap3A_2451] : memref<32x100xf32, #tpu.memory_space<vmem>>, vector<32x1xf32>
    tpu.vector_store %arg11[%swap3A_2450, %swap3A_2451], %broadcast_in_dim3A_2449 {strides = array<i32>} : memref<32x100xf32, #tpu.memory_space<vmem>>, vector<32x1xf32>,
    %get3A_2453 = arith.constant 6 : index
    %get3A_2454 = memref.load %arg7[%get3A_2453] : memref<100xi32, #tpu.memory_space<smem>>
    %shift_right_arithmetic3A_2455 = arith.constant 7 : i32
    %shift_right_arithmetic3A_2456 = arith.shrsi %get3A_2454, %shift_right_arithmetic3A_2455 : i32
    %mul3A_2457 = arith.constant 128 : i32
    %mul3A_2458 = arith.muli %shift_right_arithmetic3A_2456, %mul3A_2457 : i32
    %min3A_2459 = arith.constant 99872 : i32
    %min3A_2460 = arith.minsi %mul3A_2458, %min3A_2459 : i32
    %get3A_2461 = arith.constant 6 : index
    %get3A_2462 = memref.load %arg7[%get3A_2461] : memref<100xi32, #tpu.memory_space<smem>>
    %sub3A_2463 = arith.subi %get3A_2462, %min3A_2460 : i32
    %eq3A_2464 = vector.broadcast %sub3A_2463 : i32 to vector<32x128xi32>
    %eq3A_2465 = arith.cmpi eq, %iota3A, %eq3A_2464 : vector<32x128xi32>
    %get3A_2466 = arith.constant 6 : index
    %get3A_2467 = arith.constant 0 : index
    %get3A_2468 = arith.constant 0 : index
    %get3A_2469 = vector.load %arg12[%get3A_2466, %get3A_2467, %get3A_2468] : memref<100x32x128xf32, #tpu.memory_space<vmem>>, vector<1x32x128xf32>
    %get3A_2470 = vector.shape_cast %get3A_2469 : vector<1x32x128xf32> to vector<32x128xf32>
    %jit3A_2471 = arith.constant 0.000000e+00 : f32
    %broadcast_in_dim3A_2472 = vector.broadcast %jit3A_2471 : f32 to vector<32x128xf32>
    %select_n3A_2473 = arith.select %eq3A_2465, %get3A_2470, %broadcast_in_dim3A_2472 : vector<32x128xi1>, vector<32x128xf32>
    %reduce_sum3A_2474 = arith.constant dense<0.000000e+00> : vector<32xf32>
    %reduce_sum3A_2475 = vector.multi_reduction <add>, %select_n3A_2473, %reduce_sum3A_2474 [1] : vector<32x128xf32> to vector<32xf32>
    %broadcast_in_dim3A_2476 = vector.shape_cast %reduce_sum3A_2475 : vector<32xf32> to vector<32x1xf32>
    %swap3A_2477 = arith.constant 0 : index
    %swap3A_2478 = arith.constant 6 : index
    %swap3A_2479 = vector.load %arg11[%swap3A_2477, %swap3A_2478] : memref<32x100xf32, #tpu.memory_space<vmem>>, vector<32x1xf32>
    tpu.vector_store %arg11[%swap3A_2477, %swap3A_2478], %broadcast_in_dim3A_2476 {strides = array<i32>} : memref<32x100xf32, #tpu.memory_space<vmem>>, vector<32x1xf32>,
    %get3A_2480 = arith.constant 7 : index
    %get3A_2481 = memref.load %arg7[%get3A_2480] : memref<100xi32, #tpu.memory_space<smem>>
    %shift_right_arithmetic3A_2482 = arith.constant 7 : i32
    %shift_right_arithmetic3A_2483 = arith.shrsi %get3A_2481, %shift_right_arithmetic3A_2482 : i32
    %mul3A_2484 = arith.constant 128 : i32
    %mul3A_2485 = arith.muli %shift_right_arithmetic3A_2483, %mul3A_2484 : i32
    %min3A_2486 = arith.constant 99872 : i32
    %min3A_2487 = arith.minsi %mul3A_2485, %min3A_2486 : i32
    %get3A_2488 = arith.constant 7 : index
    %get3A_2489 = memref.load %arg7[%get3A_2488] : memref<100xi32, #tpu.memory_space<smem>>
    %sub3A_2490 = arith.subi %get3A_2489, %min3A_2487 : i32
    %eq3A_2491 = vector.broadcast %sub3A_2490 : i32 to vector<32x128xi32>
    %eq3A_2492 = arith.cmpi eq, %iota3A, %eq3A_2491 : vector<32x128xi32>
    %get3A_2493 = arith.constant 7 : index
    %get3A_2494 = arith.constant 0 : index
    %get3A_2495 = arith.constant 0 : index
    %get3A_2496 = vector.load %arg12[%get3A_2493, %get3A_2494, %get3A_2495] : memref<100x32x128xf32, #tpu.memory_space<vmem>>, vector<1x32x128xf32>
    %get3A_2497 = vector.shape_cast %get3A_2496 : vector<1x32x128xf32> to vector<32x128xf32>
    %jit3A_2498 = arith.constant 0.000000e+00 : f32
    %broadcast_in_dim3A_2499 = vector.broadcast %jit3A_2498 : f32 to vector<32x128xf32>
    %select_n3A_2500 = arith.select %eq3A_2492, %get3A_2497, %broadcast_in_dim3A_2499 : vector<32x128xi1>, vector<32x128xf32>
    %reduce_sum3A_2501 = arith.constant dense<0.000000e+00> : vector<32xf32>
    %reduce_sum3A_2502 = vector.multi_reduction <add>, %select_n3A_2500, %reduce_sum3A_2501 [1] : vector<32x128xf32> to vector<32xf32>
    %broadcast_in_dim3A_2503 = vector.shape_cast %reduce_sum3A_2502 : vector<32xf32> to vector<32x1xf32>
    %swap3A_2504 = arith.constant 0 : index
    %swap3A_2505 = arith.constant 7 : index
    %swap3A_2506 = vector.load %arg11[%swap3A_2504, %swap3A_2505] : memref<32x100xf32, #tpu.memory_space<vmem>>, vector<32x1xf32>
    tpu.vector_store %arg11[%swap3A_2504, %swap3A_2505], %broadcast_in_dim3A_2503 {strides = array<i32>} : memref<32x100xf32, #tpu.memory_space<vmem>>, vector<32x1xf32>,
    %get3A_2507 = arith.constant 8 : index
    %get3A_2508 = memref.load %arg7[%get3A_2507] : memref<100xi32, #tpu.memory_space<smem>>
    %shift_right_arithmetic3A_2509 = arith.constant 7 : i32
    %shift_right_arithmetic3A_2510 = arith.shrsi %get3A_2508, %shift_right_arithmetic3A_2509 : i32
    %mul3A_2511 = arith.constant 128 : i32
    %mul3A_2512 = arith.muli %shift_right_arithmetic3A_2510, %mul3A_2511 : i32
    %min3A_2513 = arith.constant 99872 : i32
    %min3A_2514 = arith.minsi %mul3A_2512, %min3A_2513 : i32
    %get3A_2515 = arith.constant 8 : index
    %get3A_2516 = memref.load %arg7[%get3A_2515] : memref<100xi32, #tpu.memory_space<smem>>
    %sub3A_2517 = arith.subi %get3A_2516, %min3A_2514 : i32
    %eq3A_2518 = vector.broadcast %sub3A_2517 : i32 to vector<32x128xi32>
    %eq3A_2519 = arith.cmpi eq, %iota3A, %eq3A_2518 : vector<32x128xi32>
    %get3A_2520 = arith.constant 8 : index
    %get3A_2521 = arith.constant 0 : index
    %get3A_2522 = arith.constant 0 : index
    %get3A_2523 = vector.load %arg12[%get3A_2520, %get3A_2521, %get3A_2522] : memref<100x32x128xf32, #tpu.memory_space<vmem>>, vector<1x32x128xf32>
    %get3A_2524 = vector.shape_cast %get3A_2523 : vector<1x32x128xf32> to vector<32x128xf32>
    %jit3A_2525 = arith.constant 0.000000e+00 : f32
    %broadcast_in_dim3A_2526 = vector.broadcast %jit3A_2525 : f32 to vector<32x128xf32>
    %select_n3A_2527 = arith.select %eq3A_2519, %get3A_2524, %broadcast_in_dim3A_2526 : vector<32x128xi1>, vector<32x128xf32>
    %reduce_sum3A_2528 = arith.constant dense<0.000000e+00> : vector<32xf32>
    %reduce_sum3A_2529 = vector.multi_reduction <add>, %select_n3A_2527, %reduce_sum3A_2528 [1] : vector<32x128xf32> to vector<32xf32>
    %broadcast_in_dim3A_2530 = vector.shape_cast %reduce_sum3A_2529 : vector<32xf32> to vector<32x1xf32>
    %swap3A_2531 = arith.constant 0 : index
    %swap3A_2532 = arith.constant 8 : index
    %swap3A_2533 = vector.load %arg11[%swap3A_2531, %swap3A_2532] : memref<32x100xf32, #tpu.memory_space<vmem>>, vector<32x1xf32>
    tpu.vector_store %arg11[%swap3A_2531, %swap3A_2532], %broadcast_in_dim3A_2530 {strides = array<i32>} : memref<32x100xf32, #tpu.memory_space<vmem>>, vector<32x1xf32>,
    %get3A_2534 = arith.constant 9 : index
    %get3A_2535 = memref.load %arg7[%get3A_2534] : memref<100xi32, #tpu.memory_space<smem>>
    %shift_right_arithmetic3A_2536 = arith.constant 7 : i32
    %shift_right_arithmetic3A_2537 = arith.shrsi %get3A_2535, %shift_right_arithmetic3A_2536 : i32
    %mul3A_2538 = arith.constant 128 : i32
    %mul3A_2539 = arith.muli %shift_right_arithmetic3A_2537, %mul3A_2538 : i32
    %min3A_2540 = arith.constant 99872 : i32
    %min3A_2541 = arith.minsi %mul3A_2539, %min3A_2540 : i32
    %get3A_2542 = arith.constant 9 : index
    %get3A_2543 = memref.load %arg7[%get3A_2542] : memref<100xi32, #tpu.memory_space<smem>>
    %sub3A_2544 = arith.subi %get3A_2543, %min3A_2541 : i32
    %eq3A_2545 = vector.broadcast %sub3A_2544 : i32 to vector<32x128xi32>
    %eq3A_2546 = arith.cmpi eq, %iota3A, %eq3A_2545 : vector<32x128xi32>
    %get3A_2547 = arith.constant 9 : index
    %get3A_2548 = arith.constant 0 : index
    %get3A_2549 = arith.constant 0 : index
    %get3A_2550 = vector.load %arg12[%get3A_2547, %get3A_2548, %get3A_2549] : memref<100x32x128xf32, #tpu.memory_space<vmem>>, vector<1x32x128xf32>
    %get3A_2551 = vector.shape_cast %get3A_2550 : vector<1x32x128xf32> to vector<32x128xf32>
    %jit3A_2552 = arith.constant 0.000000e+00 : f32
    %broadcast_in_dim3A_2553 = vector.broadcast %jit3A_2552 : f32 to vector<32x128xf32>
    %select_n3A_2554 = arith.select %eq3A_2546, %get3A_2551, %broadcast_in_dim3A_2553 : vector<32x128xi1>, vector<32x128xf32>
    %reduce_sum3A_2555 = arith.constant dense<0.000000e+00> : vector<32xf32>
    %reduce_sum3A_2556 = vector.multi_reduction <add>, %select_n3A_2554, %reduce_sum3A_2555 [1] : vector<32x128xf32> to vector<32xf32>
    %broadcast_in_dim3A_2557 = vector.shape_cast %reduce_sum3A_2556 : vector<32xf32> to vector<32x1xf32>
    %swap3A_2558 = arith.constant 0 : index
    %swap3A_2559 = arith.constant 9 : index
    %swap3A_2560 = vector.load %arg11[%swap3A_2558, %swap3A_2559] : memref<32x100xf32, #tpu.memory_space<vmem>>, vector<32x1xf32>
    tpu.vector_store %arg11[%swap3A_2558, %swap3A_2559], %broadcast_in_dim3A_2557 {strides = array<i32>} : memref<32x100xf32, #tpu.memory_space<vmem>>, vector<32x1xf32>,
    %get3A_2561 = arith.constant 10 : index
    %get3A_2562 = memref.load %arg7[%get3A_2561] : memref<100xi32, #tpu.memory_space<smem>>
    %shift_right_arithmetic3A_2563 = arith.constant 7 : i32
    %shift_right_arithmetic3A_2564 = arith.shrsi %get3A_2562, %shift_right_arithmetic3A_2563 : i32
    %mul3A_2565 = arith.constant 128 : i32
    %mul3A_2566 = arith.muli %shift_right_arithmetic3A_2564, %mul3A_2565 : i32
    %min3A_2567 = arith.constant 99872 : i32
    %min3A_2568 = arith.minsi %mul3A_2566, %min3A_2567 : i32
    %get3A_2569 = arith.constant 10 : index
    %get3A_2570 = memref.load %arg7[%get3A_2569] : memref<100xi32, #tpu.memory_space<smem>>
    %sub3A_2571 = arith.subi %get3A_2570, %min3A_2568 : i32
    %eq3A_2572 = vector.broadcast %sub3A_2571 : i32 to vector<32x128xi32>
    %eq3A_2573 = arith.cmpi eq, %iota3A, %eq3A_2572 : vector<32x128xi32>
    %get3A_2574 = arith.constant 10 : index
    %get3A_2575 = arith.constant 0 : index
    %get3A_2576 = arith.constant 0 : index
    %get3A_2577 = vector.load %arg12[%get3A_2574, %get3A_2575, %get3A_2576] : memref<100x32x128xf32, #tpu.memory_space<vmem>>, vector<1x32x128xf32>
    %get3A_2578 = vector.shape_cast %get3A_2577 : vector<1x32x128xf32> to vector<32x128xf32>
    %jit3A_2579 = arith.constant 0.000000e+00 : f32
    %broadcast_in_dim3A_2580 = vector.broadcast %jit3A_2579 : f32 to vector<32x128xf32>
    %select_n3A_2581 = arith.select %eq3A_2573, %get3A_2578, %broadcast_in_dim3A_2580 : vector<32x128xi1>, vector<32x128xf32>
    %reduce_sum3A_2582 = arith.constant dense<0.000000e+00> : vector<32xf32>
    %reduce_sum3A_2583 = vector.multi_reduction <add>, %select_n3A_2581, %reduce_sum3A_2582 [1] : vector<32x128xf32> to vector<32xf32>
    %broadcast_in_dim3A_2584 = vector.shape_cast %reduce_sum3A_2583 : vector<32xf32> to vector<32x1xf32>
    %swap3A_2585 = arith.constant 0 : index
    %swap3A_2586 = arith.constant 10 : index
    %swap3A_2587 = vector.load %arg11[%swap3A_2585, %swap3A_2586] : memref<32x100xf32, #tpu.memory_space<vmem>>, vector<32x1xf32>
    tpu.vector_store %arg11[%swap3A_2585, %swap3A_2586], %broadcast_in_dim3A_2584 {strides = array<i32>} : memref<32x100xf32, #tpu.memory_space<vmem>>, vector<32x1xf32>,
    %get3A_2588 = arith.constant 11 : index
    %get3A_2589 = memref.load %arg7[%get3A_2588] : memref<100xi32, #tpu.memory_space<smem>>
    %shift_right_arithmetic3A_2590 = arith.constant 7 : i32
    %shift_right_arithmetic3A_2591 = arith.shrsi %get3A_2589, %shift_right_arithmetic3A_2590 : i32
    %mul3A_2592 = arith.constant 128 : i32
    %mul3A_2593 = arith.muli %shift_right_arithmetic3A_2591, %mul3A_2592 : i32
    %min3A_2594 = arith.constant 99872 : i32
    %min3A_2595 = arith.minsi %mul3A_2593, %min3A_2594 : i32
    %get3A_2596 = arith.constant 11 : index
    %get3A_2597 = memref.load %arg7[%get3A_2596] : memref<100xi32, #tpu.memory_space<smem>>
    %sub3A_2598 = arith.subi %get3A_2597, %min3A_2595 : i32
    %eq3A_2599 = vector.broadcast %sub3A_2598 : i32 to vector<32x128xi32>
    %eq3A_2600 = arith.cmpi eq, %iota3A, %eq3A_2599 : vector<32x128xi32>
    %get3A_2601 = arith.constant 11 : index
    %get3A_2602 = arith.constant 0 : index
    %get3A_2603 = arith.constant 0 : index
    %get3A_2604 = vector.load %arg12[%get3A_2601, %get3A_2602, %get3A_2603] : memref<100x32x128xf32, #tpu.memory_space<vmem>>, vector<1x32x128xf32>
    %get3A_2605 = vector.shape_cast %get3A_2604 : vector<1x32x128xf32> to vector<32x128xf32>
    %jit3A_2606 = arith.constant 0.000000e+00 : f32
    %broadcast_in_dim3A_2607 = vector.broadcast %jit3A_2606 : f32 to vector<32x128xf32>
    %select_n3A_2608 = arith.select %eq3A_2600, %get3A_2605, %broadcast_in_dim3A_2607 : vector<32x128xi1>, vector<32x128xf32>
    %reduce_sum3A_2609 = arith.constant dense<0.000000e+00> : vector<32xf32>
    %reduce_sum3A_2610 = vector.multi_reduction <add>, %select_n3A_2608, %reduce_sum3A_2609 [1] : vector<32x128xf32> to vector<32xf32>
    %broadcast_in_dim3A_2611 = vector.shape_cast %reduce_sum3A_2610 : vector<32xf32> to vector<32x1xf32>
    %swap3A_2612 = arith.constant 0 : index
    %swap3A_2613 = arith.constant 11 : index
    %swap3A_2614 = vector.load %arg11[%swap3A_2612, %swap3A_2613] : memref<32x100xf32, #tpu.memory_space<vmem>>, vector<32x1xf32>
    tpu.vector_store %arg11[%swap3A_2612, %swap3A_2613], %broadcast_in_dim3A_2611 {strides = array<i32>} : memref<32x100xf32, #tpu.memory_space<vmem>>, vector<32x1xf32>,
    %get3A_2615 = arith.constant 12 : index
    %get3A_2616 = memref.load %arg7[%get3A_2615] : memref<100xi32, #tpu.memory_space<smem>>
    %shift_right_arithmetic3A_2617 = arith.constant 7 : i32
    %shift_right_arithmetic3A_2618 = arith.shrsi %get3A_2616, %shift_right_arithmetic3A_2617 : i32
    %mul3A_2619 = arith.constant 128 : i32
    %mul3A_2620 = arith.muli %shift_right_arithmetic3A_2618, %mul3A_2619 : i32
    %min3A_2621 = arith.constant 99872 : i32
    %min3A_2622 = arith.minsi %mul3A_2620, %min3A_2621 : i32
    %get3A_2623 = arith.constant 12 : index
    %get3A_2624 = memref.load %arg7[%get3A_2623] : memref<100xi32, #tpu.memory_space<smem>>
    %sub3A_2625 = arith.subi %get3A_2624, %min3A_2622 : i32
    %eq3A_2626 = vector.broadcast %sub3A_2625 : i32 to vector<32x128xi32>
    %eq3A_2627 = arith.cmpi eq, %iota3A, %eq3A_2626 : vector<32x128xi32>
    %get3A_2628 = arith.constant 12 : index
    %get3A_2629 = arith.constant 0 : index
    %get3A_2630 = arith.constant 0 : index
    %get3A_2631 = vector.load %arg12[%get3A_2628, %get3A_2629, %get3A_2630] : memref<100x32x128xf32, #tpu.memory_space<vmem>>, vector<1x32x128xf32>
    %get3A_2632 = vector.shape_cast %get3A_2631 : vector<1x32x128xf32> to vector<32x128xf32>
    %jit3A_2633 = arith.constant 0.000000e+00 : f32
    %broadcast_in_dim3A_2634 = vector.broadcast %jit3A_2633 : f32 to vector<32x128xf32>
    %select_n3A_2635 = arith.select %eq3A_2627, %get3A_2632, %broadcast_in_dim3A_2634 : vector<32x128xi1>, vector<32x128xf32>
    %reduce_sum3A_2636 = arith.constant dense<0.000000e+00> : vector<32xf32>
    %reduce_sum3A_2637 = vector.multi_reduction <add>, %select_n3A_2635, %reduce_sum3A_2636 [1] : vector<32x128xf32> to vector<32xf32>
    %broadcast_in_dim3A_2638 = vector.shape_cast %reduce_sum3A_2637 : vector<32xf32> to vector<32x1xf32>
    %swap3A_2639 = arith.constant 0 : index
    %swap3A_2640 = arith.constant 12 : index
    %swap3A_2641 = vector.load %arg11[%swap3A_2639, %swap3A_2640] : memref<32x100xf32, #tpu.memory_space<vmem>>, vector<32x1xf32>
    tpu.vector_store %arg11[%swap3A_2639, %swap3A_2640], %broadcast_in_dim3A_2638 {strides = array<i32>} : memref<32x100xf32, #tpu.memory_space<vmem>>, vector<32x1xf32>,
    %get3A_2642 = arith.constant 13 : index
    %get3A_2643 = memref.load %arg7[%get3A_2642] : memref<100xi32, #tpu.memory_space<smem>>
    %shift_right_arithmetic3A_2644 = arith.constant 7 : i32
    %shift_right_arithmetic3A_2645 = arith.shrsi %get3A_2643, %shift_right_arithmetic3A_2644 : i32
    %mul3A_2646 = arith.constant 128 : i32
    %mul3A_2647 = arith.muli %shift_right_arithmetic3A_2645, %mul3A_2646 : i32
    %min3A_2648 = arith.constant 99872 : i32
    %min3A_2649 = arith.minsi %mul3A_2647, %min3A_2648 : i32
    %get3A_2650 = arith.constant 13 : index
    %get3A_2651 = memref.load %arg7[%get3A_2650] : memref<100xi32, #tpu.memory_space<smem>>
    %sub3A_2652 = arith.subi %get3A_2651, %min3A_2649 : i32
    %eq3A_2653 = vector.broadcast %sub3A_2652 : i32 to vector<32x128xi32>
    %eq3A_2654 = arith.cmpi eq, %iota3A, %eq3A_2653 : vector<32x128xi32>
    %get3A_2655 = arith.constant 13 : index
    %get3A_2656 = arith.constant 0 : index
    %get3A_2657 = arith.constant 0 : index
    %get3A_2658 = vector.load %arg12[%get3A_2655, %get3A_2656, %get3A_2657] : memref<100x32x128xf32, #tpu.memory_space<vmem>>, vector<1x32x128xf32>
    %get3A_2659 = vector.shape_cast %get3A_2658 : vector<1x32x128xf32> to vector<32x128xf32>
    %jit3A_2660 = arith.constant 0.000000e+00 : f32
    %broadcast_in_dim3A_2661 = vector.broadcast %jit3A_2660 : f32 to vector<32x128xf32>
    %select_n3A_2662 = arith.select %eq3A_2654, %get3A_2659, %broadcast_in_dim3A_2661 : vector<32x128xi1>, vector<32x128xf32>
    %reduce_sum3A_2663 = arith.constant dense<0.000000e+00> : vector<32xf32>
    %reduce_sum3A_2664 = vector.multi_reduction <add>, %select_n3A_2662, %reduce_sum3A_2663 [1] : vector<32x128xf32> to vector<32xf32>
    %broadcast_in_dim3A_2665 = vector.shape_cast %reduce_sum3A_2664 : vector<32xf32> to vector<32x1xf32>
    %swap3A_2666 = arith.constant 0 : index
    %swap3A_2667 = arith.constant 13 : index
    %swap3A_2668 = vector.load %arg11[%swap3A_2666, %swap3A_2667] : memref<32x100xf32, #tpu.memory_space<vmem>>, vector<32x1xf32>
    tpu.vector_store %arg11[%swap3A_2666, %swap3A_2667], %broadcast_in_dim3A_2665 {strides = array<i32>} : memref<32x100xf32, #tpu.memory_space<vmem>>, vector<32x1xf32>,
    %get3A_2669 = arith.constant 14 : index
    %get3A_2670 = memref.load %arg7[%get3A_2669] : memref<100xi32, #tpu.memory_space<smem>>
    %shift_right_arithmetic3A_2671 = arith.constant 7 : i32
    %shift_right_arithmetic3A_2672 = arith.shrsi %get3A_2670, %shift_right_arithmetic3A_2671 : i32
    %mul3A_2673 = arith.constant 128 : i32
    %mul3A_2674 = arith.muli %shift_right_arithmetic3A_2672, %mul3A_2673 : i32
    %min3A_2675 = arith.constant 99872 : i32
    %min3A_2676 = arith.minsi %mul3A_2674, %min3A_2675 : i32
    %get3A_2677 = arith.constant 14 : index
    %get3A_2678 = memref.load %arg7[%get3A_2677] : memref<100xi32, #tpu.memory_space<smem>>
    %sub3A_2679 = arith.subi %get3A_2678, %min3A_2676 : i32
    %eq3A_2680 = vector.broadcast %sub3A_2679 : i32 to vector<32x128xi32>
    %eq3A_2681 = arith.cmpi eq, %iota3A, %eq3A_2680 : vector<32x128xi32>
    %get3A_2682 = arith.constant 14 : index
    %get3A_2683 = arith.constant 0 : index
    %get3A_2684 = arith.constant 0 : index
    %get3A_2685 = vector.load %arg12[%get3A_2682, %get3A_2683, %get3A_2684] : memref<100x32x128xf32, #tpu.memory_space<vmem>>, vector<1x32x128xf32>
    %get3A_2686 = vector.shape_cast %get3A_2685 : vector<1x32x128xf32> to vector<32x128xf32>
    %jit3A_2687 = arith.constant 0.000000e+00 : f32
    %broadcast_in_dim3A_2688 = vector.broadcast %jit3A_2687 : f32 to vector<32x128xf32>
    %select_n3A_2689 = arith.select %eq3A_2681, %get3A_2686, %broadcast_in_dim3A_2688 : vector<32x128xi1>, vector<32x128xf32>
    %reduce_sum3A_2690 = arith.constant dense<0.000000e+00> : vector<32xf32>
    %reduce_sum3A_2691 = vector.multi_reduction <add>, %select_n3A_2689, %reduce_sum3A_2690 [1] : vector<32x128xf32> to vector<32xf32>
    %broadcast_in_dim3A_2692 = vector.shape_cast %reduce_sum3A_2691 : vector<32xf32> to vector<32x1xf32>
    %swap3A_2693 = arith.constant 0 : index
    %swap3A_2694 = arith.constant 14 : index
    %swap3A_2695 = vector.load %arg11[%swap3A_2693, %swap3A_2694] : memref<32x100xf32, #tpu.memory_space<vmem>>, vector<32x1xf32>
    tpu.vector_store %arg11[%swap3A_2693, %swap3A_2694], %broadcast_in_dim3A_2692 {strides = array<i32>} : memref<32x100xf32, #tpu.memory_space<vmem>>, vector<32x1xf32>,
    %get3A_2696 = arith.constant 15 : index
    %get3A_2697 = memref.load %arg7[%get3A_2696] : memref<100xi32, #tpu.memory_space<smem>>
    %shift_right_arithmetic3A_2698 = arith.constant 7 : i32
    %shift_right_arithmetic3A_2699 = arith.shrsi %get3A_2697, %shift_right_arithmetic3A_2698 : i32
    %mul3A_2700 = arith.constant 128 : i32
    %mul3A_2701 = arith.muli %shift_right_arithmetic3A_2699, %mul3A_2700 : i32
    %min3A_2702 = arith.constant 99872 : i32
    %min3A_2703 = arith.minsi %mul3A_2701, %min3A_2702 : i32
    %get3A_2704 = arith.constant 15 : index
    %get3A_2705 = memref.load %arg7[%get3A_2704] : memref<100xi32, #tpu.memory_space<smem>>
    %sub3A_2706 = arith.subi %get3A_2705, %min3A_2703 : i32
    %eq3A_2707 = vector.broadcast %sub3A_2706 : i32 to vector<32x128xi32>
    %eq3A_2708 = arith.cmpi eq, %iota3A, %eq3A_2707 : vector<32x128xi32>
    %get3A_2709 = arith.constant 15 : index
    %get3A_2710 = arith.constant 0 : index
    %get3A_2711 = arith.constant 0 : index
    %get3A_2712 = vector.load %arg12[%get3A_2709, %get3A_2710, %get3A_2711] : memref<100x32x128xf32, #tpu.memory_space<vmem>>, vector<1x32x128xf32>
    %get3A_2713 = vector.shape_cast %get3A_2712 : vector<1x32x128xf32> to vector<32x128xf32>
    %jit3A_2714 = arith.constant 0.000000e+00 : f32
    %broadcast_in_dim3A_2715 = vector.broadcast %jit3A_2714 : f32 to vector<32x128xf32>
    %select_n3A_2716 = arith.select %eq3A_2708, %get3A_2713, %broadcast_in_dim3A_2715 : vector<32x128xi1>, vector<32x128xf32>
    %reduce_sum3A_2717 = arith.constant dense<0.000000e+00> : vector<32xf32>
    %reduce_sum3A_2718 = vector.multi_reduction <add>, %select_n3A_2716, %reduce_sum3A_2717 [1] : vector<32x128xf32> to vector<32xf32>
    %broadcast_in_dim3A_2719 = vector.shape_cast %reduce_sum3A_2718 : vector<32xf32> to vector<32x1xf32>
    %swap3A_2720 = arith.constant 0 : index
    %swap3A_2721 = arith.constant 15 : index
    %swap3A_2722 = vector.load %arg11[%swap3A_2720, %swap3A_2721] : memref<32x100xf32, #tpu.memory_space<vmem>>, vector<32x1xf32>
    tpu.vector_store %arg11[%swap3A_2720, %swap3A_2721], %broadcast_in_dim3A_2719 {strides = array<i32>} : memref<32x100xf32, #tpu.memory_space<vmem>>, vector<32x1xf32>,
    %get3A_2723 = arith.constant 16 : index
    %get3A_2724 = memref.load %arg7[%get3A_2723] : memref<100xi32, #tpu.memory_space<smem>>
    %shift_right_arithmetic3A_2725 = arith.constant 7 : i32
    %shift_right_arithmetic3A_2726 = arith.shrsi %get3A_2724, %shift_right_arithmetic3A_2725 : i32
    %mul3A_2727 = arith.constant 128 : i32
    %mul3A_2728 = arith.muli %shift_right_arithmetic3A_2726, %mul3A_2727 : i32
    %min3A_2729 = arith.constant 99872 : i32
    %min3A_2730 = arith.minsi %mul3A_2728, %min3A_2729 : i32
    %get3A_2731 = arith.constant 16 : index
    %get3A_2732 = memref.load %arg7[%get3A_2731] : memref<100xi32, #tpu.memory_space<smem>>
    %sub3A_2733 = arith.subi %get3A_2732, %min3A_2730 : i32
    %eq3A_2734 = vector.broadcast %sub3A_2733 : i32 to vector<32x128xi32>
    %eq3A_2735 = arith.cmpi eq, %iota3A, %eq3A_2734 : vector<32x128xi32>
    %get3A_2736 = arith.constant 16 : index
    %get3A_2737 = arith.constant 0 : index
    %get3A_2738 = arith.constant 0 : index
    %get3A_2739 = vector.load %arg12[%get3A_2736, %get3A_2737, %get3A_2738] : memref<100x32x128xf32, #tpu.memory_space<vmem>>, vector<1x32x128xf32>
    %get3A_2740 = vector.shape_cast %get3A_2739 : vector<1x32x128xf32> to vector<32x128xf32>
    %jit3A_2741 = arith.constant 0.000000e+00 : f32
    %broadcast_in_dim3A_2742 = vector.broadcast %jit3A_2741 : f32 to vector<32x128xf32>
    %select_n3A_2743 = arith.select %eq3A_2735, %get3A_2740, %broadcast_in_dim3A_2742 : vector<32x128xi1>, vector<32x128xf32>
    %reduce_sum3A_2744 = arith.constant dense<0.000000e+00> : vector<32xf32>
    %reduce_sum3A_2745 = vector.multi_reduction <add>, %select_n3A_2743, %reduce_sum3A_2744 [1] : vector<32x128xf32> to vector<32xf32>
    %broadcast_in_dim3A_2746 = vector.shape_cast %reduce_sum3A_2745 : vector<32xf32> to vector<32x1xf32>
    %swap3A_2747 = arith.constant 0 : index
    %swap3A_2748 = arith.constant 16 : index
    %swap3A_2749 = vector.load %arg11[%swap3A_2747, %swap3A_2748] : memref<32x100xf32, #tpu.memory_space<vmem>>, vector<32x1xf32>
    tpu.vector_store %arg11[%swap3A_2747, %swap3A_2748], %broadcast_in_dim3A_2746 {strides = array<i32>} : memref<32x100xf32, #tpu.memory_space<vmem>>, vector<32x1xf32>,
    %get3A_2750 = arith.constant 17 : index
    %get3A_2751 = memref.load %arg7[%get3A_2750] : memref<100xi32, #tpu.memory_space<smem>>
    %shift_right_arithmetic3A_2752 = arith.constant 7 : i32
    %shift_right_arithmetic3A_2753 = arith.shrsi %get3A_2751, %shift_right_arithmetic3A_2752 : i32
    %mul3A_2754 = arith.constant 128 : i32
    %mul3A_2755 = arith.muli %shift_right_arithmetic3A_2753, %mul3A_2754 : i32
    %min3A_2756 = arith.constant 99872 : i32
    %min3A_2757 = arith.minsi %mul3A_2755, %min3A_2756 : i32
    %get3A_2758 = arith.constant 17 : index
    %get3A_2759 = memref.load %arg7[%get3A_2758] : memref<100xi32, #tpu.memory_space<smem>>
    %sub3A_2760 = arith.subi %get3A_2759, %min3A_2757 : i32
    %eq3A_2761 = vector.broadcast %sub3A_2760 : i32 to vector<32x128xi32>
    %eq3A_2762 = arith.cmpi eq, %iota3A, %eq3A_2761 : vector<32x128xi32>
    %get3A_2763 = arith.constant 17 : index
    %get3A_2764 = arith.constant 0 : index
    %get3A_2765 = arith.constant 0 : index
    %get3A_2766 = vector.load %arg12[%get3A_2763, %get3A_2764, %get3A_2765] : memref<100x32x128xf32, #tpu.memory_space<vmem>>, vector<1x32x128xf32>
    %get3A_2767 = vector.shape_cast %get3A_2766 : vector<1x32x128xf32> to vector<32x128xf32>
    %jit3A_2768 = arith.constant 0.000000e+00 : f32
    %broadcast_in_dim3A_2769 = vector.broadcast %jit3A_2768 : f32 to vector<32x128xf32>
    %select_n3A_2770 = arith.select %eq3A_2762, %get3A_2767, %broadcast_in_dim3A_2769 : vector<32x128xi1>, vector<32x128xf32>
    %reduce_sum3A_2771 = arith.constant dense<0.000000e+00> : vector<32xf32>
    %reduce_sum3A_2772 = vector.multi_reduction <add>, %select_n3A_2770, %reduce_sum3A_2771 [1] : vector<32x128xf32> to vector<32xf32>
    %broadcast_in_dim3A_2773 = vector.shape_cast %reduce_sum3A_2772 : vector<32xf32> to vector<32x1xf32>
    %swap3A_2774 = arith.constant 0 : index
    %swap3A_2775 = arith.constant 17 : index
    %swap3A_2776 = vector.load %arg11[%swap3A_2774, %swap3A_2775] : memref<32x100xf32, #tpu.memory_space<vmem>>, vector<32x1xf32>
    tpu.vector_store %arg11[%swap3A_2774, %swap3A_2775], %broadcast_in_dim3A_2773 {strides = array<i32>} : memref<32x100xf32, #tpu.memory_space<vmem>>, vector<32x1xf32>,
    %get3A_2777 = arith.constant 18 : index
    %get3A_2778 = memref.load %arg7[%get3A_2777] : memref<100xi32, #tpu.memory_space<smem>>
    %shift_right_arithmetic3A_2779 = arith.constant 7 : i32
    %shift_right_arithmetic3A_2780 = arith.shrsi %get3A_2778, %shift_right_arithmetic3A_2779 : i32
    %mul3A_2781 = arith.constant 128 : i32
    %mul3A_2782 = arith.muli %shift_right_arithmetic3A_2780, %mul3A_2781 : i32
    %min3A_2783 = arith.constant 99872 : i32
    %min3A_2784 = arith.minsi %mul3A_2782, %min3A_2783 : i32
    %get3A_2785 = arith.constant 18 : index
    %get3A_2786 = memref.load %arg7[%get3A_2785] : memref<100xi32, #tpu.memory_space<smem>>
    %sub3A_2787 = arith.subi %get3A_2786, %min3A_2784 : i32
    %eq3A_2788 = vector.broadcast %sub3A_2787 : i32 to vector<32x128xi32>
    %eq3A_2789 = arith.cmpi eq, %iota3A, %eq3A_2788 : vector<32x128xi32>
    %get3A_2790 = arith.constant 18 : index
    %get3A_2791 = arith.constant 0 : index
    %get3A_2792 = arith.constant 0 : index
    %get3A_2793 = vector.load %arg12[%get3A_2790, %get3A_2791, %get3A_2792] : memref<100x32x128xf32, #tpu.memory_space<vmem>>, vector<1x32x128xf32>
    %get3A_2794 = vector.shape_cast %get3A_2793 : vector<1x32x128xf32> to vector<32x128xf32>
    %jit3A_2795 = arith.constant 0.000000e+00 : f32
    %broadcast_in_dim3A_2796 = vector.broadcast %jit3A_2795 : f32 to vector<32x128xf32>
    %select_n3A_2797 = arith.select %eq3A_2789, %get3A_2794, %broadcast_in_dim3A_2796 : vector<32x128xi1>, vector<32x128xf32>
    %reduce_sum3A_2798 = arith.constant dense<0.000000e+00> : vector<32xf32>
    %reduce_sum3A_2799 = vector.multi_reduction <add>, %select_n3A_2797, %reduce_sum3A_2798 [1] : vector<32x128xf32> to vector<32xf32>
    %broadcast_in_dim3A_2800 = vector.shape_cast %reduce_sum3A_2799 : vector<32xf32> to vector<32x1xf32>
    %swap3A_2801 = arith.constant 0 : index
    %swap3A_2802 = arith.constant 18 : index
    %swap3A_2803 = vector.load %arg11[%swap3A_2801, %swap3A_2802] : memref<32x100xf32, #tpu.memory_space<vmem>>, vector<32x1xf32>
    tpu.vector_store %arg11[%swap3A_2801, %swap3A_2802], %broadcast_in_dim3A_2800 {strides = array<i32>} : memref<32x100xf32, #tpu.memory_space<vmem>>, vector<32x1xf32>,
    %get3A_2804 = arith.constant 19 : index
    %get3A_2805 = memref.load %arg7[%get3A_2804] : memref<100xi32, #tpu.memory_space<smem>>
    %shift_right_arithmetic3A_2806 = arith.constant 7 : i32
    %shift_right_arithmetic3A_2807 = arith.shrsi %get3A_2805, %shift_right_arithmetic3A_2806 : i32
    %mul3A_2808 = arith.constant 128 : i32
    %mul3A_2809 = arith.muli %shift_right_arithmetic3A_2807, %mul3A_2808 : i32
    %min3A_2810 = arith.constant 99872 : i32
    %min3A_2811 = arith.minsi %mul3A_2809, %min3A_2810 : i32
    %get3A_2812 = arith.constant 19 : index
    %get3A_2813 = memref.load %arg7[%get3A_2812] : memref<100xi32, #tpu.memory_space<smem>>
    %sub3A_2814 = arith.subi %get3A_2813, %min3A_2811 : i32
    %eq3A_2815 = vector.broadcast %sub3A_2814 : i32 to vector<32x128xi32>
    %eq3A_2816 = arith.cmpi eq, %iota3A, %eq3A_2815 : vector<32x128xi32>
    %get3A_2817 = arith.constant 19 : index
    %get3A_2818 = arith.constant 0 : index
    %get3A_2819 = arith.constant 0 : index
    %get3A_2820 = vector.load %arg12[%get3A_2817, %get3A_2818, %get3A_2819] : memref<100x32x128xf32, #tpu.memory_space<vmem>>, vector<1x32x128xf32>
    %get3A_2821 = vector.shape_cast %get3A_2820 : vector<1x32x128xf32> to vector<32x128xf32>
    %jit3A_2822 = arith.constant 0.000000e+00 : f32
    %broadcast_in_dim3A_2823 = vector.broadcast %jit3A_2822 : f32 to vector<32x128xf32>
    %select_n3A_2824 = arith.select %eq3A_2816, %get3A_2821, %broadcast_in_dim3A_2823 : vector<32x128xi1>, vector<32x128xf32>
    %reduce_sum3A_2825 = arith.constant dense<0.000000e+00> : vector<32xf32>
    %reduce_sum3A_2826 = vector.multi_reduction <add>, %select_n3A_2824, %reduce_sum3A_2825 [1] : vector<32x128xf32> to vector<32xf32>
    %broadcast_in_dim3A_2827 = vector.shape_cast %reduce_sum3A_2826 : vector<32xf32> to vector<32x1xf32>
    %swap3A_2828 = arith.constant 0 : index
    %swap3A_2829 = arith.constant 19 : index
    %swap3A_2830 = vector.load %arg11[%swap3A_2828, %swap3A_2829] : memref<32x100xf32, #tpu.memory_space<vmem>>, vector<32x1xf32>
    tpu.vector_store %arg11[%swap3A_2828, %swap3A_2829], %broadcast_in_dim3A_2827 {strides = array<i32>} : memref<32x100xf32, #tpu.memory_space<vmem>>, vector<32x1xf32>,
    %get3A_2831 = arith.constant 20 : index
    %get3A_2832 = memref.load %arg7[%get3A_2831] : memref<100xi32, #tpu.memory_space<smem>>
    %shift_right_arithmetic3A_2833 = arith.constant 7 : i32
    %shift_right_arithmetic3A_2834 = arith.shrsi %get3A_2832, %shift_right_arithmetic3A_2833 : i32
    %mul3A_2835 = arith.constant 128 : i32
    %mul3A_2836 = arith.muli %shift_right_arithmetic3A_2834, %mul3A_2835 : i32
    %min3A_2837 = arith.constant 99872 : i32
    %min3A_2838 = arith.minsi %mul3A_2836, %min3A_2837 : i32
    %get3A_2839 = arith.constant 20 : index
    %get3A_2840 = memref.load %arg7[%get3A_2839] : memref<100xi32, #tpu.memory_space<smem>>
    %sub3A_2841 = arith.subi %get3A_2840, %min3A_2838 : i32
    %eq3A_2842 = vector.broadcast %sub3A_2841 : i32 to vector<32x128xi32>
    %eq3A_2843 = arith.cmpi eq, %iota3A, %eq3A_2842 : vector<32x128xi32>
    %get3A_2844 = arith.constant 20 : index
    %get3A_2845 = arith.constant 0 : index
    %get3A_2846 = arith.constant 0 : index
    %get3A_2847 = vector.load %arg12[%get3A_2844, %get3A_2845, %get3A_2846] : memref<100x32x128xf32, #tpu.memory_space<vmem>>, vector<1x32x128xf32>
    %get3A_2848 = vector.shape_cast %get3A_2847 : vector<1x32x128xf32> to vector<32x128xf32>
    %jit3A_2849 = arith.constant 0.000000e+00 : f32
    %broadcast_in_dim3A_2850 = vector.broadcast %jit3A_2849 : f32 to vector<32x128xf32>
    %select_n3A_2851 = arith.select %eq3A_2843, %get3A_2848, %broadcast_in_dim3A_2850 : vector<32x128xi1>, vector<32x128xf32>
    %reduce_sum3A_2852 = arith.constant dense<0.000000e+00> : vector<32xf32>
    %reduce_sum3A_2853 = vector.multi_reduction <add>, %select_n3A_2851, %reduce_sum3A_2852 [1] : vector<32x128xf32> to vector<32xf32>
    %broadcast_in_dim3A_2854 = vector.shape_cast %reduce_sum3A_2853 : vector<32xf32> to vector<32x1xf32>
    %swap3A_2855 = arith.constant 0 : index
    %swap3A_2856 = arith.constant 20 : index
    %swap3A_2857 = vector.load %arg11[%swap3A_2855, %swap3A_2856] : memref<32x100xf32, #tpu.memory_space<vmem>>, vector<32x1xf32>
    tpu.vector_store %arg11[%swap3A_2855, %swap3A_2856], %broadcast_in_dim3A_2854 {strides = array<i32>} : memref<32x100xf32, #tpu.memory_space<vmem>>, vector<32x1xf32>,
    %get3A_2858 = arith.constant 21 : index
    %get3A_2859 = memref.load %arg7[%get3A_2858] : memref<100xi32, #tpu.memory_space<smem>>
    %shift_right_arithmetic3A_2860 = arith.constant 7 : i32
    %shift_right_arithmetic3A_2861 = arith.shrsi %get3A_2859, %shift_right_arithmetic3A_2860 : i32
    %mul3A_2862 = arith.constant 128 : i32
    %mul3A_2863 = arith.muli %shift_right_arithmetic3A_2861, %mul3A_2862 : i32
    %min3A_2864 = arith.constant 99872 : i32
    %min3A_2865 = arith.minsi %mul3A_2863, %min3A_2864 : i32
    %get3A_2866 = arith.constant 21 : index
    %get3A_2867 = memref.load %arg7[%get3A_2866] : memref<100xi32, #tpu.memory_space<smem>>
    %sub3A_2868 = arith.subi %get3A_2867, %min3A_2865 : i32
    %eq3A_2869 = vector.broadcast %sub3A_2868 : i32 to vector<32x128xi32>
    %eq3A_2870 = arith.cmpi eq, %iota3A, %eq3A_2869 : vector<32x128xi32>
    %get3A_2871 = arith.constant 21 : index
    %get3A_2872 = arith.constant 0 : index
    %get3A_2873 = arith.constant 0 : index
    %get3A_2874 = vector.load %arg12[%get3A_2871, %get3A_2872, %get3A_2873] : memref<100x32x128xf32, #tpu.memory_space<vmem>>, vector<1x32x128xf32>
    %get3A_2875 = vector.shape_cast %get3A_2874 : vector<1x32x128xf32> to vector<32x128xf32>
    %jit3A_2876 = arith.constant 0.000000e+00 : f32
    %broadcast_in_dim3A_2877 = vector.broadcast %jit3A_2876 : f32 to vector<32x128xf32>
    %select_n3A_2878 = arith.select %eq3A_2870, %get3A_2875, %broadcast_in_dim3A_2877 : vector<32x128xi1>, vector<32x128xf32>
    %reduce_sum3A_2879 = arith.constant dense<0.000000e+00> : vector<32xf32>
    %reduce_sum3A_2880 = vector.multi_reduction <add>, %select_n3A_2878, %reduce_sum3A_2879 [1] : vector<32x128xf32> to vector<32xf32>
    %broadcast_in_dim3A_2881 = vector.shape_cast %reduce_sum3A_2880 : vector<32xf32> to vector<32x1xf32>
    %swap3A_2882 = arith.constant 0 : index
    %swap3A_2883 = arith.constant 21 : index
    %swap3A_2884 = vector.load %arg11[%swap3A_2882, %swap3A_2883] : memref<32x100xf32, #tpu.memory_space<vmem>>, vector<32x1xf32>
    tpu.vector_store %arg11[%swap3A_2882, %swap3A_2883], %broadcast_in_dim3A_2881 {strides = array<i32>} : memref<32x100xf32, #tpu.memory_space<vmem>>, vector<32x1xf32>,
    %get3A_2885 = arith.constant 22 : index
    %get3A_2886 = memref.load %arg7[%get3A_2885] : memref<100xi32, #tpu.memory_space<smem>>
    %shift_right_arithmetic3A_2887 = arith.constant 7 : i32
    %shift_right_arithmetic3A_2888 = arith.shrsi %get3A_2886, %shift_right_arithmetic3A_2887 : i32
    %mul3A_2889 = arith.constant 128 : i32
    %mul3A_2890 = arith.muli %shift_right_arithmetic3A_2888, %mul3A_2889 : i32
    %min3A_2891 = arith.constant 99872 : i32
    %min3A_2892 = arith.minsi %mul3A_2890, %min3A_2891 : i32
    %get3A_2893 = arith.constant 22 : index
    %get3A_2894 = memref.load %arg7[%get3A_2893] : memref<100xi32, #tpu.memory_space<smem>>
    %sub3A_2895 = arith.subi %get3A_2894, %min3A_2892 : i32
    %eq3A_2896 = vector.broadcast %sub3A_2895 : i32 to vector<32x128xi32>
    %eq3A_2897 = arith.cmpi eq, %iota3A, %eq3A_2896 : vector<32x128xi32>
    %get3A_2898 = arith.constant 22 : index
    %get3A_2899 = arith.constant 0 : index
    %get3A_2900 = arith.constant 0 : index
    %get3A_2901 = vector.load %arg12[%get3A_2898, %get3A_2899, %get3A_2900] : memref<100x32x128xf32, #tpu.memory_space<vmem>>, vector<1x32x128xf32>
    %get3A_2902 = vector.shape_cast %get3A_2901 : vector<1x32x128xf32> to vector<32x128xf32>
    %jit3A_2903 = arith.constant 0.000000e+00 : f32
    %broadcast_in_dim3A_2904 = vector.broadcast %jit3A_2903 : f32 to vector<32x128xf32>
    %select_n3A_2905 = arith.select %eq3A_2897, %get3A_2902, %broadcast_in_dim3A_2904 : vector<32x128xi1>, vector<32x128xf32>
    %reduce_sum3A_2906 = arith.constant dense<0.000000e+00> : vector<32xf32>
    %reduce_sum3A_2907 = vector.multi_reduction <add>, %select_n3A_2905, %reduce_sum3A_2906 [1] : vector<32x128xf32> to vector<32xf32>
    %broadcast_in_dim3A_2908 = vector.shape_cast %reduce_sum3A_2907 : vector<32xf32> to vector<32x1xf32>
    %swap3A_2909 = arith.constant 0 : index
    %swap3A_2910 = arith.constant 22 : index
    %swap3A_2911 = vector.load %arg11[%swap3A_2909, %swap3A_2910] : memref<32x100xf32, #tpu.memory_space<vmem>>, vector<32x1xf32>
    tpu.vector_store %arg11[%swap3A_2909, %swap3A_2910], %broadcast_in_dim3A_2908 {strides = array<i32>} : memref<32x100xf32, #tpu.memory_space<vmem>>, vector<32x1xf32>,
    %get3A_2912 = arith.constant 23 : index
    %get3A_2913 = memref.load %arg7[%get3A_2912] : memref<100xi32, #tpu.memory_space<smem>>
    %shift_right_arithmetic3A_2914 = arith.constant 7 : i32
    %shift_right_arithmetic3A_2915 = arith.shrsi %get3A_2913, %shift_right_arithmetic3A_2914 : i32
    %mul3A_2916 = arith.constant 128 : i32
    %mul3A_2917 = arith.muli %shift_right_arithmetic3A_2915, %mul3A_2916 : i32
    %min3A_2918 = arith.constant 99872 : i32
    %min3A_2919 = arith.minsi %mul3A_2917, %min3A_2918 : i32
    %get3A_2920 = arith.constant 23 : index
    %get3A_2921 = memref.load %arg7[%get3A_2920] : memref<100xi32, #tpu.memory_space<smem>>
    %sub3A_2922 = arith.subi %get3A_2921, %min3A_2919 : i32
    %eq3A_2923 = vector.broadcast %sub3A_2922 : i32 to vector<32x128xi32>
    %eq3A_2924 = arith.cmpi eq, %iota3A, %eq3A_2923 : vector<32x128xi32>
    %get3A_2925 = arith.constant 23 : index
    %get3A_2926 = arith.constant 0 : index
    %get3A_2927 = arith.constant 0 : index
    %get3A_2928 = vector.load %arg12[%get3A_2925, %get3A_2926, %get3A_2927] : memref<100x32x128xf32, #tpu.memory_space<vmem>>, vector<1x32x128xf32>
    %get3A_2929 = vector.shape_cast %get3A_2928 : vector<1x32x128xf32> to vector<32x128xf32>
    %jit3A_2930 = arith.constant 0.000000e+00 : f32
    %broadcast_in_dim3A_2931 = vector.broadcast %jit3A_2930 : f32 to vector<32x128xf32>
    %select_n3A_2932 = arith.select %eq3A_2924, %get3A_2929, %broadcast_in_dim3A_2931 : vector<32x128xi1>, vector<32x128xf32>
    %reduce_sum3A_2933 = arith.constant dense<0.000000e+00> : vector<32xf32>
    %reduce_sum3A_2934 = vector.multi_reduction <add>, %select_n3A_2932, %reduce_sum3A_2933 [1] : vector<32x128xf32> to vector<32xf32>
    %broadcast_in_dim3A_2935 = vector.shape_cast %reduce_sum3A_2934 : vector<32xf32> to vector<32x1xf32>
    %swap3A_2936 = arith.constant 0 : index
    %swap3A_2937 = arith.constant 23 : index
    %swap3A_2938 = vector.load %arg11[%swap3A_2936, %swap3A_2937] : memref<32x100xf32, #tpu.memory_space<vmem>>, vector<32x1xf32>
    tpu.vector_store %arg11[%swap3A_2936, %swap3A_2937], %broadcast_in_dim3A_2935 {strides = array<i32>} : memref<32x100xf32, #tpu.memory_space<vmem>>, vector<32x1xf32>,
    %get3A_2939 = arith.constant 24 : index
    %get3A_2940 = memref.load %arg7[%get3A_2939] : memref<100xi32, #tpu.memory_space<smem>>
    %shift_right_arithmetic3A_2941 = arith.constant 7 : i32
    %shift_right_arithmetic3A_2942 = arith.shrsi %get3A_2940, %shift_right_arithmetic3A_2941 : i32
    %mul3A_2943 = arith.constant 128 : i32
    %mul3A_2944 = arith.muli %shift_right_arithmetic3A_2942, %mul3A_2943 : i32
    %min3A_2945 = arith.constant 99872 : i32
    %min3A_2946 = arith.minsi %mul3A_2944, %min3A_2945 : i32
    %get3A_2947 = arith.constant 24 : index
    %get3A_2948 = memref.load %arg7[%get3A_2947] : memref<100xi32, #tpu.memory_space<smem>>
    %sub3A_2949 = arith.subi %get3A_2948, %min3A_2946 : i32
    %eq3A_2950 = vector.broadcast %sub3A_2949 : i32 to vector<32x128xi32>
    %eq3A_2951 = arith.cmpi eq, %iota3A, %eq3A_2950 : vector<32x128xi32>
    %get3A_2952 = arith.constant 24 : index
    %get3A_2953 = arith.constant 0 : index
    %get3A_2954 = arith.constant 0 : index
    %get3A_2955 = vector.load %arg12[%get3A_2952, %get3A_2953, %get3A_2954] : memref<100x32x128xf32, #tpu.memory_space<vmem>>, vector<1x32x128xf32>
    %get3A_2956 = vector.shape_cast %get3A_2955 : vector<1x32x128xf32> to vector<32x128xf32>
    %jit3A_2957 = arith.constant 0.000000e+00 : f32
    %broadcast_in_dim3A_2958 = vector.broadcast %jit3A_2957 : f32 to vector<32x128xf32>
    %select_n3A_2959 = arith.select %eq3A_2951, %get3A_2956, %broadcast_in_dim3A_2958 : vector<32x128xi1>, vector<32x128xf32>
    %reduce_sum3A_2960 = arith.constant dense<0.000000e+00> : vector<32xf32>
    %reduce_sum3A_2961 = vector.multi_reduction <add>, %select_n3A_2959, %reduce_sum3A_2960 [1] : vector<32x128xf32> to vector<32xf32>
    %broadcast_in_dim3A_2962 = vector.shape_cast %reduce_sum3A_2961 : vector<32xf32> to vector<32x1xf32>
    %swap3A_2963 = arith.constant 0 : index
    %swap3A_2964 = arith.constant 24 : index
    %swap3A_2965 = vector.load %arg11[%swap3A_2963, %swap3A_2964] : memref<32x100xf32, #tpu.memory_space<vmem>>, vector<32x1xf32>
    tpu.vector_store %arg11[%swap3A_2963, %swap3A_2964], %broadcast_in_dim3A_2962 {strides = array<i32>} : memref<32x100xf32, #tpu.memory_space<vmem>>, vector<32x1xf32>,
    %get3A_2966 = arith.constant 25 : index
    %get3A_2967 = memref.load %arg7[%get3A_2966] : memref<100xi32, #tpu.memory_space<smem>>
    %shift_right_arithmetic3A_2968 = arith.constant 7 : i32
    %shift_right_arithmetic3A_2969 = arith.shrsi %get3A_2967, %shift_right_arithmetic3A_2968 : i32
    %mul3A_2970 = arith.constant 128 : i32
    %mul3A_2971 = arith.muli %shift_right_arithmetic3A_2969, %mul3A_2970 : i32
    %min3A_2972 = arith.constant 99872 : i32
    %min3A_2973 = arith.minsi %mul3A_2971, %min3A_2972 : i32
    %get3A_2974 = arith.constant 25 : index
    %get3A_2975 = memref.load %arg7[%get3A_2974] : memref<100xi32, #tpu.memory_space<smem>>
    %sub3A_2976 = arith.subi %get3A_2975, %min3A_2973 : i32
    %eq3A_2977 = vector.broadcast %sub3A_2976 : i32 to vector<32x128xi32>
    %eq3A_2978 = arith.cmpi eq, %iota3A, %eq3A_2977 : vector<32x128xi32>
    %get3A_2979 = arith.constant 25 : index
    %get3A_2980 = arith.constant 0 : index
    %get3A_2981 = arith.constant 0 : index
    %get3A_2982 = vector.load %arg12[%get3A_2979, %get3A_2980, %get3A_2981] : memref<100x32x128xf32, #tpu.memory_space<vmem>>, vector<1x32x128xf32>
    %get3A_2983 = vector.shape_cast %get3A_2982 : vector<1x32x128xf32> to vector<32x128xf32>
    %jit3A_2984 = arith.constant 0.000000e+00 : f32
    %broadcast_in_dim3A_2985 = vector.broadcast %jit3A_2984 : f32 to vector<32x128xf32>
    %select_n3A_2986 = arith.select %eq3A_2978, %get3A_2983, %broadcast_in_dim3A_2985 : vector<32x128xi1>, vector<32x128xf32>
    %reduce_sum3A_2987 = arith.constant dense<0.000000e+00> : vector<32xf32>
    %reduce_sum3A_2988 = vector.multi_reduction <add>, %select_n3A_2986, %reduce_sum3A_2987 [1] : vector<32x128xf32> to vector<32xf32>
    %broadcast_in_dim3A_2989 = vector.shape_cast %reduce_sum3A_2988 : vector<32xf32> to vector<32x1xf32>
    %swap3A_2990 = arith.constant 0 : index
    %swap3A_2991 = arith.constant 25 : index
    %swap3A_2992 = vector.load %arg11[%swap3A_2990, %swap3A_2991] : memref<32x100xf32, #tpu.memory_space<vmem>>, vector<32x1xf32>
    tpu.vector_store %arg11[%swap3A_2990, %swap3A_2991], %broadcast_in_dim3A_2989 {strides = array<i32>} : memref<32x100xf32, #tpu.memory_space<vmem>>, vector<32x1xf32>,
    %get3A_2993 = arith.constant 26 : index
    %get3A_2994 = memref.load %arg7[%get3A_2993] : memref<100xi32, #tpu.memory_space<smem>>
    %shift_right_arithmetic3A_2995 = arith.constant 7 : i32
    %shift_right_arithmetic3A_2996 = arith.shrsi %get3A_2994, %shift_right_arithmetic3A_2995 : i32
    %mul3A_2997 = arith.constant 128 : i32
    %mul3A_2998 = arith.muli %shift_right_arithmetic3A_2996, %mul3A_2997 : i32
    %min3A_2999 = arith.constant 99872 : i32
    %min3A_3000 = arith.minsi %mul3A_2998, %min3A_2999 : i32
    %get3A_3001 = arith.constant 26 : index
    %get3A_3002 = memref.load %arg7[%get3A_3001] : memref<100xi32, #tpu.memory_space<smem>>
    %sub3A_3003 = arith.subi %get3A_3002, %min3A_3000 : i32
    %eq3A_3004 = vector.broadcast %sub3A_3003 : i32 to vector<32x128xi32>
    %eq3A_3005 = arith.cmpi eq, %iota3A, %eq3A_3004 : vector<32x128xi32>
    %get3A_3006 = arith.constant 26 : index
    %get3A_3007 = arith.constant 0 : index
    %get3A_3008 = arith.constant 0 : index
    %get3A_3009 = vector.load %arg12[%get3A_3006, %get3A_3007, %get3A_3008] : memref<100x32x128xf32, #tpu.memory_space<vmem>>, vector<1x32x128xf32>
    %get3A_3010 = vector.shape_cast %get3A_3009 : vector<1x32x128xf32> to vector<32x128xf32>
    %jit3A_3011 = arith.constant 0.000000e+00 : f32
    %broadcast_in_dim3A_3012 = vector.broadcast %jit3A_3011 : f32 to vector<32x128xf32>
    %select_n3A_3013 = arith.select %eq3A_3005, %get3A_3010, %broadcast_in_dim3A_3012 : vector<32x128xi1>, vector<32x128xf32>
    %reduce_sum3A_3014 = arith.constant dense<0.000000e+00> : vector<32xf32>
    %reduce_sum3A_3015 = vector.multi_reduction <add>, %select_n3A_3013, %reduce_sum3A_3014 [1] : vector<32x128xf32> to vector<32xf32>
    %broadcast_in_dim3A_3016 = vector.shape_cast %reduce_sum3A_3015 : vector<32xf32> to vector<32x1xf32>
    %swap3A_3017 = arith.constant 0 : index
    %swap3A_3018 = arith.constant 26 : index
    %swap3A_3019 = vector.load %arg11[%swap3A_3017, %swap3A_3018] : memref<32x100xf32, #tpu.memory_space<vmem>>, vector<32x1xf32>
    tpu.vector_store %arg11[%swap3A_3017, %swap3A_3018], %broadcast_in_dim3A_3016 {strides = array<i32>} : memref<32x100xf32, #tpu.memory_space<vmem>>, vector<32x1xf32>,
    %get3A_3020 = arith.constant 27 : index
    %get3A_3021 = memref.load %arg7[%get3A_3020] : memref<100xi32, #tpu.memory_space<smem>>
    %shift_right_arithmetic3A_3022 = arith.constant 7 : i32
    %shift_right_arithmetic3A_3023 = arith.shrsi %get3A_3021, %shift_right_arithmetic3A_3022 : i32
    %mul3A_3024 = arith.constant 128 : i32
    %mul3A_3025 = arith.muli %shift_right_arithmetic3A_3023, %mul3A_3024 : i32
    %min3A_3026 = arith.constant 99872 : i32
    %min3A_3027 = arith.minsi %mul3A_3025, %min3A_3026 : i32
    %get3A_3028 = arith.constant 27 : index
    %get3A_3029 = memref.load %arg7[%get3A_3028] : memref<100xi32, #tpu.memory_space<smem>>
    %sub3A_3030 = arith.subi %get3A_3029, %min3A_3027 : i32
    %eq3A_3031 = vector.broadcast %sub3A_3030 : i32 to vector<32x128xi32>
    %eq3A_3032 = arith.cmpi eq, %iota3A, %eq3A_3031 : vector<32x128xi32>
    %get3A_3033 = arith.constant 27 : index
    %get3A_3034 = arith.constant 0 : index
    %get3A_3035 = arith.constant 0 : index
    %get3A_3036 = vector.load %arg12[%get3A_3033, %get3A_3034, %get3A_3035] : memref<100x32x128xf32, #tpu.memory_space<vmem>>, vector<1x32x128xf32>
    %get3A_3037 = vector.shape_cast %get3A_3036 : vector<1x32x128xf32> to vector<32x128xf32>
    %jit3A_3038 = arith.constant 0.000000e+00 : f32
    %broadcast_in_dim3A_3039 = vector.broadcast %jit3A_3038 : f32 to vector<32x128xf32>
    %select_n3A_3040 = arith.select %eq3A_3032, %get3A_3037, %broadcast_in_dim3A_3039 : vector<32x128xi1>, vector<32x128xf32>
    %reduce_sum3A_3041 = arith.constant dense<0.000000e+00> : vector<32xf32>
    %reduce_sum3A_3042 = vector.multi_reduction <add>, %select_n3A_3040, %reduce_sum3A_3041 [1] : vector<32x128xf32> to vector<32xf32>
    %broadcast_in_dim3A_3043 = vector.shape_cast %reduce_sum3A_3042 : vector<32xf32> to vector<32x1xf32>
    %swap3A_3044 = arith.constant 0 : index
    %swap3A_3045 = arith.constant 27 : index
    %swap3A_3046 = vector.load %arg11[%swap3A_3044, %swap3A_3045] : memref<32x100xf32, #tpu.memory_space<vmem>>, vector<32x1xf32>
    tpu.vector_store %arg11[%swap3A_3044, %swap3A_3045], %broadcast_in_dim3A_3043 {strides = array<i32>} : memref<32x100xf32, #tpu.memory_space<vmem>>, vector<32x1xf32>,
    %get3A_3047 = arith.constant 28 : index
    %get3A_3048 = memref.load %arg7[%get3A_3047] : memref<100xi32, #tpu.memory_space<smem>>
    %shift_right_arithmetic3A_3049 = arith.constant 7 : i32
    %shift_right_arithmetic3A_3050 = arith.shrsi %get3A_3048, %shift_right_arithmetic3A_3049 : i32
    %mul3A_3051 = arith.constant 128 : i32
    %mul3A_3052 = arith.muli %shift_right_arithmetic3A_3050, %mul3A_3051 : i32
    %min3A_3053 = arith.constant 99872 : i32
    %min3A_3054 = arith.minsi %mul3A_3052, %min3A_3053 : i32
    %get3A_3055 = arith.constant 28 : index
    %get3A_3056 = memref.load %arg7[%get3A_3055] : memref<100xi32, #tpu.memory_space<smem>>
    %sub3A_3057 = arith.subi %get3A_3056, %min3A_3054 : i32
    %eq3A_3058 = vector.broadcast %sub3A_3057 : i32 to vector<32x128xi32>
    %eq3A_3059 = arith.cmpi eq, %iota3A, %eq3A_3058 : vector<32x128xi32>
    %get3A_3060 = arith.constant 28 : index
    %get3A_3061 = arith.constant 0 : index
    %get3A_3062 = arith.constant 0 : index
    %get3A_3063 = vector.load %arg12[%get3A_3060, %get3A_3061, %get3A_3062] : memref<100x32x128xf32, #tpu.memory_space<vmem>>, vector<1x32x128xf32>
    %get3A_3064 = vector.shape_cast %get3A_3063 : vector<1x32x128xf32> to vector<32x128xf32>
    %jit3A_3065 = arith.constant 0.000000e+00 : f32
    %broadcast_in_dim3A_3066 = vector.broadcast %jit3A_3065 : f32 to vector<32x128xf32>
    %select_n3A_3067 = arith.select %eq3A_3059, %get3A_3064, %broadcast_in_dim3A_3066 : vector<32x128xi1>, vector<32x128xf32>
    %reduce_sum3A_3068 = arith.constant dense<0.000000e+00> : vector<32xf32>
    %reduce_sum3A_3069 = vector.multi_reduction <add>, %select_n3A_3067, %reduce_sum3A_3068 [1] : vector<32x128xf32> to vector<32xf32>
    %broadcast_in_dim3A_3070 = vector.shape_cast %reduce_sum3A_3069 : vector<32xf32> to vector<32x1xf32>
    %swap3A_3071 = arith.constant 0 : index
    %swap3A_3072 = arith.constant 28 : index
    %swap3A_3073 = vector.load %arg11[%swap3A_3071, %swap3A_3072] : memref<32x100xf32, #tpu.memory_space<vmem>>, vector<32x1xf32>
    tpu.vector_store %arg11[%swap3A_3071, %swap3A_3072], %broadcast_in_dim3A_3070 {strides = array<i32>} : memref<32x100xf32, #tpu.memory_space<vmem>>, vector<32x1xf32>,
    %get3A_3074 = arith.constant 29 : index
    %get3A_3075 = memref.load %arg7[%get3A_3074] : memref<100xi32, #tpu.memory_space<smem>>
    %shift_right_arithmetic3A_3076 = arith.constant 7 : i32
    %shift_right_arithmetic3A_3077 = arith.shrsi %get3A_3075, %shift_right_arithmetic3A_3076 : i32
    %mul3A_3078 = arith.constant 128 : i32
    %mul3A_3079 = arith.muli %shift_right_arithmetic3A_3077, %mul3A_3078 : i32
    %min3A_3080 = arith.constant 99872 : i32
    %min3A_3081 = arith.minsi %mul3A_3079, %min3A_3080 : i32
    %get3A_3082 = arith.constant 29 : index
    %get3A_3083 = memref.load %arg7[%get3A_3082] : memref<100xi32, #tpu.memory_space<smem>>
    %sub3A_3084 = arith.subi %get3A_3083, %min3A_3081 : i32
    %eq3A_3085 = vector.broadcast %sub3A_3084 : i32 to vector<32x128xi32>
    %eq3A_3086 = arith.cmpi eq, %iota3A, %eq3A_3085 : vector<32x128xi32>
    %get3A_3087 = arith.constant 29 : index
    %get3A_3088 = arith.constant 0 : index
    %get3A_3089 = arith.constant 0 : index
    %get3A_3090 = vector.load %arg12[%get3A_3087, %get3A_3088, %get3A_3089] : memref<100x32x128xf32, #tpu.memory_space<vmem>>, vector<1x32x128xf32>
    %get3A_3091 = vector.shape_cast %get3A_3090 : vector<1x32x128xf32> to vector<32x128xf32>
    %jit3A_3092 = arith.constant 0.000000e+00 : f32
    %broadcast_in_dim3A_3093 = vector.broadcast %jit3A_3092 : f32 to vector<32x128xf32>
    %select_n3A_3094 = arith.select %eq3A_3086, %get3A_3091, %broadcast_in_dim3A_3093 : vector<32x128xi1>, vector<32x128xf32>
    %reduce_sum3A_3095 = arith.constant dense<0.000000e+00> : vector<32xf32>
    %reduce_sum3A_3096 = vector.multi_reduction <add>, %select_n3A_3094, %reduce_sum3A_3095 [1] : vector<32x128xf32> to vector<32xf32>
    %broadcast_in_dim3A_3097 = vector.shape_cast %reduce_sum3A_3096 : vector<32xf32> to vector<32x1xf32>
    %swap3A_3098 = arith.constant 0 : index
    %swap3A_3099 = arith.constant 29 : index
    %swap3A_3100 = vector.load %arg11[%swap3A_3098, %swap3A_3099] : memref<32x100xf32, #tpu.memory_space<vmem>>, vector<32x1xf32>
    tpu.vector_store %arg11[%swap3A_3098, %swap3A_3099], %broadcast_in_dim3A_3097 {strides = array<i32>} : memref<32x100xf32, #tpu.memory_space<vmem>>, vector<32x1xf32>,
    %get3A_3101 = arith.constant 30 : index
    %get3A_3102 = memref.load %arg7[%get3A_3101] : memref<100xi32, #tpu.memory_space<smem>>
    %shift_right_arithmetic3A_3103 = arith.constant 7 : i32
    %shift_right_arithmetic3A_3104 = arith.shrsi %get3A_3102, %shift_right_arithmetic3A_3103 : i32
    %mul3A_3105 = arith.constant 128 : i32
    %mul3A_3106 = arith.muli %shift_right_arithmetic3A_3104, %mul3A_3105 : i32
    %min3A_3107 = arith.constant 99872 : i32
    %min3A_3108 = arith.minsi %mul3A_3106, %min3A_3107 : i32
    %get3A_3109 = arith.constant 30 : index
    %get3A_3110 = memref.load %arg7[%get3A_3109] : memref<100xi32, #tpu.memory_space<smem>>
    %sub3A_3111 = arith.subi %get3A_3110, %min3A_3108 : i32
    %eq3A_3112 = vector.broadcast %sub3A_3111 : i32 to vector<32x128xi32>
    %eq3A_3113 = arith.cmpi eq, %iota3A, %eq3A_3112 : vector<32x128xi32>
    %get3A_3114 = arith.constant 30 : index
    %get3A_3115 = arith.constant 0 : index
    %get3A_3116 = arith.constant 0 : index
    %get3A_3117 = vector.load %arg12[%get3A_3114, %get3A_3115, %get3A_3116] : memref<100x32x128xf32, #tpu.memory_space<vmem>>, vector<1x32x128xf32>
    %get3A_3118 = vector.shape_cast %get3A_3117 : vector<1x32x128xf32> to vector<32x128xf32>
    %jit3A_3119 = arith.constant 0.000000e+00 : f32
    %broadcast_in_dim3A_3120 = vector.broadcast %jit3A_3119 : f32 to vector<32x128xf32>
    %select_n3A_3121 = arith.select %eq3A_3113, %get3A_3118, %broadcast_in_dim3A_3120 : vector<32x128xi1>, vector<32x128xf32>
    %reduce_sum3A_3122 = arith.constant dense<0.000000e+00> : vector<32xf32>
    %reduce_sum3A_3123 = vector.multi_reduction <add>, %select_n3A_3121, %reduce_sum3A_3122 [1] : vector<32x128xf32> to vector<32xf32>
    %broadcast_in_dim3A_3124 = vector.shape_cast %reduce_sum3A_3123 : vector<32xf32> to vector<32x1xf32>
    %swap3A_3125 = arith.constant 0 : index
    %swap3A_3126 = arith.constant 30 : index
    %swap3A_3127 = vector.load %arg11[%swap3A_3125, %swap3A_3126] : memref<32x100xf32, #tpu.memory_space<vmem>>, vector<32x1xf32>
    tpu.vector_store %arg11[%swap3A_3125, %swap3A_3126], %broadcast_in_dim3A_3124 {strides = array<i32>} : memref<32x100xf32, #tpu.memory_space<vmem>>, vector<32x1xf32>,
    %get3A_3128 = arith.constant 31 : index
    %get3A_3129 = memref.load %arg7[%get3A_3128] : memref<100xi32, #tpu.memory_space<smem>>
    %shift_right_arithmetic3A_3130 = arith.constant 7 : i32
    %shift_right_arithmetic3A_3131 = arith.shrsi %get3A_3129, %shift_right_arithmetic3A_3130 : i32
    %mul3A_3132 = arith.constant 128 : i32
    %mul3A_3133 = arith.muli %shift_right_arithmetic3A_3131, %mul3A_3132 : i32
    %min3A_3134 = arith.constant 99872 : i32
    %min3A_3135 = arith.minsi %mul3A_3133, %min3A_3134 : i32
    %get3A_3136 = arith.constant 31 : index
    %get3A_3137 = memref.load %arg7[%get3A_3136] : memref<100xi32, #tpu.memory_space<smem>>
    %sub3A_3138 = arith.subi %get3A_3137, %min3A_3135 : i32
    %eq3A_3139 = vector.broadcast %sub3A_3138 : i32 to vector<32x128xi32>
    %eq3A_3140 = arith.cmpi eq, %iota3A, %eq3A_3139 : vector<32x128xi32>
    %get3A_3141 = arith.constant 31 : index
    %get3A_3142 = arith.constant 0 : index
    %get3A_3143 = arith.constant 0 : index
    %get3A_3144 = vector.load %arg12[%get3A_3141, %get3A_3142, %get3A_3143] : memref<100x32x128xf32, #tpu.memory_space<vmem>>, vector<1x32x128xf32>
    %get3A_3145 = vector.shape_cast %get3A_3144 : vector<1x32x128xf32> to vector<32x128xf32>
    %jit3A_3146 = arith.constant 0.000000e+00 : f32
    %broadcast_in_dim3A_3147 = vector.broadcast %jit3A_3146 : f32 to vector<32x128xf32>
    %select_n3A_3148 = arith.select %eq3A_3140, %get3A_3145, %broadcast_in_dim3A_3147 : vector<32x128xi1>, vector<32x128xf32>
    %reduce_sum3A_3149 = arith.constant dense<0.000000e+00> : vector<32xf32>
    %reduce_sum3A_3150 = vector.multi_reduction <add>, %select_n3A_3148, %reduce_sum3A_3149 [1] : vector<32x128xf32> to vector<32xf32>
    %broadcast_in_dim3A_3151 = vector.shape_cast %reduce_sum3A_3150 : vector<32xf32> to vector<32x1xf32>
    %swap3A_3152 = arith.constant 0 : index
    %swap3A_3153 = arith.constant 31 : index
    %swap3A_3154 = vector.load %arg11[%swap3A_3152, %swap3A_3153] : memref<32x100xf32, #tpu.memory_space<vmem>>, vector<32x1xf32>
    tpu.vector_store %arg11[%swap3A_3152, %swap3A_3153], %broadcast_in_dim3A_3151 {strides = array<i32>} : memref<32x100xf32, #tpu.memory_space<vmem>>, vector<32x1xf32>,
    %get3A_3155 = arith.constant 32 : index
    %get3A_3156 = memref.load %arg7[%get3A_3155] : memref<100xi32, #tpu.memory_space<smem>>
    %shift_right_arithmetic3A_3157 = arith.constant 7 : i32
    %shift_right_arithmetic3A_3158 = arith.shrsi %get3A_3156, %shift_right_arithmetic3A_3157 : i32
    %mul3A_3159 = arith.constant 128 : i32
    %mul3A_3160 = arith.muli %shift_right_arithmetic3A_3158, %mul3A_3159 : i32
    %min3A_3161 = arith.constant 99872 : i32
    %min3A_3162 = arith.minsi %mul3A_3160, %min3A_3161 : i32
    %get3A_3163 = arith.constant 32 : index
    %get3A_3164 = memref.load %arg7[%get3A_3163] : memref<100xi32, #tpu.memory_space<smem>>
    %sub3A_3165 = arith.subi %get3A_3164, %min3A_3162 : i32
    %eq3A_3166 = vector.broadcast %sub3A_3165 : i32 to vector<32x128xi32>
    %eq3A_3167 = arith.cmpi eq, %iota3A, %eq3A_3166 : vector<32x128xi32>
    %get3A_3168 = arith.constant 32 : index
    %get3A_3169 = arith.constant 0 : index
    %get3A_3170 = arith.constant 0 : index
    %get3A_3171 = vector.load %arg12[%get3A_3168, %get3A_3169, %get3A_3170] : memref<100x32x128xf32, #tpu.memory_space<vmem>>, vector<1x32x128xf32>
    %get3A_3172 = vector.shape_cast %get3A_3171 : vector<1x32x128xf32> to vector<32x128xf32>
    %jit3A_3173 = arith.constant 0.000000e+00 : f32
    %broadcast_in_dim3A_3174 = vector.broadcast %jit3A_3173 : f32 to vector<32x128xf32>
    %select_n3A_3175 = arith.select %eq3A_3167, %get3A_3172, %broadcast_in_dim3A_3174 : vector<32x128xi1>, vector<32x128xf32>
    %reduce_sum3A_3176 = arith.constant dense<0.000000e+00> : vector<32xf32>
    %reduce_sum3A_3177 = vector.multi_reduction <add>, %select_n3A_3175, %reduce_sum3A_3176 [1] : vector<32x128xf32> to vector<32xf32>
    %broadcast_in_dim3A_3178 = vector.shape_cast %reduce_sum3A_3177 : vector<32xf32> to vector<32x1xf32>
    %swap3A_3179 = arith.constant 0 : index
    %swap3A_3180 = arith.constant 32 : index
    %swap3A_3181 = vector.load %arg11[%swap3A_3179, %swap3A_3180] : memref<32x100xf32, #tpu.memory_space<vmem>>, vector<32x1xf32>
    tpu.vector_store %arg11[%swap3A_3179, %swap3A_3180], %broadcast_in_dim3A_3178 {strides = array<i32>} : memref<32x100xf32, #tpu.memory_space<vmem>>, vector<32x1xf32>,
    %get3A_3182 = arith.constant 33 : index
    %get3A_3183 = memref.load %arg7[%get3A_3182] : memref<100xi32, #tpu.memory_space<smem>>
    %shift_right_arithmetic3A_3184 = arith.constant 7 : i32
    %shift_right_arithmetic3A_3185 = arith.shrsi %get3A_3183, %shift_right_arithmetic3A_3184 : i32
    %mul3A_3186 = arith.constant 128 : i32
    %mul3A_3187 = arith.muli %shift_right_arithmetic3A_3185, %mul3A_3186 : i32
    %min3A_3188 = arith.constant 99872 : i32
    %min3A_3189 = arith.minsi %mul3A_3187, %min3A_3188 : i32
    %get3A_3190 = arith.constant 33 : index
    %get3A_3191 = memref.load %arg7[%get3A_3190] : memref<100xi32, #tpu.memory_space<smem>>
    %sub3A_3192 = arith.subi %get3A_3191, %min3A_3189 : i32
    %eq3A_3193 = vector.broadcast %sub3A_3192 : i32 to vector<32x128xi32>
    %eq3A_3194 = arith.cmpi eq, %iota3A, %eq3A_3193 : vector<32x128xi32>
    %get3A_3195 = arith.constant 33 : index
    %get3A_3196 = arith.constant 0 : index
    %get3A_3197 = arith.constant 0 : index
    %get3A_3198 = vector.load %arg12[%get3A_3195, %get3A_3196, %get3A_3197] : memref<100x32x128xf32, #tpu.memory_space<vmem>>, vector<1x32x128xf32>
    %get3A_3199 = vector.shape_cast %get3A_3198 : vector<1x32x128xf32> to vector<32x128xf32>
    %jit3A_3200 = arith.constant 0.000000e+00 : f32
    %broadcast_in_dim3A_3201 = vector.broadcast %jit3A_3200 : f32 to vector<32x128xf32>
    %select_n3A_3202 = arith.select %eq3A_3194, %get3A_3199, %broadcast_in_dim3A_3201 : vector<32x128xi1>, vector<32x128xf32>
    %reduce_sum3A_3203 = arith.constant dense<0.000000e+00> : vector<32xf32>
    %reduce_sum3A_3204 = vector.multi_reduction <add>, %select_n3A_3202, %reduce_sum3A_3203 [1] : vector<32x128xf32> to vector<32xf32>
    %broadcast_in_dim3A_3205 = vector.shape_cast %reduce_sum3A_3204 : vector<32xf32> to vector<32x1xf32>
    %swap3A_3206 = arith.constant 0 : index
    %swap3A_3207 = arith.constant 33 : index
    %swap3A_3208 = vector.load %arg11[%swap3A_3206, %swap3A_3207] : memref<32x100xf32, #tpu.memory_space<vmem>>, vector<32x1xf32>
    tpu.vector_store %arg11[%swap3A_3206, %swap3A_3207], %broadcast_in_dim3A_3205 {strides = array<i32>} : memref<32x100xf32, #tpu.memory_space<vmem>>, vector<32x1xf32>,
    %get3A_3209 = arith.constant 34 : index
    %get3A_3210 = memref.load %arg7[%get3A_3209] : memref<100xi32, #tpu.memory_space<smem>>
    %shift_right_arithmetic3A_3211 = arith.constant 7 : i32
    %shift_right_arithmetic3A_3212 = arith.shrsi %get3A_3210, %shift_right_arithmetic3A_3211 : i32
    %mul3A_3213 = arith.constant 128 : i32
    %mul3A_3214 = arith.muli %shift_right_arithmetic3A_3212, %mul3A_3213 : i32
    %min3A_3215 = arith.constant 99872 : i32
    %min3A_3216 = arith.minsi %mul3A_3214, %min3A_3215 : i32
    %get3A_3217 = arith.constant 34 : index
    %get3A_3218 = memref.load %arg7[%get3A_3217] : memref<100xi32, #tpu.memory_space<smem>>
    %sub3A_3219 = arith.subi %get3A_3218, %min3A_3216 : i32
    %eq3A_3220 = vector.broadcast %sub3A_3219 : i32 to vector<32x128xi32>
    %eq3A_3221 = arith.cmpi eq, %iota3A, %eq3A_3220 : vector<32x128xi32>
    %get3A_3222 = arith.constant 34 : index
    %get3A_3223 = arith.constant 0 : index
    %get3A_3224 = arith.constant 0 : index
    %get3A_3225 = vector.load %arg12[%get3A_3222, %get3A_3223, %get3A_3224] : memref<100x32x128xf32, #tpu.memory_space<vmem>>, vector<1x32x128xf32>
    %get3A_3226 = vector.shape_cast %get3A_3225 : vector<1x32x128xf32> to vector<32x128xf32>
    %jit3A_3227 = arith.constant 0.000000e+00 : f32
    %broadcast_in_dim3A_3228 = vector.broadcast %jit3A_3227 : f32 to vector<32x128xf32>
    %select_n3A_3229 = arith.select %eq3A_3221, %get3A_3226, %broadcast_in_dim3A_3228 : vector<32x128xi1>, vector<32x128xf32>
    %reduce_sum3A_3230 = arith.constant dense<0.000000e+00> : vector<32xf32>
    %reduce_sum3A_3231 = vector.multi_reduction <add>, %select_n3A_3229, %reduce_sum3A_3230 [1] : vector<32x128xf32> to vector<32xf32>
    %broadcast_in_dim3A_3232 = vector.shape_cast %reduce_sum3A_3231 : vector<32xf32> to vector<32x1xf32>
    %swap3A_3233 = arith.constant 0 : index
    %swap3A_3234 = arith.constant 34 : index
    %swap3A_3235 = vector.load %arg11[%swap3A_3233, %swap3A_3234] : memref<32x100xf32, #tpu.memory_space<vmem>>, vector<32x1xf32>
    tpu.vector_store %arg11[%swap3A_3233, %swap3A_3234], %broadcast_in_dim3A_3232 {strides = array<i32>} : memref<32x100xf32, #tpu.memory_space<vmem>>, vector<32x1xf32>,
    %get3A_3236 = arith.constant 35 : index
    %get3A_3237 = memref.load %arg7[%get3A_3236] : memref<100xi32, #tpu.memory_space<smem>>
    %shift_right_arithmetic3A_3238 = arith.constant 7 : i32
    %shift_right_arithmetic3A_3239 = arith.shrsi %get3A_3237, %shift_right_arithmetic3A_3238 : i32
    %mul3A_3240 = arith.constant 128 : i32
    %mul3A_3241 = arith.muli %shift_right_arithmetic3A_3239, %mul3A_3240 : i32
    %min3A_3242 = arith.constant 99872 : i32
    %min3A_3243 = arith.minsi %mul3A_3241, %min3A_3242 : i32
    %get3A_3244 = arith.constant 35 : index
    %get3A_3245 = memref.load %arg7[%get3A_3244] : memref<100xi32, #tpu.memory_space<smem>>
    %sub3A_3246 = arith.subi %get3A_3245, %min3A_3243 : i32
    %eq3A_3247 = vector.broadcast %sub3A_3246 : i32 to vector<32x128xi32>
    %eq3A_3248 = arith.cmpi eq, %iota3A, %eq3A_3247 : vector<32x128xi32>
    %get3A_3249 = arith.constant 35 : index
    %get3A_3250 = arith.constant 0 : index
    %get3A_3251 = arith.constant 0 : index
    %get3A_3252 = vector.load %arg12[%get3A_3249, %get3A_3250, %get3A_3251] : memref<100x32x128xf32, #tpu.memory_space<vmem>>, vector<1x32x128xf32>
    %get3A_3253 = vector.shape_cast %get3A_3252 : vector<1x32x128xf32> to vector<32x128xf32>
    %jit3A_3254 = arith.constant 0.000000e+00 : f32
    %broadcast_in_dim3A_3255 = vector.broadcast %jit3A_3254 : f32 to vector<32x128xf32>
    %select_n3A_3256 = arith.select %eq3A_3248, %get3A_3253, %broadcast_in_dim3A_3255 : vector<32x128xi1>, vector<32x128xf32>
    %reduce_sum3A_3257 = arith.constant dense<0.000000e+00> : vector<32xf32>
    %reduce_sum3A_3258 = vector.multi_reduction <add>, %select_n3A_3256, %reduce_sum3A_3257 [1] : vector<32x128xf32> to vector<32xf32>
    %broadcast_in_dim3A_3259 = vector.shape_cast %reduce_sum3A_3258 : vector<32xf32> to vector<32x1xf32>
    %swap3A_3260 = arith.constant 0 : index
    %swap3A_3261 = arith.constant 35 : index
    %swap3A_3262 = vector.load %arg11[%swap3A_3260, %swap3A_3261] : memref<32x100xf32, #tpu.memory_space<vmem>>, vector<32x1xf32>
    tpu.vector_store %arg11[%swap3A_3260, %swap3A_3261], %broadcast_in_dim3A_3259 {strides = array<i32>} : memref<32x100xf32, #tpu.memory_space<vmem>>, vector<32x1xf32>,
    %get3A_3263 = arith.constant 36 : index
    %get3A_3264 = memref.load %arg7[%get3A_3263] : memref<100xi32, #tpu.memory_space<smem>>
    %shift_right_arithmetic3A_3265 = arith.constant 7 : i32
    %shift_right_arithmetic3A_3266 = arith.shrsi %get3A_3264, %shift_right_arithmetic3A_3265 : i32
    %mul3A_3267 = arith.constant 128 : i32
    %mul3A_3268 = arith.muli %shift_right_arithmetic3A_3266, %mul3A_3267 : i32
    %min3A_3269 = arith.constant 99872 : i32
    %min3A_3270 = arith.minsi %mul3A_3268, %min3A_3269 : i32
    %get3A_3271 = arith.constant 36 : index
    %get3A_3272 = memref.load %arg7[%get3A_3271] : memref<100xi32, #tpu.memory_space<smem>>
    %sub3A_3273 = arith.subi %get3A_3272, %min3A_3270 : i32
    %eq3A_3274 = vector.broadcast %sub3A_3273 : i32 to vector<32x128xi32>
    %eq3A_3275 = arith.cmpi eq, %iota3A, %eq3A_3274 : vector<32x128xi32>
    %get3A_3276 = arith.constant 36 : index
    %get3A_3277 = arith.constant 0 : index
    %get3A_3278 = arith.constant 0 : index
    %get3A_3279 = vector.load %arg12[%get3A_3276, %get3A_3277, %get3A_3278] : memref<100x32x128xf32, #tpu.memory_space<vmem>>, vector<1x32x128xf32>
    %get3A_3280 = vector.shape_cast %get3A_3279 : vector<1x32x128xf32> to vector<32x128xf32>
    %jit3A_3281 = arith.constant 0.000000e+00 : f32
    %broadcast_in_dim3A_3282 = vector.broadcast %jit3A_3281 : f32 to vector<32x128xf32>
    %select_n3A_3283 = arith.select %eq3A_3275, %get3A_3280, %broadcast_in_dim3A_3282 : vector<32x128xi1>, vector<32x128xf32>
    %reduce_sum3A_3284 = arith.constant dense<0.000000e+00> : vector<32xf32>
    %reduce_sum3A_3285 = vector.multi_reduction <add>, %select_n3A_3283, %reduce_sum3A_3284 [1] : vector<32x128xf32> to vector<32xf32>
    %broadcast_in_dim3A_3286 = vector.shape_cast %reduce_sum3A_3285 : vector<32xf32> to vector<32x1xf32>
    %swap3A_3287 = arith.constant 0 : index
    %swap3A_3288 = arith.constant 36 : index
    %swap3A_3289 = vector.load %arg11[%swap3A_3287, %swap3A_3288] : memref<32x100xf32, #tpu.memory_space<vmem>>, vector<32x1xf32>
    tpu.vector_store %arg11[%swap3A_3287, %swap3A_3288], %broadcast_in_dim3A_3286 {strides = array<i32>} : memref<32x100xf32, #tpu.memory_space<vmem>>, vector<32x1xf32>,
    %get3A_3290 = arith.constant 37 : index
    %get3A_3291 = memref.load %arg7[%get3A_3290] : memref<100xi32, #tpu.memory_space<smem>>
    %shift_right_arithmetic3A_3292 = arith.constant 7 : i32
    %shift_right_arithmetic3A_3293 = arith.shrsi %get3A_3291, %shift_right_arithmetic3A_3292 : i32
    %mul3A_3294 = arith.constant 128 : i32
    %mul3A_3295 = arith.muli %shift_right_arithmetic3A_3293, %mul3A_3294 : i32
    %min3A_3296 = arith.constant 99872 : i32
    %min3A_3297 = arith.minsi %mul3A_3295, %min3A_3296 : i32
    %get3A_3298 = arith.constant 37 : index
    %get3A_3299 = memref.load %arg7[%get3A_3298] : memref<100xi32, #tpu.memory_space<smem>>
    %sub3A_3300 = arith.subi %get3A_3299, %min3A_3297 : i32
    %eq3A_3301 = vector.broadcast %sub3A_3300 : i32 to vector<32x128xi32>
    %eq3A_3302 = arith.cmpi eq, %iota3A, %eq3A_3301 : vector<32x128xi32>
    %get3A_3303 = arith.constant 37 : index
    %get3A_3304 = arith.constant 0 : index
    %get3A_3305 = arith.constant 0 : index
    %get3A_3306 = vector.load %arg12[%get3A_3303, %get3A_3304, %get3A_3305] : memref<100x32x128xf32, #tpu.memory_space<vmem>>, vector<1x32x128xf32>
    %get3A_3307 = vector.shape_cast %get3A_3306 : vector<1x32x128xf32> to vector<32x128xf32>
    %jit3A_3308 = arith.constant 0.000000e+00 : f32
    %broadcast_in_dim3A_3309 = vector.broadcast %jit3A_3308 : f32 to vector<32x128xf32>
    %select_n3A_3310 = arith.select %eq3A_3302, %get3A_3307, %broadcast_in_dim3A_3309 : vector<32x128xi1>, vector<32x128xf32>
    %reduce_sum3A_3311 = arith.constant dense<0.000000e+00> : vector<32xf32>
    %reduce_sum3A_3312 = vector.multi_reduction <add>, %select_n3A_3310, %reduce_sum3A_3311 [1] : vector<32x128xf32> to vector<32xf32>
    %broadcast_in_dim3A_3313 = vector.shape_cast %reduce_sum3A_3312 : vector<32xf32> to vector<32x1xf32>
    %swap3A_3314 = arith.constant 0 : index
    %swap3A_3315 = arith.constant 37 : index
    %swap3A_3316 = vector.load %arg11[%swap3A_3314, %swap3A_3315] : memref<32x100xf32, #tpu.memory_space<vmem>>, vector<32x1xf32>
    tpu.vector_store %arg11[%swap3A_3314, %swap3A_3315], %broadcast_in_dim3A_3313 {strides = array<i32>} : memref<32x100xf32, #tpu.memory_space<vmem>>, vector<32x1xf32>,
    %get3A_3317 = arith.constant 38 : index
    %get3A_3318 = memref.load %arg7[%get3A_3317] : memref<100xi32, #tpu.memory_space<smem>>
    %shift_right_arithmetic3A_3319 = arith.constant 7 : i32
    %shift_right_arithmetic3A_3320 = arith.shrsi %get3A_3318, %shift_right_arithmetic3A_3319 : i32
    %mul3A_3321 = arith.constant 128 : i32
    %mul3A_3322 = arith.muli %shift_right_arithmetic3A_3320, %mul3A_3321 : i32
    %min3A_3323 = arith.constant 99872 : i32
    %min3A_3324 = arith.minsi %mul3A_3322, %min3A_3323 : i32
    %get3A_3325 = arith.constant 38 : index
    %get3A_3326 = memref.load %arg7[%get3A_3325] : memref<100xi32, #tpu.memory_space<smem>>
    %sub3A_3327 = arith.subi %get3A_3326, %min3A_3324 : i32
    %eq3A_3328 = vector.broadcast %sub3A_3327 : i32 to vector<32x128xi32>
    %eq3A_3329 = arith.cmpi eq, %iota3A, %eq3A_3328 : vector<32x128xi32>
    %get3A_3330 = arith.constant 38 : index
    %get3A_3331 = arith.constant 0 : index
    %get3A_3332 = arith.constant 0 : index
    %get3A_3333 = vector.load %arg12[%get3A_3330, %get3A_3331, %get3A_3332] : memref<100x32x128xf32, #tpu.memory_space<vmem>>, vector<1x32x128xf32>
    %get3A_3334 = vector.shape_cast %get3A_3333 : vector<1x32x128xf32> to vector<32x128xf32>
    %jit3A_3335 = arith.constant 0.000000e+00 : f32
    %broadcast_in_dim3A_3336 = vector.broadcast %jit3A_3335 : f32 to vector<32x128xf32>
    %select_n3A_3337 = arith.select %eq3A_3329, %get3A_3334, %broadcast_in_dim3A_3336 : vector<32x128xi1>, vector<32x128xf32>
    %reduce_sum3A_3338 = arith.constant dense<0.000000e+00> : vector<32xf32>
    %reduce_sum3A_3339 = vector.multi_reduction <add>, %select_n3A_3337, %reduce_sum3A_3338 [1] : vector<32x128xf32> to vector<32xf32>
    %broadcast_in_dim3A_3340 = vector.shape_cast %reduce_sum3A_3339 : vector<32xf32> to vector<32x1xf32>
    %swap3A_3341 = arith.constant 0 : index
    %swap3A_3342 = arith.constant 38 : index
    %swap3A_3343 = vector.load %arg11[%swap3A_3341, %swap3A_3342] : memref<32x100xf32, #tpu.memory_space<vmem>>, vector<32x1xf32>
    tpu.vector_store %arg11[%swap3A_3341, %swap3A_3342], %broadcast_in_dim3A_3340 {strides = array<i32>} : memref<32x100xf32, #tpu.memory_space<vmem>>, vector<32x1xf32>,
    %get3A_3344 = arith.constant 39 : index
    %get3A_3345 = memref.load %arg7[%get3A_3344] : memref<100xi32, #tpu.memory_space<smem>>
    %shift_right_arithmetic3A_3346 = arith.constant 7 : i32
    %shift_right_arithmetic3A_3347 = arith.shrsi %get3A_3345, %shift_right_arithmetic3A_3346 : i32
    %mul3A_3348 = arith.constant 128 : i32
    %mul3A_3349 = arith.muli %shift_right_arithmetic3A_3347, %mul3A_3348 : i32
    %min3A_3350 = arith.constant 99872 : i32
    %min3A_3351 = arith.minsi %mul3A_3349, %min3A_3350 : i32
    %get3A_3352 = arith.constant 39 : index
    %get3A_3353 = memref.load %arg7[%get3A_3352] : memref<100xi32, #tpu.memory_space<smem>>
    %sub3A_3354 = arith.subi %get3A_3353, %min3A_3351 : i32
    %eq3A_3355 = vector.broadcast %sub3A_3354 : i32 to vector<32x128xi32>
    %eq3A_3356 = arith.cmpi eq, %iota3A, %eq3A_3355 : vector<32x128xi32>
    %get3A_3357 = arith.constant 39 : index
    %get3A_3358 = arith.constant 0 : index
    %get3A_3359 = arith.constant 0 : index
    %get3A_3360 = vector.load %arg12[%get3A_3357, %get3A_3358, %get3A_3359] : memref<100x32x128xf32, #tpu.memory_space<vmem>>, vector<1x32x128xf32>
    %get3A_3361 = vector.shape_cast %get3A_3360 : vector<1x32x128xf32> to vector<32x128xf32>
    %jit3A_3362 = arith.constant 0.000000e+00 : f32
    %broadcast_in_dim3A_3363 = vector.broadcast %jit3A_3362 : f32 to vector<32x128xf32>
    %select_n3A_3364 = arith.select %eq3A_3356, %get3A_3361, %broadcast_in_dim3A_3363 : vector<32x128xi1>, vector<32x128xf32>
    %reduce_sum3A_3365 = arith.constant dense<0.000000e+00> : vector<32xf32>
    %reduce_sum3A_3366 = vector.multi_reduction <add>, %select_n3A_3364, %reduce_sum3A_3365 [1] : vector<32x128xf32> to vector<32xf32>
    %broadcast_in_dim3A_3367 = vector.shape_cast %reduce_sum3A_3366 : vector<32xf32> to vector<32x1xf32>
    %swap3A_3368 = arith.constant 0 : index
    %swap3A_3369 = arith.constant 39 : index
    %swap3A_3370 = vector.load %arg11[%swap3A_3368, %swap3A_3369] : memref<32x100xf32, #tpu.memory_space<vmem>>, vector<32x1xf32>
    tpu.vector_store %arg11[%swap3A_3368, %swap3A_3369], %broadcast_in_dim3A_3367 {strides = array<i32>} : memref<32x100xf32, #tpu.memory_space<vmem>>, vector<32x1xf32>,
    %get3A_3371 = arith.constant 40 : index
    %get3A_3372 = memref.load %arg7[%get3A_3371] : memref<100xi32, #tpu.memory_space<smem>>
    %shift_right_arithmetic3A_3373 = arith.constant 7 : i32
    %shift_right_arithmetic3A_3374 = arith.shrsi %get3A_3372, %shift_right_arithmetic3A_3373 : i32
    %mul3A_3375 = arith.constant 128 : i32
    %mul3A_3376 = arith.muli %shift_right_arithmetic3A_3374, %mul3A_3375 : i32
    %min3A_3377 = arith.constant 99872 : i32
    %min3A_3378 = arith.minsi %mul3A_3376, %min3A_3377 : i32
    %get3A_3379 = arith.constant 40 : index
    %get3A_3380 = memref.load %arg7[%get3A_3379] : memref<100xi32, #tpu.memory_space<smem>>
    %sub3A_3381 = arith.subi %get3A_3380, %min3A_3378 : i32
    %eq3A_3382 = vector.broadcast %sub3A_3381 : i32 to vector<32x128xi32>
    %eq3A_3383 = arith.cmpi eq, %iota3A, %eq3A_3382 : vector<32x128xi32>
    %get3A_3384 = arith.constant 40 : index
    %get3A_3385 = arith.constant 0 : index
    %get3A_3386 = arith.constant 0 : index
    %get3A_3387 = vector.load %arg12[%get3A_3384, %get3A_3385, %get3A_3386] : memref<100x32x128xf32, #tpu.memory_space<vmem>>, vector<1x32x128xf32>
    %get3A_3388 = vector.shape_cast %get3A_3387 : vector<1x32x128xf32> to vector<32x128xf32>
    %jit3A_3389 = arith.constant 0.000000e+00 : f32
    %broadcast_in_dim3A_3390 = vector.broadcast %jit3A_3389 : f32 to vector<32x128xf32>
    %select_n3A_3391 = arith.select %eq3A_3383, %get3A_3388, %broadcast_in_dim3A_3390 : vector<32x128xi1>, vector<32x128xf32>
    %reduce_sum3A_3392 = arith.constant dense<0.000000e+00> : vector<32xf32>
    %reduce_sum3A_3393 = vector.multi_reduction <add>, %select_n3A_3391, %reduce_sum3A_3392 [1] : vector<32x128xf32> to vector<32xf32>
    %broadcast_in_dim3A_3394 = vector.shape_cast %reduce_sum3A_3393 : vector<32xf32> to vector<32x1xf32>
    %swap3A_3395 = arith.constant 0 : index
    %swap3A_3396 = arith.constant 40 : index
    %swap3A_3397 = vector.load %arg11[%swap3A_3395, %swap3A_3396] : memref<32x100xf32, #tpu.memory_space<vmem>>, vector<32x1xf32>
    tpu.vector_store %arg11[%swap3A_3395, %swap3A_3396], %broadcast_in_dim3A_3394 {strides = array<i32>} : memref<32x100xf32, #tpu.memory_space<vmem>>, vector<32x1xf32>,
    %get3A_3398 = arith.constant 41 : index
    %get3A_3399 = memref.load %arg7[%get3A_3398] : memref<100xi32, #tpu.memory_space<smem>>
    %shift_right_arithmetic3A_3400 = arith.constant 7 : i32
    %shift_right_arithmetic3A_3401 = arith.shrsi %get3A_3399, %shift_right_arithmetic3A_3400 : i32
    %mul3A_3402 = arith.constant 128 : i32
    %mul3A_3403 = arith.muli %shift_right_arithmetic3A_3401, %mul3A_3402 : i32
    %min3A_3404 = arith.constant 99872 : i32
    %min3A_3405 = arith.minsi %mul3A_3403, %min3A_3404 : i32
    %get3A_3406 = arith.constant 41 : index
    %get3A_3407 = memref.load %arg7[%get3A_3406] : memref<100xi32, #tpu.memory_space<smem>>
    %sub3A_3408 = arith.subi %get3A_3407, %min3A_3405 : i32
    %eq3A_3409 = vector.broadcast %sub3A_3408 : i32 to vector<32x128xi32>
    %eq3A_3410 = arith.cmpi eq, %iota3A, %eq3A_3409 : vector<32x128xi32>
    %get3A_3411 = arith.constant 41 : index
    %get3A_3412 = arith.constant 0 : index
    %get3A_3413 = arith.constant 0 : index
    %get3A_3414 = vector.load %arg12[%get3A_3411, %get3A_3412, %get3A_3413] : memref<100x32x128xf32, #tpu.memory_space<vmem>>, vector<1x32x128xf32>
    %get3A_3415 = vector.shape_cast %get3A_3414 : vector<1x32x128xf32> to vector<32x128xf32>
    %jit3A_3416 = arith.constant 0.000000e+00 : f32
    %broadcast_in_dim3A_3417 = vector.broadcast %jit3A_3416 : f32 to vector<32x128xf32>
    %select_n3A_3418 = arith.select %eq3A_3410, %get3A_3415, %broadcast_in_dim3A_3417 : vector<32x128xi1>, vector<32x128xf32>
    %reduce_sum3A_3419 = arith.constant dense<0.000000e+00> : vector<32xf32>
    %reduce_sum3A_3420 = vector.multi_reduction <add>, %select_n3A_3418, %reduce_sum3A_3419 [1] : vector<32x128xf32> to vector<32xf32>
    %broadcast_in_dim3A_3421 = vector.shape_cast %reduce_sum3A_3420 : vector<32xf32> to vector<32x1xf32>
    %swap3A_3422 = arith.constant 0 : index
    %swap3A_3423 = arith.constant 41 : index
    %swap3A_3424 = vector.load %arg11[%swap3A_3422, %swap3A_3423] : memref<32x100xf32, #tpu.memory_space<vmem>>, vector<32x1xf32>
    tpu.vector_store %arg11[%swap3A_3422, %swap3A_3423], %broadcast_in_dim3A_3421 {strides = array<i32>} : memref<32x100xf32, #tpu.memory_space<vmem>>, vector<32x1xf32>,
    %get3A_3425 = arith.constant 42 : index
    %get3A_3426 = memref.load %arg7[%get3A_3425] : memref<100xi32, #tpu.memory_space<smem>>
    %shift_right_arithmetic3A_3427 = arith.constant 7 : i32
    %shift_right_arithmetic3A_3428 = arith.shrsi %get3A_3426, %shift_right_arithmetic3A_3427 : i32
    %mul3A_3429 = arith.constant 128 : i32
    %mul3A_3430 = arith.muli %shift_right_arithmetic3A_3428, %mul3A_3429 : i32
    %min3A_3431 = arith.constant 99872 : i32
    %min3A_3432 = arith.minsi %mul3A_3430, %min3A_3431 : i32
    %get3A_3433 = arith.constant 42 : index
    %get3A_3434 = memref.load %arg7[%get3A_3433] : memref<100xi32, #tpu.memory_space<smem>>
    %sub3A_3435 = arith.subi %get3A_3434, %min3A_3432 : i32
    %eq3A_3436 = vector.broadcast %sub3A_3435 : i32 to vector<32x128xi32>
    %eq3A_3437 = arith.cmpi eq, %iota3A, %eq3A_3436 : vector<32x128xi32>
    %get3A_3438 = arith.constant 42 : index
    %get3A_3439 = arith.constant 0 : index
    %get3A_3440 = arith.constant 0 : index
    %get3A_3441 = vector.load %arg12[%get3A_3438, %get3A_3439, %get3A_3440] : memref<100x32x128xf32, #tpu.memory_space<vmem>>, vector<1x32x128xf32>
    %get3A_3442 = vector.shape_cast %get3A_3441 : vector<1x32x128xf32> to vector<32x128xf32>
    %jit3A_3443 = arith.constant 0.000000e+00 : f32
    %broadcast_in_dim3A_3444 = vector.broadcast %jit3A_3443 : f32 to vector<32x128xf32>
    %select_n3A_3445 = arith.select %eq3A_3437, %get3A_3442, %broadcast_in_dim3A_3444 : vector<32x128xi1>, vector<32x128xf32>
    %reduce_sum3A_3446 = arith.constant dense<0.000000e+00> : vector<32xf32>
    %reduce_sum3A_3447 = vector.multi_reduction <add>, %select_n3A_3445, %reduce_sum3A_3446 [1] : vector<32x128xf32> to vector<32xf32>
    %broadcast_in_dim3A_3448 = vector.shape_cast %reduce_sum3A_3447 : vector<32xf32> to vector<32x1xf32>
    %swap3A_3449 = arith.constant 0 : index
    %swap3A_3450 = arith.constant 42 : index
    %swap3A_3451 = vector.load %arg11[%swap3A_3449, %swap3A_3450] : memref<32x100xf32, #tpu.memory_space<vmem>>, vector<32x1xf32>
    tpu.vector_store %arg11[%swap3A_3449, %swap3A_3450], %broadcast_in_dim3A_3448 {strides = array<i32>} : memref<32x100xf32, #tpu.memory_space<vmem>>, vector<32x1xf32>,
    %get3A_3452 = arith.constant 43 : index
    %get3A_3453 = memref.load %arg7[%get3A_3452] : memref<100xi32, #tpu.memory_space<smem>>
    %shift_right_arithmetic3A_3454 = arith.constant 7 : i32
    %shift_right_arithmetic3A_3455 = arith.shrsi %get3A_3453, %shift_right_arithmetic3A_3454 : i32
    %mul3A_3456 = arith.constant 128 : i32
    %mul3A_3457 = arith.muli %shift_right_arithmetic3A_3455, %mul3A_3456 : i32
    %min3A_3458 = arith.constant 99872 : i32
    %min3A_3459 = arith.minsi %mul3A_3457, %min3A_3458 : i32
    %get3A_3460 = arith.constant 43 : index
    %get3A_3461 = memref.load %arg7[%get3A_3460] : memref<100xi32, #tpu.memory_space<smem>>
    %sub3A_3462 = arith.subi %get3A_3461, %min3A_3459 : i32
    %eq3A_3463 = vector.broadcast %sub3A_3462 : i32 to vector<32x128xi32>
    %eq3A_3464 = arith.cmpi eq, %iota3A, %eq3A_3463 : vector<32x128xi32>
    %get3A_3465 = arith.constant 43 : index
    %get3A_3466 = arith.constant 0 : index
    %get3A_3467 = arith.constant 0 : index
    %get3A_3468 = vector.load %arg12[%get3A_3465, %get3A_3466, %get3A_3467] : memref<100x32x128xf32, #tpu.memory_space<vmem>>, vector<1x32x128xf32>
    %get3A_3469 = vector.shape_cast %get3A_3468 : vector<1x32x128xf32> to vector<32x128xf32>
    %jit3A_3470 = arith.constant 0.000000e+00 : f32
    %broadcast_in_dim3A_3471 = vector.broadcast %jit3A_3470 : f32 to vector<32x128xf32>
    %select_n3A_3472 = arith.select %eq3A_3464, %get3A_3469, %broadcast_in_dim3A_3471 : vector<32x128xi1>, vector<32x128xf32>
    %reduce_sum3A_3473 = arith.constant dense<0.000000e+00> : vector<32xf32>
    %reduce_sum3A_3474 = vector.multi_reduction <add>, %select_n3A_3472, %reduce_sum3A_3473 [1] : vector<32x128xf32> to vector<32xf32>
    %broadcast_in_dim3A_3475 = vector.shape_cast %reduce_sum3A_3474 : vector<32xf32> to vector<32x1xf32>
    %swap3A_3476 = arith.constant 0 : index
    %swap3A_3477 = arith.constant 43 : index
    %swap3A_3478 = vector.load %arg11[%swap3A_3476, %swap3A_3477] : memref<32x100xf32, #tpu.memory_space<vmem>>, vector<32x1xf32>
    tpu.vector_store %arg11[%swap3A_3476, %swap3A_3477], %broadcast_in_dim3A_3475 {strides = array<i32>} : memref<32x100xf32, #tpu.memory_space<vmem>>, vector<32x1xf32>,
    %get3A_3479 = arith.constant 44 : index
    %get3A_3480 = memref.load %arg7[%get3A_3479] : memref<100xi32, #tpu.memory_space<smem>>
    %shift_right_arithmetic3A_3481 = arith.constant 7 : i32
    %shift_right_arithmetic3A_3482 = arith.shrsi %get3A_3480, %shift_right_arithmetic3A_3481 : i32
    %mul3A_3483 = arith.constant 128 : i32
    %mul3A_3484 = arith.muli %shift_right_arithmetic3A_3482, %mul3A_3483 : i32
    %min3A_3485 = arith.constant 99872 : i32
    %min3A_3486 = arith.minsi %mul3A_3484, %min3A_3485 : i32
    %get3A_3487 = arith.constant 44 : index
    %get3A_3488 = memref.load %arg7[%get3A_3487] : memref<100xi32, #tpu.memory_space<smem>>
    %sub3A_3489 = arith.subi %get3A_3488, %min3A_3486 : i32
    %eq3A_3490 = vector.broadcast %sub3A_3489 : i32 to vector<32x128xi32>
    %eq3A_3491 = arith.cmpi eq, %iota3A, %eq3A_3490 : vector<32x128xi32>
    %get3A_3492 = arith.constant 44 : index
    %get3A_3493 = arith.constant 0 : index
    %get3A_3494 = arith.constant 0 : index
    %get3A_3495 = vector.load %arg12[%get3A_3492, %get3A_3493, %get3A_3494] : memref<100x32x128xf32, #tpu.memory_space<vmem>>, vector<1x32x128xf32>
    %get3A_3496 = vector.shape_cast %get3A_3495 : vector<1x32x128xf32> to vector<32x128xf32>
    %jit3A_3497 = arith.constant 0.000000e+00 : f32
    %broadcast_in_dim3A_3498 = vector.broadcast %jit3A_3497 : f32 to vector<32x128xf32>
    %select_n3A_3499 = arith.select %eq3A_3491, %get3A_3496, %broadcast_in_dim3A_3498 : vector<32x128xi1>, vector<32x128xf32>
    %reduce_sum3A_3500 = arith.constant dense<0.000000e+00> : vector<32xf32>
    %reduce_sum3A_3501 = vector.multi_reduction <add>, %select_n3A_3499, %reduce_sum3A_3500 [1] : vector<32x128xf32> to vector<32xf32>
    %broadcast_in_dim3A_3502 = vector.shape_cast %reduce_sum3A_3501 : vector<32xf32> to vector<32x1xf32>
    %swap3A_3503 = arith.constant 0 : index
    %swap3A_3504 = arith.constant 44 : index
    %swap3A_3505 = vector.load %arg11[%swap3A_3503, %swap3A_3504] : memref<32x100xf32, #tpu.memory_space<vmem>>, vector<32x1xf32>
    tpu.vector_store %arg11[%swap3A_3503, %swap3A_3504], %broadcast_in_dim3A_3502 {strides = array<i32>} : memref<32x100xf32, #tpu.memory_space<vmem>>, vector<32x1xf32>,
    %get3A_3506 = arith.constant 45 : index
    %get3A_3507 = memref.load %arg7[%get3A_3506] : memref<100xi32, #tpu.memory_space<smem>>
    %shift_right_arithmetic3A_3508 = arith.constant 7 : i32
    %shift_right_arithmetic3A_3509 = arith.shrsi %get3A_3507, %shift_right_arithmetic3A_3508 : i32
    %mul3A_3510 = arith.constant 128 : i32
    %mul3A_3511 = arith.muli %shift_right_arithmetic3A_3509, %mul3A_3510 : i32
    %min3A_3512 = arith.constant 99872 : i32
    %min3A_3513 = arith.minsi %mul3A_3511, %min3A_3512 : i32
    %get3A_3514 = arith.constant 45 : index
    %get3A_3515 = memref.load %arg7[%get3A_3514] : memref<100xi32, #tpu.memory_space<smem>>
    %sub3A_3516 = arith.subi %get3A_3515, %min3A_3513 : i32
    %eq3A_3517 = vector.broadcast %sub3A_3516 : i32 to vector<32x128xi32>
    %eq3A_3518 = arith.cmpi eq, %iota3A, %eq3A_3517 : vector<32x128xi32>
    %get3A_3519 = arith.constant 45 : index
    %get3A_3520 = arith.constant 0 : index
    %get3A_3521 = arith.constant 0 : index
    %get3A_3522 = vector.load %arg12[%get3A_3519, %get3A_3520, %get3A_3521] : memref<100x32x128xf32, #tpu.memory_space<vmem>>, vector<1x32x128xf32>
    %get3A_3523 = vector.shape_cast %get3A_3522 : vector<1x32x128xf32> to vector<32x128xf32>
    %jit3A_3524 = arith.constant 0.000000e+00 : f32
    %broadcast_in_dim3A_3525 = vector.broadcast %jit3A_3524 : f32 to vector<32x128xf32>
    %select_n3A_3526 = arith.select %eq3A_3518, %get3A_3523, %broadcast_in_dim3A_3525 : vector<32x128xi1>, vector<32x128xf32>
    %reduce_sum3A_3527 = arith.constant dense<0.000000e+00> : vector<32xf32>
    %reduce_sum3A_3528 = vector.multi_reduction <add>, %select_n3A_3526, %reduce_sum3A_3527 [1] : vector<32x128xf32> to vector<32xf32>
    %broadcast_in_dim3A_3529 = vector.shape_cast %reduce_sum3A_3528 : vector<32xf32> to vector<32x1xf32>
    %swap3A_3530 = arith.constant 0 : index
    %swap3A_3531 = arith.constant 45 : index
    %swap3A_3532 = vector.load %arg11[%swap3A_3530, %swap3A_3531] : memref<32x100xf32, #tpu.memory_space<vmem>>, vector<32x1xf32>
    tpu.vector_store %arg11[%swap3A_3530, %swap3A_3531], %broadcast_in_dim3A_3529 {strides = array<i32>} : memref<32x100xf32, #tpu.memory_space<vmem>>, vector<32x1xf32>,
    %get3A_3533 = arith.constant 46 : index
    %get3A_3534 = memref.load %arg7[%get3A_3533] : memref<100xi32, #tpu.memory_space<smem>>
    %shift_right_arithmetic3A_3535 = arith.constant 7 : i32
    %shift_right_arithmetic3A_3536 = arith.shrsi %get3A_3534, %shift_right_arithmetic3A_3535 : i32
    %mul3A_3537 = arith.constant 128 : i32
    %mul3A_3538 = arith.muli %shift_right_arithmetic3A_3536, %mul3A_3537 : i32
    %min3A_3539 = arith.constant 99872 : i32
    %min3A_3540 = arith.minsi %mul3A_3538, %min3A_3539 : i32
    %get3A_3541 = arith.constant 46 : index
    %get3A_3542 = memref.load %arg7[%get3A_3541] : memref<100xi32, #tpu.memory_space<smem>>
    %sub3A_3543 = arith.subi %get3A_3542, %min3A_3540 : i32
    %eq3A_3544 = vector.broadcast %sub3A_3543 : i32 to vector<32x128xi32>
    %eq3A_3545 = arith.cmpi eq, %iota3A, %eq3A_3544 : vector<32x128xi32>
    %get3A_3546 = arith.constant 46 : index
    %get3A_3547 = arith.constant 0 : index
    %get3A_3548 = arith.constant 0 : index
    %get3A_3549 = vector.load %arg12[%get3A_3546, %get3A_3547, %get3A_3548] : memref<100x32x128xf32, #tpu.memory_space<vmem>>, vector<1x32x128xf32>
    %get3A_3550 = vector.shape_cast %get3A_3549 : vector<1x32x128xf32> to vector<32x128xf32>
    %jit3A_3551 = arith.constant 0.000000e+00 : f32
    %broadcast_in_dim3A_3552 = vector.broadcast %jit3A_3551 : f32 to vector<32x128xf32>
    %select_n3A_3553 = arith.select %eq3A_3545, %get3A_3550, %broadcast_in_dim3A_3552 : vector<32x128xi1>, vector<32x128xf32>
    %reduce_sum3A_3554 = arith.constant dense<0.000000e+00> : vector<32xf32>
    %reduce_sum3A_3555 = vector.multi_reduction <add>, %select_n3A_3553, %reduce_sum3A_3554 [1] : vector<32x128xf32> to vector<32xf32>
    %broadcast_in_dim3A_3556 = vector.shape_cast %reduce_sum3A_3555 : vector<32xf32> to vector<32x1xf32>
    %swap3A_3557 = arith.constant 0 : index
    %swap3A_3558 = arith.constant 46 : index
    %swap3A_3559 = vector.load %arg11[%swap3A_3557, %swap3A_3558] : memref<32x100xf32, #tpu.memory_space<vmem>>, vector<32x1xf32>
    tpu.vector_store %arg11[%swap3A_3557, %swap3A_3558], %broadcast_in_dim3A_3556 {strides = array<i32>} : memref<32x100xf32, #tpu.memory_space<vmem>>, vector<32x1xf32>,
    %get3A_3560 = arith.constant 47 : index
    %get3A_3561 = memref.load %arg7[%get3A_3560] : memref<100xi32, #tpu.memory_space<smem>>
    %shift_right_arithmetic3A_3562 = arith.constant 7 : i32
    %shift_right_arithmetic3A_3563 = arith.shrsi %get3A_3561, %shift_right_arithmetic3A_3562 : i32
    %mul3A_3564 = arith.constant 128 : i32
    %mul3A_3565 = arith.muli %shift_right_arithmetic3A_3563, %mul3A_3564 : i32
    %min3A_3566 = arith.constant 99872 : i32
    %min3A_3567 = arith.minsi %mul3A_3565, %min3A_3566 : i32
    %get3A_3568 = arith.constant 47 : index
    %get3A_3569 = memref.load %arg7[%get3A_3568] : memref<100xi32, #tpu.memory_space<smem>>
    %sub3A_3570 = arith.subi %get3A_3569, %min3A_3567 : i32
    %eq3A_3571 = vector.broadcast %sub3A_3570 : i32 to vector<32x128xi32>
    %eq3A_3572 = arith.cmpi eq, %iota3A, %eq3A_3571 : vector<32x128xi32>
    %get3A_3573 = arith.constant 47 : index
    %get3A_3574 = arith.constant 0 : index
    %get3A_3575 = arith.constant 0 : index
    %get3A_3576 = vector.load %arg12[%get3A_3573, %get3A_3574, %get3A_3575] : memref<100x32x128xf32, #tpu.memory_space<vmem>>, vector<1x32x128xf32>
    %get3A_3577 = vector.shape_cast %get3A_3576 : vector<1x32x128xf32> to vector<32x128xf32>
    %jit3A_3578 = arith.constant 0.000000e+00 : f32
    %broadcast_in_dim3A_3579 = vector.broadcast %jit3A_3578 : f32 to vector<32x128xf32>
    %select_n3A_3580 = arith.select %eq3A_3572, %get3A_3577, %broadcast_in_dim3A_3579 : vector<32x128xi1>, vector<32x128xf32>
    %reduce_sum3A_3581 = arith.constant dense<0.000000e+00> : vector<32xf32>
    %reduce_sum3A_3582 = vector.multi_reduction <add>, %select_n3A_3580, %reduce_sum3A_3581 [1] : vector<32x128xf32> to vector<32xf32>
    %broadcast_in_dim3A_3583 = vector.shape_cast %reduce_sum3A_3582 : vector<32xf32> to vector<32x1xf32>
    %swap3A_3584 = arith.constant 0 : index
    %swap3A_3585 = arith.constant 47 : index
    %swap3A_3586 = vector.load %arg11[%swap3A_3584, %swap3A_3585] : memref<32x100xf32, #tpu.memory_space<vmem>>, vector<32x1xf32>
    tpu.vector_store %arg11[%swap3A_3584, %swap3A_3585], %broadcast_in_dim3A_3583 {strides = array<i32>} : memref<32x100xf32, #tpu.memory_space<vmem>>, vector<32x1xf32>,
    %get3A_3587 = arith.constant 48 : index
    %get3A_3588 = memref.load %arg7[%get3A_3587] : memref<100xi32, #tpu.memory_space<smem>>
    %shift_right_arithmetic3A_3589 = arith.constant 7 : i32
    %shift_right_arithmetic3A_3590 = arith.shrsi %get3A_3588, %shift_right_arithmetic3A_3589 : i32
    %mul3A_3591 = arith.constant 128 : i32
    %mul3A_3592 = arith.muli %shift_right_arithmetic3A_3590, %mul3A_3591 : i32
    %min3A_3593 = arith.constant 99872 : i32
    %min3A_3594 = arith.minsi %mul3A_3592, %min3A_3593 : i32
    %get3A_3595 = arith.constant 48 : index
    %get3A_3596 = memref.load %arg7[%get3A_3595] : memref<100xi32, #tpu.memory_space<smem>>
    %sub3A_3597 = arith.subi %get3A_3596, %min3A_3594 : i32
    %eq3A_3598 = vector.broadcast %sub3A_3597 : i32 to vector<32x128xi32>
    %eq3A_3599 = arith.cmpi eq, %iota3A, %eq3A_3598 : vector<32x128xi32>
    %get3A_3600 = arith.constant 48 : index
    %get3A_3601 = arith.constant 0 : index
    %get3A_3602 = arith.constant 0 : index
    %get3A_3603 = vector.load %arg12[%get3A_3600, %get3A_3601, %get3A_3602] : memref<100x32x128xf32, #tpu.memory_space<vmem>>, vector<1x32x128xf32>
    %get3A_3604 = vector.shape_cast %get3A_3603 : vector<1x32x128xf32> to vector<32x128xf32>
    %jit3A_3605 = arith.constant 0.000000e+00 : f32
    %broadcast_in_dim3A_3606 = vector.broadcast %jit3A_3605 : f32 to vector<32x128xf32>
    %select_n3A_3607 = arith.select %eq3A_3599, %get3A_3604, %broadcast_in_dim3A_3606 : vector<32x128xi1>, vector<32x128xf32>
    %reduce_sum3A_3608 = arith.constant dense<0.000000e+00> : vector<32xf32>
    %reduce_sum3A_3609 = vector.multi_reduction <add>, %select_n3A_3607, %reduce_sum3A_3608 [1] : vector<32x128xf32> to vector<32xf32>
    %broadcast_in_dim3A_3610 = vector.shape_cast %reduce_sum3A_3609 : vector<32xf32> to vector<32x1xf32>
    %swap3A_3611 = arith.constant 0 : index
    %swap3A_3612 = arith.constant 48 : index
    %swap3A_3613 = vector.load %arg11[%swap3A_3611, %swap3A_3612] : memref<32x100xf32, #tpu.memory_space<vmem>>, vector<32x1xf32>
    tpu.vector_store %arg11[%swap3A_3611, %swap3A_3612], %broadcast_in_dim3A_3610 {strides = array<i32>} : memref<32x100xf32, #tpu.memory_space<vmem>>, vector<32x1xf32>,
    %get3A_3614 = arith.constant 49 : index
    %get3A_3615 = memref.load %arg7[%get3A_3614] : memref<100xi32, #tpu.memory_space<smem>>
    %shift_right_arithmetic3A_3616 = arith.constant 7 : i32
    %shift_right_arithmetic3A_3617 = arith.shrsi %get3A_3615, %shift_right_arithmetic3A_3616 : i32
    %mul3A_3618 = arith.constant 128 : i32
    %mul3A_3619 = arith.muli %shift_right_arithmetic3A_3617, %mul3A_3618 : i32
    %min3A_3620 = arith.constant 99872 : i32
    %min3A_3621 = arith.minsi %mul3A_3619, %min3A_3620 : i32
    %get3A_3622 = arith.constant 49 : index
    %get3A_3623 = memref.load %arg7[%get3A_3622] : memref<100xi32, #tpu.memory_space<smem>>
    %sub3A_3624 = arith.subi %get3A_3623, %min3A_3621 : i32
    %eq3A_3625 = vector.broadcast %sub3A_3624 : i32 to vector<32x128xi32>
    %eq3A_3626 = arith.cmpi eq, %iota3A, %eq3A_3625 : vector<32x128xi32>
    %get3A_3627 = arith.constant 49 : index
    %get3A_3628 = arith.constant 0 : index
    %get3A_3629 = arith.constant 0 : index
    %get3A_3630 = vector.load %arg12[%get3A_3627, %get3A_3628, %get3A_3629] : memref<100x32x128xf32, #tpu.memory_space<vmem>>, vector<1x32x128xf32>
    %get3A_3631 = vector.shape_cast %get3A_3630 : vector<1x32x128xf32> to vector<32x128xf32>
    %jit3A_3632 = arith.constant 0.000000e+00 : f32
    %broadcast_in_dim3A_3633 = vector.broadcast %jit3A_3632 : f32 to vector<32x128xf32>
    %select_n3A_3634 = arith.select %eq3A_3626, %get3A_3631, %broadcast_in_dim3A_3633 : vector<32x128xi1>, vector<32x128xf32>
    %reduce_sum3A_3635 = arith.constant dense<0.000000e+00> : vector<32xf32>
    %reduce_sum3A_3636 = vector.multi_reduction <add>, %select_n3A_3634, %reduce_sum3A_3635 [1] : vector<32x128xf32> to vector<32xf32>
    %broadcast_in_dim3A_3637 = vector.shape_cast %reduce_sum3A_3636 : vector<32xf32> to vector<32x1xf32>
    %swap3A_3638 = arith.constant 0 : index
    %swap3A_3639 = arith.constant 49 : index
    %swap3A_3640 = vector.load %arg11[%swap3A_3638, %swap3A_3639] : memref<32x100xf32, #tpu.memory_space<vmem>>, vector<32x1xf32>
    tpu.vector_store %arg11[%swap3A_3638, %swap3A_3639], %broadcast_in_dim3A_3637 {strides = array<i32>} : memref<32x100xf32, #tpu.memory_space<vmem>>, vector<32x1xf32>,
    %get3A_3641 = arith.constant 50 : index
    %get3A_3642 = memref.load %arg7[%get3A_3641] : memref<100xi32, #tpu.memory_space<smem>>
    %shift_right_arithmetic3A_3643 = arith.constant 7 : i32
    %shift_right_arithmetic3A_3644 = arith.shrsi %get3A_3642, %shift_right_arithmetic3A_3643 : i32
    %mul3A_3645 = arith.constant 128 : i32
    %mul3A_3646 = arith.muli %shift_right_arithmetic3A_3644, %mul3A_3645 : i32
    %min3A_3647 = arith.constant 99872 : i32
    %min3A_3648 = arith.minsi %mul3A_3646, %min3A_3647 : i32
    %get3A_3649 = arith.constant 50 : index
    %get3A_3650 = memref.load %arg7[%get3A_3649] : memref<100xi32, #tpu.memory_space<smem>>
    %sub3A_3651 = arith.subi %get3A_3650, %min3A_3648 : i32
    %eq3A_3652 = vector.broadcast %sub3A_3651 : i32 to vector<32x128xi32>
    %eq3A_3653 = arith.cmpi eq, %iota3A, %eq3A_3652 : vector<32x128xi32>
    %get3A_3654 = arith.constant 50 : index
    %get3A_3655 = arith.constant 0 : index
    %get3A_3656 = arith.constant 0 : index
    %get3A_3657 = vector.load %arg12[%get3A_3654, %get3A_3655, %get3A_3656] : memref<100x32x128xf32, #tpu.memory_space<vmem>>, vector<1x32x128xf32>
    %get3A_3658 = vector.shape_cast %get3A_3657 : vector<1x32x128xf32> to vector<32x128xf32>
    %jit3A_3659 = arith.constant 0.000000e+00 : f32
    %broadcast_in_dim3A_3660 = vector.broadcast %jit3A_3659 : f32 to vector<32x128xf32>
    %select_n3A_3661 = arith.select %eq3A_3653, %get3A_3658, %broadcast_in_dim3A_3660 : vector<32x128xi1>, vector<32x128xf32>
    %reduce_sum3A_3662 = arith.constant dense<0.000000e+00> : vector<32xf32>
    %reduce_sum3A_3663 = vector.multi_reduction <add>, %select_n3A_3661, %reduce_sum3A_3662 [1] : vector<32x128xf32> to vector<32xf32>
    %broadcast_in_dim3A_3664 = vector.shape_cast %reduce_sum3A_3663 : vector<32xf32> to vector<32x1xf32>
    %swap3A_3665 = arith.constant 0 : index
    %swap3A_3666 = arith.constant 50 : index
    %swap3A_3667 = vector.load %arg11[%swap3A_3665, %swap3A_3666] : memref<32x100xf32, #tpu.memory_space<vmem>>, vector<32x1xf32>
    tpu.vector_store %arg11[%swap3A_3665, %swap3A_3666], %broadcast_in_dim3A_3664 {strides = array<i32>} : memref<32x100xf32, #tpu.memory_space<vmem>>, vector<32x1xf32>,
    %get3A_3668 = arith.constant 51 : index
    %get3A_3669 = memref.load %arg7[%get3A_3668] : memref<100xi32, #tpu.memory_space<smem>>
    %shift_right_arithmetic3A_3670 = arith.constant 7 : i32
    %shift_right_arithmetic3A_3671 = arith.shrsi %get3A_3669, %shift_right_arithmetic3A_3670 : i32
    %mul3A_3672 = arith.constant 128 : i32
    %mul3A_3673 = arith.muli %shift_right_arithmetic3A_3671, %mul3A_3672 : i32
    %min3A_3674 = arith.constant 99872 : i32
    %min3A_3675 = arith.minsi %mul3A_3673, %min3A_3674 : i32
    %get3A_3676 = arith.constant 51 : index
    %get3A_3677 = memref.load %arg7[%get3A_3676] : memref<100xi32, #tpu.memory_space<smem>>
    %sub3A_3678 = arith.subi %get3A_3677, %min3A_3675 : i32
    %eq3A_3679 = vector.broadcast %sub3A_3678 : i32 to vector<32x128xi32>
    %eq3A_3680 = arith.cmpi eq, %iota3A, %eq3A_3679 : vector<32x128xi32>
    %get3A_3681 = arith.constant 51 : index
    %get3A_3682 = arith.constant 0 : index
    %get3A_3683 = arith.constant 0 : index
    %get3A_3684 = vector.load %arg12[%get3A_3681, %get3A_3682, %get3A_3683] : memref<100x32x128xf32, #tpu.memory_space<vmem>>, vector<1x32x128xf32>
    %get3A_3685 = vector.shape_cast %get3A_3684 : vector<1x32x128xf32> to vector<32x128xf32>
    %jit3A_3686 = arith.constant 0.000000e+00 : f32
    %broadcast_in_dim3A_3687 = vector.broadcast %jit3A_3686 : f32 to vector<32x128xf32>
    %select_n3A_3688 = arith.select %eq3A_3680, %get3A_3685, %broadcast_in_dim3A_3687 : vector<32x128xi1>, vector<32x128xf32>
    %reduce_sum3A_3689 = arith.constant dense<0.000000e+00> : vector<32xf32>
    %reduce_sum3A_3690 = vector.multi_reduction <add>, %select_n3A_3688, %reduce_sum3A_3689 [1] : vector<32x128xf32> to vector<32xf32>
    %broadcast_in_dim3A_3691 = vector.shape_cast %reduce_sum3A_3690 : vector<32xf32> to vector<32x1xf32>
    %swap3A_3692 = arith.constant 0 : index
    %swap3A_3693 = arith.constant 51 : index
    %swap3A_3694 = vector.load %arg11[%swap3A_3692, %swap3A_3693] : memref<32x100xf32, #tpu.memory_space<vmem>>, vector<32x1xf32>
    tpu.vector_store %arg11[%swap3A_3692, %swap3A_3693], %broadcast_in_dim3A_3691 {strides = array<i32>} : memref<32x100xf32, #tpu.memory_space<vmem>>, vector<32x1xf32>,
    %get3A_3695 = arith.constant 52 : index
    %get3A_3696 = memref.load %arg7[%get3A_3695] : memref<100xi32, #tpu.memory_space<smem>>
    %shift_right_arithmetic3A_3697 = arith.constant 7 : i32
    %shift_right_arithmetic3A_3698 = arith.shrsi %get3A_3696, %shift_right_arithmetic3A_3697 : i32
    %mul3A_3699 = arith.constant 128 : i32
    %mul3A_3700 = arith.muli %shift_right_arithmetic3A_3698, %mul3A_3699 : i32
    %min3A_3701 = arith.constant 99872 : i32
    %min3A_3702 = arith.minsi %mul3A_3700, %min3A_3701 : i32
    %get3A_3703 = arith.constant 52 : index
    %get3A_3704 = memref.load %arg7[%get3A_3703] : memref<100xi32, #tpu.memory_space<smem>>
    %sub3A_3705 = arith.subi %get3A_3704, %min3A_3702 : i32
    %eq3A_3706 = vector.broadcast %sub3A_3705 : i32 to vector<32x128xi32>
    %eq3A_3707 = arith.cmpi eq, %iota3A, %eq3A_3706 : vector<32x128xi32>
    %get3A_3708 = arith.constant 52 : index
    %get3A_3709 = arith.constant 0 : index
    %get3A_3710 = arith.constant 0 : index
    %get3A_3711 = vector.load %arg12[%get3A_3708, %get3A_3709, %get3A_3710] : memref<100x32x128xf32, #tpu.memory_space<vmem>>, vector<1x32x128xf32>
    %get3A_3712 = vector.shape_cast %get3A_3711 : vector<1x32x128xf32> to vector<32x128xf32>
    %jit3A_3713 = arith.constant 0.000000e+00 : f32
    %broadcast_in_dim3A_3714 = vector.broadcast %jit3A_3713 : f32 to vector<32x128xf32>
    %select_n3A_3715 = arith.select %eq3A_3707, %get3A_3712, %broadcast_in_dim3A_3714 : vector<32x128xi1>, vector<32x128xf32>
    %reduce_sum3A_3716 = arith.constant dense<0.000000e+00> : vector<32xf32>
    %reduce_sum3A_3717 = vector.multi_reduction <add>, %select_n3A_3715, %reduce_sum3A_3716 [1] : vector<32x128xf32> to vector<32xf32>
    %broadcast_in_dim3A_3718 = vector.shape_cast %reduce_sum3A_3717 : vector<32xf32> to vector<32x1xf32>
    %swap3A_3719 = arith.constant 0 : index
    %swap3A_3720 = arith.constant 52 : index
    %swap3A_3721 = vector.load %arg11[%swap3A_3719, %swap3A_3720] : memref<32x100xf32, #tpu.memory_space<vmem>>, vector<32x1xf32>
    tpu.vector_store %arg11[%swap3A_3719, %swap3A_3720], %broadcast_in_dim3A_3718 {strides = array<i32>} : memref<32x100xf32, #tpu.memory_space<vmem>>, vector<32x1xf32>,
    %get3A_3722 = arith.constant 53 : index
    %get3A_3723 = memref.load %arg7[%get3A_3722] : memref<100xi32, #tpu.memory_space<smem>>
    %shift_right_arithmetic3A_3724 = arith.constant 7 : i32
    %shift_right_arithmetic3A_3725 = arith.shrsi %get3A_3723, %shift_right_arithmetic3A_3724 : i32
    %mul3A_3726 = arith.constant 128 : i32
    %mul3A_3727 = arith.muli %shift_right_arithmetic3A_3725, %mul3A_3726 : i32
    %min3A_3728 = arith.constant 99872 : i32
    %min3A_3729 = arith.minsi %mul3A_3727, %min3A_3728 : i32
    %get3A_3730 = arith.constant 53 : index
    %get3A_3731 = memref.load %arg7[%get3A_3730] : memref<100xi32, #tpu.memory_space<smem>>
    %sub3A_3732 = arith.subi %get3A_3731, %min3A_3729 : i32
    %eq3A_3733 = vector.broadcast %sub3A_3732 : i32 to vector<32x128xi32>
    %eq3A_3734 = arith.cmpi eq, %iota3A, %eq3A_3733 : vector<32x128xi32>
    %get3A_3735 = arith.constant 53 : index
    %get3A_3736 = arith.constant 0 : index
    %get3A_3737 = arith.constant 0 : index
    %get3A_3738 = vector.load %arg12[%get3A_3735, %get3A_3736, %get3A_3737] : memref<100x32x128xf32, #tpu.memory_space<vmem>>, vector<1x32x128xf32>
    %get3A_3739 = vector.shape_cast %get3A_3738 : vector<1x32x128xf32> to vector<32x128xf32>
    %jit3A_3740 = arith.constant 0.000000e+00 : f32
    %broadcast_in_dim3A_3741 = vector.broadcast %jit3A_3740 : f32 to vector<32x128xf32>
    %select_n3A_3742 = arith.select %eq3A_3734, %get3A_3739, %broadcast_in_dim3A_3741 : vector<32x128xi1>, vector<32x128xf32>
    %reduce_sum3A_3743 = arith.constant dense<0.000000e+00> : vector<32xf32>
    %reduce_sum3A_3744 = vector.multi_reduction <add>, %select_n3A_3742, %reduce_sum3A_3743 [1] : vector<32x128xf32> to vector<32xf32>
    %broadcast_in_dim3A_3745 = vector.shape_cast %reduce_sum3A_3744 : vector<32xf32> to vector<32x1xf32>
    %swap3A_3746 = arith.constant 0 : index
    %swap3A_3747 = arith.constant 53 : index
    %swap3A_3748 = vector.load %arg11[%swap3A_3746, %swap3A_3747] : memref<32x100xf32, #tpu.memory_space<vmem>>, vector<32x1xf32>
    tpu.vector_store %arg11[%swap3A_3746, %swap3A_3747], %broadcast_in_dim3A_3745 {strides = array<i32>} : memref<32x100xf32, #tpu.memory_space<vmem>>, vector<32x1xf32>,
    %get3A_3749 = arith.constant 54 : index
    %get3A_3750 = memref.load %arg7[%get3A_3749] : memref<100xi32, #tpu.memory_space<smem>>
    %shift_right_arithmetic3A_3751 = arith.constant 7 : i32
    %shift_right_arithmetic3A_3752 = arith.shrsi %get3A_3750, %shift_right_arithmetic3A_3751 : i32
    %mul3A_3753 = arith.constant 128 : i32
    %mul3A_3754 = arith.muli %shift_right_arithmetic3A_3752, %mul3A_3753 : i32
    %min3A_3755 = arith.constant 99872 : i32
    %min3A_3756 = arith.minsi %mul3A_3754, %min3A_3755 : i32
    %get3A_3757 = arith.constant 54 : index
    %get3A_3758 = memref.load %arg7[%get3A_3757] : memref<100xi32, #tpu.memory_space<smem>>
    %sub3A_3759 = arith.subi %get3A_3758, %min3A_3756 : i32
    %eq3A_3760 = vector.broadcast %sub3A_3759 : i32 to vector<32x128xi32>
    %eq3A_3761 = arith.cmpi eq, %iota3A, %eq3A_3760 : vector<32x128xi32>
    %get3A_3762 = arith.constant 54 : index
    %get3A_3763 = arith.constant 0 : index
    %get3A_3764 = arith.constant 0 : index
    %get3A_3765 = vector.load %arg12[%get3A_3762, %get3A_3763, %get3A_3764] : memref<100x32x128xf32, #tpu.memory_space<vmem>>, vector<1x32x128xf32>
    %get3A_3766 = vector.shape_cast %get3A_3765 : vector<1x32x128xf32> to vector<32x128xf32>
    %jit3A_3767 = arith.constant 0.000000e+00 : f32
    %broadcast_in_dim3A_3768 = vector.broadcast %jit3A_3767 : f32 to vector<32x128xf32>
    %select_n3A_3769 = arith.select %eq3A_3761, %get3A_3766, %broadcast_in_dim3A_3768 : vector<32x128xi1>, vector<32x128xf32>
    %reduce_sum3A_3770 = arith.constant dense<0.000000e+00> : vector<32xf32>
    %reduce_sum3A_3771 = vector.multi_reduction <add>, %select_n3A_3769, %reduce_sum3A_3770 [1] : vector<32x128xf32> to vector<32xf32>
    %broadcast_in_dim3A_3772 = vector.shape_cast %reduce_sum3A_3771 : vector<32xf32> to vector<32x1xf32>
    %swap3A_3773 = arith.constant 0 : index
    %swap3A_3774 = arith.constant 54 : index
    %swap3A_3775 = vector.load %arg11[%swap3A_3773, %swap3A_3774] : memref<32x100xf32, #tpu.memory_space<vmem>>, vector<32x1xf32>
    tpu.vector_store %arg11[%swap3A_3773, %swap3A_3774], %broadcast_in_dim3A_3772 {strides = array<i32>} : memref<32x100xf32, #tpu.memory_space<vmem>>, vector<32x1xf32>,
    %get3A_3776 = arith.constant 55 : index
    %get3A_3777 = memref.load %arg7[%get3A_3776] : memref<100xi32, #tpu.memory_space<smem>>
    %shift_right_arithmetic3A_3778 = arith.constant 7 : i32
    %shift_right_arithmetic3A_3779 = arith.shrsi %get3A_3777, %shift_right_arithmetic3A_3778 : i32
    %mul3A_3780 = arith.constant 128 : i32
    %mul3A_3781 = arith.muli %shift_right_arithmetic3A_3779, %mul3A_3780 : i32
    %min3A_3782 = arith.constant 99872 : i32
    %min3A_3783 = arith.minsi %mul3A_3781, %min3A_3782 : i32
    %get3A_3784 = arith.constant 55 : index
    %get3A_3785 = memref.load %arg7[%get3A_3784] : memref<100xi32, #tpu.memory_space<smem>>
    %sub3A_3786 = arith.subi %get3A_3785, %min3A_3783 : i32
    %eq3A_3787 = vector.broadcast %sub3A_3786 : i32 to vector<32x128xi32>
    %eq3A_3788 = arith.cmpi eq, %iota3A, %eq3A_3787 : vector<32x128xi32>
    %get3A_3789 = arith.constant 55 : index
    %get3A_3790 = arith.constant 0 : index
    %get3A_3791 = arith.constant 0 : index
    %get3A_3792 = vector.load %arg12[%get3A_3789, %get3A_3790, %get3A_3791] : memref<100x32x128xf32, #tpu.memory_space<vmem>>, vector<1x32x128xf32>
    %get3A_3793 = vector.shape_cast %get3A_3792 : vector<1x32x128xf32> to vector<32x128xf32>
    %jit3A_3794 = arith.constant 0.000000e+00 : f32
    %broadcast_in_dim3A_3795 = vector.broadcast %jit3A_3794 : f32 to vector<32x128xf32>
    %select_n3A_3796 = arith.select %eq3A_3788, %get3A_3793, %broadcast_in_dim3A_3795 : vector<32x128xi1>, vector<32x128xf32>
    %reduce_sum3A_3797 = arith.constant dense<0.000000e+00> : vector<32xf32>
    %reduce_sum3A_3798 = vector.multi_reduction <add>, %select_n3A_3796, %reduce_sum3A_3797 [1] : vector<32x128xf32> to vector<32xf32>
    %broadcast_in_dim3A_3799 = vector.shape_cast %reduce_sum3A_3798 : vector<32xf32> to vector<32x1xf32>
    %swap3A_3800 = arith.constant 0 : index
    %swap3A_3801 = arith.constant 55 : index
    %swap3A_3802 = vector.load %arg11[%swap3A_3800, %swap3A_3801] : memref<32x100xf32, #tpu.memory_space<vmem>>, vector<32x1xf32>
    tpu.vector_store %arg11[%swap3A_3800, %swap3A_3801], %broadcast_in_dim3A_3799 {strides = array<i32>} : memref<32x100xf32, #tpu.memory_space<vmem>>, vector<32x1xf32>,
    %get3A_3803 = arith.constant 56 : index
    %get3A_3804 = memref.load %arg7[%get3A_3803] : memref<100xi32, #tpu.memory_space<smem>>
    %shift_right_arithmetic3A_3805 = arith.constant 7 : i32
    %shift_right_arithmetic3A_3806 = arith.shrsi %get3A_3804, %shift_right_arithmetic3A_3805 : i32
    %mul3A_3807 = arith.constant 128 : i32
    %mul3A_3808 = arith.muli %shift_right_arithmetic3A_3806, %mul3A_3807 : i32
    %min3A_3809 = arith.constant 99872 : i32
    %min3A_3810 = arith.minsi %mul3A_3808, %min3A_3809 : i32
    %get3A_3811 = arith.constant 56 : index
    %get3A_3812 = memref.load %arg7[%get3A_3811] : memref<100xi32, #tpu.memory_space<smem>>
    %sub3A_3813 = arith.subi %get3A_3812, %min3A_3810 : i32
    %eq3A_3814 = vector.broadcast %sub3A_3813 : i32 to vector<32x128xi32>
    %eq3A_3815 = arith.cmpi eq, %iota3A, %eq3A_3814 : vector<32x128xi32>
    %get3A_3816 = arith.constant 56 : index
    %get3A_3817 = arith.constant 0 : index
    %get3A_3818 = arith.constant 0 : index
    %get3A_3819 = vector.load %arg12[%get3A_3816, %get3A_3817, %get3A_3818] : memref<100x32x128xf32, #tpu.memory_space<vmem>>, vector<1x32x128xf32>
    %get3A_3820 = vector.shape_cast %get3A_3819 : vector<1x32x128xf32> to vector<32x128xf32>
    %jit3A_3821 = arith.constant 0.000000e+00 : f32
    %broadcast_in_dim3A_3822 = vector.broadcast %jit3A_3821 : f32 to vector<32x128xf32>
    %select_n3A_3823 = arith.select %eq3A_3815, %get3A_3820, %broadcast_in_dim3A_3822 : vector<32x128xi1>, vector<32x128xf32>
    %reduce_sum3A_3824 = arith.constant dense<0.000000e+00> : vector<32xf32>
    %reduce_sum3A_3825 = vector.multi_reduction <add>, %select_n3A_3823, %reduce_sum3A_3824 [1] : vector<32x128xf32> to vector<32xf32>
    %broadcast_in_dim3A_3826 = vector.shape_cast %reduce_sum3A_3825 : vector<32xf32> to vector<32x1xf32>
    %swap3A_3827 = arith.constant 0 : index
    %swap3A_3828 = arith.constant 56 : index
    %swap3A_3829 = vector.load %arg11[%swap3A_3827, %swap3A_3828] : memref<32x100xf32, #tpu.memory_space<vmem>>, vector<32x1xf32>
    tpu.vector_store %arg11[%swap3A_3827, %swap3A_3828], %broadcast_in_dim3A_3826 {strides = array<i32>} : memref<32x100xf32, #tpu.memory_space<vmem>>, vector<32x1xf32>,
    %get3A_3830 = arith.constant 57 : index
    %get3A_3831 = memref.load %arg7[%get3A_3830] : memref<100xi32, #tpu.memory_space<smem>>
    %shift_right_arithmetic3A_3832 = arith.constant 7 : i32
    %shift_right_arithmetic3A_3833 = arith.shrsi %get3A_3831, %shift_right_arithmetic3A_3832 : i32
    %mul3A_3834 = arith.constant 128 : i32
    %mul3A_3835 = arith.muli %shift_right_arithmetic3A_3833, %mul3A_3834 : i32
    %min3A_3836 = arith.constant 99872 : i32
    %min3A_3837 = arith.minsi %mul3A_3835, %min3A_3836 : i32
    %get3A_3838 = arith.constant 57 : index
    %get3A_3839 = memref.load %arg7[%get3A_3838] : memref<100xi32, #tpu.memory_space<smem>>
    %sub3A_3840 = arith.subi %get3A_3839, %min3A_3837 : i32
    %eq3A_3841 = vector.broadcast %sub3A_3840 : i32 to vector<32x128xi32>
    %eq3A_3842 = arith.cmpi eq, %iota3A, %eq3A_3841 : vector<32x128xi32>
    %get3A_3843 = arith.constant 57 : index
    %get3A_3844 = arith.constant 0 : index
    %get3A_3845 = arith.constant 0 : index
    %get3A_3846 = vector.load %arg12[%get3A_3843, %get3A_3844, %get3A_3845] : memref<100x32x128xf32, #tpu.memory_space<vmem>>, vector<1x32x128xf32>
    %get3A_3847 = vector.shape_cast %get3A_3846 : vector<1x32x128xf32> to vector<32x128xf32>
    %jit3A_3848 = arith.constant 0.000000e+00 : f32
    %broadcast_in_dim3A_3849 = vector.broadcast %jit3A_3848 : f32 to vector<32x128xf32>
    %select_n3A_3850 = arith.select %eq3A_3842, %get3A_3847, %broadcast_in_dim3A_3849 : vector<32x128xi1>, vector<32x128xf32>
    %reduce_sum3A_3851 = arith.constant dense<0.000000e+00> : vector<32xf32>
    %reduce_sum3A_3852 = vector.multi_reduction <add>, %select_n3A_3850, %reduce_sum3A_3851 [1] : vector<32x128xf32> to vector<32xf32>
    %broadcast_in_dim3A_3853 = vector.shape_cast %reduce_sum3A_3852 : vector<32xf32> to vector<32x1xf32>
    %swap3A_3854 = arith.constant 0 : index
    %swap3A_3855 = arith.constant 57 : index
    %swap3A_3856 = vector.load %arg11[%swap3A_3854, %swap3A_3855] : memref<32x100xf32, #tpu.memory_space<vmem>>, vector<32x1xf32>
    tpu.vector_store %arg11[%swap3A_3854, %swap3A_3855], %broadcast_in_dim3A_3853 {strides = array<i32>} : memref<32x100xf32, #tpu.memory_space<vmem>>, vector<32x1xf32>,
    %get3A_3857 = arith.constant 58 : index
    %get3A_3858 = memref.load %arg7[%get3A_3857] : memref<100xi32, #tpu.memory_space<smem>>
    %shift_right_arithmetic3A_3859 = arith.constant 7 : i32
    %shift_right_arithmetic3A_3860 = arith.shrsi %get3A_3858, %shift_right_arithmetic3A_3859 : i32
    %mul3A_3861 = arith.constant 128 : i32
    %mul3A_3862 = arith.muli %shift_right_arithmetic3A_3860, %mul3A_3861 : i32
    %min3A_3863 = arith.constant 99872 : i32
    %min3A_3864 = arith.minsi %mul3A_3862, %min3A_3863 : i32
    %get3A_3865 = arith.constant 58 : index
    %get3A_3866 = memref.load %arg7[%get3A_3865] : memref<100xi32, #tpu.memory_space<smem>>
    %sub3A_3867 = arith.subi %get3A_3866, %min3A_3864 : i32
    %eq3A_3868 = vector.broadcast %sub3A_3867 : i32 to vector<32x128xi32>
    %eq3A_3869 = arith.cmpi eq, %iota3A, %eq3A_3868 : vector<32x128xi32>
    %get3A_3870 = arith.constant 58 : index
    %get3A_3871 = arith.constant 0 : index
    %get3A_3872 = arith.constant 0 : index
    %get3A_3873 = vector.load %arg12[%get3A_3870, %get3A_3871, %get3A_3872] : memref<100x32x128xf32, #tpu.memory_space<vmem>>, vector<1x32x128xf32>
    %get3A_3874 = vector.shape_cast %get3A_3873 : vector<1x32x128xf32> to vector<32x128xf32>
    %jit3A_3875 = arith.constant 0.000000e+00 : f32
    %broadcast_in_dim3A_3876 = vector.broadcast %jit3A_3875 : f32 to vector<32x128xf32>
    %select_n3A_3877 = arith.select %eq3A_3869, %get3A_3874, %broadcast_in_dim3A_3876 : vector<32x128xi1>, vector<32x128xf32>
    %reduce_sum3A_3878 = arith.constant dense<0.000000e+00> : vector<32xf32>
    %reduce_sum3A_3879 = vector.multi_reduction <add>, %select_n3A_3877, %reduce_sum3A_3878 [1] : vector<32x128xf32> to vector<32xf32>
    %broadcast_in_dim3A_3880 = vector.shape_cast %reduce_sum3A_3879 : vector<32xf32> to vector<32x1xf32>
    %swap3A_3881 = arith.constant 0 : index
    %swap3A_3882 = arith.constant 58 : index
    %swap3A_3883 = vector.load %arg11[%swap3A_3881, %swap3A_3882] : memref<32x100xf32, #tpu.memory_space<vmem>>, vector<32x1xf32>
    tpu.vector_store %arg11[%swap3A_3881, %swap3A_3882], %broadcast_in_dim3A_3880 {strides = array<i32>} : memref<32x100xf32, #tpu.memory_space<vmem>>, vector<32x1xf32>,
    %get3A_3884 = arith.constant 59 : index
    %get3A_3885 = memref.load %arg7[%get3A_3884] : memref<100xi32, #tpu.memory_space<smem>>
    %shift_right_arithmetic3A_3886 = arith.constant 7 : i32
    %shift_right_arithmetic3A_3887 = arith.shrsi %get3A_3885, %shift_right_arithmetic3A_3886 : i32
    %mul3A_3888 = arith.constant 128 : i32
    %mul3A_3889 = arith.muli %shift_right_arithmetic3A_3887, %mul3A_3888 : i32
    %min3A_3890 = arith.constant 99872 : i32
    %min3A_3891 = arith.minsi %mul3A_3889, %min3A_3890 : i32
    %get3A_3892 = arith.constant 59 : index
    %get3A_3893 = memref.load %arg7[%get3A_3892] : memref<100xi32, #tpu.memory_space<smem>>
    %sub3A_3894 = arith.subi %get3A_3893, %min3A_3891 : i32
    %eq3A_3895 = vector.broadcast %sub3A_3894 : i32 to vector<32x128xi32>
    %eq3A_3896 = arith.cmpi eq, %iota3A, %eq3A_3895 : vector<32x128xi32>
    %get3A_3897 = arith.constant 59 : index
    %get3A_3898 = arith.constant 0 : index
    %get3A_3899 = arith.constant 0 : index
    %get3A_3900 = vector.load %arg12[%get3A_3897, %get3A_3898, %get3A_3899] : memref<100x32x128xf32, #tpu.memory_space<vmem>>, vector<1x32x128xf32>
    %get3A_3901 = vector.shape_cast %get3A_3900 : vector<1x32x128xf32> to vector<32x128xf32>
    %jit3A_3902 = arith.constant 0.000000e+00 : f32
    %broadcast_in_dim3A_3903 = vector.broadcast %jit3A_3902 : f32 to vector<32x128xf32>
    %select_n3A_3904 = arith.select %eq3A_3896, %get3A_3901, %broadcast_in_dim3A_3903 : vector<32x128xi1>, vector<32x128xf32>
    %reduce_sum3A_3905 = arith.constant dense<0.000000e+00> : vector<32xf32>
    %reduce_sum3A_3906 = vector.multi_reduction <add>, %select_n3A_3904, %reduce_sum3A_3905 [1] : vector<32x128xf32> to vector<32xf32>
    %broadcast_in_dim3A_3907 = vector.shape_cast %reduce_sum3A_3906 : vector<32xf32> to vector<32x1xf32>
    %swap3A_3908 = arith.constant 0 : index
    %swap3A_3909 = arith.constant 59 : index
    %swap3A_3910 = vector.load %arg11[%swap3A_3908, %swap3A_3909] : memref<32x100xf32, #tpu.memory_space<vmem>>, vector<32x1xf32>
    tpu.vector_store %arg11[%swap3A_3908, %swap3A_3909], %broadcast_in_dim3A_3907 {strides = array<i32>} : memref<32x100xf32, #tpu.memory_space<vmem>>, vector<32x1xf32>,
    %get3A_3911 = arith.constant 60 : index
    %get3A_3912 = memref.load %arg7[%get3A_3911] : memref<100xi32, #tpu.memory_space<smem>>
    %shift_right_arithmetic3A_3913 = arith.constant 7 : i32
    %shift_right_arithmetic3A_3914 = arith.shrsi %get3A_3912, %shift_right_arithmetic3A_3913 : i32
    %mul3A_3915 = arith.constant 128 : i32
    %mul3A_3916 = arith.muli %shift_right_arithmetic3A_3914, %mul3A_3915 : i32
    %min3A_3917 = arith.constant 99872 : i32
    %min3A_3918 = arith.minsi %mul3A_3916, %min3A_3917 : i32
    %get3A_3919 = arith.constant 60 : index
    %get3A_3920 = memref.load %arg7[%get3A_3919] : memref<100xi32, #tpu.memory_space<smem>>
    %sub3A_3921 = arith.subi %get3A_3920, %min3A_3918 : i32
    %eq3A_3922 = vector.broadcast %sub3A_3921 : i32 to vector<32x128xi32>
    %eq3A_3923 = arith.cmpi eq, %iota3A, %eq3A_3922 : vector<32x128xi32>
    %get3A_3924 = arith.constant 60 : index
    %get3A_3925 = arith.constant 0 : index
    %get3A_3926 = arith.constant 0 : index
    %get3A_3927 = vector.load %arg12[%get3A_3924, %get3A_3925, %get3A_3926] : memref<100x32x128xf32, #tpu.memory_space<vmem>>, vector<1x32x128xf32>
    %get3A_3928 = vector.shape_cast %get3A_3927 : vector<1x32x128xf32> to vector<32x128xf32>
    %jit3A_3929 = arith.constant 0.000000e+00 : f32
    %broadcast_in_dim3A_3930 = vector.broadcast %jit3A_3929 : f32 to vector<32x128xf32>
    %select_n3A_3931 = arith.select %eq3A_3923, %get3A_3928, %broadcast_in_dim3A_3930 : vector<32x128xi1>, vector<32x128xf32>
    %reduce_sum3A_3932 = arith.constant dense<0.000000e+00> : vector<32xf32>
    %reduce_sum3A_3933 = vector.multi_reduction <add>, %select_n3A_3931, %reduce_sum3A_3932 [1] : vector<32x128xf32> to vector<32xf32>
    %broadcast_in_dim3A_3934 = vector.shape_cast %reduce_sum3A_3933 : vector<32xf32> to vector<32x1xf32>
    %swap3A_3935 = arith.constant 0 : index
    %swap3A_3936 = arith.constant 60 : index
    %swap3A_3937 = vector.load %arg11[%swap3A_3935, %swap3A_3936] : memref<32x100xf32, #tpu.memory_space<vmem>>, vector<32x1xf32>
    tpu.vector_store %arg11[%swap3A_3935, %swap3A_3936], %broadcast_in_dim3A_3934 {strides = array<i32>} : memref<32x100xf32, #tpu.memory_space<vmem>>, vector<32x1xf32>,
    %get3A_3938 = arith.constant 61 : index
    %get3A_3939 = memref.load %arg7[%get3A_3938] : memref<100xi32, #tpu.memory_space<smem>>
    %shift_right_arithmetic3A_3940 = arith.constant 7 : i32
    %shift_right_arithmetic3A_3941 = arith.shrsi %get3A_3939, %shift_right_arithmetic3A_3940 : i32
    %mul3A_3942 = arith.constant 128 : i32
    %mul3A_3943 = arith.muli %shift_right_arithmetic3A_3941, %mul3A_3942 : i32
    %min3A_3944 = arith.constant 99872 : i32
    %min3A_3945 = arith.minsi %mul3A_3943, %min3A_3944 : i32
    %get3A_3946 = arith.constant 61 : index
    %get3A_3947 = memref.load %arg7[%get3A_3946] : memref<100xi32, #tpu.memory_space<smem>>
    %sub3A_3948 = arith.subi %get3A_3947, %min3A_3945 : i32
    %eq3A_3949 = vector.broadcast %sub3A_3948 : i32 to vector<32x128xi32>
    %eq3A_3950 = arith.cmpi eq, %iota3A, %eq3A_3949 : vector<32x128xi32>
    %get3A_3951 = arith.constant 61 : index
    %get3A_3952 = arith.constant 0 : index
    %get3A_3953 = arith.constant 0 : index
    %get3A_3954 = vector.load %arg12[%get3A_3951, %get3A_3952, %get3A_3953] : memref<100x32x128xf32, #tpu.memory_space<vmem>>, vector<1x32x128xf32>
    %get3A_3955 = vector.shape_cast %get3A_3954 : vector<1x32x128xf32> to vector<32x128xf32>
    %jit3A_3956 = arith.constant 0.000000e+00 : f32
    %broadcast_in_dim3A_3957 = vector.broadcast %jit3A_3956 : f32 to vector<32x128xf32>
    %select_n3A_3958 = arith.select %eq3A_3950, %get3A_3955, %broadcast_in_dim3A_3957 : vector<32x128xi1>, vector<32x128xf32>
    %reduce_sum3A_3959 = arith.constant dense<0.000000e+00> : vector<32xf32>
    %reduce_sum3A_3960 = vector.multi_reduction <add>, %select_n3A_3958, %reduce_sum3A_3959 [1] : vector<32x128xf32> to vector<32xf32>
    %broadcast_in_dim3A_3961 = vector.shape_cast %reduce_sum3A_3960 : vector<32xf32> to vector<32x1xf32>
    %swap3A_3962 = arith.constant 0 : index
    %swap3A_3963 = arith.constant 61 : index
    %swap3A_3964 = vector.load %arg11[%swap3A_3962, %swap3A_3963] : memref<32x100xf32, #tpu.memory_space<vmem>>, vector<32x1xf32>
    tpu.vector_store %arg11[%swap3A_3962, %swap3A_3963], %broadcast_in_dim3A_3961 {strides = array<i32>} : memref<32x100xf32, #tpu.memory_space<vmem>>, vector<32x1xf32>,
    %get3A_3965 = arith.constant 62 : index
    %get3A_3966 = memref.load %arg7[%get3A_3965] : memref<100xi32, #tpu.memory_space<smem>>
    %shift_right_arithmetic3A_3967 = arith.constant 7 : i32
    %shift_right_arithmetic3A_3968 = arith.shrsi %get3A_3966, %shift_right_arithmetic3A_3967 : i32
    %mul3A_3969 = arith.constant 128 : i32
    %mul3A_3970 = arith.muli %shift_right_arithmetic3A_3968, %mul3A_3969 : i32
    %min3A_3971 = arith.constant 99872 : i32
    %min3A_3972 = arith.minsi %mul3A_3970, %min3A_3971 : i32
    %get3A_3973 = arith.constant 62 : index
    %get3A_3974 = memref.load %arg7[%get3A_3973] : memref<100xi32, #tpu.memory_space<smem>>
    %sub3A_3975 = arith.subi %get3A_3974, %min3A_3972 : i32
    %eq3A_3976 = vector.broadcast %sub3A_3975 : i32 to vector<32x128xi32>
    %eq3A_3977 = arith.cmpi eq, %iota3A, %eq3A_3976 : vector<32x128xi32>
    %get3A_3978 = arith.constant 62 : index
    %get3A_3979 = arith.constant 0 : index
    %get3A_3980 = arith.constant 0 : index
    %get3A_3981 = vector.load %arg12[%get3A_3978, %get3A_3979, %get3A_3980] : memref<100x32x128xf32, #tpu.memory_space<vmem>>, vector<1x32x128xf32>
    %get3A_3982 = vector.shape_cast %get3A_3981 : vector<1x32x128xf32> to vector<32x128xf32>
    %jit3A_3983 = arith.constant 0.000000e+00 : f32
    %broadcast_in_dim3A_3984 = vector.broadcast %jit3A_3983 : f32 to vector<32x128xf32>
    %select_n3A_3985 = arith.select %eq3A_3977, %get3A_3982, %broadcast_in_dim3A_3984 : vector<32x128xi1>, vector<32x128xf32>
    %reduce_sum3A_3986 = arith.constant dense<0.000000e+00> : vector<32xf32>
    %reduce_sum3A_3987 = vector.multi_reduction <add>, %select_n3A_3985, %reduce_sum3A_3986 [1] : vector<32x128xf32> to vector<32xf32>
    %broadcast_in_dim3A_3988 = vector.shape_cast %reduce_sum3A_3987 : vector<32xf32> to vector<32x1xf32>
    %swap3A_3989 = arith.constant 0 : index
    %swap3A_3990 = arith.constant 62 : index
    %swap3A_3991 = vector.load %arg11[%swap3A_3989, %swap3A_3990] : memref<32x100xf32, #tpu.memory_space<vmem>>, vector<32x1xf32>
    tpu.vector_store %arg11[%swap3A_3989, %swap3A_3990], %broadcast_in_dim3A_3988 {strides = array<i32>} : memref<32x100xf32, #tpu.memory_space<vmem>>, vector<32x1xf32>,
    %get3A_3992 = arith.constant 63 : index
    %get3A_3993 = memref.load %arg7[%get3A_3992] : memref<100xi32, #tpu.memory_space<smem>>
    %shift_right_arithmetic3A_3994 = arith.constant 7 : i32
    %shift_right_arithmetic3A_3995 = arith.shrsi %get3A_3993, %shift_right_arithmetic3A_3994 : i32
    %mul3A_3996 = arith.constant 128 : i32
    %mul3A_3997 = arith.muli %shift_right_arithmetic3A_3995, %mul3A_3996 : i32
    %min3A_3998 = arith.constant 99872 : i32
    %min3A_3999 = arith.minsi %mul3A_3997, %min3A_3998 : i32
    %get3A_4000 = arith.constant 63 : index
    %get3A_4001 = memref.load %arg7[%get3A_4000] : memref<100xi32, #tpu.memory_space<smem>>
    %sub3A_4002 = arith.subi %get3A_4001, %min3A_3999 : i32
    %eq3A_4003 = vector.broadcast %sub3A_4002 : i32 to vector<32x128xi32>
    %eq3A_4004 = arith.cmpi eq, %iota3A, %eq3A_4003 : vector<32x128xi32>
    %get3A_4005 = arith.constant 63 : index
    %get3A_4006 = arith.constant 0 : index
    %get3A_4007 = arith.constant 0 : index
    %get3A_4008 = vector.load %arg12[%get3A_4005, %get3A_4006, %get3A_4007] : memref<100x32x128xf32, #tpu.memory_space<vmem>>, vector<1x32x128xf32>
    %get3A_4009 = vector.shape_cast %get3A_4008 : vector<1x32x128xf32> to vector<32x128xf32>
    %jit3A_4010 = arith.constant 0.000000e+00 : f32
    %broadcast_in_dim3A_4011 = vector.broadcast %jit3A_4010 : f32 to vector<32x128xf32>
    %select_n3A_4012 = arith.select %eq3A_4004, %get3A_4009, %broadcast_in_dim3A_4011 : vector<32x128xi1>, vector<32x128xf32>
    %reduce_sum3A_4013 = arith.constant dense<0.000000e+00> : vector<32xf32>
    %reduce_sum3A_4014 = vector.multi_reduction <add>, %select_n3A_4012, %reduce_sum3A_4013 [1] : vector<32x128xf32> to vector<32xf32>
    %broadcast_in_dim3A_4015 = vector.shape_cast %reduce_sum3A_4014 : vector<32xf32> to vector<32x1xf32>
    %swap3A_4016 = arith.constant 0 : index
    %swap3A_4017 = arith.constant 63 : index
    %swap3A_4018 = vector.load %arg11[%swap3A_4016, %swap3A_4017] : memref<32x100xf32, #tpu.memory_space<vmem>>, vector<32x1xf32>
    tpu.vector_store %arg11[%swap3A_4016, %swap3A_4017], %broadcast_in_dim3A_4015 {strides = array<i32>} : memref<32x100xf32, #tpu.memory_space<vmem>>, vector<32x1xf32>,
    %get3A_4019 = arith.constant 64 : index
    %get3A_4020 = memref.load %arg7[%get3A_4019] : memref<100xi32, #tpu.memory_space<smem>>
    %shift_right_arithmetic3A_4021 = arith.constant 7 : i32
    %shift_right_arithmetic3A_4022 = arith.shrsi %get3A_4020, %shift_right_arithmetic3A_4021 : i32
    %mul3A_4023 = arith.constant 128 : i32
    %mul3A_4024 = arith.muli %shift_right_arithmetic3A_4022, %mul3A_4023 : i32
    %min3A_4025 = arith.constant 99872 : i32
    %min3A_4026 = arith.minsi %mul3A_4024, %min3A_4025 : i32
    %get3A_4027 = arith.constant 64 : index
    %get3A_4028 = memref.load %arg7[%get3A_4027] : memref<100xi32, #tpu.memory_space<smem>>
    %sub3A_4029 = arith.subi %get3A_4028, %min3A_4026 : i32
    %eq3A_4030 = vector.broadcast %sub3A_4029 : i32 to vector<32x128xi32>
    %eq3A_4031 = arith.cmpi eq, %iota3A, %eq3A_4030 : vector<32x128xi32>
    %get3A_4032 = arith.constant 64 : index
    %get3A_4033 = arith.constant 0 : index
    %get3A_4034 = arith.constant 0 : index
    %get3A_4035 = vector.load %arg12[%get3A_4032, %get3A_4033, %get3A_4034] : memref<100x32x128xf32, #tpu.memory_space<vmem>>, vector<1x32x128xf32>
    %get3A_4036 = vector.shape_cast %get3A_4035 : vector<1x32x128xf32> to vector<32x128xf32>
    %jit3A_4037 = arith.constant 0.000000e+00 : f32
    %broadcast_in_dim3A_4038 = vector.broadcast %jit3A_4037 : f32 to vector<32x128xf32>
    %select_n3A_4039 = arith.select %eq3A_4031, %get3A_4036, %broadcast_in_dim3A_4038 : vector<32x128xi1>, vector<32x128xf32>
    %reduce_sum3A_4040 = arith.constant dense<0.000000e+00> : vector<32xf32>
    %reduce_sum3A_4041 = vector.multi_reduction <add>, %select_n3A_4039, %reduce_sum3A_4040 [1] : vector<32x128xf32> to vector<32xf32>
    %broadcast_in_dim3A_4042 = vector.shape_cast %reduce_sum3A_4041 : vector<32xf32> to vector<32x1xf32>
    %swap3A_4043 = arith.constant 0 : index
    %swap3A_4044 = arith.constant 64 : index
    %swap3A_4045 = vector.load %arg11[%swap3A_4043, %swap3A_4044] : memref<32x100xf32, #tpu.memory_space<vmem>>, vector<32x1xf32>
    tpu.vector_store %arg11[%swap3A_4043, %swap3A_4044], %broadcast_in_dim3A_4042 {strides = array<i32>} : memref<32x100xf32, #tpu.memory_space<vmem>>, vector<32x1xf32>,
    %get3A_4046 = arith.constant 65 : index
    %get3A_4047 = memref.load %arg7[%get3A_4046] : memref<100xi32, #tpu.memory_space<smem>>
    %shift_right_arithmetic3A_4048 = arith.constant 7 : i32
    %shift_right_arithmetic3A_4049 = arith.shrsi %get3A_4047, %shift_right_arithmetic3A_4048 : i32
    %mul3A_4050 = arith.constant 128 : i32
    %mul3A_4051 = arith.muli %shift_right_arithmetic3A_4049, %mul3A_4050 : i32
    %min3A_4052 = arith.constant 99872 : i32
    %min3A_4053 = arith.minsi %mul3A_4051, %min3A_4052 : i32
    %get3A_4054 = arith.constant 65 : index
    %get3A_4055 = memref.load %arg7[%get3A_4054] : memref<100xi32, #tpu.memory_space<smem>>
    %sub3A_4056 = arith.subi %get3A_4055, %min3A_4053 : i32
    %eq3A_4057 = vector.broadcast %sub3A_4056 : i32 to vector<32x128xi32>
    %eq3A_4058 = arith.cmpi eq, %iota3A, %eq3A_4057 : vector<32x128xi32>
    %get3A_4059 = arith.constant 65 : index
    %get3A_4060 = arith.constant 0 : index
    %get3A_4061 = arith.constant 0 : index
    %get3A_4062 = vector.load %arg12[%get3A_4059, %get3A_4060, %get3A_4061] : memref<100x32x128xf32, #tpu.memory_space<vmem>>, vector<1x32x128xf32>
    %get3A_4063 = vector.shape_cast %get3A_4062 : vector<1x32x128xf32> to vector<32x128xf32>
    %jit3A_4064 = arith.constant 0.000000e+00 : f32
    %broadcast_in_dim3A_4065 = vector.broadcast %jit3A_4064 : f32 to vector<32x128xf32>
    %select_n3A_4066 = arith.select %eq3A_4058, %get3A_4063, %broadcast_in_dim3A_4065 : vector<32x128xi1>, vector<32x128xf32>
    %reduce_sum3A_4067 = arith.constant dense<0.000000e+00> : vector<32xf32>
    %reduce_sum3A_4068 = vector.multi_reduction <add>, %select_n3A_4066, %reduce_sum3A_4067 [1] : vector<32x128xf32> to vector<32xf32>
    %broadcast_in_dim3A_4069 = vector.shape_cast %reduce_sum3A_4068 : vector<32xf32> to vector<32x1xf32>
    %swap3A_4070 = arith.constant 0 : index
    %swap3A_4071 = arith.constant 65 : index
    %swap3A_4072 = vector.load %arg11[%swap3A_4070, %swap3A_4071] : memref<32x100xf32, #tpu.memory_space<vmem>>, vector<32x1xf32>
    tpu.vector_store %arg11[%swap3A_4070, %swap3A_4071], %broadcast_in_dim3A_4069 {strides = array<i32>} : memref<32x100xf32, #tpu.memory_space<vmem>>, vector<32x1xf32>,
    %get3A_4073 = arith.constant 66 : index
    %get3A_4074 = memref.load %arg7[%get3A_4073] : memref<100xi32, #tpu.memory_space<smem>>
    %shift_right_arithmetic3A_4075 = arith.constant 7 : i32
    %shift_right_arithmetic3A_4076 = arith.shrsi %get3A_4074, %shift_right_arithmetic3A_4075 : i32
    %mul3A_4077 = arith.constant 128 : i32
    %mul3A_4078 = arith.muli %shift_right_arithmetic3A_4076, %mul3A_4077 : i32
    %min3A_4079 = arith.constant 99872 : i32
    %min3A_4080 = arith.minsi %mul3A_4078, %min3A_4079 : i32
    %get3A_4081 = arith.constant 66 : index
    %get3A_4082 = memref.load %arg7[%get3A_4081] : memref<100xi32, #tpu.memory_space<smem>>
    %sub3A_4083 = arith.subi %get3A_4082, %min3A_4080 : i32
    %eq3A_4084 = vector.broadcast %sub3A_4083 : i32 to vector<32x128xi32>
    %eq3A_4085 = arith.cmpi eq, %iota3A, %eq3A_4084 : vector<32x128xi32>
    %get3A_4086 = arith.constant 66 : index
    %get3A_4087 = arith.constant 0 : index
    %get3A_4088 = arith.constant 0 : index
    %get3A_4089 = vector.load %arg12[%get3A_4086, %get3A_4087, %get3A_4088] : memref<100x32x128xf32, #tpu.memory_space<vmem>>, vector<1x32x128xf32>
    %get3A_4090 = vector.shape_cast %get3A_4089 : vector<1x32x128xf32> to vector<32x128xf32>
    %jit3A_4091 = arith.constant 0.000000e+00 : f32
    %broadcast_in_dim3A_4092 = vector.broadcast %jit3A_4091 : f32 to vector<32x128xf32>
    %select_n3A_4093 = arith.select %eq3A_4085, %get3A_4090, %broadcast_in_dim3A_4092 : vector<32x128xi1>, vector<32x128xf32>
    %reduce_sum3A_4094 = arith.constant dense<0.000000e+00> : vector<32xf32>
    %reduce_sum3A_4095 = vector.multi_reduction <add>, %select_n3A_4093, %reduce_sum3A_4094 [1] : vector<32x128xf32> to vector<32xf32>
    %broadcast_in_dim3A_4096 = vector.shape_cast %reduce_sum3A_4095 : vector<32xf32> to vector<32x1xf32>
    %swap3A_4097 = arith.constant 0 : index
    %swap3A_4098 = arith.constant 66 : index
    %swap3A_4099 = vector.load %arg11[%swap3A_4097, %swap3A_4098] : memref<32x100xf32, #tpu.memory_space<vmem>>, vector<32x1xf32>
    tpu.vector_store %arg11[%swap3A_4097, %swap3A_4098], %broadcast_in_dim3A_4096 {strides = array<i32>} : memref<32x100xf32, #tpu.memory_space<vmem>>, vector<32x1xf32>,
    %get3A_4100 = arith.constant 67 : index
    %get3A_4101 = memref.load %arg7[%get3A_4100] : memref<100xi32, #tpu.memory_space<smem>>
    %shift_right_arithmetic3A_4102 = arith.constant 7 : i32
    %shift_right_arithmetic3A_4103 = arith.shrsi %get3A_4101, %shift_right_arithmetic3A_4102 : i32
    %mul3A_4104 = arith.constant 128 : i32
    %mul3A_4105 = arith.muli %shift_right_arithmetic3A_4103, %mul3A_4104 : i32
    %min3A_4106 = arith.constant 99872 : i32
    %min3A_4107 = arith.minsi %mul3A_4105, %min3A_4106 : i32
    %get3A_4108 = arith.constant 67 : index
    %get3A_4109 = memref.load %arg7[%get3A_4108] : memref<100xi32, #tpu.memory_space<smem>>
    %sub3A_4110 = arith.subi %get3A_4109, %min3A_4107 : i32
    %eq3A_4111 = vector.broadcast %sub3A_4110 : i32 to vector<32x128xi32>
    %eq3A_4112 = arith.cmpi eq, %iota3A, %eq3A_4111 : vector<32x128xi32>
    %get3A_4113 = arith.constant 67 : index
    %get3A_4114 = arith.constant 0 : index
    %get3A_4115 = arith.constant 0 : index
    %get3A_4116 = vector.load %arg12[%get3A_4113, %get3A_4114, %get3A_4115] : memref<100x32x128xf32, #tpu.memory_space<vmem>>, vector<1x32x128xf32>
    %get3A_4117 = vector.shape_cast %get3A_4116 : vector<1x32x128xf32> to vector<32x128xf32>
    %jit3A_4118 = arith.constant 0.000000e+00 : f32
    %broadcast_in_dim3A_4119 = vector.broadcast %jit3A_4118 : f32 to vector<32x128xf32>
    %select_n3A_4120 = arith.select %eq3A_4112, %get3A_4117, %broadcast_in_dim3A_4119 : vector<32x128xi1>, vector<32x128xf32>
    %reduce_sum3A_4121 = arith.constant dense<0.000000e+00> : vector<32xf32>
    %reduce_sum3A_4122 = vector.multi_reduction <add>, %select_n3A_4120, %reduce_sum3A_4121 [1] : vector<32x128xf32> to vector<32xf32>
    %broadcast_in_dim3A_4123 = vector.shape_cast %reduce_sum3A_4122 : vector<32xf32> to vector<32x1xf32>
    %swap3A_4124 = arith.constant 0 : index
    %swap3A_4125 = arith.constant 67 : index
    %swap3A_4126 = vector.load %arg11[%swap3A_4124, %swap3A_4125] : memref<32x100xf32, #tpu.memory_space<vmem>>, vector<32x1xf32>
    tpu.vector_store %arg11[%swap3A_4124, %swap3A_4125], %broadcast_in_dim3A_4123 {strides = array<i32>} : memref<32x100xf32, #tpu.memory_space<vmem>>, vector<32x1xf32>,
    %get3A_4127 = arith.constant 68 : index
    %get3A_4128 = memref.load %arg7[%get3A_4127] : memref<100xi32, #tpu.memory_space<smem>>
    %shift_right_arithmetic3A_4129 = arith.constant 7 : i32
    %shift_right_arithmetic3A_4130 = arith.shrsi %get3A_4128, %shift_right_arithmetic3A_4129 : i32
    %mul3A_4131 = arith.constant 128 : i32
    %mul3A_4132 = arith.muli %shift_right_arithmetic3A_4130, %mul3A_4131 : i32
    %min3A_4133 = arith.constant 99872 : i32
    %min3A_4134 = arith.minsi %mul3A_4132, %min3A_4133 : i32
    %get3A_4135 = arith.constant 68 : index
    %get3A_4136 = memref.load %arg7[%get3A_4135] : memref<100xi32, #tpu.memory_space<smem>>
    %sub3A_4137 = arith.subi %get3A_4136, %min3A_4134 : i32
    %eq3A_4138 = vector.broadcast %sub3A_4137 : i32 to vector<32x128xi32>
    %eq3A_4139 = arith.cmpi eq, %iota3A, %eq3A_4138 : vector<32x128xi32>
    %get3A_4140 = arith.constant 68 : index
    %get3A_4141 = arith.constant 0 : index
    %get3A_4142 = arith.constant 0 : index
    %get3A_4143 = vector.load %arg12[%get3A_4140, %get3A_4141, %get3A_4142] : memref<100x32x128xf32, #tpu.memory_space<vmem>>, vector<1x32x128xf32>
    %get3A_4144 = vector.shape_cast %get3A_4143 : vector<1x32x128xf32> to vector<32x128xf32>
    %jit3A_4145 = arith.constant 0.000000e+00 : f32
    %broadcast_in_dim3A_4146 = vector.broadcast %jit3A_4145 : f32 to vector<32x128xf32>
    %select_n3A_4147 = arith.select %eq3A_4139, %get3A_4144, %broadcast_in_dim3A_4146 : vector<32x128xi1>, vector<32x128xf32>
    %reduce_sum3A_4148 = arith.constant dense<0.000000e+00> : vector<32xf32>
    %reduce_sum3A_4149 = vector.multi_reduction <add>, %select_n3A_4147, %reduce_sum3A_4148 [1] : vector<32x128xf32> to vector<32xf32>
    %broadcast_in_dim3A_4150 = vector.shape_cast %reduce_sum3A_4149 : vector<32xf32> to vector<32x1xf32>
    %swap3A_4151 = arith.constant 0 : index
    %swap3A_4152 = arith.constant 68 : index
    %swap3A_4153 = vector.load %arg11[%swap3A_4151, %swap3A_4152] : memref<32x100xf32, #tpu.memory_space<vmem>>, vector<32x1xf32>
    tpu.vector_store %arg11[%swap3A_4151, %swap3A_4152], %broadcast_in_dim3A_4150 {strides = array<i32>} : memref<32x100xf32, #tpu.memory_space<vmem>>, vector<32x1xf32>,
    %get3A_4154 = arith.constant 69 : index
    %get3A_4155 = memref.load %arg7[%get3A_4154] : memref<100xi32, #tpu.memory_space<smem>>
    %shift_right_arithmetic3A_4156 = arith.constant 7 : i32
    %shift_right_arithmetic3A_4157 = arith.shrsi %get3A_4155, %shift_right_arithmetic3A_4156 : i32
    %mul3A_4158 = arith.constant 128 : i32
    %mul3A_4159 = arith.muli %shift_right_arithmetic3A_4157, %mul3A_4158 : i32
    %min3A_4160 = arith.constant 99872 : i32
    %min3A_4161 = arith.minsi %mul3A_4159, %min3A_4160 : i32
    %get3A_4162 = arith.constant 69 : index
    %get3A_4163 = memref.load %arg7[%get3A_4162] : memref<100xi32, #tpu.memory_space<smem>>
    %sub3A_4164 = arith.subi %get3A_4163, %min3A_4161 : i32
    %eq3A_4165 = vector.broadcast %sub3A_4164 : i32 to vector<32x128xi32>
    %eq3A_4166 = arith.cmpi eq, %iota3A, %eq3A_4165 : vector<32x128xi32>
    %get3A_4167 = arith.constant 69 : index
    %get3A_4168 = arith.constant 0 : index
    %get3A_4169 = arith.constant 0 : index
    %get3A_4170 = vector.load %arg12[%get3A_4167, %get3A_4168, %get3A_4169] : memref<100x32x128xf32, #tpu.memory_space<vmem>>, vector<1x32x128xf32>
    %get3A_4171 = vector.shape_cast %get3A_4170 : vector<1x32x128xf32> to vector<32x128xf32>
    %jit3A_4172 = arith.constant 0.000000e+00 : f32
    %broadcast_in_dim3A_4173 = vector.broadcast %jit3A_4172 : f32 to vector<32x128xf32>
    %select_n3A_4174 = arith.select %eq3A_4166, %get3A_4171, %broadcast_in_dim3A_4173 : vector<32x128xi1>, vector<32x128xf32>
    %reduce_sum3A_4175 = arith.constant dense<0.000000e+00> : vector<32xf32>
    %reduce_sum3A_4176 = vector.multi_reduction <add>, %select_n3A_4174, %reduce_sum3A_4175 [1] : vector<32x128xf32> to vector<32xf32>
    %broadcast_in_dim3A_4177 = vector.shape_cast %reduce_sum3A_4176 : vector<32xf32> to vector<32x1xf32>
    %swap3A_4178 = arith.constant 0 : index
    %swap3A_4179 = arith.constant 69 : index
    %swap3A_4180 = vector.load %arg11[%swap3A_4178, %swap3A_4179] : memref<32x100xf32, #tpu.memory_space<vmem>>, vector<32x1xf32>
    tpu.vector_store %arg11[%swap3A_4178, %swap3A_4179], %broadcast_in_dim3A_4177 {strides = array<i32>} : memref<32x100xf32, #tpu.memory_space<vmem>>, vector<32x1xf32>,
    %get3A_4181 = arith.constant 70 : index
    %get3A_4182 = memref.load %arg7[%get3A_4181] : memref<100xi32, #tpu.memory_space<smem>>
    %shift_right_arithmetic3A_4183 = arith.constant 7 : i32
    %shift_right_arithmetic3A_4184 = arith.shrsi %get3A_4182, %shift_right_arithmetic3A_4183 : i32
    %mul3A_4185 = arith.constant 128 : i32
    %mul3A_4186 = arith.muli %shift_right_arithmetic3A_4184, %mul3A_4185 : i32
    %min3A_4187 = arith.constant 99872 : i32
    %min3A_4188 = arith.minsi %mul3A_4186, %min3A_4187 : i32
    %get3A_4189 = arith.constant 70 : index
    %get3A_4190 = memref.load %arg7[%get3A_4189] : memref<100xi32, #tpu.memory_space<smem>>
    %sub3A_4191 = arith.subi %get3A_4190, %min3A_4188 : i32
    %eq3A_4192 = vector.broadcast %sub3A_4191 : i32 to vector<32x128xi32>
    %eq3A_4193 = arith.cmpi eq, %iota3A, %eq3A_4192 : vector<32x128xi32>
    %get3A_4194 = arith.constant 70 : index
    %get3A_4195 = arith.constant 0 : index
    %get3A_4196 = arith.constant 0 : index
    %get3A_4197 = vector.load %arg12[%get3A_4194, %get3A_4195, %get3A_4196] : memref<100x32x128xf32, #tpu.memory_space<vmem>>, vector<1x32x128xf32>
    %get3A_4198 = vector.shape_cast %get3A_4197 : vector<1x32x128xf32> to vector<32x128xf32>
    %jit3A_4199 = arith.constant 0.000000e+00 : f32
    %broadcast_in_dim3A_4200 = vector.broadcast %jit3A_4199 : f32 to vector<32x128xf32>
    %select_n3A_4201 = arith.select %eq3A_4193, %get3A_4198, %broadcast_in_dim3A_4200 : vector<32x128xi1>, vector<32x128xf32>
    %reduce_sum3A_4202 = arith.constant dense<0.000000e+00> : vector<32xf32>
    %reduce_sum3A_4203 = vector.multi_reduction <add>, %select_n3A_4201, %reduce_sum3A_4202 [1] : vector<32x128xf32> to vector<32xf32>
    %broadcast_in_dim3A_4204 = vector.shape_cast %reduce_sum3A_4203 : vector<32xf32> to vector<32x1xf32>
    %swap3A_4205 = arith.constant 0 : index
    %swap3A_4206 = arith.constant 70 : index
    %swap3A_4207 = vector.load %arg11[%swap3A_4205, %swap3A_4206] : memref<32x100xf32, #tpu.memory_space<vmem>>, vector<32x1xf32>
    tpu.vector_store %arg11[%swap3A_4205, %swap3A_4206], %broadcast_in_dim3A_4204 {strides = array<i32>} : memref<32x100xf32, #tpu.memory_space<vmem>>, vector<32x1xf32>,
    %get3A_4208 = arith.constant 71 : index
    %get3A_4209 = memref.load %arg7[%get3A_4208] : memref<100xi32, #tpu.memory_space<smem>>
    %shift_right_arithmetic3A_4210 = arith.constant 7 : i32
    %shift_right_arithmetic3A_4211 = arith.shrsi %get3A_4209, %shift_right_arithmetic3A_4210 : i32
    %mul3A_4212 = arith.constant 128 : i32
    %mul3A_4213 = arith.muli %shift_right_arithmetic3A_4211, %mul3A_4212 : i32
    %min3A_4214 = arith.constant 99872 : i32
    %min3A_4215 = arith.minsi %mul3A_4213, %min3A_4214 : i32
    %get3A_4216 = arith.constant 71 : index
    %get3A_4217 = memref.load %arg7[%get3A_4216] : memref<100xi32, #tpu.memory_space<smem>>
    %sub3A_4218 = arith.subi %get3A_4217, %min3A_4215 : i32
    %eq3A_4219 = vector.broadcast %sub3A_4218 : i32 to vector<32x128xi32>
    %eq3A_4220 = arith.cmpi eq, %iota3A, %eq3A_4219 : vector<32x128xi32>
    %get3A_4221 = arith.constant 71 : index
    %get3A_4222 = arith.constant 0 : index
    %get3A_4223 = arith.constant 0 : index
    %get3A_4224 = vector.load %arg12[%get3A_4221, %get3A_4222, %get3A_4223] : memref<100x32x128xf32, #tpu.memory_space<vmem>>, vector<1x32x128xf32>
    %get3A_4225 = vector.shape_cast %get3A_4224 : vector<1x32x128xf32> to vector<32x128xf32>
    %jit3A_4226 = arith.constant 0.000000e+00 : f32
    %broadcast_in_dim3A_4227 = vector.broadcast %jit3A_4226 : f32 to vector<32x128xf32>
    %select_n3A_4228 = arith.select %eq3A_4220, %get3A_4225, %broadcast_in_dim3A_4227 : vector<32x128xi1>, vector<32x128xf32>
    %reduce_sum3A_4229 = arith.constant dense<0.000000e+00> : vector<32xf32>
    %reduce_sum3A_4230 = vector.multi_reduction <add>, %select_n3A_4228, %reduce_sum3A_4229 [1] : vector<32x128xf32> to vector<32xf32>
    %broadcast_in_dim3A_4231 = vector.shape_cast %reduce_sum3A_4230 : vector<32xf32> to vector<32x1xf32>
    %swap3A_4232 = arith.constant 0 : index
    %swap3A_4233 = arith.constant 71 : index
    %swap3A_4234 = vector.load %arg11[%swap3A_4232, %swap3A_4233] : memref<32x100xf32, #tpu.memory_space<vmem>>, vector<32x1xf32>
    tpu.vector_store %arg11[%swap3A_4232, %swap3A_4233], %broadcast_in_dim3A_4231 {strides = array<i32>} : memref<32x100xf32, #tpu.memory_space<vmem>>, vector<32x1xf32>,
    %get3A_4235 = arith.constant 72 : index
    %get3A_4236 = memref.load %arg7[%get3A_4235] : memref<100xi32, #tpu.memory_space<smem>>
    %shift_right_arithmetic3A_4237 = arith.constant 7 : i32
    %shift_right_arithmetic3A_4238 = arith.shrsi %get3A_4236, %shift_right_arithmetic3A_4237 : i32
    %mul3A_4239 = arith.constant 128 : i32
    %mul3A_4240 = arith.muli %shift_right_arithmetic3A_4238, %mul3A_4239 : i32
    %min3A_4241 = arith.constant 99872 : i32
    %min3A_4242 = arith.minsi %mul3A_4240, %min3A_4241 : i32
    %get3A_4243 = arith.constant 72 : index
    %get3A_4244 = memref.load %arg7[%get3A_4243] : memref<100xi32, #tpu.memory_space<smem>>
    %sub3A_4245 = arith.subi %get3A_4244, %min3A_4242 : i32
    %eq3A_4246 = vector.broadcast %sub3A_4245 : i32 to vector<32x128xi32>
    %eq3A_4247 = arith.cmpi eq, %iota3A, %eq3A_4246 : vector<32x128xi32>
    %get3A_4248 = arith.constant 72 : index
    %get3A_4249 = arith.constant 0 : index
    %get3A_4250 = arith.constant 0 : index
    %get3A_4251 = vector.load %arg12[%get3A_4248, %get3A_4249, %get3A_4250] : memref<100x32x128xf32, #tpu.memory_space<vmem>>, vector<1x32x128xf32>
    %get3A_4252 = vector.shape_cast %get3A_4251 : vector<1x32x128xf32> to vector<32x128xf32>
    %jit3A_4253 = arith.constant 0.000000e+00 : f32
    %broadcast_in_dim3A_4254 = vector.broadcast %jit3A_4253 : f32 to vector<32x128xf32>
    %select_n3A_4255 = arith.select %eq3A_4247, %get3A_4252, %broadcast_in_dim3A_4254 : vector<32x128xi1>, vector<32x128xf32>
    %reduce_sum3A_4256 = arith.constant dense<0.000000e+00> : vector<32xf32>
    %reduce_sum3A_4257 = vector.multi_reduction <add>, %select_n3A_4255, %reduce_sum3A_4256 [1] : vector<32x128xf32> to vector<32xf32>
    %broadcast_in_dim3A_4258 = vector.shape_cast %reduce_sum3A_4257 : vector<32xf32> to vector<32x1xf32>
    %swap3A_4259 = arith.constant 0 : index
    %swap3A_4260 = arith.constant 72 : index
    %swap3A_4261 = vector.load %arg11[%swap3A_4259, %swap3A_4260] : memref<32x100xf32, #tpu.memory_space<vmem>>, vector<32x1xf32>
    tpu.vector_store %arg11[%swap3A_4259, %swap3A_4260], %broadcast_in_dim3A_4258 {strides = array<i32>} : memref<32x100xf32, #tpu.memory_space<vmem>>, vector<32x1xf32>,
    %get3A_4262 = arith.constant 73 : index
    %get3A_4263 = memref.load %arg7[%get3A_4262] : memref<100xi32, #tpu.memory_space<smem>>
    %shift_right_arithmetic3A_4264 = arith.constant 7 : i32
    %shift_right_arithmetic3A_4265 = arith.shrsi %get3A_4263, %shift_right_arithmetic3A_4264 : i32
    %mul3A_4266 = arith.constant 128 : i32
    %mul3A_4267 = arith.muli %shift_right_arithmetic3A_4265, %mul3A_4266 : i32
    %min3A_4268 = arith.constant 99872 : i32
    %min3A_4269 = arith.minsi %mul3A_4267, %min3A_4268 : i32
    %get3A_4270 = arith.constant 73 : index
    %get3A_4271 = memref.load %arg7[%get3A_4270] : memref<100xi32, #tpu.memory_space<smem>>
    %sub3A_4272 = arith.subi %get3A_4271, %min3A_4269 : i32
    %eq3A_4273 = vector.broadcast %sub3A_4272 : i32 to vector<32x128xi32>
    %eq3A_4274 = arith.cmpi eq, %iota3A, %eq3A_4273 : vector<32x128xi32>
    %get3A_4275 = arith.constant 73 : index
    %get3A_4276 = arith.constant 0 : index
    %get3A_4277 = arith.constant 0 : index
    %get3A_4278 = vector.load %arg12[%get3A_4275, %get3A_4276, %get3A_4277] : memref<100x32x128xf32, #tpu.memory_space<vmem>>, vector<1x32x128xf32>
    %get3A_4279 = vector.shape_cast %get3A_4278 : vector<1x32x128xf32> to vector<32x128xf32>
    %jit3A_4280 = arith.constant 0.000000e+00 : f32
    %broadcast_in_dim3A_4281 = vector.broadcast %jit3A_4280 : f32 to vector<32x128xf32>
    %select_n3A_4282 = arith.select %eq3A_4274, %get3A_4279, %broadcast_in_dim3A_4281 : vector<32x128xi1>, vector<32x128xf32>
    %reduce_sum3A_4283 = arith.constant dense<0.000000e+00> : vector<32xf32>
    %reduce_sum3A_4284 = vector.multi_reduction <add>, %select_n3A_4282, %reduce_sum3A_4283 [1] : vector<32x128xf32> to vector<32xf32>
    %broadcast_in_dim3A_4285 = vector.shape_cast %reduce_sum3A_4284 : vector<32xf32> to vector<32x1xf32>
    %swap3A_4286 = arith.constant 0 : index
    %swap3A_4287 = arith.constant 73 : index
    %swap3A_4288 = vector.load %arg11[%swap3A_4286, %swap3A_4287] : memref<32x100xf32, #tpu.memory_space<vmem>>, vector<32x1xf32>
    tpu.vector_store %arg11[%swap3A_4286, %swap3A_4287], %broadcast_in_dim3A_4285 {strides = array<i32>} : memref<32x100xf32, #tpu.memory_space<vmem>>, vector<32x1xf32>,
    %get3A_4289 = arith.constant 74 : index
    %get3A_4290 = memref.load %arg7[%get3A_4289] : memref<100xi32, #tpu.memory_space<smem>>
    %shift_right_arithmetic3A_4291 = arith.constant 7 : i32
    %shift_right_arithmetic3A_4292 = arith.shrsi %get3A_4290, %shift_right_arithmetic3A_4291 : i32
    %mul3A_4293 = arith.constant 128 : i32
    %mul3A_4294 = arith.muli %shift_right_arithmetic3A_4292, %mul3A_4293 : i32
    %min3A_4295 = arith.constant 99872 : i32
    %min3A_4296 = arith.minsi %mul3A_4294, %min3A_4295 : i32
    %get3A_4297 = arith.constant 74 : index
    %get3A_4298 = memref.load %arg7[%get3A_4297] : memref<100xi32, #tpu.memory_space<smem>>
    %sub3A_4299 = arith.subi %get3A_4298, %min3A_4296 : i32
    %eq3A_4300 = vector.broadcast %sub3A_4299 : i32 to vector<32x128xi32>
    %eq3A_4301 = arith.cmpi eq, %iota3A, %eq3A_4300 : vector<32x128xi32>
    %get3A_4302 = arith.constant 74 : index
    %get3A_4303 = arith.constant 0 : index
    %get3A_4304 = arith.constant 0 : index
    %get3A_4305 = vector.load %arg12[%get3A_4302, %get3A_4303, %get3A_4304] : memref<100x32x128xf32, #tpu.memory_space<vmem>>, vector<1x32x128xf32>
    %get3A_4306 = vector.shape_cast %get3A_4305 : vector<1x32x128xf32> to vector<32x128xf32>
    %jit3A_4307 = arith.constant 0.000000e+00 : f32
    %broadcast_in_dim3A_4308 = vector.broadcast %jit3A_4307 : f32 to vector<32x128xf32>
    %select_n3A_4309 = arith.select %eq3A_4301, %get3A_4306, %broadcast_in_dim3A_4308 : vector<32x128xi1>, vector<32x128xf32>
    %reduce_sum3A_4310 = arith.constant dense<0.000000e+00> : vector<32xf32>
    %reduce_sum3A_4311 = vector.multi_reduction <add>, %select_n3A_4309, %reduce_sum3A_4310 [1] : vector<32x128xf32> to vector<32xf32>
    %broadcast_in_dim3A_4312 = vector.shape_cast %reduce_sum3A_4311 : vector<32xf32> to vector<32x1xf32>
    %swap3A_4313 = arith.constant 0 : index
    %swap3A_4314 = arith.constant 74 : index
    %swap3A_4315 = vector.load %arg11[%swap3A_4313, %swap3A_4314] : memref<32x100xf32, #tpu.memory_space<vmem>>, vector<32x1xf32>
    tpu.vector_store %arg11[%swap3A_4313, %swap3A_4314], %broadcast_in_dim3A_4312 {strides = array<i32>} : memref<32x100xf32, #tpu.memory_space<vmem>>, vector<32x1xf32>,
    %get3A_4316 = arith.constant 75 : index
    %get3A_4317 = memref.load %arg7[%get3A_4316] : memref<100xi32, #tpu.memory_space<smem>>
    %shift_right_arithmetic3A_4318 = arith.constant 7 : i32
    %shift_right_arithmetic3A_4319 = arith.shrsi %get3A_4317, %shift_right_arithmetic3A_4318 : i32
    %mul3A_4320 = arith.constant 128 : i32
    %mul3A_4321 = arith.muli %shift_right_arithmetic3A_4319, %mul3A_4320 : i32
    %min3A_4322 = arith.constant 99872 : i32
    %min3A_4323 = arith.minsi %mul3A_4321, %min3A_4322 : i32
    %get3A_4324 = arith.constant 75 : index
    %get3A_4325 = memref.load %arg7[%get3A_4324] : memref<100xi32, #tpu.memory_space<smem>>
    %sub3A_4326 = arith.subi %get3A_4325, %min3A_4323 : i32
    %eq3A_4327 = vector.broadcast %sub3A_4326 : i32 to vector<32x128xi32>
    %eq3A_4328 = arith.cmpi eq, %iota3A, %eq3A_4327 : vector<32x128xi32>
    %get3A_4329 = arith.constant 75 : index
    %get3A_4330 = arith.constant 0 : index
    %get3A_4331 = arith.constant 0 : index
    %get3A_4332 = vector.load %arg12[%get3A_4329, %get3A_4330, %get3A_4331] : memref<100x32x128xf32, #tpu.memory_space<vmem>>, vector<1x32x128xf32>
    %get3A_4333 = vector.shape_cast %get3A_4332 : vector<1x32x128xf32> to vector<32x128xf32>
    %jit3A_4334 = arith.constant 0.000000e+00 : f32
    %broadcast_in_dim3A_4335 = vector.broadcast %jit3A_4334 : f32 to vector<32x128xf32>
    %select_n3A_4336 = arith.select %eq3A_4328, %get3A_4333, %broadcast_in_dim3A_4335 : vector<32x128xi1>, vector<32x128xf32>
    %reduce_sum3A_4337 = arith.constant dense<0.000000e+00> : vector<32xf32>
    %reduce_sum3A_4338 = vector.multi_reduction <add>, %select_n3A_4336, %reduce_sum3A_4337 [1] : vector<32x128xf32> to vector<32xf32>
    %broadcast_in_dim3A_4339 = vector.shape_cast %reduce_sum3A_4338 : vector<32xf32> to vector<32x1xf32>
    %swap3A_4340 = arith.constant 0 : index
    %swap3A_4341 = arith.constant 75 : index
    %swap3A_4342 = vector.load %arg11[%swap3A_4340, %swap3A_4341] : memref<32x100xf32, #tpu.memory_space<vmem>>, vector<32x1xf32>
    tpu.vector_store %arg11[%swap3A_4340, %swap3A_4341], %broadcast_in_dim3A_4339 {strides = array<i32>} : memref<32x100xf32, #tpu.memory_space<vmem>>, vector<32x1xf32>,
    %get3A_4343 = arith.constant 76 : index
    %get3A_4344 = memref.load %arg7[%get3A_4343] : memref<100xi32, #tpu.memory_space<smem>>
    %shift_right_arithmetic3A_4345 = arith.constant 7 : i32
    %shift_right_arithmetic3A_4346 = arith.shrsi %get3A_4344, %shift_right_arithmetic3A_4345 : i32
    %mul3A_4347 = arith.constant 128 : i32
    %mul3A_4348 = arith.muli %shift_right_arithmetic3A_4346, %mul3A_4347 : i32
    %min3A_4349 = arith.constant 99872 : i32
    %min3A_4350 = arith.minsi %mul3A_4348, %min3A_4349 : i32
    %get3A_4351 = arith.constant 76 : index
    %get3A_4352 = memref.load %arg7[%get3A_4351] : memref<100xi32, #tpu.memory_space<smem>>
    %sub3A_4353 = arith.subi %get3A_4352, %min3A_4350 : i32
    %eq3A_4354 = vector.broadcast %sub3A_4353 : i32 to vector<32x128xi32>
    %eq3A_4355 = arith.cmpi eq, %iota3A, %eq3A_4354 : vector<32x128xi32>
    %get3A_4356 = arith.constant 76 : index
    %get3A_4357 = arith.constant 0 : index
    %get3A_4358 = arith.constant 0 : index
    %get3A_4359 = vector.load %arg12[%get3A_4356, %get3A_4357, %get3A_4358] : memref<100x32x128xf32, #tpu.memory_space<vmem>>, vector<1x32x128xf32>
    %get3A_4360 = vector.shape_cast %get3A_4359 : vector<1x32x128xf32> to vector<32x128xf32>
    %jit3A_4361 = arith.constant 0.000000e+00 : f32
    %broadcast_in_dim3A_4362 = vector.broadcast %jit3A_4361 : f32 to vector<32x128xf32>
    %select_n3A_4363 = arith.select %eq3A_4355, %get3A_4360, %broadcast_in_dim3A_4362 : vector<32x128xi1>, vector<32x128xf32>
    %reduce_sum3A_4364 = arith.constant dense<0.000000e+00> : vector<32xf32>
    %reduce_sum3A_4365 = vector.multi_reduction <add>, %select_n3A_4363, %reduce_sum3A_4364 [1] : vector<32x128xf32> to vector<32xf32>
    %broadcast_in_dim3A_4366 = vector.shape_cast %reduce_sum3A_4365 : vector<32xf32> to vector<32x1xf32>
    %swap3A_4367 = arith.constant 0 : index
    %swap3A_4368 = arith.constant 76 : index
    %swap3A_4369 = vector.load %arg11[%swap3A_4367, %swap3A_4368] : memref<32x100xf32, #tpu.memory_space<vmem>>, vector<32x1xf32>
    tpu.vector_store %arg11[%swap3A_4367, %swap3A_4368], %broadcast_in_dim3A_4366 {strides = array<i32>} : memref<32x100xf32, #tpu.memory_space<vmem>>, vector<32x1xf32>,
    %get3A_4370 = arith.constant 77 : index
    %get3A_4371 = memref.load %arg7[%get3A_4370] : memref<100xi32, #tpu.memory_space<smem>>
    %shift_right_arithmetic3A_4372 = arith.constant 7 : i32
    %shift_right_arithmetic3A_4373 = arith.shrsi %get3A_4371, %shift_right_arithmetic3A_4372 : i32
    %mul3A_4374 = arith.constant 128 : i32
    %mul3A_4375 = arith.muli %shift_right_arithmetic3A_4373, %mul3A_4374 : i32
    %min3A_4376 = arith.constant 99872 : i32
    %min3A_4377 = arith.minsi %mul3A_4375, %min3A_4376 : i32
    %get3A_4378 = arith.constant 77 : index
    %get3A_4379 = memref.load %arg7[%get3A_4378] : memref<100xi32, #tpu.memory_space<smem>>
    %sub3A_4380 = arith.subi %get3A_4379, %min3A_4377 : i32
    %eq3A_4381 = vector.broadcast %sub3A_4380 : i32 to vector<32x128xi32>
    %eq3A_4382 = arith.cmpi eq, %iota3A, %eq3A_4381 : vector<32x128xi32>
    %get3A_4383 = arith.constant 77 : index
    %get3A_4384 = arith.constant 0 : index
    %get3A_4385 = arith.constant 0 : index
    %get3A_4386 = vector.load %arg12[%get3A_4383, %get3A_4384, %get3A_4385] : memref<100x32x128xf32, #tpu.memory_space<vmem>>, vector<1x32x128xf32>
    %get3A_4387 = vector.shape_cast %get3A_4386 : vector<1x32x128xf32> to vector<32x128xf32>
    %jit3A_4388 = arith.constant 0.000000e+00 : f32
    %broadcast_in_dim3A_4389 = vector.broadcast %jit3A_4388 : f32 to vector<32x128xf32>
    %select_n3A_4390 = arith.select %eq3A_4382, %get3A_4387, %broadcast_in_dim3A_4389 : vector<32x128xi1>, vector<32x128xf32>
    %reduce_sum3A_4391 = arith.constant dense<0.000000e+00> : vector<32xf32>
    %reduce_sum3A_4392 = vector.multi_reduction <add>, %select_n3A_4390, %reduce_sum3A_4391 [1] : vector<32x128xf32> to vector<32xf32>
    %broadcast_in_dim3A_4393 = vector.shape_cast %reduce_sum3A_4392 : vector<32xf32> to vector<32x1xf32>
    %swap3A_4394 = arith.constant 0 : index
    %swap3A_4395 = arith.constant 77 : index
    %swap3A_4396 = vector.load %arg11[%swap3A_4394, %swap3A_4395] : memref<32x100xf32, #tpu.memory_space<vmem>>, vector<32x1xf32>
    tpu.vector_store %arg11[%swap3A_4394, %swap3A_4395], %broadcast_in_dim3A_4393 {strides = array<i32>} : memref<32x100xf32, #tpu.memory_space<vmem>>, vector<32x1xf32>,
    %get3A_4397 = arith.constant 78 : index
    %get3A_4398 = memref.load %arg7[%get3A_4397] : memref<100xi32, #tpu.memory_space<smem>>
    %shift_right_arithmetic3A_4399 = arith.constant 7 : i32
    %shift_right_arithmetic3A_4400 = arith.shrsi %get3A_4398, %shift_right_arithmetic3A_4399 : i32
    %mul3A_4401 = arith.constant 128 : i32
    %mul3A_4402 = arith.muli %shift_right_arithmetic3A_4400, %mul3A_4401 : i32
    %min3A_4403 = arith.constant 99872 : i32
    %min3A_4404 = arith.minsi %mul3A_4402, %min3A_4403 : i32
    %get3A_4405 = arith.constant 78 : index
    %get3A_4406 = memref.load %arg7[%get3A_4405] : memref<100xi32, #tpu.memory_space<smem>>
    %sub3A_4407 = arith.subi %get3A_4406, %min3A_4404 : i32
    %eq3A_4408 = vector.broadcast %sub3A_4407 : i32 to vector<32x128xi32>
    %eq3A_4409 = arith.cmpi eq, %iota3A, %eq3A_4408 : vector<32x128xi32>
    %get3A_4410 = arith.constant 78 : index
    %get3A_4411 = arith.constant 0 : index
    %get3A_4412 = arith.constant 0 : index
    %get3A_4413 = vector.load %arg12[%get3A_4410, %get3A_4411, %get3A_4412] : memref<100x32x128xf32, #tpu.memory_space<vmem>>, vector<1x32x128xf32>
    %get3A_4414 = vector.shape_cast %get3A_4413 : vector<1x32x128xf32> to vector<32x128xf32>
    %jit3A_4415 = arith.constant 0.000000e+00 : f32
    %broadcast_in_dim3A_4416 = vector.broadcast %jit3A_4415 : f32 to vector<32x128xf32>
    %select_n3A_4417 = arith.select %eq3A_4409, %get3A_4414, %broadcast_in_dim3A_4416 : vector<32x128xi1>, vector<32x128xf32>
    %reduce_sum3A_4418 = arith.constant dense<0.000000e+00> : vector<32xf32>
    %reduce_sum3A_4419 = vector.multi_reduction <add>, %select_n3A_4417, %reduce_sum3A_4418 [1] : vector<32x128xf32> to vector<32xf32>
    %broadcast_in_dim3A_4420 = vector.shape_cast %reduce_sum3A_4419 : vector<32xf32> to vector<32x1xf32>
    %swap3A_4421 = arith.constant 0 : index
    %swap3A_4422 = arith.constant 78 : index
    %swap3A_4423 = vector.load %arg11[%swap3A_4421, %swap3A_4422] : memref<32x100xf32, #tpu.memory_space<vmem>>, vector<32x1xf32>
    tpu.vector_store %arg11[%swap3A_4421, %swap3A_4422], %broadcast_in_dim3A_4420 {strides = array<i32>} : memref<32x100xf32, #tpu.memory_space<vmem>>, vector<32x1xf32>,
    %get3A_4424 = arith.constant 79 : index
    %get3A_4425 = memref.load %arg7[%get3A_4424] : memref<100xi32, #tpu.memory_space<smem>>
    %shift_right_arithmetic3A_4426 = arith.constant 7 : i32
    %shift_right_arithmetic3A_4427 = arith.shrsi %get3A_4425, %shift_right_arithmetic3A_4426 : i32
    %mul3A_4428 = arith.constant 128 : i32
    %mul3A_4429 = arith.muli %shift_right_arithmetic3A_4427, %mul3A_4428 : i32
    %min3A_4430 = arith.constant 99872 : i32
    %min3A_4431 = arith.minsi %mul3A_4429, %min3A_4430 : i32
    %get3A_4432 = arith.constant 79 : index
    %get3A_4433 = memref.load %arg7[%get3A_4432] : memref<100xi32, #tpu.memory_space<smem>>
    %sub3A_4434 = arith.subi %get3A_4433, %min3A_4431 : i32
    %eq3A_4435 = vector.broadcast %sub3A_4434 : i32 to vector<32x128xi32>
    %eq3A_4436 = arith.cmpi eq, %iota3A, %eq3A_4435 : vector<32x128xi32>
    %get3A_4437 = arith.constant 79 : index
    %get3A_4438 = arith.constant 0 : index
    %get3A_4439 = arith.constant 0 : index
    %get3A_4440 = vector.load %arg12[%get3A_4437, %get3A_4438, %get3A_4439] : memref<100x32x128xf32, #tpu.memory_space<vmem>>, vector<1x32x128xf32>
    %get3A_4441 = vector.shape_cast %get3A_4440 : vector<1x32x128xf32> to vector<32x128xf32>
    %jit3A_4442 = arith.constant 0.000000e+00 : f32
    %broadcast_in_dim3A_4443 = vector.broadcast %jit3A_4442 : f32 to vector<32x128xf32>
    %select_n3A_4444 = arith.select %eq3A_4436, %get3A_4441, %broadcast_in_dim3A_4443 : vector<32x128xi1>, vector<32x128xf32>
    %reduce_sum3A_4445 = arith.constant dense<0.000000e+00> : vector<32xf32>
    %reduce_sum3A_4446 = vector.multi_reduction <add>, %select_n3A_4444, %reduce_sum3A_4445 [1] : vector<32x128xf32> to vector<32xf32>
    %broadcast_in_dim3A_4447 = vector.shape_cast %reduce_sum3A_4446 : vector<32xf32> to vector<32x1xf32>
    %swap3A_4448 = arith.constant 0 : index
    %swap3A_4449 = arith.constant 79 : index
    %swap3A_4450 = vector.load %arg11[%swap3A_4448, %swap3A_4449] : memref<32x100xf32, #tpu.memory_space<vmem>>, vector<32x1xf32>
    tpu.vector_store %arg11[%swap3A_4448, %swap3A_4449], %broadcast_in_dim3A_4447 {strides = array<i32>} : memref<32x100xf32, #tpu.memory_space<vmem>>, vector<32x1xf32>,
    %get3A_4451 = arith.constant 80 : index
    %get3A_4452 = memref.load %arg7[%get3A_4451] : memref<100xi32, #tpu.memory_space<smem>>
    %shift_right_arithmetic3A_4453 = arith.constant 7 : i32
    %shift_right_arithmetic3A_4454 = arith.shrsi %get3A_4452, %shift_right_arithmetic3A_4453 : i32
    %mul3A_4455 = arith.constant 128 : i32
    %mul3A_4456 = arith.muli %shift_right_arithmetic3A_4454, %mul3A_4455 : i32
    %min3A_4457 = arith.constant 99872 : i32
    %min3A_4458 = arith.minsi %mul3A_4456, %min3A_4457 : i32
    %get3A_4459 = arith.constant 80 : index
    %get3A_4460 = memref.load %arg7[%get3A_4459] : memref<100xi32, #tpu.memory_space<smem>>
    %sub3A_4461 = arith.subi %get3A_4460, %min3A_4458 : i32
    %eq3A_4462 = vector.broadcast %sub3A_4461 : i32 to vector<32x128xi32>
    %eq3A_4463 = arith.cmpi eq, %iota3A, %eq3A_4462 : vector<32x128xi32>
    %get3A_4464 = arith.constant 80 : index
    %get3A_4465 = arith.constant 0 : index
    %get3A_4466 = arith.constant 0 : index
    %get3A_4467 = vector.load %arg12[%get3A_4464, %get3A_4465, %get3A_4466] : memref<100x32x128xf32, #tpu.memory_space<vmem>>, vector<1x32x128xf32>
    %get3A_4468 = vector.shape_cast %get3A_4467 : vector<1x32x128xf32> to vector<32x128xf32>
    %jit3A_4469 = arith.constant 0.000000e+00 : f32
    %broadcast_in_dim3A_4470 = vector.broadcast %jit3A_4469 : f32 to vector<32x128xf32>
    %select_n3A_4471 = arith.select %eq3A_4463, %get3A_4468, %broadcast_in_dim3A_4470 : vector<32x128xi1>, vector<32x128xf32>
    %reduce_sum3A_4472 = arith.constant dense<0.000000e+00> : vector<32xf32>
    %reduce_sum3A_4473 = vector.multi_reduction <add>, %select_n3A_4471, %reduce_sum3A_4472 [1] : vector<32x128xf32> to vector<32xf32>
    %broadcast_in_dim3A_4474 = vector.shape_cast %reduce_sum3A_4473 : vector<32xf32> to vector<32x1xf32>
    %swap3A_4475 = arith.constant 0 : index
    %swap3A_4476 = arith.constant 80 : index
    %swap3A_4477 = vector.load %arg11[%swap3A_4475, %swap3A_4476] : memref<32x100xf32, #tpu.memory_space<vmem>>, vector<32x1xf32>
    tpu.vector_store %arg11[%swap3A_4475, %swap3A_4476], %broadcast_in_dim3A_4474 {strides = array<i32>} : memref<32x100xf32, #tpu.memory_space<vmem>>, vector<32x1xf32>,
    %get3A_4478 = arith.constant 81 : index
    %get3A_4479 = memref.load %arg7[%get3A_4478] : memref<100xi32, #tpu.memory_space<smem>>
    %shift_right_arithmetic3A_4480 = arith.constant 7 : i32
    %shift_right_arithmetic3A_4481 = arith.shrsi %get3A_4479, %shift_right_arithmetic3A_4480 : i32
    %mul3A_4482 = arith.constant 128 : i32
    %mul3A_4483 = arith.muli %shift_right_arithmetic3A_4481, %mul3A_4482 : i32
    %min3A_4484 = arith.constant 99872 : i32
    %min3A_4485 = arith.minsi %mul3A_4483, %min3A_4484 : i32
    %get3A_4486 = arith.constant 81 : index
    %get3A_4487 = memref.load %arg7[%get3A_4486] : memref<100xi32, #tpu.memory_space<smem>>
    %sub3A_4488 = arith.subi %get3A_4487, %min3A_4485 : i32
    %eq3A_4489 = vector.broadcast %sub3A_4488 : i32 to vector<32x128xi32>
    %eq3A_4490 = arith.cmpi eq, %iota3A, %eq3A_4489 : vector<32x128xi32>
    %get3A_4491 = arith.constant 81 : index
    %get3A_4492 = arith.constant 0 : index
    %get3A_4493 = arith.constant 0 : index
    %get3A_4494 = vector.load %arg12[%get3A_4491, %get3A_4492, %get3A_4493] : memref<100x32x128xf32, #tpu.memory_space<vmem>>, vector<1x32x128xf32>
    %get3A_4495 = vector.shape_cast %get3A_4494 : vector<1x32x128xf32> to vector<32x128xf32>
    %jit3A_4496 = arith.constant 0.000000e+00 : f32
    %broadcast_in_dim3A_4497 = vector.broadcast %jit3A_4496 : f32 to vector<32x128xf32>
    %select_n3A_4498 = arith.select %eq3A_4490, %get3A_4495, %broadcast_in_dim3A_4497 : vector<32x128xi1>, vector<32x128xf32>
    %reduce_sum3A_4499 = arith.constant dense<0.000000e+00> : vector<32xf32>
    %reduce_sum3A_4500 = vector.multi_reduction <add>, %select_n3A_4498, %reduce_sum3A_4499 [1] : vector<32x128xf32> to vector<32xf32>
    %broadcast_in_dim3A_4501 = vector.shape_cast %reduce_sum3A_4500 : vector<32xf32> to vector<32x1xf32>
    %swap3A_4502 = arith.constant 0 : index
    %swap3A_4503 = arith.constant 81 : index
    %swap3A_4504 = vector.load %arg11[%swap3A_4502, %swap3A_4503] : memref<32x100xf32, #tpu.memory_space<vmem>>, vector<32x1xf32>
    tpu.vector_store %arg11[%swap3A_4502, %swap3A_4503], %broadcast_in_dim3A_4501 {strides = array<i32>} : memref<32x100xf32, #tpu.memory_space<vmem>>, vector<32x1xf32>,
    %get3A_4505 = arith.constant 82 : index
    %get3A_4506 = memref.load %arg7[%get3A_4505] : memref<100xi32, #tpu.memory_space<smem>>
    %shift_right_arithmetic3A_4507 = arith.constant 7 : i32
    %shift_right_arithmetic3A_4508 = arith.shrsi %get3A_4506, %shift_right_arithmetic3A_4507 : i32
    %mul3A_4509 = arith.constant 128 : i32
    %mul3A_4510 = arith.muli %shift_right_arithmetic3A_4508, %mul3A_4509 : i32
    %min3A_4511 = arith.constant 99872 : i32
    %min3A_4512 = arith.minsi %mul3A_4510, %min3A_4511 : i32
    %get3A_4513 = arith.constant 82 : index
    %get3A_4514 = memref.load %arg7[%get3A_4513] : memref<100xi32, #tpu.memory_space<smem>>
    %sub3A_4515 = arith.subi %get3A_4514, %min3A_4512 : i32
    %eq3A_4516 = vector.broadcast %sub3A_4515 : i32 to vector<32x128xi32>
    %eq3A_4517 = arith.cmpi eq, %iota3A, %eq3A_4516 : vector<32x128xi32>
    %get3A_4518 = arith.constant 82 : index
    %get3A_4519 = arith.constant 0 : index
    %get3A_4520 = arith.constant 0 : index
    %get3A_4521 = vector.load %arg12[%get3A_4518, %get3A_4519, %get3A_4520] : memref<100x32x128xf32, #tpu.memory_space<vmem>>, vector<1x32x128xf32>
    %get3A_4522 = vector.shape_cast %get3A_4521 : vector<1x32x128xf32> to vector<32x128xf32>
    %jit3A_4523 = arith.constant 0.000000e+00 : f32
    %broadcast_in_dim3A_4524 = vector.broadcast %jit3A_4523 : f32 to vector<32x128xf32>
    %select_n3A_4525 = arith.select %eq3A_4517, %get3A_4522, %broadcast_in_dim3A_4524 : vector<32x128xi1>, vector<32x128xf32>
    %reduce_sum3A_4526 = arith.constant dense<0.000000e+00> : vector<32xf32>
    %reduce_sum3A_4527 = vector.multi_reduction <add>, %select_n3A_4525, %reduce_sum3A_4526 [1] : vector<32x128xf32> to vector<32xf32>
    %broadcast_in_dim3A_4528 = vector.shape_cast %reduce_sum3A_4527 : vector<32xf32> to vector<32x1xf32>
    %swap3A_4529 = arith.constant 0 : index
    %swap3A_4530 = arith.constant 82 : index
    %swap3A_4531 = vector.load %arg11[%swap3A_4529, %swap3A_4530] : memref<32x100xf32, #tpu.memory_space<vmem>>, vector<32x1xf32>
    tpu.vector_store %arg11[%swap3A_4529, %swap3A_4530], %broadcast_in_dim3A_4528 {strides = array<i32>} : memref<32x100xf32, #tpu.memory_space<vmem>>, vector<32x1xf32>,
    %get3A_4532 = arith.constant 83 : index
    %get3A_4533 = memref.load %arg7[%get3A_4532] : memref<100xi32, #tpu.memory_space<smem>>
    %shift_right_arithmetic3A_4534 = arith.constant 7 : i32
    %shift_right_arithmetic3A_4535 = arith.shrsi %get3A_4533, %shift_right_arithmetic3A_4534 : i32
    %mul3A_4536 = arith.constant 128 : i32
    %mul3A_4537 = arith.muli %shift_right_arithmetic3A_4535, %mul3A_4536 : i32
    %min3A_4538 = arith.constant 99872 : i32
    %min3A_4539 = arith.minsi %mul3A_4537, %min3A_4538 : i32
    %get3A_4540 = arith.constant 83 : index
    %get3A_4541 = memref.load %arg7[%get3A_4540] : memref<100xi32, #tpu.memory_space<smem>>
    %sub3A_4542 = arith.subi %get3A_4541, %min3A_4539 : i32
    %eq3A_4543 = vector.broadcast %sub3A_4542 : i32 to vector<32x128xi32>
    %eq3A_4544 = arith.cmpi eq, %iota3A, %eq3A_4543 : vector<32x128xi32>
    %get3A_4545 = arith.constant 83 : index
    %get3A_4546 = arith.constant 0 : index
    %get3A_4547 = arith.constant 0 : index
    %get3A_4548 = vector.load %arg12[%get3A_4545, %get3A_4546, %get3A_4547] : memref<100x32x128xf32, #tpu.memory_space<vmem>>, vector<1x32x128xf32>
    %get3A_4549 = vector.shape_cast %get3A_4548 : vector<1x32x128xf32> to vector<32x128xf32>
    %jit3A_4550 = arith.constant 0.000000e+00 : f32
    %broadcast_in_dim3A_4551 = vector.broadcast %jit3A_4550 : f32 to vector<32x128xf32>
    %select_n3A_4552 = arith.select %eq3A_4544, %get3A_4549, %broadcast_in_dim3A_4551 : vector<32x128xi1>, vector<32x128xf32>
    %reduce_sum3A_4553 = arith.constant dense<0.000000e+00> : vector<32xf32>
    %reduce_sum3A_4554 = vector.multi_reduction <add>, %select_n3A_4552, %reduce_sum3A_4553 [1] : vector<32x128xf32> to vector<32xf32>
    %broadcast_in_dim3A_4555 = vector.shape_cast %reduce_sum3A_4554 : vector<32xf32> to vector<32x1xf32>
    %swap3A_4556 = arith.constant 0 : index
    %swap3A_4557 = arith.constant 83 : index
    %swap3A_4558 = vector.load %arg11[%swap3A_4556, %swap3A_4557] : memref<32x100xf32, #tpu.memory_space<vmem>>, vector<32x1xf32>
    tpu.vector_store %arg11[%swap3A_4556, %swap3A_4557], %broadcast_in_dim3A_4555 {strides = array<i32>} : memref<32x100xf32, #tpu.memory_space<vmem>>, vector<32x1xf32>,
    %get3A_4559 = arith.constant 84 : index
    %get3A_4560 = memref.load %arg7[%get3A_4559] : memref<100xi32, #tpu.memory_space<smem>>
    %shift_right_arithmetic3A_4561 = arith.constant 7 : i32
    %shift_right_arithmetic3A_4562 = arith.shrsi %get3A_4560, %shift_right_arithmetic3A_4561 : i32
    %mul3A_4563 = arith.constant 128 : i32
    %mul3A_4564 = arith.muli %shift_right_arithmetic3A_4562, %mul3A_4563 : i32
    %min3A_4565 = arith.constant 99872 : i32
    %min3A_4566 = arith.minsi %mul3A_4564, %min3A_4565 : i32
    %get3A_4567 = arith.constant 84 : index
    %get3A_4568 = memref.load %arg7[%get3A_4567] : memref<100xi32, #tpu.memory_space<smem>>
    %sub3A_4569 = arith.subi %get3A_4568, %min3A_4566 : i32
    %eq3A_4570 = vector.broadcast %sub3A_4569 : i32 to vector<32x128xi32>
    %eq3A_4571 = arith.cmpi eq, %iota3A, %eq3A_4570 : vector<32x128xi32>
    %get3A_4572 = arith.constant 84 : index
    %get3A_4573 = arith.constant 0 : index
    %get3A_4574 = arith.constant 0 : index
    %get3A_4575 = vector.load %arg12[%get3A_4572, %get3A_4573, %get3A_4574] : memref<100x32x128xf32, #tpu.memory_space<vmem>>, vector<1x32x128xf32>
    %get3A_4576 = vector.shape_cast %get3A_4575 : vector<1x32x128xf32> to vector<32x128xf32>
    %jit3A_4577 = arith.constant 0.000000e+00 : f32
    %broadcast_in_dim3A_4578 = vector.broadcast %jit3A_4577 : f32 to vector<32x128xf32>
    %select_n3A_4579 = arith.select %eq3A_4571, %get3A_4576, %broadcast_in_dim3A_4578 : vector<32x128xi1>, vector<32x128xf32>
    %reduce_sum3A_4580 = arith.constant dense<0.000000e+00> : vector<32xf32>
    %reduce_sum3A_4581 = vector.multi_reduction <add>, %select_n3A_4579, %reduce_sum3A_4580 [1] : vector<32x128xf32> to vector<32xf32>
    %broadcast_in_dim3A_4582 = vector.shape_cast %reduce_sum3A_4581 : vector<32xf32> to vector<32x1xf32>
    %swap3A_4583 = arith.constant 0 : index
    %swap3A_4584 = arith.constant 84 : index
    %swap3A_4585 = vector.load %arg11[%swap3A_4583, %swap3A_4584] : memref<32x100xf32, #tpu.memory_space<vmem>>, vector<32x1xf32>
    tpu.vector_store %arg11[%swap3A_4583, %swap3A_4584], %broadcast_in_dim3A_4582 {strides = array<i32>} : memref<32x100xf32, #tpu.memory_space<vmem>>, vector<32x1xf32>,
    %get3A_4586 = arith.constant 85 : index
    %get3A_4587 = memref.load %arg7[%get3A_4586] : memref<100xi32, #tpu.memory_space<smem>>
    %shift_right_arithmetic3A_4588 = arith.constant 7 : i32
    %shift_right_arithmetic3A_4589 = arith.shrsi %get3A_4587, %shift_right_arithmetic3A_4588 : i32
    %mul3A_4590 = arith.constant 128 : i32
    %mul3A_4591 = arith.muli %shift_right_arithmetic3A_4589, %mul3A_4590 : i32
    %min3A_4592 = arith.constant 99872 : i32
    %min3A_4593 = arith.minsi %mul3A_4591, %min3A_4592 : i32
    %get3A_4594 = arith.constant 85 : index
    %get3A_4595 = memref.load %arg7[%get3A_4594] : memref<100xi32, #tpu.memory_space<smem>>
    %sub3A_4596 = arith.subi %get3A_4595, %min3A_4593 : i32
    %eq3A_4597 = vector.broadcast %sub3A_4596 : i32 to vector<32x128xi32>
    %eq3A_4598 = arith.cmpi eq, %iota3A, %eq3A_4597 : vector<32x128xi32>
    %get3A_4599 = arith.constant 85 : index
    %get3A_4600 = arith.constant 0 : index
    %get3A_4601 = arith.constant 0 : index
    %get3A_4602 = vector.load %arg12[%get3A_4599, %get3A_4600, %get3A_4601] : memref<100x32x128xf32, #tpu.memory_space<vmem>>, vector<1x32x128xf32>
    %get3A_4603 = vector.shape_cast %get3A_4602 : vector<1x32x128xf32> to vector<32x128xf32>
    %jit3A_4604 = arith.constant 0.000000e+00 : f32
    %broadcast_in_dim3A_4605 = vector.broadcast %jit3A_4604 : f32 to vector<32x128xf32>
    %select_n3A_4606 = arith.select %eq3A_4598, %get3A_4603, %broadcast_in_dim3A_4605 : vector<32x128xi1>, vector<32x128xf32>
    %reduce_sum3A_4607 = arith.constant dense<0.000000e+00> : vector<32xf32>
    %reduce_sum3A_4608 = vector.multi_reduction <add>, %select_n3A_4606, %reduce_sum3A_4607 [1] : vector<32x128xf32> to vector<32xf32>
    %broadcast_in_dim3A_4609 = vector.shape_cast %reduce_sum3A_4608 : vector<32xf32> to vector<32x1xf32>
    %swap3A_4610 = arith.constant 0 : index
    %swap3A_4611 = arith.constant 85 : index
    %swap3A_4612 = vector.load %arg11[%swap3A_4610, %swap3A_4611] : memref<32x100xf32, #tpu.memory_space<vmem>>, vector<32x1xf32>
    tpu.vector_store %arg11[%swap3A_4610, %swap3A_4611], %broadcast_in_dim3A_4609 {strides = array<i32>} : memref<32x100xf32, #tpu.memory_space<vmem>>, vector<32x1xf32>,
    %get3A_4613 = arith.constant 86 : index
    %get3A_4614 = memref.load %arg7[%get3A_4613] : memref<100xi32, #tpu.memory_space<smem>>
    %shift_right_arithmetic3A_4615 = arith.constant 7 : i32
    %shift_right_arithmetic3A_4616 = arith.shrsi %get3A_4614, %shift_right_arithmetic3A_4615 : i32
    %mul3A_4617 = arith.constant 128 : i32
    %mul3A_4618 = arith.muli %shift_right_arithmetic3A_4616, %mul3A_4617 : i32
    %min3A_4619 = arith.constant 99872 : i32
    %min3A_4620 = arith.minsi %mul3A_4618, %min3A_4619 : i32
    %get3A_4621 = arith.constant 86 : index
    %get3A_4622 = memref.load %arg7[%get3A_4621] : memref<100xi32, #tpu.memory_space<smem>>
    %sub3A_4623 = arith.subi %get3A_4622, %min3A_4620 : i32
    %eq3A_4624 = vector.broadcast %sub3A_4623 : i32 to vector<32x128xi32>
    %eq3A_4625 = arith.cmpi eq, %iota3A, %eq3A_4624 : vector<32x128xi32>
    %get3A_4626 = arith.constant 86 : index
    %get3A_4627 = arith.constant 0 : index
    %get3A_4628 = arith.constant 0 : index
    %get3A_4629 = vector.load %arg12[%get3A_4626, %get3A_4627, %get3A_4628] : memref<100x32x128xf32, #tpu.memory_space<vmem>>, vector<1x32x128xf32>
    %get3A_4630 = vector.shape_cast %get3A_4629 : vector<1x32x128xf32> to vector<32x128xf32>
    %jit3A_4631 = arith.constant 0.000000e+00 : f32
    %broadcast_in_dim3A_4632 = vector.broadcast %jit3A_4631 : f32 to vector<32x128xf32>
    %select_n3A_4633 = arith.select %eq3A_4625, %get3A_4630, %broadcast_in_dim3A_4632 : vector<32x128xi1>, vector<32x128xf32>
    %reduce_sum3A_4634 = arith.constant dense<0.000000e+00> : vector<32xf32>
    %reduce_sum3A_4635 = vector.multi_reduction <add>, %select_n3A_4633, %reduce_sum3A_4634 [1] : vector<32x128xf32> to vector<32xf32>
    %broadcast_in_dim3A_4636 = vector.shape_cast %reduce_sum3A_4635 : vector<32xf32> to vector<32x1xf32>
    %swap3A_4637 = arith.constant 0 : index
    %swap3A_4638 = arith.constant 86 : index
    %swap3A_4639 = vector.load %arg11[%swap3A_4637, %swap3A_4638] : memref<32x100xf32, #tpu.memory_space<vmem>>, vector<32x1xf32>
    tpu.vector_store %arg11[%swap3A_4637, %swap3A_4638], %broadcast_in_dim3A_4636 {strides = array<i32>} : memref<32x100xf32, #tpu.memory_space<vmem>>, vector<32x1xf32>,
    %get3A_4640 = arith.constant 87 : index
    %get3A_4641 = memref.load %arg7[%get3A_4640] : memref<100xi32, #tpu.memory_space<smem>>
    %shift_right_arithmetic3A_4642 = arith.constant 7 : i32
    %shift_right_arithmetic3A_4643 = arith.shrsi %get3A_4641, %shift_right_arithmetic3A_4642 : i32
    %mul3A_4644 = arith.constant 128 : i32
    %mul3A_4645 = arith.muli %shift_right_arithmetic3A_4643, %mul3A_4644 : i32
    %min3A_4646 = arith.constant 99872 : i32
    %min3A_4647 = arith.minsi %mul3A_4645, %min3A_4646 : i32
    %get3A_4648 = arith.constant 87 : index
    %get3A_4649 = memref.load %arg7[%get3A_4648] : memref<100xi32, #tpu.memory_space<smem>>
    %sub3A_4650 = arith.subi %get3A_4649, %min3A_4647 : i32
    %eq3A_4651 = vector.broadcast %sub3A_4650 : i32 to vector<32x128xi32>
    %eq3A_4652 = arith.cmpi eq, %iota3A, %eq3A_4651 : vector<32x128xi32>
    %get3A_4653 = arith.constant 87 : index
    %get3A_4654 = arith.constant 0 : index
    %get3A_4655 = arith.constant 0 : index
    %get3A_4656 = vector.load %arg12[%get3A_4653, %get3A_4654, %get3A_4655] : memref<100x32x128xf32, #tpu.memory_space<vmem>>, vector<1x32x128xf32>
    %get3A_4657 = vector.shape_cast %get3A_4656 : vector<1x32x128xf32> to vector<32x128xf32>
    %jit3A_4658 = arith.constant 0.000000e+00 : f32
    %broadcast_in_dim3A_4659 = vector.broadcast %jit3A_4658 : f32 to vector<32x128xf32>
    %select_n3A_4660 = arith.select %eq3A_4652, %get3A_4657, %broadcast_in_dim3A_4659 : vector<32x128xi1>, vector<32x128xf32>
    %reduce_sum3A_4661 = arith.constant dense<0.000000e+00> : vector<32xf32>
    %reduce_sum3A_4662 = vector.multi_reduction <add>, %select_n3A_4660, %reduce_sum3A_4661 [1] : vector<32x128xf32> to vector<32xf32>
    %broadcast_in_dim3A_4663 = vector.shape_cast %reduce_sum3A_4662 : vector<32xf32> to vector<32x1xf32>
    %swap3A_4664 = arith.constant 0 : index
    %swap3A_4665 = arith.constant 87 : index
    %swap3A_4666 = vector.load %arg11[%swap3A_4664, %swap3A_4665] : memref<32x100xf32, #tpu.memory_space<vmem>>, vector<32x1xf32>
    tpu.vector_store %arg11[%swap3A_4664, %swap3A_4665], %broadcast_in_dim3A_4663 {strides = array<i32>} : memref<32x100xf32, #tpu.memory_space<vmem>>, vector<32x1xf32>,
    %get3A_4667 = arith.constant 88 : index
    %get3A_4668 = memref.load %arg7[%get3A_4667] : memref<100xi32, #tpu.memory_space<smem>>
    %shift_right_arithmetic3A_4669 = arith.constant 7 : i32
    %shift_right_arithmetic3A_4670 = arith.shrsi %get3A_4668, %shift_right_arithmetic3A_4669 : i32
    %mul3A_4671 = arith.constant 128 : i32
    %mul3A_4672 = arith.muli %shift_right_arithmetic3A_4670, %mul3A_4671 : i32
    %min3A_4673 = arith.constant 99872 : i32
    %min3A_4674 = arith.minsi %mul3A_4672, %min3A_4673 : i32
    %get3A_4675 = arith.constant 88 : index
    %get3A_4676 = memref.load %arg7[%get3A_4675] : memref<100xi32, #tpu.memory_space<smem>>
    %sub3A_4677 = arith.subi %get3A_4676, %min3A_4674 : i32
    %eq3A_4678 = vector.broadcast %sub3A_4677 : i32 to vector<32x128xi32>
    %eq3A_4679 = arith.cmpi eq, %iota3A, %eq3A_4678 : vector<32x128xi32>
    %get3A_4680 = arith.constant 88 : index
    %get3A_4681 = arith.constant 0 : index
    %get3A_4682 = arith.constant 0 : index
    %get3A_4683 = vector.load %arg12[%get3A_4680, %get3A_4681, %get3A_4682] : memref<100x32x128xf32, #tpu.memory_space<vmem>>, vector<1x32x128xf32>
    %get3A_4684 = vector.shape_cast %get3A_4683 : vector<1x32x128xf32> to vector<32x128xf32>
    %jit3A_4685 = arith.constant 0.000000e+00 : f32
    %broadcast_in_dim3A_4686 = vector.broadcast %jit3A_4685 : f32 to vector<32x128xf32>
    %select_n3A_4687 = arith.select %eq3A_4679, %get3A_4684, %broadcast_in_dim3A_4686 : vector<32x128xi1>, vector<32x128xf32>
    %reduce_sum3A_4688 = arith.constant dense<0.000000e+00> : vector<32xf32>
    %reduce_sum3A_4689 = vector.multi_reduction <add>, %select_n3A_4687, %reduce_sum3A_4688 [1] : vector<32x128xf32> to vector<32xf32>
    %broadcast_in_dim3A_4690 = vector.shape_cast %reduce_sum3A_4689 : vector<32xf32> to vector<32x1xf32>
    %swap3A_4691 = arith.constant 0 : index
    %swap3A_4692 = arith.constant 88 : index
    %swap3A_4693 = vector.load %arg11[%swap3A_4691, %swap3A_4692] : memref<32x100xf32, #tpu.memory_space<vmem>>, vector<32x1xf32>
    tpu.vector_store %arg11[%swap3A_4691, %swap3A_4692], %broadcast_in_dim3A_4690 {strides = array<i32>} : memref<32x100xf32, #tpu.memory_space<vmem>>, vector<32x1xf32>,
    %get3A_4694 = arith.constant 89 : index
    %get3A_4695 = memref.load %arg7[%get3A_4694] : memref<100xi32, #tpu.memory_space<smem>>
    %shift_right_arithmetic3A_4696 = arith.constant 7 : i32
    %shift_right_arithmetic3A_4697 = arith.shrsi %get3A_4695, %shift_right_arithmetic3A_4696 : i32
    %mul3A_4698 = arith.constant 128 : i32
    %mul3A_4699 = arith.muli %shift_right_arithmetic3A_4697, %mul3A_4698 : i32
    %min3A_4700 = arith.constant 99872 : i32
    %min3A_4701 = arith.minsi %mul3A_4699, %min3A_4700 : i32
    %get3A_4702 = arith.constant 89 : index
    %get3A_4703 = memref.load %arg7[%get3A_4702] : memref<100xi32, #tpu.memory_space<smem>>
    %sub3A_4704 = arith.subi %get3A_4703, %min3A_4701 : i32
    %eq3A_4705 = vector.broadcast %sub3A_4704 : i32 to vector<32x128xi32>
    %eq3A_4706 = arith.cmpi eq, %iota3A, %eq3A_4705 : vector<32x128xi32>
    %get3A_4707 = arith.constant 89 : index
    %get3A_4708 = arith.constant 0 : index
    %get3A_4709 = arith.constant 0 : index
    %get3A_4710 = vector.load %arg12[%get3A_4707, %get3A_4708, %get3A_4709] : memref<100x32x128xf32, #tpu.memory_space<vmem>>, vector<1x32x128xf32>
    %get3A_4711 = vector.shape_cast %get3A_4710 : vector<1x32x128xf32> to vector<32x128xf32>
    %jit3A_4712 = arith.constant 0.000000e+00 : f32
    %broadcast_in_dim3A_4713 = vector.broadcast %jit3A_4712 : f32 to vector<32x128xf32>
    %select_n3A_4714 = arith.select %eq3A_4706, %get3A_4711, %broadcast_in_dim3A_4713 : vector<32x128xi1>, vector<32x128xf32>
    %reduce_sum3A_4715 = arith.constant dense<0.000000e+00> : vector<32xf32>
    %reduce_sum3A_4716 = vector.multi_reduction <add>, %select_n3A_4714, %reduce_sum3A_4715 [1] : vector<32x128xf32> to vector<32xf32>
    %broadcast_in_dim3A_4717 = vector.shape_cast %reduce_sum3A_4716 : vector<32xf32> to vector<32x1xf32>
    %swap3A_4718 = arith.constant 0 : index
    %swap3A_4719 = arith.constant 89 : index
    %swap3A_4720 = vector.load %arg11[%swap3A_4718, %swap3A_4719] : memref<32x100xf32, #tpu.memory_space<vmem>>, vector<32x1xf32>
    tpu.vector_store %arg11[%swap3A_4718, %swap3A_4719], %broadcast_in_dim3A_4717 {strides = array<i32>} : memref<32x100xf32, #tpu.memory_space<vmem>>, vector<32x1xf32>,
    %get3A_4721 = arith.constant 90 : index
    %get3A_4722 = memref.load %arg7[%get3A_4721] : memref<100xi32, #tpu.memory_space<smem>>
    %shift_right_arithmetic3A_4723 = arith.constant 7 : i32
    %shift_right_arithmetic3A_4724 = arith.shrsi %get3A_4722, %shift_right_arithmetic3A_4723 : i32
    %mul3A_4725 = arith.constant 128 : i32
    %mul3A_4726 = arith.muli %shift_right_arithmetic3A_4724, %mul3A_4725 : i32
    %min3A_4727 = arith.constant 99872 : i32
    %min3A_4728 = arith.minsi %mul3A_4726, %min3A_4727 : i32
    %get3A_4729 = arith.constant 90 : index
    %get3A_4730 = memref.load %arg7[%get3A_4729] : memref<100xi32, #tpu.memory_space<smem>>
    %sub3A_4731 = arith.subi %get3A_4730, %min3A_4728 : i32
    %eq3A_4732 = vector.broadcast %sub3A_4731 : i32 to vector<32x128xi32>
    %eq3A_4733 = arith.cmpi eq, %iota3A, %eq3A_4732 : vector<32x128xi32>
    %get3A_4734 = arith.constant 90 : index
    %get3A_4735 = arith.constant 0 : index
    %get3A_4736 = arith.constant 0 : index
    %get3A_4737 = vector.load %arg12[%get3A_4734, %get3A_4735, %get3A_4736] : memref<100x32x128xf32, #tpu.memory_space<vmem>>, vector<1x32x128xf32>
    %get3A_4738 = vector.shape_cast %get3A_4737 : vector<1x32x128xf32> to vector<32x128xf32>
    %jit3A_4739 = arith.constant 0.000000e+00 : f32
    %broadcast_in_dim3A_4740 = vector.broadcast %jit3A_4739 : f32 to vector<32x128xf32>
    %select_n3A_4741 = arith.select %eq3A_4733, %get3A_4738, %broadcast_in_dim3A_4740 : vector<32x128xi1>, vector<32x128xf32>
    %reduce_sum3A_4742 = arith.constant dense<0.000000e+00> : vector<32xf32>
    %reduce_sum3A_4743 = vector.multi_reduction <add>, %select_n3A_4741, %reduce_sum3A_4742 [1] : vector<32x128xf32> to vector<32xf32>
    %broadcast_in_dim3A_4744 = vector.shape_cast %reduce_sum3A_4743 : vector<32xf32> to vector<32x1xf32>
    %swap3A_4745 = arith.constant 0 : index
    %swap3A_4746 = arith.constant 90 : index
    %swap3A_4747 = vector.load %arg11[%swap3A_4745, %swap3A_4746] : memref<32x100xf32, #tpu.memory_space<vmem>>, vector<32x1xf32>
    tpu.vector_store %arg11[%swap3A_4745, %swap3A_4746], %broadcast_in_dim3A_4744 {strides = array<i32>} : memref<32x100xf32, #tpu.memory_space<vmem>>, vector<32x1xf32>,
    %get3A_4748 = arith.constant 91 : index
    %get3A_4749 = memref.load %arg7[%get3A_4748] : memref<100xi32, #tpu.memory_space<smem>>
    %shift_right_arithmetic3A_4750 = arith.constant 7 : i32
    %shift_right_arithmetic3A_4751 = arith.shrsi %get3A_4749, %shift_right_arithmetic3A_4750 : i32
    %mul3A_4752 = arith.constant 128 : i32
    %mul3A_4753 = arith.muli %shift_right_arithmetic3A_4751, %mul3A_4752 : i32
    %min3A_4754 = arith.constant 99872 : i32
    %min3A_4755 = arith.minsi %mul3A_4753, %min3A_4754 : i32
    %get3A_4756 = arith.constant 91 : index
    %get3A_4757 = memref.load %arg7[%get3A_4756] : memref<100xi32, #tpu.memory_space<smem>>
    %sub3A_4758 = arith.subi %get3A_4757, %min3A_4755 : i32
    %eq3A_4759 = vector.broadcast %sub3A_4758 : i32 to vector<32x128xi32>
    %eq3A_4760 = arith.cmpi eq, %iota3A, %eq3A_4759 : vector<32x128xi32>
    %get3A_4761 = arith.constant 91 : index
    %get3A_4762 = arith.constant 0 : index
    %get3A_4763 = arith.constant 0 : index
    %get3A_4764 = vector.load %arg12[%get3A_4761, %get3A_4762, %get3A_4763] : memref<100x32x128xf32, #tpu.memory_space<vmem>>, vector<1x32x128xf32>
    %get3A_4765 = vector.shape_cast %get3A_4764 : vector<1x32x128xf32> to vector<32x128xf32>
    %jit3A_4766 = arith.constant 0.000000e+00 : f32
    %broadcast_in_dim3A_4767 = vector.broadcast %jit3A_4766 : f32 to vector<32x128xf32>
    %select_n3A_4768 = arith.select %eq3A_4760, %get3A_4765, %broadcast_in_dim3A_4767 : vector<32x128xi1>, vector<32x128xf32>
    %reduce_sum3A_4769 = arith.constant dense<0.000000e+00> : vector<32xf32>
    %reduce_sum3A_4770 = vector.multi_reduction <add>, %select_n3A_4768, %reduce_sum3A_4769 [1] : vector<32x128xf32> to vector<32xf32>
    %broadcast_in_dim3A_4771 = vector.shape_cast %reduce_sum3A_4770 : vector<32xf32> to vector<32x1xf32>
    %swap3A_4772 = arith.constant 0 : index
    %swap3A_4773 = arith.constant 91 : index
    %swap3A_4774 = vector.load %arg11[%swap3A_4772, %swap3A_4773] : memref<32x100xf32, #tpu.memory_space<vmem>>, vector<32x1xf32>
    tpu.vector_store %arg11[%swap3A_4772, %swap3A_4773], %broadcast_in_dim3A_4771 {strides = array<i32>} : memref<32x100xf32, #tpu.memory_space<vmem>>, vector<32x1xf32>,
    %get3A_4775 = arith.constant 92 : index
    %get3A_4776 = memref.load %arg7[%get3A_4775] : memref<100xi32, #tpu.memory_space<smem>>
    %shift_right_arithmetic3A_4777 = arith.constant 7 : i32
    %shift_right_arithmetic3A_4778 = arith.shrsi %get3A_4776, %shift_right_arithmetic3A_4777 : i32
    %mul3A_4779 = arith.constant 128 : i32
    %mul3A_4780 = arith.muli %shift_right_arithmetic3A_4778, %mul3A_4779 : i32
    %min3A_4781 = arith.constant 99872 : i32
    %min3A_4782 = arith.minsi %mul3A_4780, %min3A_4781 : i32
    %get3A_4783 = arith.constant 92 : index
    %get3A_4784 = memref.load %arg7[%get3A_4783] : memref<100xi32, #tpu.memory_space<smem>>
    %sub3A_4785 = arith.subi %get3A_4784, %min3A_4782 : i32
    %eq3A_4786 = vector.broadcast %sub3A_4785 : i32 to vector<32x128xi32>
    %eq3A_4787 = arith.cmpi eq, %iota3A, %eq3A_4786 : vector<32x128xi32>
    %get3A_4788 = arith.constant 92 : index
    %get3A_4789 = arith.constant 0 : index
    %get3A_4790 = arith.constant 0 : index
    %get3A_4791 = vector.load %arg12[%get3A_4788, %get3A_4789, %get3A_4790] : memref<100x32x128xf32, #tpu.memory_space<vmem>>, vector<1x32x128xf32>
    %get3A_4792 = vector.shape_cast %get3A_4791 : vector<1x32x128xf32> to vector<32x128xf32>
    %jit3A_4793 = arith.constant 0.000000e+00 : f32
    %broadcast_in_dim3A_4794 = vector.broadcast %jit3A_4793 : f32 to vector<32x128xf32>
    %select_n3A_4795 = arith.select %eq3A_4787, %get3A_4792, %broadcast_in_dim3A_4794 : vector<32x128xi1>, vector<32x128xf32>
    %reduce_sum3A_4796 = arith.constant dense<0.000000e+00> : vector<32xf32>
    %reduce_sum3A_4797 = vector.multi_reduction <add>, %select_n3A_4795, %reduce_sum3A_4796 [1] : vector<32x128xf32> to vector<32xf32>
    %broadcast_in_dim3A_4798 = vector.shape_cast %reduce_sum3A_4797 : vector<32xf32> to vector<32x1xf32>
    %swap3A_4799 = arith.constant 0 : index
    %swap3A_4800 = arith.constant 92 : index
    %swap3A_4801 = vector.load %arg11[%swap3A_4799, %swap3A_4800] : memref<32x100xf32, #tpu.memory_space<vmem>>, vector<32x1xf32>
    tpu.vector_store %arg11[%swap3A_4799, %swap3A_4800], %broadcast_in_dim3A_4798 {strides = array<i32>} : memref<32x100xf32, #tpu.memory_space<vmem>>, vector<32x1xf32>,
    %get3A_4802 = arith.constant 93 : index
    %get3A_4803 = memref.load %arg7[%get3A_4802] : memref<100xi32, #tpu.memory_space<smem>>
    %shift_right_arithmetic3A_4804 = arith.constant 7 : i32
    %shift_right_arithmetic3A_4805 = arith.shrsi %get3A_4803, %shift_right_arithmetic3A_4804 : i32
    %mul3A_4806 = arith.constant 128 : i32
    %mul3A_4807 = arith.muli %shift_right_arithmetic3A_4805, %mul3A_4806 : i32
    %min3A_4808 = arith.constant 99872 : i32
    %min3A_4809 = arith.minsi %mul3A_4807, %min3A_4808 : i32
    %get3A_4810 = arith.constant 93 : index
    %get3A_4811 = memref.load %arg7[%get3A_4810] : memref<100xi32, #tpu.memory_space<smem>>
    %sub3A_4812 = arith.subi %get3A_4811, %min3A_4809 : i32
    %eq3A_4813 = vector.broadcast %sub3A_4812 : i32 to vector<32x128xi32>
    %eq3A_4814 = arith.cmpi eq, %iota3A, %eq3A_4813 : vector<32x128xi32>
    %get3A_4815 = arith.constant 93 : index
    %get3A_4816 = arith.constant 0 : index
    %get3A_4817 = arith.constant 0 : index
    %get3A_4818 = vector.load %arg12[%get3A_4815, %get3A_4816, %get3A_4817] : memref<100x32x128xf32, #tpu.memory_space<vmem>>, vector<1x32x128xf32>
    %get3A_4819 = vector.shape_cast %get3A_4818 : vector<1x32x128xf32> to vector<32x128xf32>
    %jit3A_4820 = arith.constant 0.000000e+00 : f32
    %broadcast_in_dim3A_4821 = vector.broadcast %jit3A_4820 : f32 to vector<32x128xf32>
    %select_n3A_4822 = arith.select %eq3A_4814, %get3A_4819, %broadcast_in_dim3A_4821 : vector<32x128xi1>, vector<32x128xf32>
    %reduce_sum3A_4823 = arith.constant dense<0.000000e+00> : vector<32xf32>
    %reduce_sum3A_4824 = vector.multi_reduction <add>, %select_n3A_4822, %reduce_sum3A_4823 [1] : vector<32x128xf32> to vector<32xf32>
    %broadcast_in_dim3A_4825 = vector.shape_cast %reduce_sum3A_4824 : vector<32xf32> to vector<32x1xf32>
    %swap3A_4826 = arith.constant 0 : index
    %swap3A_4827 = arith.constant 93 : index
    %swap3A_4828 = vector.load %arg11[%swap3A_4826, %swap3A_4827] : memref<32x100xf32, #tpu.memory_space<vmem>>, vector<32x1xf32>
    tpu.vector_store %arg11[%swap3A_4826, %swap3A_4827], %broadcast_in_dim3A_4825 {strides = array<i32>} : memref<32x100xf32, #tpu.memory_space<vmem>>, vector<32x1xf32>,
    %get3A_4829 = arith.constant 94 : index
    %get3A_4830 = memref.load %arg7[%get3A_4829] : memref<100xi32, #tpu.memory_space<smem>>
    %shift_right_arithmetic3A_4831 = arith.constant 7 : i32
    %shift_right_arithmetic3A_4832 = arith.shrsi %get3A_4830, %shift_right_arithmetic3A_4831 : i32
    %mul3A_4833 = arith.constant 128 : i32
    %mul3A_4834 = arith.muli %shift_right_arithmetic3A_4832, %mul3A_4833 : i32
    %min3A_4835 = arith.constant 99872 : i32
    %min3A_4836 = arith.minsi %mul3A_4834, %min3A_4835 : i32
    %get3A_4837 = arith.constant 94 : index
    %get3A_4838 = memref.load %arg7[%get3A_4837] : memref<100xi32, #tpu.memory_space<smem>>
    %sub3A_4839 = arith.subi %get3A_4838, %min3A_4836 : i32
    %eq3A_4840 = vector.broadcast %sub3A_4839 : i32 to vector<32x128xi32>
    %eq3A_4841 = arith.cmpi eq, %iota3A, %eq3A_4840 : vector<32x128xi32>
    %get3A_4842 = arith.constant 94 : index
    %get3A_4843 = arith.constant 0 : index
    %get3A_4844 = arith.constant 0 : index
    %get3A_4845 = vector.load %arg12[%get3A_4842, %get3A_4843, %get3A_4844] : memref<100x32x128xf32, #tpu.memory_space<vmem>>, vector<1x32x128xf32>
    %get3A_4846 = vector.shape_cast %get3A_4845 : vector<1x32x128xf32> to vector<32x128xf32>
    %jit3A_4847 = arith.constant 0.000000e+00 : f32
    %broadcast_in_dim3A_4848 = vector.broadcast %jit3A_4847 : f32 to vector<32x128xf32>
    %select_n3A_4849 = arith.select %eq3A_4841, %get3A_4846, %broadcast_in_dim3A_4848 : vector<32x128xi1>, vector<32x128xf32>
    %reduce_sum3A_4850 = arith.constant dense<0.000000e+00> : vector<32xf32>
    %reduce_sum3A_4851 = vector.multi_reduction <add>, %select_n3A_4849, %reduce_sum3A_4850 [1] : vector<32x128xf32> to vector<32xf32>
    %broadcast_in_dim3A_4852 = vector.shape_cast %reduce_sum3A_4851 : vector<32xf32> to vector<32x1xf32>
    %swap3A_4853 = arith.constant 0 : index
    %swap3A_4854 = arith.constant 94 : index
    %swap3A_4855 = vector.load %arg11[%swap3A_4853, %swap3A_4854] : memref<32x100xf32, #tpu.memory_space<vmem>>, vector<32x1xf32>
    tpu.vector_store %arg11[%swap3A_4853, %swap3A_4854], %broadcast_in_dim3A_4852 {strides = array<i32>} : memref<32x100xf32, #tpu.memory_space<vmem>>, vector<32x1xf32>,
    %get3A_4856 = arith.constant 95 : index
    %get3A_4857 = memref.load %arg7[%get3A_4856] : memref<100xi32, #tpu.memory_space<smem>>
    %shift_right_arithmetic3A_4858 = arith.constant 7 : i32
    %shift_right_arithmetic3A_4859 = arith.shrsi %get3A_4857, %shift_right_arithmetic3A_4858 : i32
    %mul3A_4860 = arith.constant 128 : i32
    %mul3A_4861 = arith.muli %shift_right_arithmetic3A_4859, %mul3A_4860 : i32
    %min3A_4862 = arith.constant 99872 : i32
    %min3A_4863 = arith.minsi %mul3A_4861, %min3A_4862 : i32
    %get3A_4864 = arith.constant 95 : index
    %get3A_4865 = memref.load %arg7[%get3A_4864] : memref<100xi32, #tpu.memory_space<smem>>
    %sub3A_4866 = arith.subi %get3A_4865, %min3A_4863 : i32
    %eq3A_4867 = vector.broadcast %sub3A_4866 : i32 to vector<32x128xi32>
    %eq3A_4868 = arith.cmpi eq, %iota3A, %eq3A_4867 : vector<32x128xi32>
    %get3A_4869 = arith.constant 95 : index
    %get3A_4870 = arith.constant 0 : index
    %get3A_4871 = arith.constant 0 : index
    %get3A_4872 = vector.load %arg12[%get3A_4869, %get3A_4870, %get3A_4871] : memref<100x32x128xf32, #tpu.memory_space<vmem>>, vector<1x32x128xf32>
    %get3A_4873 = vector.shape_cast %get3A_4872 : vector<1x32x128xf32> to vector<32x128xf32>
    %jit3A_4874 = arith.constant 0.000000e+00 : f32
    %broadcast_in_dim3A_4875 = vector.broadcast %jit3A_4874 : f32 to vector<32x128xf32>
    %select_n3A_4876 = arith.select %eq3A_4868, %get3A_4873, %broadcast_in_dim3A_4875 : vector<32x128xi1>, vector<32x128xf32>
    %reduce_sum3A_4877 = arith.constant dense<0.000000e+00> : vector<32xf32>
    %reduce_sum3A_4878 = vector.multi_reduction <add>, %select_n3A_4876, %reduce_sum3A_4877 [1] : vector<32x128xf32> to vector<32xf32>
    %broadcast_in_dim3A_4879 = vector.shape_cast %reduce_sum3A_4878 : vector<32xf32> to vector<32x1xf32>
    %swap3A_4880 = arith.constant 0 : index
    %swap3A_4881 = arith.constant 95 : index
    %swap3A_4882 = vector.load %arg11[%swap3A_4880, %swap3A_4881] : memref<32x100xf32, #tpu.memory_space<vmem>>, vector<32x1xf32>
    tpu.vector_store %arg11[%swap3A_4880, %swap3A_4881], %broadcast_in_dim3A_4879 {strides = array<i32>} : memref<32x100xf32, #tpu.memory_space<vmem>>, vector<32x1xf32>,
    %get3A_4883 = arith.constant 96 : index
    %get3A_4884 = memref.load %arg7[%get3A_4883] : memref<100xi32, #tpu.memory_space<smem>>
    %shift_right_arithmetic3A_4885 = arith.constant 7 : i32
    %shift_right_arithmetic3A_4886 = arith.shrsi %get3A_4884, %shift_right_arithmetic3A_4885 : i32
    %mul3A_4887 = arith.constant 128 : i32
    %mul3A_4888 = arith.muli %shift_right_arithmetic3A_4886, %mul3A_4887 : i32
    %min3A_4889 = arith.constant 99872 : i32
    %min3A_4890 = arith.minsi %mul3A_4888, %min3A_4889 : i32
    %get3A_4891 = arith.constant 96 : index
    %get3A_4892 = memref.load %arg7[%get3A_4891] : memref<100xi32, #tpu.memory_space<smem>>
    %sub3A_4893 = arith.subi %get3A_4892, %min3A_4890 : i32
    %eq3A_4894 = vector.broadcast %sub3A_4893 : i32 to vector<32x128xi32>
    %eq3A_4895 = arith.cmpi eq, %iota3A, %eq3A_4894 : vector<32x128xi32>
    %get3A_4896 = arith.constant 96 : index
    %get3A_4897 = arith.constant 0 : index
    %get3A_4898 = arith.constant 0 : index
    %get3A_4899 = vector.load %arg12[%get3A_4896, %get3A_4897, %get3A_4898] : memref<100x32x128xf32, #tpu.memory_space<vmem>>, vector<1x32x128xf32>
    %get3A_4900 = vector.shape_cast %get3A_4899 : vector<1x32x128xf32> to vector<32x128xf32>
    %jit3A_4901 = arith.constant 0.000000e+00 : f32
    %broadcast_in_dim3A_4902 = vector.broadcast %jit3A_4901 : f32 to vector<32x128xf32>
    %select_n3A_4903 = arith.select %eq3A_4895, %get3A_4900, %broadcast_in_dim3A_4902 : vector<32x128xi1>, vector<32x128xf32>
    %reduce_sum3A_4904 = arith.constant dense<0.000000e+00> : vector<32xf32>
    %reduce_sum3A_4905 = vector.multi_reduction <add>, %select_n3A_4903, %reduce_sum3A_4904 [1] : vector<32x128xf32> to vector<32xf32>
    %broadcast_in_dim3A_4906 = vector.shape_cast %reduce_sum3A_4905 : vector<32xf32> to vector<32x1xf32>
    %swap3A_4907 = arith.constant 0 : index
    %swap3A_4908 = arith.constant 96 : index
    %swap3A_4909 = vector.load %arg11[%swap3A_4907, %swap3A_4908] : memref<32x100xf32, #tpu.memory_space<vmem>>, vector<32x1xf32>
    tpu.vector_store %arg11[%swap3A_4907, %swap3A_4908], %broadcast_in_dim3A_4906 {strides = array<i32>} : memref<32x100xf32, #tpu.memory_space<vmem>>, vector<32x1xf32>,
    %get3A_4910 = arith.constant 97 : index
    %get3A_4911 = memref.load %arg7[%get3A_4910] : memref<100xi32, #tpu.memory_space<smem>>
    %shift_right_arithmetic3A_4912 = arith.constant 7 : i32
    %shift_right_arithmetic3A_4913 = arith.shrsi %get3A_4911, %shift_right_arithmetic3A_4912 : i32
    %mul3A_4914 = arith.constant 128 : i32
    %mul3A_4915 = arith.muli %shift_right_arithmetic3A_4913, %mul3A_4914 : i32
    %min3A_4916 = arith.constant 99872 : i32
    %min3A_4917 = arith.minsi %mul3A_4915, %min3A_4916 : i32
    %get3A_4918 = arith.constant 97 : index
    %get3A_4919 = memref.load %arg7[%get3A_4918] : memref<100xi32, #tpu.memory_space<smem>>
    %sub3A_4920 = arith.subi %get3A_4919, %min3A_4917 : i32
    %eq3A_4921 = vector.broadcast %sub3A_4920 : i32 to vector<32x128xi32>
    %eq3A_4922 = arith.cmpi eq, %iota3A, %eq3A_4921 : vector<32x128xi32>
    %get3A_4923 = arith.constant 97 : index
    %get3A_4924 = arith.constant 0 : index
    %get3A_4925 = arith.constant 0 : index
    %get3A_4926 = vector.load %arg12[%get3A_4923, %get3A_4924, %get3A_4925] : memref<100x32x128xf32, #tpu.memory_space<vmem>>, vector<1x32x128xf32>
    %get3A_4927 = vector.shape_cast %get3A_4926 : vector<1x32x128xf32> to vector<32x128xf32>
    %jit3A_4928 = arith.constant 0.000000e+00 : f32
    %broadcast_in_dim3A_4929 = vector.broadcast %jit3A_4928 : f32 to vector<32x128xf32>
    %select_n3A_4930 = arith.select %eq3A_4922, %get3A_4927, %broadcast_in_dim3A_4929 : vector<32x128xi1>, vector<32x128xf32>
    %reduce_sum3A_4931 = arith.constant dense<0.000000e+00> : vector<32xf32>
    %reduce_sum3A_4932 = vector.multi_reduction <add>, %select_n3A_4930, %reduce_sum3A_4931 [1] : vector<32x128xf32> to vector<32xf32>
    %broadcast_in_dim3A_4933 = vector.shape_cast %reduce_sum3A_4932 : vector<32xf32> to vector<32x1xf32>
    %swap3A_4934 = arith.constant 0 : index
    %swap3A_4935 = arith.constant 97 : index
    %swap3A_4936 = vector.load %arg11[%swap3A_4934, %swap3A_4935] : memref<32x100xf32, #tpu.memory_space<vmem>>, vector<32x1xf32>
    tpu.vector_store %arg11[%swap3A_4934, %swap3A_4935], %broadcast_in_dim3A_4933 {strides = array<i32>} : memref<32x100xf32, #tpu.memory_space<vmem>>, vector<32x1xf32>,
    %get3A_4937 = arith.constant 98 : index
    %get3A_4938 = memref.load %arg7[%get3A_4937] : memref<100xi32, #tpu.memory_space<smem>>
    %shift_right_arithmetic3A_4939 = arith.constant 7 : i32
    %shift_right_arithmetic3A_4940 = arith.shrsi %get3A_4938, %shift_right_arithmetic3A_4939 : i32
    %mul3A_4941 = arith.constant 128 : i32
    %mul3A_4942 = arith.muli %shift_right_arithmetic3A_4940, %mul3A_4941 : i32
    %min3A_4943 = arith.constant 99872 : i32
    %min3A_4944 = arith.minsi %mul3A_4942, %min3A_4943 : i32
    %get3A_4945 = arith.constant 98 : index
    %get3A_4946 = memref.load %arg7[%get3A_4945] : memref<100xi32, #tpu.memory_space<smem>>
    %sub3A_4947 = arith.subi %get3A_4946, %min3A_4944 : i32
    %eq3A_4948 = vector.broadcast %sub3A_4947 : i32 to vector<32x128xi32>
    %eq3A_4949 = arith.cmpi eq, %iota3A, %eq3A_4948 : vector<32x128xi32>
    %get3A_4950 = arith.constant 98 : index
    %get3A_4951 = arith.constant 0 : index
    %get3A_4952 = arith.constant 0 : index
    %get3A_4953 = vector.load %arg12[%get3A_4950, %get3A_4951, %get3A_4952] : memref<100x32x128xf32, #tpu.memory_space<vmem>>, vector<1x32x128xf32>
    %get3A_4954 = vector.shape_cast %get3A_4953 : vector<1x32x128xf32> to vector<32x128xf32>
    %jit3A_4955 = arith.constant 0.000000e+00 : f32
    %broadcast_in_dim3A_4956 = vector.broadcast %jit3A_4955 : f32 to vector<32x128xf32>
    %select_n3A_4957 = arith.select %eq3A_4949, %get3A_4954, %broadcast_in_dim3A_4956 : vector<32x128xi1>, vector<32x128xf32>
    %reduce_sum3A_4958 = arith.constant dense<0.000000e+00> : vector<32xf32>
    %reduce_sum3A_4959 = vector.multi_reduction <add>, %select_n3A_4957, %reduce_sum3A_4958 [1] : vector<32x128xf32> to vector<32xf32>
    %broadcast_in_dim3A_4960 = vector.shape_cast %reduce_sum3A_4959 : vector<32xf32> to vector<32x1xf32>
    %swap3A_4961 = arith.constant 0 : index
    %swap3A_4962 = arith.constant 98 : index
    %swap3A_4963 = vector.load %arg11[%swap3A_4961, %swap3A_4962] : memref<32x100xf32, #tpu.memory_space<vmem>>, vector<32x1xf32>
    tpu.vector_store %arg11[%swap3A_4961, %swap3A_4962], %broadcast_in_dim3A_4960 {strides = array<i32>} : memref<32x100xf32, #tpu.memory_space<vmem>>, vector<32x1xf32>,
    %get3A_4964 = arith.constant 99 : index
    %get3A_4965 = memref.load %arg7[%get3A_4964] : memref<100xi32, #tpu.memory_space<smem>>
    %shift_right_arithmetic3A_4966 = arith.constant 7 : i32
    %shift_right_arithmetic3A_4967 = arith.shrsi %get3A_4965, %shift_right_arithmetic3A_4966 : i32
    %mul3A_4968 = arith.constant 128 : i32
    %mul3A_4969 = arith.muli %shift_right_arithmetic3A_4967, %mul3A_4968 : i32
    %min3A_4970 = arith.constant 99872 : i32
    %min3A_4971 = arith.minsi %mul3A_4969, %min3A_4970 : i32
    %get3A_4972 = arith.constant 99 : index
    %get3A_4973 = memref.load %arg7[%get3A_4972] : memref<100xi32, #tpu.memory_space<smem>>
    %sub3A_4974 = arith.subi %get3A_4973, %min3A_4971 : i32
    %eq3A_4975 = vector.broadcast %sub3A_4974 : i32 to vector<32x128xi32>
    %eq3A_4976 = arith.cmpi eq, %iota3A, %eq3A_4975 : vector<32x128xi32>
    %get3A_4977 = arith.constant 99 : index
    %get3A_4978 = arith.constant 0 : index
    %get3A_4979 = arith.constant 0 : index
    %get3A_4980 = vector.load %arg12[%get3A_4977, %get3A_4978, %get3A_4979] : memref<100x32x128xf32, #tpu.memory_space<vmem>>, vector<1x32x128xf32>
    %get3A_4981 = vector.shape_cast %get3A_4980 : vector<1x32x128xf32> to vector<32x128xf32>
    %jit3A_4982 = arith.constant 0.000000e+00 : f32
    %broadcast_in_dim3A_4983 = vector.broadcast %jit3A_4982 : f32 to vector<32x128xf32>
    %select_n3A_4984 = arith.select %eq3A_4976, %get3A_4981, %broadcast_in_dim3A_4983 : vector<32x128xi1>, vector<32x128xf32>
    %reduce_sum3A_4985 = arith.constant dense<0.000000e+00> : vector<32xf32>
    %reduce_sum3A_4986 = vector.multi_reduction <add>, %select_n3A_4984, %reduce_sum3A_4985 [1] : vector<32x128xf32> to vector<32xf32>
    %broadcast_in_dim3A_4987 = vector.shape_cast %reduce_sum3A_4986 : vector<32xf32> to vector<32x1xf32>
    %swap3A_4988 = arith.constant 0 : index
    %swap3A_4989 = arith.constant 99 : index
    %swap3A_4990 = vector.load %arg11[%swap3A_4988, %swap3A_4989] : memref<32x100xf32, #tpu.memory_space<vmem>>, vector<32x1xf32>
    tpu.vector_store %arg11[%swap3A_4988, %swap3A_4989], %broadcast_in_dim3A_4987 {strides = array<i32>} : memref<32x100xf32, #tpu.memory_space<vmem>>, vector<32x1xf32>,
    tpu.wait_dma2 semaphore(%arg16 : memref<!tpu.dma_semaphore, #tpu.memory_space<semaphore_mem>>) src(%arg2 : memref<100xf32, #tpu.memory_space<hbm>>) dst(%arg14 : memref<100xf32, #tpu.memory_space<vmem>>)
    %get3A_4991 = arith.constant 0 : index
    %get3A_4992 = vector.load %arg14[%get3A_4991] : memref<100xf32, #tpu.memory_space<vmem>>, vector<100xf32>
    %reshape3A = vector.shape_cast %get3A_4992 : vector<100xf32> to vector<1x100xf32>
    %mul3A_4993 = arith.constant 5.000000e-01 : f32
    %mul3A_4994 = vector.broadcast %mul3A_4993 : f32 to vector<1x100xf32>
    %mul3A_4995 = arith.mulf %mul3A_4994, %reshape3A : vector<1x100xf32>
    %mul3A_4996 = arith.mulf %mul3A_4995, %reshape3A : vector<1x100xf32>
    %get3A_4997 = arith.constant 0 : index
    %get3A_4998 = arith.constant 0 : index
    %get3A_4999 = vector.load %arg11[%get3A_4997, %get3A_4998] : memref<32x100xf32, #tpu.memory_space<vmem>>, vector<32x100xf32>
    %sub3A_5000 = arith.constant 9.99999997E-7 : f32
    %sub3A_5001 = vector.broadcast %sub3A_5000 : f32 to vector<32x100xf32>
    %sub3A_5002 = arith.subf %get3A_4999, %sub3A_5001 : vector<32x100xf32>
    %mul3A_5003 = arith.mulf %sub3A_5002, %sub3A_5002 : vector<32x100xf32>
    %reduce_sum3A_5004 = arith.constant dense<0.000000e+00> : vector<100xf32>
    %reduce_sum3A_5005 = vector.multi_reduction <add>, %mul3A_5003, %reduce_sum3A_5004 [0] : vector<32x100xf32> to vector<100xf32>
    %broadcast_in_dim3A_5006 = vector.shape_cast %reduce_sum3A_5005 : vector<100xf32> to vector<1x100xf32>
    %broadcast_in_dim3A_5007 = arith.constant 1.000000e+00 : f32
    %broadcast_in_dim3A_5008 = vector.broadcast %broadcast_in_dim3A_5007 : f32 to vector<32x100xf32>
    %mul3A_5009 = arith.constant -2.000000e+00 : f32
    %mul3A_5010 = vector.broadcast %mul3A_5009 : f32 to vector<32x100xf32>
    %mul3A_5011 = arith.mulf %mul3A_5010, %sub3A_5002 : vector<32x100xf32>
    %mul3A_5012 = arith.constant -2.000000e+00 : f32
    %mul3A_5013 = vector.broadcast %mul3A_5012 : f32 to vector<1x100xf32>
    %mul3A_5014 = arith.mulf %mul3A_5013, %reshape3A : vector<1x100xf32>
    %mul3A_5015 = vector.broadcast %mul3A_5014 : vector<1x100xf32> to vector<32x100xf32>
    %mul3A_5016 = arith.mulf %mul3A_5015, %sub3A_5002 : vector<32x100xf32>
    %mul3A_5017 = arith.constant -2.000000e+00 : f32
    %mul3A_5018 = vector.broadcast %mul3A_5017 : f32 to vector<1x100xf32>
    %mul3A_5019 = arith.mulf %mul3A_5018, %mul3A_4996 : vector<1x100xf32>
    %mul3A_5020 = vector.broadcast %mul3A_5019 : vector<1x100xf32> to vector<32x100xf32>
    %mul3A_5021 = arith.mulf %mul3A_5020, %sub3A_5002 : vector<32x100xf32>
    %mul3A_5022 = arith.constant 2.000000e+00 : f32
    %mul3A_5023 = vector.broadcast %mul3A_5022 : f32 to vector<1x100xf32>
    %mul3A_5024 = arith.mulf %mul3A_5023, %reshape3A : vector<1x100xf32>
    %mul3A_5025 = vector.broadcast %mul3A_5024 : vector<1x100xf32> to vector<32x100xf32>
    %mul3A_5026 = arith.mulf %mul3A_5025, %broadcast_in_dim3A_5008 : vector<32x100xf32>
    %mul3A_5027 = arith.constant 2.000000e+00 : f32
    %mul3A_5028 = vector.broadcast %mul3A_5027 : f32 to vector<1x100xf32>
    %mul3A_5029 = arith.mulf %mul3A_5028, %mul3A_4996 : vector<1x100xf32>
    %mul3A_5030 = vector.broadcast %mul3A_5029 : vector<1x100xf32> to vector<32x100xf32>
    %mul3A_5031 = arith.mulf %mul3A_5030, %broadcast_in_dim3A_5008 : vector<32x100xf32>
    %mul3A_5032 = arith.mulf %reshape3A, %reshape3A : vector<1x100xf32>
    %mul3A_5033 = vector.broadcast %mul3A_5032 : vector<1x100xf32> to vector<32x100xf32>
    %mul3A_5034 = arith.mulf %mul3A_5033, %broadcast_in_dim3A_5008 : vector<32x100xf32>
    %mul3A_5035 = arith.constant 2.000000e+00 : f32
    %mul3A_5036 = vector.broadcast %mul3A_5035 : f32 to vector<1x100xf32>
    %mul3A_5037 = arith.mulf %mul3A_5036, %reshape3A : vector<1x100xf32>
    %mul3A_5038 = arith.mulf %mul3A_5037, %mul3A_4996 : vector<1x100xf32>
    %mul3A_5039 = vector.broadcast %mul3A_5038 : vector<1x100xf32> to vector<32x100xf32>
    %mul3A_5040 = arith.mulf %mul3A_5039, %broadcast_in_dim3A_5008 : vector<32x100xf32>
    %mul3A_5041 = arith.mulf %mul3A_4996, %mul3A_4996 : vector<1x100xf32>
    %mul3A_5042 = vector.broadcast %mul3A_5041 : vector<1x100xf32> to vector<32x100xf32>
    %mul3A_5043 = arith.mulf %mul3A_5042, %broadcast_in_dim3A_5008 : vector<32x100xf32>
    %concatenate3A = tpu.concatenate %mul3A_5011, %mul3A_5016, %mul3A_5021, %broadcast_in_dim3A_5008, %mul3A_5026, %mul3A_5031, %mul3A_5034, %mul3A_5040, %mul3A_5043, %broadcast_in_dim3A_5006 in 0 : vector<32x100xf32>, vector<32x100xf32>, vector<32x100xf32>, vector<32x100xf32>, vector<32x100xf32>, vector<32x100xf32>, vector<32x100xf32>, vector<32x100xf32>, vector<32x100xf32>, vector<1x100xf32> -> vector<289x100xf32>
    tpu.wait_dma2 semaphore(%arg16 : memref<!tpu.dma_semaphore, #tpu.memory_space<semaphore_mem>>) src(%arg5 : memref<10000xf32, #tpu.memory_space<hbm>>) dst(%arg13 : memref<10000xf32, #tpu.memory_space<vmem>>)
    %get3A_5044 = arith.constant 0 : index
    %get3A_5045 = arith.constant 0 : index
    %get3A_5046 = vector.load %arg3[%get3A_5044, %get3A_5045] : memref<112x1xf32, #tpu.memory_space<vmem>>, vector<112x1xf32>
    %slice3A = vector.extract_strided_slice %get3A_5046 {offsets = [0, 0], sizes = [100, 1], strides = [1, 1]} : vector<112x1xf32> to vector<100x1xf32>
    %get3A_5047 = arith.constant 0 : index
    %get3A_5048 = memref.load %arg9[%get3A_5047] : memref<1xf32, #tpu.memory_space<smem>>
    %div3A = arith.constant 0.707106769 : f32
    %div3A_5049 = arith.divf %div3A, %get3A_5048 : f32
    %mul3A_5050 = arith.constant -1.000000e+05 : f32
    %mul3A_5051 = arith.mulf %mul3A_5050, %div3A_5049 : f32
    %get3A_5052 = arith.constant 0 : index
    %get3A_5053 = memref.load %arg8[%get3A_5052] : memref<4xf32, #tpu.memory_space<smem>>
    %mul3A_5054 = arith.mulf %get3A_5053, %div3A_5049 : f32
    %get3A_5055 = arith.constant 1 : index
    %get3A_5056 = memref.load %arg8[%get3A_5055] : memref<4xf32, #tpu.memory_space<smem>>
    %mul3A_5057 = arith.mulf %get3A_5056, %div3A_5049 : f32
    %get3A_5058 = arith.constant 2 : index
    %get3A_5059 = memref.load %arg8[%get3A_5058] : memref<4xf32, #tpu.memory_space<smem>>
    %mul3A_5060 = arith.mulf %get3A_5059, %div3A_5049 : f32
    %get3A_5061 = arith.constant 3 : index
    %get3A_5062 = memref.load %arg8[%get3A_5061] : memref<4xf32, #tpu.memory_space<smem>>
    %mul3A_5063 = arith.mulf %get3A_5062, %div3A_5049 : f32
    %scan3A = arith.constant 0.000000e+00 : f32
    %scan3A_5064 = arith.constant 0 : i32
    %scan3A_5065 = arith.constant 4 : i32
    %scan3A_5066 = arith.addi %scan3A_5064, %scan3A_5065 : i32
    %scan3A_5067 = arith.constant 1 : i32
    %scan3A_5068 = scf.for %scan3A_5171 = %scan3A_5064 to %scan3A_5066 step %scan3A_5067 iter_args(%scan3A_5172 = %scan3A) -> (f32)  : i32 {
      %mul3A_5173 = arith.constant 2048 : i32
      %mul3A_5174 = arith.muli %scan3A_5171, %mul3A_5173 : i32
      %multiple_of3A_5175 = tpu.assume_multiple %mul3A_5174, 128 : i32
      %get3A_5176 = arith.constant 0 : index
      %get3A_5177 = arith.constant 0 : index
      %get3A_5178 = arith.index_cast %multiple_of3A_5175 : i32 to index
      %get3A_5179 = vector.load %arg4[%get3A_5176, %get3A_5177, %get3A_5178] : memref<3x32x10000xf32, #tpu.memory_space<vmem>>, vector<1x32x2048xf32>
      %get3A_5180 = vector.shape_cast %get3A_5179 : vector<1x32x2048xf32> to vector<32x2048xf32>
      %get3A_5181 = arith.constant 1 : index
      %get3A_5182 = arith.constant 0 : index
      %get3A_5183 = arith.index_cast %multiple_of3A_5175 : i32 to index
      %get3A_5184 = vector.load %arg4[%get3A_5181, %get3A_5182, %get3A_5183] : memref<3x32x10000xf32, #tpu.memory_space<vmem>>, vector<1x32x2048xf32>
      %get3A_5185 = vector.shape_cast %get3A_5184 : vector<1x32x2048xf32> to vector<32x2048xf32>
      %get3A_5186 = arith.constant 2 : index
      %get3A_5187 = arith.constant 0 : index
      %get3A_5188 = arith.index_cast %multiple_of3A_5175 : i32 to index
      %get3A_5189 = vector.load %arg4[%get3A_5186, %get3A_5187, %get3A_5188] : memref<3x32x10000xf32, #tpu.memory_space<vmem>>, vector<1x32x2048xf32>
      %get3A_5190 = vector.shape_cast %get3A_5189 : vector<1x32x2048xf32> to vector<32x2048xf32>
      %mul3A_5191 = arith.mulf %get3A_5180, %get3A_5180 : vector<32x2048xf32>
      %mul3A_5192 = arith.mulf %get3A_5180, %get3A_5185 : vector<32x2048xf32>
      %mul3A_5193 = arith.mulf %get3A_5180, %get3A_5190 : vector<32x2048xf32>
      %mul3A_5194 = arith.mulf %get3A_5185, %get3A_5185 : vector<32x2048xf32>
      %mul3A_5195 = arith.mulf %get3A_5185, %get3A_5190 : vector<32x2048xf32>
      %mul3A_5196 = arith.mulf %get3A_5190, %get3A_5190 : vector<32x2048xf32>
      %broadcast_in_dim3A_5197 = arith.constant 1.000000e+00 : f32
      %broadcast_in_dim3A_5198 = vector.broadcast %broadcast_in_dim3A_5197 : f32 to vector<1x2048xf32>
      %concatenate3A_5199 = tpu.concatenate %get3A_5180, %get3A_5185, %get3A_5190, %mul3A_5191, %mul3A_5192, %mul3A_5193, %mul3A_5194, %mul3A_5195, %mul3A_5196, %broadcast_in_dim3A_5198 in 0 : vector<32x2048xf32>, vector<32x2048xf32>, vector<32x2048xf32>, vector<32x2048xf32>, vector<32x2048xf32>, vector<32x2048xf32>, vector<32x2048xf32>, vector<32x2048xf32>, vector<32x2048xf32>, vector<1x2048xf32> -> vector<289x2048xf32>
      %dot_general3A_5200 = arith.constant dense<0.000000e+00> : vector<100x2048xf32>
      %dot_general3A_5201 = tpu.matmul %concatenate3A, %concatenate3A_5199, %dot_general3A_5200 {dimension_numbers = #tpu.dot_dimension_numbers<[0], [0], [1], [1], [0, 1, 1, 1], [], []>, transpose_lhs_hint = false} : vector<289x100xf32>, vector<289x2048xf32>, vector<100x2048xf32> -> vector<100x2048xf32>
      %max3A_5202 = arith.constant 0.000000e+00 : f32
      %max3A_5203 = vector.broadcast %max3A_5202 : f32 to vector<100x2048xf32>
      %max3A_5204 = arith.maximumf %dot_general3A_5201, %max3A_5203 : vector<100x2048xf32>
      %sqrt3A_5205 = math.sqrt %max3A_5204 : vector<100x2048xf32>
      %get3A_5206 = arith.index_cast %multiple_of3A_5175 : i32 to index
      %get3A_5207 = vector.load %arg13[%get3A_5206] : memref<10000xf32, #tpu.memory_space<vmem>>, vector<2048xf32>
      %reshape3A_5208 = vector.shape_cast %get3A_5207 : vector<2048xf32> to vector<1x2048xf32>
      %neg3A_5209 = arith.constant 0.000000e+00 : f32
      %neg3A_5210 = vector.broadcast %neg3A_5209 : f32 to vector<100x2048xf32>
      %neg3A_5211 = arith.subf %neg3A_5210, %sqrt3A_5205 : vector<100x2048xf32>
      %add3A_5212 = vector.broadcast %slice3A : vector<100x1xf32> to vector<100x2048xf32>
      %add3A_5213 = arith.addf %neg3A_5211, %add3A_5212 : vector<100x2048xf32>
      %add3A_5214 = vector.broadcast %reshape3A_5208 : vector<1x2048xf32> to vector<100x2048xf32>
      %add3A_5215 = arith.addf %add3A_5213, %add3A_5214 : vector<100x2048xf32>
      %mul3A_5216 = vector.broadcast %div3A_5049 : f32 to vector<100x2048xf32>
      %mul3A_5217 = arith.mulf %add3A_5215, %mul3A_5216 : vector<100x2048xf32>
      %get3A_5218 = arith.constant 0 : index
      %get3A_5219 = arith.index_cast %multiple_of3A_5175 : i32 to index
      %get3A_5220 = vector.load %arg1[%get3A_5218, %get3A_5219] : memref<100x10000xi32, #tpu.memory_space<vmem>>, vector<100x2048xi32>
      %ne3A_5221 = arith.constant 0 : i32
      %ne3A_5222 = vector.broadcast %ne3A_5221 : i32 to vector<100x2048xi32>
      %ne3A_5223 = arith.cmpi ne, %get3A_5220, %ne3A_5222 : vector<100x2048xi32>
      %jit3A_5224 = arith.constant 1 : i32
      %broadcast_in_dim3A_5225 = vector.broadcast %jit3A_5224 : i32 to vector<100x2048xi32>
      %select_n3A_5226 = arith.select %ne3A_5223, %get3A_5220, %broadcast_in_dim3A_5225 : vector<100x2048xi1>, vector<100x2048xi32>
      %eq3A_5227 = arith.constant 1 : i32
      %eq3A_5228 = vector.broadcast %eq3A_5227 : i32 to vector<100x2048xi32>
      %eq3A_5229 = arith.cmpi eq, %select_n3A_5226, %eq3A_5228 : vector<100x2048xi32>
      %eq3A_5230 = arith.constant 2 : i32
      %eq3A_5231 = vector.broadcast %eq3A_5230 : i32 to vector<100x2048xi32>
      %eq3A_5232 = arith.cmpi eq, %select_n3A_5226, %eq3A_5231 : vector<100x2048xi32>
      %eq3A_5233 = arith.constant 3 : i32
      %eq3A_5234 = vector.broadcast %eq3A_5233 : i32 to vector<100x2048xi32>
      %eq3A_5235 = arith.cmpi eq, %select_n3A_5226, %eq3A_5234 : vector<100x2048xi32>
      %broadcast_in_dim3A_5236 = vector.broadcast %mul3A_5060 : f32 to vector<100x2048xf32>
      %broadcast_in_dim3A_5237 = vector.broadcast %mul3A_5063 : f32 to vector<100x2048xf32>
      %select_n3A_5238 = arith.select %eq3A_5235, %broadcast_in_dim3A_5236, %broadcast_in_dim3A_5237 : vector<100x2048xi1>, vector<100x2048xf32>
      %broadcast_in_dim3A_5239 = vector.broadcast %mul3A_5057 : f32 to vector<100x2048xf32>
      %select_n3A_5240 = arith.select %eq3A_5232, %broadcast_in_dim3A_5239, %select_n3A_5238 : vector<100x2048xi1>, vector<100x2048xf32>
      %broadcast_in_dim3A_5241 = vector.broadcast %mul3A_5054 : f32 to vector<100x2048xf32>
      %select_n3A_5242 = arith.select %eq3A_5229, %broadcast_in_dim3A_5241, %select_n3A_5240 : vector<100x2048xi1>, vector<100x2048xf32>
      %eq3A_5243 = arith.constant 1 : i32
      %eq3A_5244 = vector.broadcast %eq3A_5243 : i32 to vector<100x2048xi32>
      %eq3A_5245 = arith.cmpi eq, %select_n3A_5226, %eq3A_5244 : vector<100x2048xi32>
      %eq3A_5246 = arith.constant 2 : i32
      %eq3A_5247 = vector.broadcast %eq3A_5246 : i32 to vector<100x2048xi32>
      %eq3A_5248 = arith.cmpi eq, %select_n3A_5226, %eq3A_5247 : vector<100x2048xi32>
      %eq3A_5249 = arith.constant 3 : i32
      %eq3A_5250 = vector.broadcast %eq3A_5249 : i32 to vector<100x2048xi32>
      %eq3A_5251 = arith.cmpi eq, %select_n3A_5226, %eq3A_5250 : vector<100x2048xi32>
      %broadcast_in_dim3A_5252 = vector.broadcast %mul3A_5057 : f32 to vector<100x2048xf32>
      %broadcast_in_dim3A_5253 = vector.broadcast %mul3A_5060 : f32 to vector<100x2048xf32>
      %select_n3A_5254 = arith.select %eq3A_5251, %broadcast_in_dim3A_5252, %broadcast_in_dim3A_5253 : vector<100x2048xi1>, vector<100x2048xf32>
      %broadcast_in_dim3A_5255 = vector.broadcast %mul3A_5054 : f32 to vector<100x2048xf32>
      %select_n3A_5256 = arith.select %eq3A_5248, %broadcast_in_dim3A_5255, %select_n3A_5254 : vector<100x2048xi1>, vector<100x2048xf32>
      %broadcast_in_dim3A_5257 = vector.broadcast %mul3A_5051 : f32 to vector<100x2048xf32>
      %select_n3A_5258 = arith.select %eq3A_5245, %broadcast_in_dim3A_5257, %select_n3A_5256 : vector<100x2048xi1>, vector<100x2048xf32>
      %sub3A_5259 = arith.subf %select_n3A_5242, %mul3A_5217 : vector<100x2048xf32>
      %erf3A_5260 = math.erf %sub3A_5259 : vector<100x2048xf32>
      %sub3A_5261 = arith.subf %select_n3A_5258, %mul3A_5217 : vector<100x2048xf32>
      %erf3A_5262 = math.erf %sub3A_5261 : vector<100x2048xf32>
      %sub3A_5263 = arith.subf %erf3A_5260, %erf3A_5262 : vector<100x2048xf32>
      %max3A_5264 = arith.constant 0.000000e+00 : f32
      %max3A_5265 = vector.broadcast %max3A_5264 : f32 to vector<100x2048xf32>
      %max3A_5266 = arith.maximumf %sub3A_5263, %max3A_5265 : vector<100x2048xf32>
      %mul3A_5267 = arith.constant 5.000000e-01 : f32
      %mul3A_5268 = vector.broadcast %mul3A_5267 : f32 to vector<100x2048xf32>
      %mul3A_5269 = arith.mulf %mul3A_5268, %max3A_5266 : vector<100x2048xf32>
      %log3A_5270 = math.log %mul3A_5269 : vector<100x2048xf32>
      %jit3A_5271 = arith.constant 0.000000e+00 : f32
      %broadcast_in_dim3A_5272 = vector.broadcast %jit3A_5271 : f32 to vector<100x2048xf32>
      %select_n3A_5273 = arith.select %ne3A_5223, %log3A_5270, %broadcast_in_dim3A_5272 : vector<100x2048xi1>, vector<100x2048xf32>
      %reduce_sum3A_5274 = vector.shape_cast %select_n3A_5273 : vector<100x2048xf32> to vector<1x100x2048xf32>
      %reduce_sum3A_5275 = arith.constant dense<0.000000e+00> : vector<1xf32>
      %reduce_sum3A_5276 = vector.multi_reduction <add>, %reduce_sum3A_5274, %reduce_sum3A_5275 [1, 2] : vector<1x100x2048xf32> to vector<1xf32>
      %reduce_sum3A_5277 = vector.shape_cast %reduce_sum3A_5276 : vector<1xf32> to vector<1x1x1xf32>
      %reduce_sum3A_5278 = vector.extract %reduce_sum3A_5277[0, 0, 0] : f32 from vector<1x1x1xf32>
      %add3A_5279 = arith.addf %scan3A_5172, %reduce_sum3A_5278 : f32
      scf.yield %add3A_5279 : f32
    }
    %scan3A_5069 = arith.constant 4 : i32
    %multiple_of3A_5070 = arith.constant 8192 : i32
    %multiple_of3A_5071 = tpu.assume_multiple %multiple_of3A_5070, 128 : i32
    %get3A_5072 = arith.constant 0 : index
    %get3A_5073 = arith.constant 0 : index
    %get3A_5074 = arith.index_cast %multiple_of3A_5071 : i32 to index
    %get3A_5075 = vector.load %arg4[%get3A_5072, %get3A_5073, %get3A_5074] : memref<3x32x10000xf32, #tpu.memory_space<vmem>>, vector<1x32x1808xf32>
    %get3A_5076 = vector.shape_cast %get3A_5075 : vector<1x32x1808xf32> to vector<32x1808xf32>
    %get3A_5077 = arith.constant 1 : index
    %get3A_5078 = arith.constant 0 : index
    %get3A_5079 = arith.index_cast %multiple_of3A_5071 : i32 to index
    %get3A_5080 = vector.load %arg4[%get3A_5077, %get3A_5078, %get3A_5079] : memref<3x32x10000xf32, #tpu.memory_space<vmem>>, vector<1x32x1808xf32>
    %get3A_5081 = vector.shape_cast %get3A_5080 : vector<1x32x1808xf32> to vector<32x1808xf32>
    %get3A_5082 = arith.constant 2 : index
    %get3A_5083 = arith.constant 0 : index
    %get3A_5084 = arith.index_cast %multiple_of3A_5071 : i32 to index
    %get3A_5085 = vector.load %arg4[%get3A_5082, %get3A_5083, %get3A_5084] : memref<3x32x10000xf32, #tpu.memory_space<vmem>>, vector<1x32x1808xf32>
    %get3A_5086 = vector.shape_cast %get3A_5085 : vector<1x32x1808xf32> to vector<32x1808xf32>
    %mul3A_5087 = arith.mulf %get3A_5076, %get3A_5076 : vector<32x1808xf32>
    %mul3A_5088 = arith.mulf %get3A_5076, %get3A_5081 : vector<32x1808xf32>
    %mul3A_5089 = arith.mulf %get3A_5076, %get3A_5086 : vector<32x1808xf32>
    %mul3A_5090 = arith.mulf %get3A_5081, %get3A_5081 : vector<32x1808xf32>
    %mul3A_5091 = arith.mulf %get3A_5081, %get3A_5086 : vector<32x1808xf32>
    %mul3A_5092 = arith.mulf %get3A_5086, %get3A_5086 : vector<32x1808xf32>
    %broadcast_in_dim3A_5093 = arith.constant 1.000000e+00 : f32
    %broadcast_in_dim3A_5094 = vector.broadcast %broadcast_in_dim3A_5093 : f32 to vector<1x1808xf32>
    %concatenate3A_5095 = tpu.concatenate %get3A_5076, %get3A_5081, %get3A_5086, %mul3A_5087, %mul3A_5088, %mul3A_5089, %mul3A_5090, %mul3A_5091, %mul3A_5092, %broadcast_in_dim3A_5094 in 0 : vector<32x1808xf32>, vector<32x1808xf32>, vector<32x1808xf32>, vector<32x1808xf32>, vector<32x1808xf32>, vector<32x1808xf32>, vector<32x1808xf32>, vector<32x1808xf32>, vector<32x1808xf32>, vector<1x1808xf32> -> vector<289x1808xf32>
    %dot_general3A = arith.constant dense<0.000000e+00> : vector<100x1808xf32>
    %dot_general3A_5096 = tpu.matmul %concatenate3A, %concatenate3A_5095, %dot_general3A {dimension_numbers = #tpu.dot_dimension_numbers<[0], [0], [1], [1], [0, 1, 1, 1], [], []>, transpose_lhs_hint = false} : vector<289x100xf32>, vector<289x1808xf32>, vector<100x1808xf32> -> vector<100x1808xf32>
    %max3A = arith.constant 0.000000e+00 : f32
    %max3A_5097 = vector.broadcast %max3A : f32 to vector<100x1808xf32>
    %max3A_5098 = arith.maximumf %dot_general3A_5096, %max3A_5097 : vector<100x1808xf32>
    %sqrt3A = math.sqrt %max3A_5098 : vector<100x1808xf32>
    %get3A_5099 = arith.index_cast %multiple_of3A_5071 : i32 to index
    %get3A_5100 = vector.load %arg13[%get3A_5099] : memref<10000xf32, #tpu.memory_space<vmem>>, vector<1808xf32>
    %reshape3A_5101 = vector.shape_cast %get3A_5100 : vector<1808xf32> to vector<1x1808xf32>
    %neg3A = arith.constant 0.000000e+00 : f32
    %neg3A_5102 = vector.broadcast %neg3A : f32 to vector<100x1808xf32>
    %neg3A_5103 = arith.subf %neg3A_5102, %sqrt3A : vector<100x1808xf32>
    %add3A = vector.broadcast %slice3A : vector<100x1xf32> to vector<100x1808xf32>
    %add3A_5104 = arith.addf %neg3A_5103, %add3A : vector<100x1808xf32>
    %add3A_5105 = vector.broadcast %reshape3A_5101 : vector<1x1808xf32> to vector<100x1808xf32>
    %add3A_5106 = arith.addf %add3A_5104, %add3A_5105 : vector<100x1808xf32>
    %mul3A_5107 = vector.broadcast %div3A_5049 : f32 to vector<100x1808xf32>
    %mul3A_5108 = arith.mulf %add3A_5106, %mul3A_5107 : vector<100x1808xf32>
    %get3A_5109 = arith.constant 0 : index
    %get3A_5110 = arith.index_cast %multiple_of3A_5071 : i32 to index
    %get3A_5111 = vector.load %arg1[%get3A_5109, %get3A_5110] : memref<100x10000xi32, #tpu.memory_space<vmem>>, vector<100x1808xi32>
    %ne3A = arith.constant 0 : i32
    %ne3A_5112 = vector.broadcast %ne3A : i32 to vector<100x1808xi32>
    %ne3A_5113 = arith.cmpi ne, %get3A_5111, %ne3A_5112 : vector<100x1808xi32>
    %jit3A_5114 = arith.constant 1 : i32
    %broadcast_in_dim3A_5115 = vector.broadcast %jit3A_5114 : i32 to vector<100x1808xi32>
    %select_n3A_5116 = arith.select %ne3A_5113, %get3A_5111, %broadcast_in_dim3A_5115 : vector<100x1808xi1>, vector<100x1808xi32>
    %eq3A_5117 = arith.constant 1 : i32
    %eq3A_5118 = vector.broadcast %eq3A_5117 : i32 to vector<100x1808xi32>
    %eq3A_5119 = arith.cmpi eq, %select_n3A_5116, %eq3A_5118 : vector<100x1808xi32>
    %eq3A_5120 = arith.constant 2 : i32
    %eq3A_5121 = vector.broadcast %eq3A_5120 : i32 to vector<100x1808xi32>
    %eq3A_5122 = arith.cmpi eq, %select_n3A_5116, %eq3A_5121 : vector<100x1808xi32>
    %eq3A_5123 = arith.constant 3 : i32
    %eq3A_5124 = vector.broadcast %eq3A_5123 : i32 to vector<100x1808xi32>
    %eq3A_5125 = arith.cmpi eq, %select_n3A_5116, %eq3A_5124 : vector<100x1808xi32>
    %broadcast_in_dim3A_5126 = vector.broadcast %mul3A_5060 : f32 to vector<100x1808xf32>
    %broadcast_in_dim3A_5127 = vector.broadcast %mul3A_5063 : f32 to vector<100x1808xf32>
    %select_n3A_5128 = arith.select %eq3A_5125, %broadcast_in_dim3A_5126, %broadcast_in_dim3A_5127 : vector<100x1808xi1>, vector<100x1808xf32>
    %broadcast_in_dim3A_5129 = vector.broadcast %mul3A_5057 : f32 to vector<100x1808xf32>
    %select_n3A_5130 = arith.select %eq3A_5122, %broadcast_in_dim3A_5129, %select_n3A_5128 : vector<100x1808xi1>, vector<100x1808xf32>
    %broadcast_in_dim3A_5131 = vector.broadcast %mul3A_5054 : f32 to vector<100x1808xf32>
    %select_n3A_5132 = arith.select %eq3A_5119, %broadcast_in_dim3A_5131, %select_n3A_5130 : vector<100x1808xi1>, vector<100x1808xf32>
    %eq3A_5133 = arith.constant 1 : i32
    %eq3A_5134 = vector.broadcast %eq3A_5133 : i32 to vector<100x1808xi32>
    %eq3A_5135 = arith.cmpi eq, %select_n3A_5116, %eq3A_5134 : vector<100x1808xi32>
    %eq3A_5136 = arith.constant 2 : i32
    %eq3A_5137 = vector.broadcast %eq3A_5136 : i32 to vector<100x1808xi32>
    %eq3A_5138 = arith.cmpi eq, %select_n3A_5116, %eq3A_5137 : vector<100x1808xi32>
    %eq3A_5139 = arith.constant 3 : i32
    %eq3A_5140 = vector.broadcast %eq3A_5139 : i32 to vector<100x1808xi32>
    %eq3A_5141 = arith.cmpi eq, %select_n3A_5116, %eq3A_5140 : vector<100x1808xi32>
    %broadcast_in_dim3A_5142 = vector.broadcast %mul3A_5057 : f32 to vector<100x1808xf32>
    %broadcast_in_dim3A_5143 = vector.broadcast %mul3A_5060 : f32 to vector<100x1808xf32>
    %select_n3A_5144 = arith.select %eq3A_5141, %broadcast_in_dim3A_5142, %broadcast_in_dim3A_5143 : vector<100x1808xi1>, vector<100x1808xf32>
    %broadcast_in_dim3A_5145 = vector.broadcast %mul3A_5054 : f32 to vector<100x1808xf32>
    %select_n3A_5146 = arith.select %eq3A_5138, %broadcast_in_dim3A_5145, %select_n3A_5144 : vector<100x1808xi1>, vector<100x1808xf32>
    %broadcast_in_dim3A_5147 = vector.broadcast %mul3A_5051 : f32 to vector<100x1808xf32>
    %select_n3A_5148 = arith.select %eq3A_5135, %broadcast_in_dim3A_5147, %select_n3A_5146 : vector<100x1808xi1>, vector<100x1808xf32>
    %sub3A_5149 = arith.subf %select_n3A_5132, %mul3A_5108 : vector<100x1808xf32>
    %erf3A = math.erf %sub3A_5149 : vector<100x1808xf32>
    %sub3A_5150 = arith.subf %select_n3A_5148, %mul3A_5108 : vector<100x1808xf32>
    %erf3A_5151 = math.erf %sub3A_5150 : vector<100x1808xf32>
    %sub3A_5152 = arith.subf %erf3A, %erf3A_5151 : vector<100x1808xf32>
    %max3A_5153 = arith.constant 0.000000e+00 : f32
    %max3A_5154 = vector.broadcast %max3A_5153 : f32 to vector<100x1808xf32>
    %max3A_5155 = arith.maximumf %sub3A_5152, %max3A_5154 : vector<100x1808xf32>
    %mul3A_5156 = arith.constant 5.000000e-01 : f32
    %mul3A_5157 = vector.broadcast %mul3A_5156 : f32 to vector<100x1808xf32>
    %mul3A_5158 = arith.mulf %mul3A_5157, %max3A_5155 : vector<100x1808xf32>
    %log3A = math.log %mul3A_5158 : vector<100x1808xf32>
    %jit3A_5159 = arith.constant 0.000000e+00 : f32
    %broadcast_in_dim3A_5160 = vector.broadcast %jit3A_5159 : f32 to vector<100x1808xf32>
    %select_n3A_5161 = arith.select %ne3A_5113, %log3A, %broadcast_in_dim3A_5160 : vector<100x1808xi1>, vector<100x1808xf32>
    %reduce_sum3A_5162 = vector.shape_cast %select_n3A_5161 : vector<100x1808xf32> to vector<1x100x1808xf32>
    %reduce_sum3A_5163 = arith.constant dense<0.000000e+00> : vector<1xf32>
    %reduce_sum3A_5164 = vector.multi_reduction <add>, %reduce_sum3A_5162, %reduce_sum3A_5163 [1, 2] : vector<1x100x1808xf32> to vector<1xf32>
    %reduce_sum3A_5165 = vector.shape_cast %reduce_sum3A_5164 : vector<1xf32> to vector<1x1x1xf32>
    %reduce_sum3A_5166 = vector.extract %reduce_sum3A_5165[0, 0, 0] : f32 from vector<1x1x1xf32>
    %add3A_5167 = arith.addf %scan3A_5068, %reduce_sum3A_5166 : f32
    %swap3A_5168 = arith.constant 0 : index
    %swap3A_5169 = arith.constant 0 : index
    %swap3A_5170 = memref.load %arg10[%swap3A_5168, %swap3A_5169] : memref<1x1xf32, #tpu.memory_space<smem>>
    memref.store %add3A_5167, %arg10[%swap3A_5168, %swap3A_5169] : memref<1x1xf32, #tpu.memory_space<smem>>
    return
  }
  func.func @transform_0(%arg0: i32) -> (i32, i32) {
    %c0_i32 = arith.constant 0 : i32
    %c0_i32_0 = arith.constant 0 : i32
    %c0_i32_1 = arith.constant 0 : i32
    return %c0_i32, %c0_i32_0 : i32, i32
  }
  func.func @transform_2(%arg0: i32) -> (i32, i32) {
    %c0_i32 = arith.constant 0 : i32
    %c0_i32_0 = arith.constant 0 : i32
    %c0_i32_1 = arith.constant 0 : i32
    return %c0_i32, %c0_i32_0 : i32, i32
  }
  func.func @transform_3(%arg0: i32) -> (i32, i32, i32) {
    %c0_i32 = arith.constant 0 : i32
    %c0_i32_0 = arith.constant 0 : i32
    %c0_i32_1 = arith.constant 0 : i32
    %c0_i32_2 = arith.constant 0 : i32
    return %c0_i32, %c0_i32_0, %c0_i32_1 : i32, i32, i32
  }
  func.func @transform_6(%arg0: i32) -> i32 {
    %c0_i32 = arith.constant 0 : i32
    %c0_i32_0 = arith.constant 0 : i32
    return %c0_i32 : i32
  }
  func.func @transform_7(%arg0: i32) -> i32 {
    %c0_i32 = arith.constant 0 : i32
    %c0_i32_0 = arith.constant 0 : i32
    return %c0_i32 : i32
  }
  func.func @transform_8(%arg0: i32) -> i32 {
    %c0_i32 = arith.constant 0 : i32
    %c0_i32_0 = arith.constant 0 : i32
    return %c0_i32 : i32
  }
  func.func @transform_9(%arg0: i32) -> (i32, i32) {
    %c0_i32 = arith.constant 0 : i32
    %c0_i32_0 = arith.constant 0 : i32
    %c0_i32_1 = arith.constant 0 : i32
    return %c0_i32, %c0_i32_0 : i32, i32
  }
}

</mosaic_0001>

<sc_bundles>
// kernel: kernel.4.cloned.1.call-start
scs
__scs_entry_jumppad:
0x0: {  	(pc) =	sbr.rel $0x88, $3  }
0x1: {  	(tag) =	ssettag $0x0;
	lr =	simm.s32 $0x1  }
0x2: {  	[smem:$0x3F98] =	sst lr;
	_ =	strace $0xD0000000  }
0x3: {  	_ = 	snop  }
0x4: {  	_ = 	snop  }
0x5: {  	_ = 	snop  }
0x6: {  	_ = 	snop  }
0x7: {  	_ = 	snop  }
__scs_overlays_trampoline_lowered:
0x8: {  	[smem:$0x3FA7] =	sst s0  }
0x9: {  	[smem:$0x3FA8] =	sst s1  }
0xa: {  	[smem:$0x3FA9] =	sst s2  }
0xb: {  	[smem:$0x3FAA] =	sst s3  }
0xc: {  	[smem:$0x3FAB] =	sst s4  }
0xd: {  	[smem:$0x3FAC] =	sst s5  }
0xe: {  	[smem:$0x3FAD] =	sst s6  }
0xf: {  	[smem:$0x3FAE] =	sst s7  }
0x10: {  	[smem:$0x3FAF] =	sst s8  }
0x11: {  	[smem:$0x3FB0] =	sst s9;
	s0 =	simm.s32 @!p0 $0x0  }
0x12: {  	s1 =	sld [smem:$0x3F96];
	s0 =	simm.s32 @p0 $0x1  }
0x13: {  	[smem:$0x3FB1] =	sst s0;
	s0 =	simm.s32 @!p1 $0x0  }
0x14: {  	s2 =	sld [smem:$0x3F95];
	s0 =	simm.s32 @p1 $0x1  }
0x15: {  	[smem:$0x3FB2] =	sst s0;
	s0 =	simm.s32 @!p2 $0x0  }
0x16: {  	s3 =	sld [smem:$0x3FDB];
	s0 =	simm.s32 @p2 $0x1  }
0x17: {  	s4 =	simm.s32 $0x1BF5;
	[smem:$0x3FB4] =	sst s0  }
0x18: {  	s0 =	sld [smem:$0x3F97];
	_ =	swait.ge [sflag:s4], $0x0  }
0x19: {  	s7 =	sld [smem:$0x3F98]  }
0x1a: {  	s8 =	sadd.s32 $0xFFFFE003, lr  }
0x1b: {  	s9 =	sadd.s32 $0xFFFFFEF7, lr;
	s5 =	simm.s32 $0xFFFFFFFF;
	p2 =	slt.u32 s8, $0xFFFFF086  }
0x1c: {  	p1 =	slt.u32 s9, $0xF7A;
	s5 =	simm.s32 @!p2 $0x0  }
0x1d: {  	s5 =	simm.s32 @p1 $0x1;
	p0 =	seq.s32 s7, s2  }
0x1e: {  	s7 =	smul.u32 @!p0 $0xF7A, s2;
	p2 =	seq.s32 @!p0 s5, $0x0  }
0x1f: {  	s9 =	smul.u32 $0xF7A, s1;
	s8 =	simm.s32 @!p0 $0x1BF5;
	p2 =	por !p2, p0  }
0x20: {  	[sflag:s8] =	ssyncset.s32 @!p0 $0xFFFFF086;
	s6 =	sadd.s32 @!p0 s3, s7;
	s7 =	simm.s32 @!p0 $0x108  }
0x21: {  	s3 =	sadd.s32 s3, s9;
	s6 =	sadd.s32 @!p0 $0x88, s6;
	s7 =	simm.s32 @p2 $0x1082  }
0x22: {  	[simem:s7], [sflag:s8] =	dma.local @!p0 [hbm:s6], $0xF7A  }
0x23: {  	s9 =	sor.u32 $0xD0000000, s2;
	s6 =	simm.s32 $0x108;
	_ =	swait.ge @!p0 [sflag:s8], $0x0  }
0x24: {  	s3 =	sadd.s32 $0x88, s3;
	s6 =	simm.s32 @!p1 $0x1082;
	[sflag:s4] =	ssyncset.s32 $0xFFFFF086  }
0x25: {  	[simem:s6], [sflag:s4] =	dma.local [hbm:s3], $0xF7A  }
0x26: {  	[smem:$0x3F98] =	sst s1;
	(tag) =	ssettag s2;
	_ =	strace s9  }
0x27: {  	s1 =	sld [smem:$0x3FA8]  }
0x28: {  	s2 =	sld [smem:$0x3FA9]  }
0x29: {  	s4 =	sld [smem:$0x3FAB]  }
0x2a: {  	p0 =	seq.s32 s5, $0x0;
	s5 =	sld [smem:$0x3FAC]  }
0x2b: {  	s6 =	sld [smem:$0x3FAD]  }
0x2c: {  	s7 =	sld [smem:$0x3FAE]  }
0x2d: {  	s3 =	simm.s32 $0x108;
	s8 =	sld [smem:$0x3FAF]  }
0x2e: {  	s3 =	simm.s32 @!p0 $0x1082;
	s9 =	sld [smem:$0x3FB0]  }
0x2f: {  	lr =	sadd.s32 s0, s3;
	s0 =	sld [smem:$0x3FA7]  }
0x30: {  	s3 =	sld [smem:$0x3FAA]  }
0x31: {  	[smem:$0x3FB3] =	sst s10  }
0x32: {  	s10 =	sld [smem:$0x3FB1];
	_ =	sdelay $0x3  }
0x33: {  	p0 =	seq.s32 s10, $0x1;
	s10 =	sld [smem:$0x3FB3];
	_ =	sdelay $0x3  }
0x34: {  	[smem:$0x3FB3] =	sst s10  }
0x35: {  	s10 =	sld [smem:$0x3FB2];
	_ =	sdelay $0x3  }
0x36: {  	p1 =	seq.s32 s10, $0x1;
	s10 =	sld [smem:$0x3FB3];
	_ =	sdelay $0x3  }
0x37: {  	[smem:$0x3FB3] =	sst s10  }
0x38: {  	s10 =	sld [smem:$0x3FB4]  }
0x39: {  	_ = 	snop;
	(pc) =	sbr.ind lr, $3  }
0x3a: {  	_ = 	snop  }
0x3b: {  	_ = 	snop  }
0x3c: {  	p2 =	seq.s32 s10, $0x1;
	s10 =	sld [smem:$0x3FB3]  }
0x3d: {  	_ =	shalt  }
0x3e: {  	_ =	shalt  }
0x3f: {  	_ =	shalt  }
0x40: {  	_ =	shalt  }
0x41: {  	_ =	shalt  }
0x42: {  	_ =	shalt  }
0x43: {  	_ =	shalt  }
0x44: {  	_ =	shalt  }
0x45: {  	_ =	shalt  }
0x46: {  	_ =	shalt  }
0x47: {  	_ =	shalt  }
0x48: {  	_ =	shalt  }
0x49: {  	_ =	shalt  }
0x4a: {  	_ =	shalt  }
0x4b: {  	_ =	shalt  }
0x4c: {  	_ =	shalt  }
0x4d: {  	_ =	shalt  }
0x4e: {  	_ =	shalt  }
0x4f: {  	_ =	shalt  }
0x50: {  	_ =	shalt  }
0x51: {  	_ =	shalt  }
0x52: {  	_ =	shalt  }
0x53: {  	_ =	shalt  }
0x54: {  	_ =	shalt  }
0x55: {  	_ =	shalt  }
0x56: {  	_ =	shalt  }
0x57: {  	_ =	shalt  }
0x58: {  	_ =	shalt  }
0x59: {  	_ =	shalt  }
0x5a: {  	_ =	shalt  }
0x5b: {  	_ =	shalt  }
0x5c: {  	_ =	shalt  }
0x5d: {  	_ =	shalt  }
0x5e: {  	_ =	shalt  }
0x5f: {  	_ =	shalt  }
0x60: {  	_ =	shalt  }
0x61: {  	_ =	shalt  }
0x62: {  	_ =	shalt  }
0x63: {  	_ =	shalt  }
0x64: {  	_ =	shalt  }
0x65: {  	_ =	shalt  }
0x66: {  	_ =	shalt  }
0x67: {  	_ =	shalt  }
0x68: {  	_ =	shalt  }
0x69: {  	_ =	shalt  }
0x6a: {  	_ =	shalt  }
0x6b: {  	_ =	shalt  }
0x6c: {  	_ =	shalt  }
0x6d: {  	_ =	shalt  }
0x6e: {  	_ =	shalt  }
0x6f: {  	_ =	shalt  }
0x70: {  	_ =	shalt  }
0x71: {  	_ =	shalt  }
0x72: {  	_ =	shalt  }
0x73: {  	_ =	shalt  }
0x74: {  	_ =	shalt  }
0x75: {  	_ =	shalt  }
0x76: {  	_ =	shalt  }
0x77: {  	_ =	shalt  }
0x78: {  	_ =	shalt  }
0x79: {  	_ =	shalt  }
0x7a: {  	_ =	shalt  }
0x7b: {  	_ =	shalt  }
0x7c: {  	_ =	shalt  }
0x7d: {  	_ =	shalt  }
0x7e: {  	_ =	shalt  }
0x7f: {  	_ =	shalt  }
0x80: {  	_ =	shalt  }
0x81: {  	_ =	shalt  }
0x82: {  	_ =	shalt  }
0x83: {  	_ =	shalt  }
0x84: {  	_ =	shalt  }
0x85: {  	_ =	shalt  }
0x86: {  	_ =	shalt  }
0x87: {  	_ =	shalt  }
.Lfunc_end0:
.L_simem_size_0:
called_computation_lowered:
.L_overlay_start_0:
0x88: {  	s2 =	sld [smem:$0x3FD9]  }
0x89: {  	s3 =	sld [smem:$0x3FFE];
	_ =	sdelay $0x1  }
0x8a: {  	s1 =	srdreg.scid  }
0x8b: {  	s0 =	sand.u32 $0x1, s1  }
0x8c: {  	s18 =	sshll.u32 s0, $0xA;
	s2 =	sadd.s32 s3, s2  }
0x8d: {  	s2 =	sadd.s32 s2, s18  }
0x8e: {  	[smem:$0x3FBF] =	sst s2  }
0x8f: {  	_ = 	snop  }
0x90: {  	s2 =	sld [smem:$0x3FC8]  }
0x91: {  	s19 =	sld [smem:$0x3FC5]  }
0x92: {  	s4 =	sld [smem:$0x3FD0];
	(tm) =	ssettm $0x1  }
0x93: {  	s5 =	sld [smem:$0x3FFB];
	_ =	sdelay $0x3  }
0x94: {  	_ =	strace s5  }
0x95: {  	s5 =	sld [smem:$0x3FFC];
	_ =	sdelay $0x3  }
0x96: {  	_ =	strace s5  }
0x97: {  	s5 =	sld [smem:$0x3FFD];
	_ =	sdelay $0x3  }
0x98: {  	_ =	strace s5  }
0x99: {  	_ =	strace $0x8FFFFFFF  }
0x9a: {  	s20 =	sld [smem:$0x3FDB];
	_ =	sdelay $0x1  }
0x9b: {  	s6 =	simm.s32 $_scs_section_size  }
0x9c: {  	s7 =	simm.s32 $_size__tile_overlayer_lowered;
	s8 =	simm.s32 $_tile_overlayer_lowered  }
0x9d: {  	s23 =	simm.s32 $0x1BFF;
	s22 =	sshll.u32 s8, $0x1;
	s5 =	sadd.s32 s6, s20  }
0x9e: {  	s9 =	simm.s32 $0x0;
	s21 =	sshll.u32 s7, $0x1;
	s7 =	sadd.s32 s22, s5  }
0x9f: {  	[timem:s9], [sflag:s23] =	dma.local [hbm:s7], s21  }
0xa0: {  	_ =	swait.ge [sflag:s23], s21  }
0xa1: {  	s6 =	ssub.s32 $0x0, s21;
	[sflag:s23] =	ssyncset.done $0x0  }
0xa2: {  	[sflag:s23] =	ssyncadd.s32 s6;
	_ =	sdelay $0x1  }
0xa3: {  	s24 =	simm.s32 $0x1B8B  }
0xa4: {  	_ =	swait.ge [sflag:s24], $0x1  }
0xa5: {  	[sflag:s24] =	ssyncset.done $0x0  }
0xa6: {  	s25 =	simm.s32 $0x1B8E;
	[sflag:s24] =	ssyncadd.s32 $0xFFFFFFFF  }
0xa7: {  	s26 =	simm.s32 $execute0_lowered;
	[smem:$0x3FD2] =	sst s25  }
0xa8: {  	s6 =	sshll.u32 s26, $0x1;
	_ =	strace $0x80000046;
	[dreg:$0x1] =	wrdreg $0xFFFFFFFF  }
0xa9: {  	s28 =	simm.s32 $_size_execute0_lowered;
	s5 =	sadd.s32 s5, s6;
	[dreg:$0x0] =	wrdreg $0x0  }
0xaa: {  	s6 =	sshll.u32 s28, $0x1;
	[dreg:$0x2] =	wrdreg s5  }
0xab: {  	[dreg:$0x3] =	wrdreg s6  }
0xac: {  	[dreg:$0x4] =	wrdreg $0xC0  }
0xad: {  	_ =	task [dreg:s9], $0x5FFFF  }
0xae: {  	[dreg:$0x1] =	wrdreg $0xFFFFFFFF  }
0xaf: {  	[dreg:$0x0] =	wrdreg $0x60  }
0xb0: {  	[dreg:$0x2] =	wrdreg s19  }
0xb1: {  	[dreg:$0x3] =	wrdreg s2  }
0xb2: {  	[dreg:$0x4] =	wrdreg s4  }
0xb3: {  	[dreg:$0x5] =	wrdreg $0x9  }
0xb4: {  	_ =	task.clear_ibuf [dreg:s9], $0x6FFFF;
	_ =	strace $0x90000046  }
0xb5: {  	s29 =	simm.s32 $0x9;
	_ =	strace $0x80000048  }
0xb6: {  	_ =	swait.ge [sflag:s29], $0x1  }
0xb7: {  	[sflag:s29] =	ssyncadd.s32 $0xFFFFFFFF  }
0xb8: {  	_ =	strace $0x90000048  }
0xb9: {  	_ =	sfence  }
0xba: {  	s30 =	sld [smem:$0x0];
	_ =	sdelay $0x2  }
0xbb: {  	s31 =	sshll.u32 s1, $0xD;
	s1 =	sshrl.u32 s1, $0x2  }
0xbc: {  	s3 =	sand.u32 $0x4000, s31;
	s1 =	sadd.s32 s1, s30  }
0xbd: {  	s0 =	sor.u32 s3, s0;
	s1 =	sshll.u32 s1, $0x11  }
0xbe: {  	s0 =	sor.u32 s1, s0  }
0xbf: {  	s0 =	sadd.s32 $0x8F2B, s0  }
0xc0: {  	[sflag:s0] =	ssyncadd.remote.s32 $0x1  }
0xc1: {  	_ =	sfence.sel $0xFFFF  }
0xc2: {  	[dreg:$0x0] =	wrdreg $0xFFFFFFFF;
	(pc) =	sbr.abs _section_cstart, $3  }
0xc3: {  	[dreg:$0x1] =	wrdreg $0xFFFFFFFF  }
0xc4: {  	_ =	task.clear_ibuf [dreg:s9], $0x2FFFF;
	_ =	strace $0x9FFFFFFF  }
0xc5: {  	(tm) =	ssettm $0x7FFFFFFF  }
tec
execute0_lowered:
.L_overlay_start_1:
0x0: {  	(tag) =	ssettag $0x1  }
0x1: {  	s1 =	srdreg.scid;
	s0 =	stileid.u32  }
0x2: {  	s6 =	sand.u32 $0x1, s1;
	s5 =	sshll.u32 s0, $0x1  }
0x3: {  	s5 =	sor.u32 s6, s5  }
0x4: {  	p0 =	sgt.u32 s5, $0x6  }
.Ltmp0:
0x5: {  	s2 =	rddreg [dreg:$0x0];
	(pc) =	sbr.rel @p0 .LBB2_4-.Ltmp0, $4  }
0x6: {  	s4 =	rddreg [dreg:$0x1]  }
0x7: {  	s10 =	rddreg [dreg:$0x2];
	s3 =	simm.s32 $0x0  }
0x8: {  	[smem:$0x7FF] =	sst s3  }
0x9: {  	s1 =	rddreg [dreg:$0x3];
	_ =	strace $0x80000047  }
0xa: {  	s11 =	sshll.u32 s5, $0x1  }
0xb: {  	s5 =	sadd.s32 s4, s11;
	s4 =	simm.s32 $0x2  }
0xc: {  	[tilespmem:s3], [sflag:$0x2] =	stream.linear.gather [hbm4b:s5+s3], $0x10, $0x38;
	[tilespmem:$0x180] =	vst v63  }
0xd: {  	_ =	swait.ge [sflag:s4], $0x10  }
0xe: {  	[sflag:s4] =	ssyncset.done $0x0  }
0xf: {  	[sflag:s4] =	ssyncadd.s32 $0xFFFFFFF0  }
0x10: {  	v0 =	vld [tilespmem:$0x0];
	_ =	sdelay $0x4  }
0x11: {  	s12 =	ssub.s32 $0x2, s6;
	vm0 =	vgt.s32 v0, $0x0  }
0x12: {  	s13 =	sshrl.u32 s12, $0x1;
	v0 =	vnsel vm0, $0x0, v0  }
0x13: {  	s6 =	simm.s32 $0x10;
	s7 =	simm.s32 $0x80;
	s12 =	ssub.s32 s12, s13;
	v0 =	vmin.u32 v0, $0x1869F  }
0x14: {  	s8 =	simm.s32 $0x100;
	s9 =	simm.s32 $0x1;
	s31 =	smax.u32 s12, $0x1;
	[tilespmem:$0x80] =	vst v0  }
0x15: {  	[tilespmem:s8], [sflag:$0x1] =	stream.indirect.gather [hbm4b:s2+s6], $0x1, s7, s6, $0xb8;
	[tilespmem:$0x180] =	vst v63  }
0x16: {  	p0 =	sne.s32 s31, $0x1;
	_ =	swait.ge [sflag:s9], $0x10  }
.Ltmp1:
0x17: {  	[sflag:s9] =	ssyncset.done $0x0;
	(pc) =	sbr.rel @!p0 .LBB2_3-.Ltmp1, $4  }
0x18: {  	s10 =	sadd.s32 s10, s11;
	[sflag:s9] =	ssyncadd.s32 $0xFFFFFFF0  }
0x19: {  	[hbm4b:s10+s3] =	stream.linear.scatter [tilespmem:s8], [sflag:$0x2], $0x10, $0x38;
	[tilespmem:$0x180] =	vst v63  }
0x1a: {  	_ =	swait.ge [sflag:s4], $0x10  }
0x1b: {  	s11 =	sadd.s32 $0xFFFFFFFF, s31;
	[sflag:s4] =	ssyncset.done $0x0  }
.LBB2_2:
0x1c: {  	p0 =	sne.s32 s11, $0x1;
	s11 =	sadd.s32 $0xFFFFFFFF, s11;
	[sflag:s4] =	ssyncadd.s32 $0xFFFFFFF0  }
0x1d: {  	[tilespmem:s3], [sflag:$0x2] =	stream.linear.gather [hbm4b:s5+s3], $0x10, $0x38;
	[tilespmem:$0x180] =	vst v63  }
0x1e: {  	_ =	swait.ge [sflag:s4], $0x10  }
0x1f: {  	[sflag:s4] =	ssyncset.done $0x0  }
0x20: {  	[sflag:s4] =	ssyncadd.s32 $0xFFFFFFF0  }
0x21: {  	v0 =	vld [tilespmem:$0x0];
	_ =	sdelay $0x4  }
0x22: {  	vm0 =	vgt.s32 v0, $0x0  }
0x23: {  	v0 =	vnsel vm0, $0x0, v0  }
0x24: {  	v0 =	vmin.u32 v0, $0x1869F  }
0x25: {  	[tilespmem:$0x80] =	vst v0  }
0x26: {  	[tilespmem:s8], [sflag:$0x1] =	stream.indirect.gather [hbm4b:s2+s6], $0x1, s7, s6, $0xb8;
	[tilespmem:$0x180] =	vst v63  }
0x27: {  	_ =	swait.ge [sflag:s9], $0x10  }
.Ltmp2:
0x28: {  	[sflag:s9] =	ssyncset.done $0x0;
	(pc) =	sbr.rel @p0 .LBB2_2-.Ltmp2, $4  }
0x29: {  	[sflag:s9] =	ssyncadd.s32 $0xFFFFFFF0  }
0x2a: {  	[hbm4b:s10+s3] =	stream.linear.scatter [tilespmem:s8], [sflag:$0x2], $0x10, $0x38;
	[tilespmem:$0x180] =	vst v63  }
0x2b: {  	_ =	swait.ge [sflag:s4], $0x10  }
0x2c: {  	[sflag:s4] =	ssyncset.done $0x0  }
.LBB2_3:
0x2d: {  	[sflag:s4] =	ssyncadd.s32 $0xFFFFFFF0  }
.LBB2_4:
0x2e: {  	_ =	sfence.sel $0x180000  }
0x2f: {  	[bflag:$0x0] =	sbarrier.arrive $0xFFFF  }
0x30: {  	p0 =	sne.s32 s0, $0x0;
	_ =	strace $0x90000047  }
0x31: {  	s0 =	sadd.s32 @!p0 $0x100000, s1;
	[bflag:$0x2] =	sbarrier.arrive $0xFFFF  }
0x32: {  	[sflag:s0] =	ssyncadd.tile.s32 @!p0 $0x1;
	_ =	shalt  }
.Lfunc_end2:
_tile_overlayer_lowered:
.L_overlay_start_2:
0x33: {  	(tag) =	ssettag $0x2  }
0x34: {  	s0 =	rddreg [dreg:$0x0];
	s2 =	stileid.u32  }
0x35: {  	s1 =	rddreg [dreg:$0x1];
	p0 =	sne.s32 s2, $0x0  }
0x36: {  	s3 =	rddreg [dreg:$0x2];
	[bflag:$0x3] =	sbarrier.arrive $0xFFFF;
	s2 =	simm.s32 @!p0 $0x1C02  }
0x37: {  	[timem:s3], [sflag:s2] =	dma.local @!p0 [hbm:s0], s1  }
0x38: {  	s0 =	simm.s32 @!p0 $0x2  }
0x39: {  	_ =	swait.ge @!p0 [sflag:s0], s1  }
0x3a: {  	s1 =	ssub.s32 @!p0 $0x0, s1;
	[sflag:s0] =	ssyncset.done @!p0 $0x0  }
0x3b: {  	[sflag:s0] =	ssyncadd.s32 @!p0 s1  }
0x3c: {  	[bflag:$0x3] =	sbarrier.arrive $0xFFFF  }
0x3d: {  	_ =	shalt  }

</sc_bundles>
